<compile_context>
chip_gen: v7x
topology: tpu7x:2x2x1
jax: 0.10.2.dev20260603
libtpu: 0.0.44.dev20260713+nightly
codegen_flags: <defaults>
</compile_context>

<pallas_src>
import functools

import jax
import jax.numpy as jnp
from jax import lax
from jax.experimental import pallas as pl
from jax.experimental.pallas import tpu as pltpu
from jax.experimental.pallas import tpu_sc as plsc

NC = 2
NS = 16
L = 16
CHUNK = 64
STAGE = 16


def _round_up(v, m):
    return (v + m - 1) // m * m


def _mesh():
    return plsc.VectorSubcoreMesh(core_axis_name="c", subcore_axis_name="s")


@functools.lru_cache(maxsize=None)
def _make_deg(nch, NH):

    @functools.partial(
        pl.kernel,
        out_type=jax.ShapeDtypeStruct((NC * NS, NH), jnp.float32),
        mesh=_mesh(),
        compiler_params=pltpu.CompilerParams(needs_layout_passes=False),
        scratch_types=[
            pltpu.VMEM((nch, CHUNK), jnp.int32),
            pltpu.VMEM((NH,), jnp.float32),
        ],
    )
    def deg_k(dst_hbm, degp_hbm, didx, hist):
        c = lax.axis_index("c")
        s = lax.axis_index("s")
        w = s * NC + c

        def fill_z(k, carry):
            hist[pl.ds(k * L, L)] = jnp.zeros((L,), jnp.float32)
            return carry

        lax.fori_loop(0, NH // L, fill_z, 0)

        pltpu.sync_copy(dst_hbm.at[w], didx)
        ones = jnp.ones((L,), jnp.float32)

        def chunk_body(j, carry):
            def lane_grp(k, carry2):
                idx = didx[j, pl.ds(k * L, L)]
                plsc.addupdate_scatter(hist, [idx], ones)
                return carry2

            return lax.fori_loop(0, CHUNK // L, lane_grp, carry)

        lax.fori_loop(0, nch, chunk_body, 0)
        pltpu.sync_copy(hist, degp_hbm.at[w])

    return deg_k


FPT = 8
GR = 16
CH = 128


@functools.lru_cache(maxsize=None)
def _make_agg(N, D, nch, NP):

    @functools.partial(
        pl.kernel,
        out_type=jax.ShapeDtypeStruct((NC * NS, NP, FPT), jnp.float32),
        mesh=_mesh(),
        compiler_params=pltpu.CompilerParams(
            needs_layout_passes=False, use_tc_tiling_on_sc=False),
        scratch_types=[
            pltpu.VMEM((STAGE, CH), jnp.int32),
            pltpu.VMEM((STAGE, CH), jnp.int32),
            pltpu.VMEM((CH, GR), jnp.float32),
            pltpu.VMEM((CH, GR), jnp.float32),
            pltpu.VMEM((CH, GR), jnp.float32),
            pltpu.VMEM((CH, GR), jnp.float32),
            pltpu.VMEM((NP, FPT), jnp.float32),
            pltpu.SemaphoreType.DMA,
            pltpu.SemaphoreType.DMA,
            pltpu.SemaphoreType.DMA,
            pltpu.SemaphoreType.DMA,
        ],
    )
    def agg_k(src_hbm, dst_hbm, h2g_hbm, zrows_hbm, acc_hbm, sidx, didx,
              rows0, rows1, rows2, rows3, acc, sem0, sem1, sem2, sem3):
        c = lax.axis_index("c")
        s = lax.axis_index("s")
        t = s * NC + c
        half = t // 2
        off = (t % 2) * FPT

        pltpu.sync_copy(zrows_hbm, acc)

        iota = lax.iota(jnp.int32, L)
        voff = jnp.full((L,), off, jnp.int32)
        fl = [voff + f for f in range(FPT)]
        fa = [jnp.full((L,), f, jnp.int32) for f in range(FPT)]

        def do_adds(rows, j):
            @plsc.parallel_loop(0, CH // L, step=1, unroll=2)
            def grp_body(k):
                dst16 = didx[j, pl.ds(k * L, L)]
                eidx = iota + k * L
                for f in range(FPT):
                    vals = plsc.load_gather(rows, [eidx, fl[f]])
                    plsc.addupdate_scatter(acc, [dst16, fa[f]], vals)

        bufs = [(rows0, sem0), (rows1, sem1), (rows2, sem2), (rows3, sem3)]
        DEPTH = len(bufs)

        def gather(j, rows, sem):
            pltpu.async_copy(h2g_hbm.at[half].at[sidx.at[j]], rows, sem)

        def drain(j, rows, sem):
            pltpu.make_async_copy(h2g_hbm.at[half].at[sidx.at[j]], rows,
                                  sem).wait()

        def stage_body(g, carry):
            pltpu.sync_copy(src_hbm.at[pl.ds(g * STAGE, STAGE)], sidx)
            pltpu.sync_copy(dst_hbm.at[pl.ds(g * STAGE, STAGE)], didx)
            for j in range(DEPTH - 1):
                gather(j, *bufs[j])
            for j in range(STAGE):
                drain(j, *bufs[j % DEPTH])
                if j + DEPTH - 1 < STAGE:
                    gather(j + DEPTH - 1, *bufs[(j + DEPTH - 1) % DEPTH])
                do_adds(bufs[j % DEPTH][0], j)
            return carry

        lax.fori_loop(0, nch // STAGE, stage_body, 0)
        pltpu.sync_copy(acc, acc_hbm.at[t])

    return agg_k


def _tc1_body(x_ref, w_ref, d_ref, h2_ref):
    h = jnp.dot(x_ref[...], w_ref[...], preferred_element_type=jnp.float32)
    deg = jnp.sum(d_ref[...], axis=1, keepdims=True) + 1.0
    h2_ref[...] = h * lax.rsqrt(deg)


def _tc2_body(a_ref, h2_ref, d_ref, b1_ref, w_ref, lb_ref, o_ref):
    deg = jnp.sum(d_ref[...], axis=1, keepdims=True) + 1.0
    dis = lax.rsqrt(deg)
    t = jnp.tanh((a_ref[...] + h2_ref[...]) * dis + b1_ref[...])
    o_ref[...] = (jnp.dot(t, w_ref[...], preferred_element_type=jnp.float32)
                  + lb_ref[...])


@functools.lru_cache(maxsize=None)
def _make_tc1(N, D_in, D_hid, BR):
    grid = (N + BR - 1) // BR
    return pl.pallas_call(
        _tc1_body,
        grid=(grid,),
        in_specs=[
            pl.BlockSpec((BR, D_in), lambda i: (i, 0)),
            pl.BlockSpec((D_in, D_hid), lambda i: (0, 0)),
            pl.BlockSpec((BR, NC * NS), lambda i: (i, 0)),
        ],
        out_specs=pl.BlockSpec((BR, D_hid), lambda i: (i, 0)),
        out_shape=jax.ShapeDtypeStruct((N, D_hid), jnp.float32),
    )


@functools.lru_cache(maxsize=None)
def _make_tc2(N, D_hid, D_out, BR):
    grid = (N + BR - 1) // BR
    return pl.pallas_call(
        _tc2_body,
        grid=(grid,),
        in_specs=[
            pl.BlockSpec((BR, D_hid), lambda i: (i, 0)),
            pl.BlockSpec((BR, D_hid), lambda i: (i, 0)),
            pl.BlockSpec((BR, NC * NS), lambda i: (i, 0)),
            pl.BlockSpec((1, D_hid), lambda i: (0, 0)),
            pl.BlockSpec((D_hid, D_out), lambda i: (0, 0)),
            pl.BlockSpec((1, D_out), lambda i: (0, 0)),
        ],
        out_specs=pl.BlockSpec((BR, D_out), lambda i: (i, 0)),
        out_shape=jax.ShapeDtypeStruct((N, D_out), jnp.float32),
    )


def kernel(x, edge_index, W1, b1, lin_W, lin_b):
    N, D_in = x.shape
    D_hid = W1.shape[1]
    D_out = lin_W.shape[1]
    E = edge_index.shape[1]

    src = edge_index[0]
    dst = edge_index[1]

    EP = _round_up(E, max(NC * NS * CHUNK, STAGE * CH))
    pad = EP - E
    if pad:
        src = jnp.concatenate([src, jnp.zeros((pad,), src.dtype)])
        dst = jnp.concatenate([dst, jnp.full((pad,), N, dst.dtype)])

    nch_deg = EP // (NC * NS * CHUNK)
    nch_agg = EP // CH
    NH = _round_up(N + 1, 128)
    NP = _round_up(N + 1, 8)

    dst_deg = dst.reshape(NC * NS, nch_deg, CHUNK)
    src2 = src.reshape(nch_agg, CH)
    dst2 = dst.reshape(nch_agg, CH)

    degp = _make_deg(nch_deg, NH)(dst_deg)
    degt = degp[:, :N].T

    BR = 1000 if N % 1000 == 0 else N
    h2 = _make_tc1(N, D_in, D_hid, BR)(x, W1, degt)
    h2g = h2.reshape(N, D_hid // GR, GR).transpose(1, 0, 2)
    zrows = jnp.zeros((NP, FPT), jnp.float32)
    accg = _make_agg(N, D_hid, nch_agg, NP)(src2, dst2, h2g, zrows)
    acc = accg.transpose(1, 0, 2).reshape(NP, D_hid)
    out = _make_tc2(N, D_hid, D_out, BR)(
        acc, h2, degt, b1.reshape(1, D_hid), lin_W,
        lin_b.reshape(1, D_out))
    return out

# --- scband reference (transcript-rebuilt; emitter-appended) ---
"""Pipeline reference for scband-gcn-7524782703135 (READ-ONLY COPY).

The authoritative reference and input builder live on the scoring server;
editing this copy changes nothing except your own understanding.
"""

import jax, jax.numpy as jnp
import numpy as np

N = 10000
E = 160000
D_IN = 256
D_HID = 256
D_OUT = 256


def setup_inputs(seed: int = 0) -> dict:
    key = jax.random.key(seed)
    k1, k2, k3, k4 = jax.random.split(key, 4)
    x = jax.random.normal(k1, (N, D_IN), dtype=jnp.float32)
    edge_index = jax.random.randint(k2, (2, E), 0, N, dtype=jnp.int32)
    # GCNConv weight [in, hidden] and bias [hidden]
    W1 = jax.random.normal(k3, (D_IN, D_HID), dtype=jnp.float32) * (1.0 / np.sqrt(D_IN))
    b1 = jnp.zeros((D_HID,), dtype=jnp.float32)
    # Linear layer [hidden, out] and bias [out]
    lin_W = jax.random.normal(k4, (D_HID, D_OUT), dtype=jnp.float32) * (1.0 / np.sqrt(D_HID))
    lin_b = jnp.zeros((D_OUT,), dtype=jnp.float32)
    return {"x": x, "edge_index": edge_index, "W1": W1, "b1": b1, "lin_W": lin_W, "lin_b": lin_b}


def _gcn_conv(x, edge_index, W, b):
    # PyG GCNConv: add self-loops, symmetric normalization, aggregate at target
    num_nodes = x.shape[0]
    loop = jnp.arange(num_nodes, dtype=edge_index.dtype)
    src = jnp.concatenate([edge_index[0], loop])
    dst = jnp.concatenate([edge_index[1], loop])
    h = x @ W
    deg = jnp.zeros((num_nodes,), dtype=h.dtype).at[dst].add(1.0)
    deg_inv_sqrt = jnp.where(deg > 0, 1.0 / jnp.sqrt(deg), 0.0)
    norm = deg_inv_sqrt[src] * deg_inv_sqrt[dst]
    msg = h[src] * norm[:, None]
    out = jnp.zeros_like(h).at[dst].add(msg)
    return out + b


def reference(x, edge_index, W1, b1, lin_W, lin_b):
    h = _gcn_conv(x, edge_index, W1, b1)
    h = jnp.tanh(h)
    out = h @ lin_W + lin_b
    return out

if __name__ == "__main__":
    import jax
    _d = setup_inputs()
    print(jax.jit(kernel)(*tuple(_d.values())))

</pallas_src>

<mosaic_0001>
#map = affine_map<(d0, d1) -> (0, 0, 0)>
#map1 = affine_map<(d0, d1) -> (0, 0)>
module attributes {stable_mosaic.version = 14 : i64} {
  func.func @deg_k(%arg0: i32, %arg1: i32, %arg2: memref<32x79x64xi32, #tpu.memory_space<hbm>>, %arg3: memref<32x10112xf32, #tpu.memory_space<hbm>>, %arg4: memref<79x64xi32, #tpu.memory_space<vmem>>, %arg5: memref<10112xf32, #tpu.memory_space<vmem>>) attributes {dimension_semantics = [#tpu.dimension_semantics<core_parallel>, #tpu.dimension_semantics<subcore_parallel>], iteration_bounds = array<i64: 2, 16>, scalar_prefetch = 0 : i64, scratch_operands = 2 : i64, tpu.core_type = #tpu.core_type<sc_vector_subcore>, window_params = [{transform_indices = #map}, {transform_indices = #map1}]} {
    %mul3A = arith.constant 2 : i32
    %mul3A_0 = arith.muli %arg1, %mul3A : i32
    %add3A = arith.addi %mul3A_0, %arg0 : i32
    %scan3A = arith.constant 0 : i32
    %scan3A_1 = arith.constant 0 : i32
    %scan3A_2 = arith.constant 632 : i32
    %scan3A_3 = arith.addi %scan3A_1, %scan3A_2 : i32
    %scan3A_4 = arith.constant 1 : i32
    scf.for %scan3A_13 = %scan3A_1 to %scan3A_3 step %scan3A_4  : i32 {
      %broadcast_in_dim3A_14 = arith.constant 0.000000e+00 : f32
      %broadcast_in_dim3A_15 = vector.broadcast %broadcast_in_dim3A_14 : f32 to vector<16xf32>
      %mul3A_16 = arith.constant 16 : i32
      %mul3A_17 = arith.muli %scan3A_13, %mul3A_16 : i32
      %swap3A = arith.index_cast %mul3A_17 : i32 to index
      %swap3A_18 = tpu.vector_load %arg5[%swap3A] {strides = array<i32>} : memref<10112xf32, #tpu.memory_space<vmem>>, vector<16xf32>,
      tpu.vector_store %arg5[%swap3A], %broadcast_in_dim3A_15 {strides = array<i32>} : memref<10112xf32, #tpu.memory_space<vmem>>, vector<16xf32>,
    }
    %scan3A_5 = arith.constant 632 : i32
    "tpu.region"() ({
      %run_scoped3A = tpu.sem_alloc : memref<!tpu.dma_semaphore, #tpu.memory_space<semaphore_mem>>
      %dma_start3A = arith.constant 0 : i32
      %dma_start3A_13 = arith.constant 0 : i32
      %dma_start3A_14 = tpu.memref_slice %arg2[%add3A, %dma_start3A, %dma_start3A_13] : memref<32x79x64xi32, #tpu.memory_space<hbm>> -> memref<1x79x64xi32, #tpu.memory_space<hbm>>
      %dma_start3A_15 = tpu.memref_squeeze %dma_start3A_14 : memref<1x79x64xi32, #tpu.memory_space<hbm>> -> memref<79x64xi32, #tpu.memory_space<hbm>>
      %dma_start3A_16 = arith.constant 0 : i32
      %dma_start3A_17 = arith.constant 0 : i32
      %dma_start3A_18 = tpu.memref_slice %arg2[%add3A, %dma_start3A_16, %dma_start3A_17] : memref<32x79x64xi32, #tpu.memory_space<hbm>> -> memref<1x79x64xi32, #tpu.memory_space<hbm>>
      %dma_start3A_19 = tpu.memref_squeeze %dma_start3A_18 : memref<1x79x64xi32, #tpu.memory_space<hbm>> -> memref<79x64xi32, #tpu.memory_space<hbm>>
      tpu.enqueue_dma source(%dma_start3A_19 : memref<79x64xi32, #tpu.memory_space<hbm>>) target(%arg4 : memref<79x64xi32, #tpu.memory_space<vmem>>) target_semaphore(%run_scoped3A : memref<!tpu.dma_semaphore, #tpu.memory_space<semaphore_mem>>)
      %dma_wait3A = arith.constant 0 : i32
      %dma_wait3A_20 = arith.constant 0 : i32
      %dma_wait3A_21 = tpu.memref_slice %arg2[%add3A, %dma_wait3A, %dma_wait3A_20] : memref<32x79x64xi32, #tpu.memory_space<hbm>> -> memref<1x79x64xi32, #tpu.memory_space<hbm>>
      %dma_wait3A_22 = tpu.memref_squeeze %dma_wait3A_21 : memref<1x79x64xi32, #tpu.memory_space<hbm>> -> memref<79x64xi32, #tpu.memory_space<hbm>>
      %dma_wait3A_23 = arith.constant 0 : i32
      %dma_wait3A_24 = arith.constant 0 : i32
      %dma_wait3A_25 = tpu.memref_slice %arg2[%add3A, %dma_wait3A_23, %dma_wait3A_24] : memref<32x79x64xi32, #tpu.memory_space<hbm>> -> memref<1x79x64xi32, #tpu.memory_space<hbm>>
      %dma_wait3A_26 = tpu.memref_squeeze %dma_wait3A_25 : memref<1x79x64xi32, #tpu.memory_space<hbm>> -> memref<79x64xi32, #tpu.memory_space<hbm>>
      tpu.wait_dma2 semaphore(%run_scoped3A : memref<!tpu.dma_semaphore, #tpu.memory_space<semaphore_mem>>) src(%dma_wait3A_26 : memref<79x64xi32, #tpu.memory_space<hbm>>) dst(%arg4 : memref<79x64xi32, #tpu.memory_space<vmem>>)
      tpu.yield
    }) : () -> ()
    %broadcast_in_dim3A = arith.constant 1.000000e+00 : f32
    %broadcast_in_dim3A_6 = vector.broadcast %broadcast_in_dim3A : f32 to vector<16xf32>
    %scan3A_7 = arith.constant 0 : i32
    %scan3A_8 = arith.constant 0 : i32
    %scan3A_9 = arith.constant 79 : i32
    %scan3A_10 = arith.addi %scan3A_8, %scan3A_9 : i32
    %scan3A_11 = arith.constant 1 : i32
    scf.for %scan3A_13 = %scan3A_8 to %scan3A_10 step %scan3A_11  : i32 {
      %scan3A_14 = arith.constant 0 : i32
      %scan3A_15 = arith.constant 4 : i32
      %scan3A_16 = arith.addi %scan3A_14, %scan3A_15 : i32
      %scan3A_17 = arith.constant 1 : i32
      scf.for %scan3A_19 = %scan3A_14 to %scan3A_16 step %scan3A_17  : i32 {
        %mul3A_20 = arith.constant 16 : i32
        %mul3A_21 = arith.muli %scan3A_19, %mul3A_20 : i32
        %get3A = arith.index_cast %scan3A_13 : i32 to index
        %get3A_22 = arith.index_cast %mul3A_21 : i32 to index
        %get3A_23 = tpu.vector_load %arg4[%get3A, %get3A_22] {strides = array<i32>} : memref<79x64xi32, #tpu.memory_space<vmem>>, vector<16xi32>,
        tpu.vector_store_idx %arg5[%get3A_23], %broadcast_in_dim3A_6 {add = true} : memref<10112xf32, #tpu.memory_space<vmem>>[vector<16xi32>], vector<16xf32>,
      }
      %scan3A_18 = arith.constant 4 : i32
    }
    %scan3A_12 = arith.constant 79 : i32
    "tpu.region"() ({
      %run_scoped3A = tpu.sem_alloc : memref<!tpu.dma_semaphore, #tpu.memory_space<semaphore_mem>>
      %dma_start3A = arith.constant 0 : i32
      %dma_start3A_13 = tpu.memref_slice %arg3[%add3A, %dma_start3A] : memref<32x10112xf32, #tpu.memory_space<hbm>> -> memref<1x10112xf32, #tpu.memory_space<hbm>>
      %dma_start3A_14 = tpu.memref_squeeze %dma_start3A_13 : memref<1x10112xf32, #tpu.memory_space<hbm>> -> memref<10112xf32, #tpu.memory_space<hbm>>
      %dma_start3A_15 = arith.constant 0 : i32
      %dma_start3A_16 = tpu.memref_slice %arg3[%add3A, %dma_start3A_15] : memref<32x10112xf32, #tpu.memory_space<hbm>> -> memref<1x10112xf32, #tpu.memory_space<hbm>>
      %dma_start3A_17 = tpu.memref_squeeze %dma_start3A_16 : memref<1x10112xf32, #tpu.memory_space<hbm>> -> memref<10112xf32, #tpu.memory_space<hbm>>
      tpu.enqueue_dma source(%arg5 : memref<10112xf32, #tpu.memory_space<vmem>>) target(%dma_start3A_17 : memref<10112xf32, #tpu.memory_space<hbm>>) target_semaphore(%run_scoped3A : memref<!tpu.dma_semaphore, #tpu.memory_space<semaphore_mem>>)
      %dma_wait3A = arith.constant 0 : i32
      %dma_wait3A_18 = tpu.memref_slice %arg3[%add3A, %dma_wait3A] : memref<32x10112xf32, #tpu.memory_space<hbm>> -> memref<1x10112xf32, #tpu.memory_space<hbm>>
      %dma_wait3A_19 = tpu.memref_squeeze %dma_wait3A_18 : memref<1x10112xf32, #tpu.memory_space<hbm>> -> memref<10112xf32, #tpu.memory_space<hbm>>
      %dma_wait3A_20 = arith.constant 0 : i32
      %dma_wait3A_21 = tpu.memref_slice %arg3[%add3A, %dma_wait3A_20] : memref<32x10112xf32, #tpu.memory_space<hbm>> -> memref<1x10112xf32, #tpu.memory_space<hbm>>
      %dma_wait3A_22 = tpu.memref_squeeze %dma_wait3A_21 : memref<1x10112xf32, #tpu.memory_space<hbm>> -> memref<10112xf32, #tpu.memory_space<hbm>>
      tpu.wait_dma2 semaphore(%run_scoped3A : memref<!tpu.dma_semaphore, #tpu.memory_space<semaphore_mem>>) src(%arg5 : memref<10112xf32, #tpu.memory_space<vmem>>) dst(%dma_wait3A_22 : memref<10112xf32, #tpu.memory_space<hbm>>)
      tpu.yield
    }) : () -> ()
    return
  }
}

#map = affine_map<(d0, d1) -> (0, 0)>
#map1 = affine_map<(d0, d1) -> (0, 0, 0)>
module attributes {stable_mosaic.version = 14 : i64} {
  func.func @agg_k(%arg0: i32, %arg1: i32, %arg2: memref<1264x128xi32, #tpu.memory_space<hbm>>, %arg3: memref<1264x128xi32, #tpu.memory_space<hbm>>, %arg4: memref<16x10000x16xf32, #tpu.memory_space<hbm>>, %arg5: memref<10008x8xf32, #tpu.memory_space<hbm>>, %arg6: memref<32x10008x8xf32, #tpu.memory_space<hbm>>, %arg7: memref<16x128xi32, #tpu.memory_space<vmem>>, %arg8: memref<16x128xi32, #tpu.memory_space<vmem>>, %arg9: memref<128x16xf32, #tpu.memory_space<vmem>>, %arg10: memref<128x16xf32, #tpu.memory_space<vmem>>, %arg11: memref<128x16xf32, #tpu.memory_space<vmem>>, %arg12: memref<128x16xf32, #tpu.memory_space<vmem>>, %arg13: memref<10008x8xf32, #tpu.memory_space<vmem>>, %arg14: memref<!tpu.dma_semaphore, #tpu.memory_space<semaphore_mem>>, %arg15: memref<!tpu.dma_semaphore, #tpu.memory_space<semaphore_mem>>, %arg16: memref<!tpu.dma_semaphore, #tpu.memory_space<semaphore_mem>>, %arg17: memref<!tpu.dma_semaphore, #tpu.memory_space<semaphore_mem>>) attributes {dimension_semantics = [#tpu.dimension_semantics<core_parallel>, #tpu.dimension_semantics<subcore_parallel>], iteration_bounds = array<i64: 2, 16>, scalar_prefetch = 0 : i64, scratch_operands = 11 : i64, tpu.core_type = #tpu.core_type<sc_vector_subcore>, window_params = [{transform_indices = #map}, {transform_indices = #map}, {transform_indices = #map1}, {transform_indices = #map}, {transform_indices = #map1}]} {
    %mul3A = arith.constant 2 : i32
    %mul3A_0 = arith.muli %arg1, %mul3A : i32
    %add3A = arith.addi %mul3A_0, %arg0 : i32
    %jit3A = arith.constant 2 : i32
    %div3A = arith.divsi %add3A, %jit3A : i32
    %sign3A = arith.constant 0 : i32
    %sign3A_1 = arith.cmpi sgt, %add3A, %sign3A : i32
    %sign3A_2 = arith.extui %sign3A_1 : i1 to i32
    %sign3A_3 = arith.constant 0 : i32
    %sign3A_4 = arith.cmpi slt, %add3A, %sign3A_3 : i32
    %sign3A_5 = arith.extui %sign3A_4 : i1 to i32
    %sign3A_6 = arith.subi %sign3A_2, %sign3A_5 : i32
    %sign3A_7 = arith.constant 0 : i32
    %sign3A_8 = arith.cmpi sgt, %jit3A, %sign3A_7 : i32
    %sign3A_9 = arith.extui %sign3A_8 : i1 to i32
    %sign3A_10 = arith.constant 0 : i32
    %sign3A_11 = arith.cmpi slt, %jit3A, %sign3A_10 : i32
    %sign3A_12 = arith.extui %sign3A_11 : i1 to i32
    %sign3A_13 = arith.subi %sign3A_9, %sign3A_12 : i32
    %ne3A = arith.cmpi ne, %sign3A_6, %sign3A_13 : i32
    %rem3A = arith.remsi %add3A, %jit3A : i32
    %ne3A_14 = arith.constant 0 : i32
    %ne3A_15 = arith.cmpi ne, %rem3A, %ne3A_14 : i32
    %and3A = arith.andi %ne3A, %ne3A_15 : i1
    %sub3A = arith.constant 1 : i32
    %sub3A_16 = arith.subi %div3A, %sub3A : i32
    %select_n3A = arith.select %and3A, %sub3A_16, %div3A : i32
    %jit3A_17 = arith.constant 2 : i32
    %eq3A = arith.constant 0 : i32
    %eq3A_18 = arith.cmpi eq, %jit3A_17, %eq3A : i32
    %jit3A_19 = arith.constant 1 : i32
    %select_n3A_20 = arith.select %eq3A_18, %jit3A_19, %jit3A_17 : i32
    %rem3A_21 = arith.remsi %add3A, %select_n3A_20 : i32
    %ne3A_22 = arith.constant 0 : i32
    %ne3A_23 = arith.cmpi ne, %rem3A_21, %ne3A_22 : i32
    %lt3A = arith.constant 0 : i32
    %lt3A_24 = arith.cmpi slt, %rem3A_21, %lt3A : i32
    %lt3A_25 = arith.constant 0 : i32
    %lt3A_26 = arith.cmpi slt, %select_n3A_20, %lt3A_25 : i32
    %ne3A_27 = arith.xori %lt3A_24, %lt3A_26 : i1
    %and3A_28 = arith.andi %ne3A_27, %ne3A_23 : i1
    %add3A_29 = arith.addi %rem3A_21, %select_n3A_20 : i32
    %select_n3A_30 = arith.select %and3A_28, %add3A_29, %rem3A_21 : i32
    %mul3A_31 = arith.constant 8 : i32
    %mul3A_32 = arith.muli %select_n3A_30, %mul3A_31 : i32
    "tpu.region"() ({
      %run_scoped3A = tpu.sem_alloc : memref<!tpu.dma_semaphore, #tpu.memory_space<semaphore_mem>>
      tpu.enqueue_dma source(%arg5 : memref<10008x8xf32, #tpu.memory_space<hbm>>) target(%arg13 : memref<10008x8xf32, #tpu.memory_space<vmem>>) target_semaphore(%run_scoped3A : memref<!tpu.dma_semaphore, #tpu.memory_space<semaphore_mem>>)
      tpu.wait_dma2 semaphore(%run_scoped3A : memref<!tpu.dma_semaphore, #tpu.memory_space<semaphore_mem>>) src(%arg5 : memref<10008x8xf32, #tpu.memory_space<hbm>>) dst(%arg13 : memref<10008x8xf32, #tpu.memory_space<vmem>>)
      tpu.yield
    }) : () -> ()
    %iota3A = tpu.iota {dimensions = array<i32: 0>} : vector<16xi32>
    %broadcast_in_dim3A = vector.broadcast %mul3A_32 : i32 to vector<16xi32>
    %add3A_33 = arith.constant 0 : i32
    %add3A_34 = vector.broadcast %add3A_33 : i32 to vector<16xi32>
    %add3A_35 = arith.addi %broadcast_in_dim3A, %add3A_34 : vector<16xi32>
    %add3A_36 = arith.constant 1 : i32
    %add3A_37 = vector.broadcast %add3A_36 : i32 to vector<16xi32>
    %add3A_38 = arith.addi %broadcast_in_dim3A, %add3A_37 : vector<16xi32>
    %add3A_39 = arith.constant 2 : i32
    %add3A_40 = vector.broadcast %add3A_39 : i32 to vector<16xi32>
    %add3A_41 = arith.addi %broadcast_in_dim3A, %add3A_40 : vector<16xi32>
    %add3A_42 = arith.constant 3 : i32
    %add3A_43 = vector.broadcast %add3A_42 : i32 to vector<16xi32>
    %add3A_44 = arith.addi %broadcast_in_dim3A, %add3A_43 : vector<16xi32>
    %add3A_45 = arith.constant 4 : i32
    %add3A_46 = vector.broadcast %add3A_45 : i32 to vector<16xi32>
    %add3A_47 = arith.addi %broadcast_in_dim3A, %add3A_46 : vector<16xi32>
    %add3A_48 = arith.constant 5 : i32
    %add3A_49 = vector.broadcast %add3A_48 : i32 to vector<16xi32>
    %add3A_50 = arith.addi %broadcast_in_dim3A, %add3A_49 : vector<16xi32>
    %add3A_51 = arith.constant 6 : i32
    %add3A_52 = vector.broadcast %add3A_51 : i32 to vector<16xi32>
    %add3A_53 = arith.addi %broadcast_in_dim3A, %add3A_52 : vector<16xi32>
    %add3A_54 = arith.constant 7 : i32
    %add3A_55 = vector.broadcast %add3A_54 : i32 to vector<16xi32>
    %add3A_56 = arith.addi %broadcast_in_dim3A, %add3A_55 : vector<16xi32>
    %broadcast_in_dim3A_57 = arith.constant 0 : i32
    %broadcast_in_dim3A_58 = vector.broadcast %broadcast_in_dim3A_57 : i32 to vector<16xi32>
    %broadcast_in_dim3A_59 = arith.constant 1 : i32
    %broadcast_in_dim3A_60 = vector.broadcast %broadcast_in_dim3A_59 : i32 to vector<16xi32>
    %broadcast_in_dim3A_61 = arith.constant 2 : i32
    %broadcast_in_dim3A_62 = vector.broadcast %broadcast_in_dim3A_61 : i32 to vector<16xi32>
    %broadcast_in_dim3A_63 = arith.constant 3 : i32
    %broadcast_in_dim3A_64 = vector.broadcast %broadcast_in_dim3A_63 : i32 to vector<16xi32>
    %broadcast_in_dim3A_65 = arith.constant 4 : i32
    %broadcast_in_dim3A_66 = vector.broadcast %broadcast_in_dim3A_65 : i32 to vector<16xi32>
    %broadcast_in_dim3A_67 = arith.constant 5 : i32
    %broadcast_in_dim3A_68 = vector.broadcast %broadcast_in_dim3A_67 : i32 to vector<16xi32>
    %broadcast_in_dim3A_69 = arith.constant 6 : i32
    %broadcast_in_dim3A_70 = vector.broadcast %broadcast_in_dim3A_69 : i32 to vector<16xi32>
    %broadcast_in_dim3A_71 = arith.constant 7 : i32
    %broadcast_in_dim3A_72 = vector.broadcast %broadcast_in_dim3A_71 : i32 to vector<16xi32>
    %scan3A = arith.constant 0 : i32
    %scan3A_73 = arith.constant 0 : i32
    %scan3A_74 = arith.constant 79 : i32
    %scan3A_75 = arith.addi %scan3A_73, %scan3A_74 : i32
    %scan3A_76 = arith.constant 1 : i32
    scf.for %scan3A_78 = %scan3A_73 to %scan3A_75 step %scan3A_76  : i32 {
      %mul3A_79 = arith.constant 16 : i32
      %mul3A_80 = arith.muli %scan3A_78, %mul3A_79 : i32
      "tpu.region"() ({
        %run_scoped3A = tpu.sem_alloc : memref<!tpu.dma_semaphore, #tpu.memory_space<semaphore_mem>>
        %dma_start3A_480 = arith.constant 0 : i32
        %dma_start3A_481 = tpu.memref_slice %arg2[%mul3A_80, %dma_start3A_480] : memref<1264x128xi32, #tpu.memory_space<hbm>> -> memref<16x128xi32, #tpu.memory_space<hbm>>
        %dma_start3A_482 = arith.constant 0 : i32
        %dma_start3A_483 = tpu.memref_slice %arg2[%mul3A_80, %dma_start3A_482] : memref<1264x128xi32, #tpu.memory_space<hbm>> -> memref<16x128xi32, #tpu.memory_space<hbm>>
        tpu.enqueue_dma source(%dma_start3A_483 : memref<16x128xi32, #tpu.memory_space<hbm>>) target(%arg7 : memref<16x128xi32, #tpu.memory_space<vmem>>) target_semaphore(%run_scoped3A : memref<!tpu.dma_semaphore, #tpu.memory_space<semaphore_mem>>)
        %dma_wait3A_484 = arith.constant 0 : i32
        %dma_wait3A_485 = tpu.memref_slice %arg2[%mul3A_80, %dma_wait3A_484] : memref<1264x128xi32, #tpu.memory_space<hbm>> -> memref<16x128xi32, #tpu.memory_space<hbm>>
        %dma_wait3A_486 = arith.constant 0 : i32
        %dma_wait3A_487 = tpu.memref_slice %arg2[%mul3A_80, %dma_wait3A_486] : memref<1264x128xi32, #tpu.memory_space<hbm>> -> memref<16x128xi32, #tpu.memory_space<hbm>>
        tpu.wait_dma2 semaphore(%run_scoped3A : memref<!tpu.dma_semaphore, #tpu.memory_space<semaphore_mem>>) src(%dma_wait3A_487 : memref<16x128xi32, #tpu.memory_space<hbm>>) dst(%arg7 : memref<16x128xi32, #tpu.memory_space<vmem>>)
        tpu.yield
      }) : () -> ()
      %mul3A_81 = arith.constant 16 : i32
      %mul3A_82 = arith.muli %scan3A_78, %mul3A_81 : i32
      "tpu.region"() ({
        %run_scoped3A = tpu.sem_alloc : memref<!tpu.dma_semaphore, #tpu.memory_space<semaphore_mem>>
        %dma_start3A_480 = arith.constant 0 : i32
        %dma_start3A_481 = tpu.memref_slice %arg3[%mul3A_82, %dma_start3A_480] : memref<1264x128xi32, #tpu.memory_space<hbm>> -> memref<16x128xi32, #tpu.memory_space<hbm>>
        %dma_start3A_482 = arith.constant 0 : i32
        %dma_start3A_483 = tpu.memref_slice %arg3[%mul3A_82, %dma_start3A_482] : memref<1264x128xi32, #tpu.memory_space<hbm>> -> memref<16x128xi32, #tpu.memory_space<hbm>>
        tpu.enqueue_dma source(%dma_start3A_483 : memref<16x128xi32, #tpu.memory_space<hbm>>) target(%arg8 : memref<16x128xi32, #tpu.memory_space<vmem>>) target_semaphore(%run_scoped3A : memref<!tpu.dma_semaphore, #tpu.memory_space<semaphore_mem>>)
        %dma_wait3A_484 = arith.constant 0 : i32
        %dma_wait3A_485 = tpu.memref_slice %arg3[%mul3A_82, %dma_wait3A_484] : memref<1264x128xi32, #tpu.memory_space<hbm>> -> memref<16x128xi32, #tpu.memory_space<hbm>>
        %dma_wait3A_486 = arith.constant 0 : i32
        %dma_wait3A_487 = tpu.memref_slice %arg3[%mul3A_82, %dma_wait3A_486] : memref<1264x128xi32, #tpu.memory_space<hbm>> -> memref<16x128xi32, #tpu.memory_space<hbm>>
        tpu.wait_dma2 semaphore(%run_scoped3A : memref<!tpu.dma_semaphore, #tpu.memory_space<semaphore_mem>>) src(%dma_wait3A_487 : memref<16x128xi32, #tpu.memory_space<hbm>>) dst(%arg8 : memref<16x128xi32, #tpu.memory_space<vmem>>)
        tpu.yield
      }) : () -> ()
      %dma_start3A = arith.constant 0 : i32
      %dma_start3A_83 = arith.constant 0 : i32
      %dma_start3A_84 = tpu.memref_slice %arg7[%dma_start3A, %dma_start3A_83] : memref<16x128xi32, #tpu.memory_space<vmem>> -> memref<1x128xi32, #tpu.memory_space<vmem>>
      %dma_start3A_85 = tpu.memref_squeeze %dma_start3A_84 : memref<1x128xi32, #tpu.memory_space<vmem>> -> memref<128xi32, #tpu.memory_space<vmem>>
      %dma_start3A_86 = arith.constant 0 : i32
      %dma_start3A_87 = arith.constant 0 : i32
      %dma_start3A_88 = tpu.memref_slice %arg4[%select_n3A, %dma_start3A_86, %dma_start3A_87] : memref<16x10000x16xf32, #tpu.memory_space<hbm>> -> memref<1x10000x16xf32, #tpu.memory_space<hbm>>
      %dma_start3A_89 = tpu.memref_squeeze %dma_start3A_88 : memref<1x10000x16xf32, #tpu.memory_space<hbm>> -> memref<10000x16xf32, #tpu.memory_space<hbm>>
      %dma_start3A_90 = arith.constant 0 : i32
      %dma_start3A_91 = arith.constant 0 : i32
      %dma_start3A_92 = tpu.memref_slice %dma_start3A_89[%dma_start3A_90, %dma_start3A_91] : memref<10000x16xf32, #tpu.memory_space<hbm>> -> memref<10000x16xf32, #tpu.memory_space<hbm>>
      tpu.enqueue_indirect_dma source(%dma_start3A_92 : memref<10000x16xf32, #tpu.memory_space<hbm>>) target(%arg9 : memref<128x16xf32, #tpu.memory_space<vmem>>) offsets(%dma_start3A_85 : memref<128xi32, #tpu.memory_space<vmem>>) semaphore(%arg14 : memref<!tpu.dma_semaphore, #tpu.memory_space<semaphore_mem>>)
      %dma_start3A_93 = arith.constant 1 : i32
      %dma_start3A_94 = arith.constant 0 : i32
      %dma_start3A_95 = tpu.memref_slice %arg7[%dma_start3A_93, %dma_start3A_94] : memref<16x128xi32, #tpu.memory_space<vmem>> -> memref<1x128xi32, #tpu.memory_space<vmem>>
      %dma_start3A_96 = tpu.memref_squeeze %dma_start3A_95 : memref<1x128xi32, #tpu.memory_space<vmem>> -> memref<128xi32, #tpu.memory_space<vmem>>
      %dma_start3A_97 = arith.constant 0 : i32
      %dma_start3A_98 = arith.constant 0 : i32
      %dma_start3A_99 = tpu.memref_slice %arg4[%select_n3A, %dma_start3A_97, %dma_start3A_98] : memref<16x10000x16xf32, #tpu.memory_space<hbm>> -> memref<1x10000x16xf32, #tpu.memory_space<hbm>>
      %dma_start3A_100 = tpu.memref_squeeze %dma_start3A_99 : memref<1x10000x16xf32, #tpu.memory_space<hbm>> -> memref<10000x16xf32, #tpu.memory_space<hbm>>
      %dma_start3A_101 = arith.constant 0 : i32
      %dma_start3A_102 = arith.constant 0 : i32
      %dma_start3A_103 = tpu.memref_slice %dma_start3A_100[%dma_start3A_101, %dma_start3A_102] : memref<10000x16xf32, #tpu.memory_space<hbm>> -> memref<10000x16xf32, #tpu.memory_space<hbm>>
      tpu.enqueue_indirect_dma source(%dma_start3A_103 : memref<10000x16xf32, #tpu.memory_space<hbm>>) target(%arg10 : memref<128x16xf32, #tpu.memory_space<vmem>>) offsets(%dma_start3A_96 : memref<128xi32, #tpu.memory_space<vmem>>) semaphore(%arg15 : memref<!tpu.dma_semaphore, #tpu.memory_space<semaphore_mem>>)
      %dma_start3A_104 = arith.constant 2 : i32
      %dma_start3A_105 = arith.constant 0 : i32
      %dma_start3A_106 = tpu.memref_slice %arg7[%dma_start3A_104, %dma_start3A_105] : memref<16x128xi32, #tpu.memory_space<vmem>> -> memref<1x128xi32, #tpu.memory_space<vmem>>
      %dma_start3A_107 = tpu.memref_squeeze %dma_start3A_106 : memref<1x128xi32, #tpu.memory_space<vmem>> -> memref<128xi32, #tpu.memory_space<vmem>>
      %dma_start3A_108 = arith.constant 0 : i32
      %dma_start3A_109 = arith.constant 0 : i32
      %dma_start3A_110 = tpu.memref_slice %arg4[%select_n3A, %dma_start3A_108, %dma_start3A_109] : memref<16x10000x16xf32, #tpu.memory_space<hbm>> -> memref<1x10000x16xf32, #tpu.memory_space<hbm>>
      %dma_start3A_111 = tpu.memref_squeeze %dma_start3A_110 : memref<1x10000x16xf32, #tpu.memory_space<hbm>> -> memref<10000x16xf32, #tpu.memory_space<hbm>>
      %dma_start3A_112 = arith.constant 0 : i32
      %dma_start3A_113 = arith.constant 0 : i32
      %dma_start3A_114 = tpu.memref_slice %dma_start3A_111[%dma_start3A_112, %dma_start3A_113] : memref<10000x16xf32, #tpu.memory_space<hbm>> -> memref<10000x16xf32, #tpu.memory_space<hbm>>
      tpu.enqueue_indirect_dma source(%dma_start3A_114 : memref<10000x16xf32, #tpu.memory_space<hbm>>) target(%arg11 : memref<128x16xf32, #tpu.memory_space<vmem>>) offsets(%dma_start3A_107 : memref<128xi32, #tpu.memory_space<vmem>>) semaphore(%arg16 : memref<!tpu.dma_semaphore, #tpu.memory_space<semaphore_mem>>)
      %dma_wait3A = arith.constant 0 : i32
      %dma_wait3A_115 = arith.constant 0 : i32
      %dma_wait3A_116 = tpu.memref_slice %arg7[%dma_wait3A, %dma_wait3A_115] : memref<16x128xi32, #tpu.memory_space<vmem>> -> memref<1x128xi32, #tpu.memory_space<vmem>>
      %dma_wait3A_117 = tpu.memref_squeeze %dma_wait3A_116 : memref<1x128xi32, #tpu.memory_space<vmem>> -> memref<128xi32, #tpu.memory_space<vmem>>
      %dma_wait3A_118 = arith.constant 0 : i32
      %dma_wait3A_119 = arith.constant 0 : i32
      %dma_wait3A_120 = tpu.memref_slice %arg4[%select_n3A, %dma_wait3A_118, %dma_wait3A_119] : memref<16x10000x16xf32, #tpu.memory_space<hbm>> -> memref<1x10000x16xf32, #tpu.memory_space<hbm>>
      %dma_wait3A_121 = tpu.memref_squeeze %dma_wait3A_120 : memref<1x10000x16xf32, #tpu.memory_space<hbm>> -> memref<10000x16xf32, #tpu.memory_space<hbm>>
      %dma_wait3A_122 = arith.constant 0 : i32
      %dma_wait3A_123 = arith.constant 0 : i32
      %dma_wait3A_124 = tpu.memref_slice %dma_wait3A_121[%dma_wait3A_122, %dma_wait3A_123] : memref<10000x16xf32, #tpu.memory_space<hbm>> -> memref<10000x16xf32, #tpu.memory_space<hbm>>
      tpu.wait_indirect_dma semaphore(%arg14 : memref<!tpu.dma_semaphore, #tpu.memory_space<semaphore_mem>>) src(%dma_wait3A_124 : memref<10000x16xf32, #tpu.memory_space<hbm>>) dst(%arg9 : memref<128x16xf32, #tpu.memory_space<vmem>>)
      %dma_start3A_125 = arith.constant 3 : i32
      %dma_start3A_126 = arith.constant 0 : i32
      %dma_start3A_127 = tpu.memref_slice %arg7[%dma_start3A_125, %dma_start3A_126] : memref<16x128xi32, #tpu.memory_space<vmem>> -> memref<1x128xi32, #tpu.memory_space<vmem>>
      %dma_start3A_128 = tpu.memref_squeeze %dma_start3A_127 : memref<1x128xi32, #tpu.memory_space<vmem>> -> memref<128xi32, #tpu.memory_space<vmem>>
      %dma_start3A_129 = arith.constant 0 : i32
      %dma_start3A_130 = arith.constant 0 : i32
      %dma_start3A_131 = tpu.memref_slice %arg4[%select_n3A, %dma_start3A_129, %dma_start3A_130] : memref<16x10000x16xf32, #tpu.memory_space<hbm>> -> memref<1x10000x16xf32, #tpu.memory_space<hbm>>
      %dma_start3A_132 = tpu.memref_squeeze %dma_start3A_131 : memref<1x10000x16xf32, #tpu.memory_space<hbm>> -> memref<10000x16xf32, #tpu.memory_space<hbm>>
      %dma_start3A_133 = arith.constant 0 : i32
      %dma_start3A_134 = arith.constant 0 : i32
      %dma_start3A_135 = tpu.memref_slice %dma_start3A_132[%dma_start3A_133, %dma_start3A_134] : memref<10000x16xf32, #tpu.memory_space<hbm>> -> memref<10000x16xf32, #tpu.memory_space<hbm>>
      tpu.enqueue_indirect_dma source(%dma_start3A_135 : memref<10000x16xf32, #tpu.memory_space<hbm>>) target(%arg12 : memref<128x16xf32, #tpu.memory_space<vmem>>) offsets(%dma_start3A_128 : memref<128xi32, #tpu.memory_space<vmem>>) semaphore(%arg17 : memref<!tpu.dma_semaphore, #tpu.memory_space<semaphore_mem>>)
      %parallel_loop3A = arith.constant 0 : i32
      %parallel_loop3A_136 = arith.constant 8 : i32
      %parallel_loop3A_137 = arith.constant 1 : i32
      scf.for %parallel_loop3A_480 = %parallel_loop3A to %parallel_loop3A_136 step %parallel_loop3A_137  : i32 {
        %parallel_loop3A_481 = arith.constant 16 : i32
        %parallel_loop3A_482 = arith.muli %parallel_loop3A_480, %parallel_loop3A_481 : i32
        %parallel_loop3A_483 = arith.constant 0 : i32
        %parallel_loop3A_484 = arith.index_cast %parallel_loop3A_483 : i32 to index
        %parallel_loop3A_485 = arith.index_cast %parallel_loop3A_482 : i32 to index
        %parallel_loop3A_486 = tpu.vector_load %arg8[%parallel_loop3A_484, %parallel_loop3A_485] {strides = array<i32>} : memref<16x128xi32, #tpu.memory_space<vmem>>, vector<16xi32>,
        %parallel_loop3A_487 = arith.constant 16 : i32
        %parallel_loop3A_488 = arith.muli %parallel_loop3A_480, %parallel_loop3A_487 : i32
        %parallel_loop3A_489 = vector.broadcast %parallel_loop3A_488 : i32 to vector<16xi32>
        %parallel_loop3A_490 = arith.addi %iota3A, %parallel_loop3A_489 : vector<16xi32>
        %parallel_loop3A_491 = tpu.vector_load_idx %arg9[%parallel_loop3A_490, %add3A_35] : memref<128x16xf32, #tpu.memory_space<vmem>>[vector<16xi32>, vector<16xi32>], vector<16xf32>,
        tpu.vector_store_idx %arg13[%parallel_loop3A_486, %broadcast_in_dim3A_58], %parallel_loop3A_491 {add = true} : memref<10008x8xf32, #tpu.memory_space<vmem>>[vector<16xi32>, vector<16xi32>], vector<16xf32>,
        %parallel_loop3A_492 = tpu.vector_load_idx %arg9[%parallel_loop3A_490, %add3A_38] : memref<128x16xf32, #tpu.memory_space<vmem>>[vector<16xi32>, vector<16xi32>], vector<16xf32>,
        tpu.vector_store_idx %arg13[%parallel_loop3A_486, %broadcast_in_dim3A_60], %parallel_loop3A_492 {add = true} : memref<10008x8xf32, #tpu.memory_space<vmem>>[vector<16xi32>, vector<16xi32>], vector<16xf32>,
        %parallel_loop3A_493 = tpu.vector_load_idx %arg9[%parallel_loop3A_490, %add3A_41] : memref<128x16xf32, #tpu.memory_space<vmem>>[vector<16xi32>, vector<16xi32>], vector<16xf32>,
        tpu.vector_store_idx %arg13[%parallel_loop3A_486, %broadcast_in_dim3A_62], %parallel_loop3A_493 {add = true} : memref<10008x8xf32, #tpu.memory_space<vmem>>[vector<16xi32>, vector<16xi32>], vector<16xf32>,
        %parallel_loop3A_494 = tpu.vector_load_idx %arg9[%parallel_loop3A_490, %add3A_44] : memref<128x16xf32, #tpu.memory_space<vmem>>[vector<16xi32>, vector<16xi32>], vector<16xf32>,
        tpu.vector_store_idx %arg13[%parallel_loop3A_486, %broadcast_in_dim3A_64], %parallel_loop3A_494 {add = true} : memref<10008x8xf32, #tpu.memory_space<vmem>>[vector<16xi32>, vector<16xi32>], vector<16xf32>,
        %parallel_loop3A_495 = tpu.vector_load_idx %arg9[%parallel_loop3A_490, %add3A_47] : memref<128x16xf32, #tpu.memory_space<vmem>>[vector<16xi32>, vector<16xi32>], vector<16xf32>,
        tpu.vector_store_idx %arg13[%parallel_loop3A_486, %broadcast_in_dim3A_66], %parallel_loop3A_495 {add = true} : memref<10008x8xf32, #tpu.memory_space<vmem>>[vector<16xi32>, vector<16xi32>], vector<16xf32>,
        %parallel_loop3A_496 = tpu.vector_load_idx %arg9[%parallel_loop3A_490, %add3A_50] : memref<128x16xf32, #tpu.memory_space<vmem>>[vector<16xi32>, vector<16xi32>], vector<16xf32>,
        tpu.vector_store_idx %arg13[%parallel_loop3A_486, %broadcast_in_dim3A_68], %parallel_loop3A_496 {add = true} : memref<10008x8xf32, #tpu.memory_space<vmem>>[vector<16xi32>, vector<16xi32>], vector<16xf32>,
        %parallel_loop3A_497 = tpu.vector_load_idx %arg9[%parallel_loop3A_490, %add3A_53] : memref<128x16xf32, #tpu.memory_space<vmem>>[vector<16xi32>, vector<16xi32>], vector<16xf32>,
        tpu.vector_store_idx %arg13[%parallel_loop3A_486, %broadcast_in_dim3A_70], %parallel_loop3A_497 {add = true} : memref<10008x8xf32, #tpu.memory_space<vmem>>[vector<16xi32>, vector<16xi32>], vector<16xf32>,
        %parallel_loop3A_498 = tpu.vector_load_idx %arg9[%parallel_loop3A_490, %add3A_56] : memref<128x16xf32, #tpu.memory_space<vmem>>[vector<16xi32>, vector<16xi32>], vector<16xf32>,
        tpu.vector_store_idx %arg13[%parallel_loop3A_486, %broadcast_in_dim3A_72], %parallel_loop3A_498 {add = true} : memref<10008x8xf32, #tpu.memory_space<vmem>>[vector<16xi32>, vector<16xi32>], vector<16xf32>,
      } {sc.loop_unroll_factor = 2 : i64, sc.parallel_access}
      %dma_wait3A_138 = arith.constant 1 : i32
      %dma_wait3A_139 = arith.constant 0 : i32
      %dma_wait3A_140 = tpu.memref_slice %arg7[%dma_wait3A_138, %dma_wait3A_139] : memref<16x128xi32, #tpu.memory_space<vmem>> -> memref<1x128xi32, #tpu.memory_space<vmem>>
      %dma_wait3A_141 = tpu.memref_squeeze %dma_wait3A_140 : memref<1x128xi32, #tpu.memory_space<vmem>> -> memref<128xi32, #tpu.memory_space<vmem>>
      %dma_wait3A_142 = arith.constant 0 : i32
      %dma_wait3A_143 = arith.constant 0 : i32
      %dma_wait3A_144 = tpu.memref_slice %arg4[%select_n3A, %dma_wait3A_142, %dma_wait3A_143] : memref<16x10000x16xf32, #tpu.memory_space<hbm>> -> memref<1x10000x16xf32, #tpu.memory_space<hbm>>
      %dma_wait3A_145 = tpu.memref_squeeze %dma_wait3A_144 : memref<1x10000x16xf32, #tpu.memory_space<hbm>> -> memref<10000x16xf32, #tpu.memory_space<hbm>>
      %dma_wait3A_146 = arith.constant 0 : i32
      %dma_wait3A_147 = arith.constant 0 : i32
      %dma_wait3A_148 = tpu.memref_slice %dma_wait3A_145[%dma_wait3A_146, %dma_wait3A_147] : memref<10000x16xf32, #tpu.memory_space<hbm>> -> memref<10000x16xf32, #tpu.memory_space<hbm>>
      tpu.wait_indirect_dma semaphore(%arg15 : memref<!tpu.dma_semaphore, #tpu.memory_space<semaphore_mem>>) src(%dma_wait3A_148 : memref<10000x16xf32, #tpu.memory_space<hbm>>) dst(%arg10 : memref<128x16xf32, #tpu.memory_space<vmem>>)
      %dma_start3A_149 = arith.constant 4 : i32
      %dma_start3A_150 = arith.constant 0 : i32
      %dma_start3A_151 = tpu.memref_slice %arg7[%dma_start3A_149, %dma_start3A_150] : memref<16x128xi32, #tpu.memory_space<vmem>> -> memref<1x128xi32, #tpu.memory_space<vmem>>
      %dma_start3A_152 = tpu.memref_squeeze %dma_start3A_151 : memref<1x128xi32, #tpu.memory_space<vmem>> -> memref<128xi32, #tpu.memory_space<vmem>>
      %dma_start3A_153 = arith.constant 0 : i32
      %dma_start3A_154 = arith.constant 0 : i32
      %dma_start3A_155 = tpu.memref_slice %arg4[%select_n3A, %dma_start3A_153, %dma_start3A_154] : memref<16x10000x16xf32, #tpu.memory_space<hbm>> -> memref<1x10000x16xf32, #tpu.memory_space<hbm>>
      %dma_start3A_156 = tpu.memref_squeeze %dma_start3A_155 : memref<1x10000x16xf32, #tpu.memory_space<hbm>> -> memref<10000x16xf32, #tpu.memory_space<hbm>>
      %dma_start3A_157 = arith.constant 0 : i32
      %dma_start3A_158 = arith.constant 0 : i32
      %dma_start3A_159 = tpu.memref_slice %dma_start3A_156[%dma_start3A_157, %dma_start3A_158] : memref<10000x16xf32, #tpu.memory_space<hbm>> -> memref<10000x16xf32, #tpu.memory_space<hbm>>
      tpu.enqueue_indirect_dma source(%dma_start3A_159 : memref<10000x16xf32, #tpu.memory_space<hbm>>) target(%arg9 : memref<128x16xf32, #tpu.memory_space<vmem>>) offsets(%dma_start3A_152 : memref<128xi32, #tpu.memory_space<vmem>>) semaphore(%arg14 : memref<!tpu.dma_semaphore, #tpu.memory_space<semaphore_mem>>)
      %parallel_loop3A_160 = arith.constant 0 : i32
      %parallel_loop3A_161 = arith.constant 8 : i32
      %parallel_loop3A_162 = arith.constant 1 : i32
      scf.for %parallel_loop3A_480 = %parallel_loop3A_160 to %parallel_loop3A_161 step %parallel_loop3A_162  : i32 {
        %parallel_loop3A_481 = arith.constant 16 : i32
        %parallel_loop3A_482 = arith.muli %parallel_loop3A_480, %parallel_loop3A_481 : i32
        %parallel_loop3A_483 = arith.constant 1 : i32
        %parallel_loop3A_484 = arith.index_cast %parallel_loop3A_483 : i32 to index
        %parallel_loop3A_485 = arith.index_cast %parallel_loop3A_482 : i32 to index
        %parallel_loop3A_486 = tpu.vector_load %arg8[%parallel_loop3A_484, %parallel_loop3A_485] {strides = array<i32>} : memref<16x128xi32, #tpu.memory_space<vmem>>, vector<16xi32>,
        %parallel_loop3A_487 = arith.constant 16 : i32
        %parallel_loop3A_488 = arith.muli %parallel_loop3A_480, %parallel_loop3A_487 : i32
        %parallel_loop3A_489 = vector.broadcast %parallel_loop3A_488 : i32 to vector<16xi32>
        %parallel_loop3A_490 = arith.addi %iota3A, %parallel_loop3A_489 : vector<16xi32>
        %parallel_loop3A_491 = tpu.vector_load_idx %arg10[%parallel_loop3A_490, %add3A_35] : memref<128x16xf32, #tpu.memory_space<vmem>>[vector<16xi32>, vector<16xi32>], vector<16xf32>,
        tpu.vector_store_idx %arg13[%parallel_loop3A_486, %broadcast_in_dim3A_58], %parallel_loop3A_491 {add = true} : memref<10008x8xf32, #tpu.memory_space<vmem>>[vector<16xi32>, vector<16xi32>], vector<16xf32>,
        %parallel_loop3A_492 = tpu.vector_load_idx %arg10[%parallel_loop3A_490, %add3A_38] : memref<128x16xf32, #tpu.memory_space<vmem>>[vector<16xi32>, vector<16xi32>], vector<16xf32>,
        tpu.vector_store_idx %arg13[%parallel_loop3A_486, %broadcast_in_dim3A_60], %parallel_loop3A_492 {add = true} : memref<10008x8xf32, #tpu.memory_space<vmem>>[vector<16xi32>, vector<16xi32>], vector<16xf32>,
        %parallel_loop3A_493 = tpu.vector_load_idx %arg10[%parallel_loop3A_490, %add3A_41] : memref<128x16xf32, #tpu.memory_space<vmem>>[vector<16xi32>, vector<16xi32>], vector<16xf32>,
        tpu.vector_store_idx %arg13[%parallel_loop3A_486, %broadcast_in_dim3A_62], %parallel_loop3A_493 {add = true} : memref<10008x8xf32, #tpu.memory_space<vmem>>[vector<16xi32>, vector<16xi32>], vector<16xf32>,
        %parallel_loop3A_494 = tpu.vector_load_idx %arg10[%parallel_loop3A_490, %add3A_44] : memref<128x16xf32, #tpu.memory_space<vmem>>[vector<16xi32>, vector<16xi32>], vector<16xf32>,
        tpu.vector_store_idx %arg13[%parallel_loop3A_486, %broadcast_in_dim3A_64], %parallel_loop3A_494 {add = true} : memref<10008x8xf32, #tpu.memory_space<vmem>>[vector<16xi32>, vector<16xi32>], vector<16xf32>,
        %parallel_loop3A_495 = tpu.vector_load_idx %arg10[%parallel_loop3A_490, %add3A_47] : memref<128x16xf32, #tpu.memory_space<vmem>>[vector<16xi32>, vector<16xi32>], vector<16xf32>,
        tpu.vector_store_idx %arg13[%parallel_loop3A_486, %broadcast_in_dim3A_66], %parallel_loop3A_495 {add = true} : memref<10008x8xf32, #tpu.memory_space<vmem>>[vector<16xi32>, vector<16xi32>], vector<16xf32>,
        %parallel_loop3A_496 = tpu.vector_load_idx %arg10[%parallel_loop3A_490, %add3A_50] : memref<128x16xf32, #tpu.memory_space<vmem>>[vector<16xi32>, vector<16xi32>], vector<16xf32>,
        tpu.vector_store_idx %arg13[%parallel_loop3A_486, %broadcast_in_dim3A_68], %parallel_loop3A_496 {add = true} : memref<10008x8xf32, #tpu.memory_space<vmem>>[vector<16xi32>, vector<16xi32>], vector<16xf32>,
        %parallel_loop3A_497 = tpu.vector_load_idx %arg10[%parallel_loop3A_490, %add3A_53] : memref<128x16xf32, #tpu.memory_space<vmem>>[vector<16xi32>, vector<16xi32>], vector<16xf32>,
        tpu.vector_store_idx %arg13[%parallel_loop3A_486, %broadcast_in_dim3A_70], %parallel_loop3A_497 {add = true} : memref<10008x8xf32, #tpu.memory_space<vmem>>[vector<16xi32>, vector<16xi32>], vector<16xf32>,
        %parallel_loop3A_498 = tpu.vector_load_idx %arg10[%parallel_loop3A_490, %add3A_56] : memref<128x16xf32, #tpu.memory_space<vmem>>[vector<16xi32>, vector<16xi32>], vector<16xf32>,
        tpu.vector_store_idx %arg13[%parallel_loop3A_486, %broadcast_in_dim3A_72], %parallel_loop3A_498 {add = true} : memref<10008x8xf32, #tpu.memory_space<vmem>>[vector<16xi32>, vector<16xi32>], vector<16xf32>,
      } {sc.loop_unroll_factor = 2 : i64, sc.parallel_access}
      %dma_wait3A_163 = arith.constant 2 : i32
      %dma_wait3A_164 = arith.constant 0 : i32
      %dma_wait3A_165 = tpu.memref_slice %arg7[%dma_wait3A_163, %dma_wait3A_164] : memref<16x128xi32, #tpu.memory_space<vmem>> -> memref<1x128xi32, #tpu.memory_space<vmem>>
      %dma_wait3A_166 = tpu.memref_squeeze %dma_wait3A_165 : memref<1x128xi32, #tpu.memory_space<vmem>> -> memref<128xi32, #tpu.memory_space<vmem>>
      %dma_wait3A_167 = arith.constant 0 : i32
      %dma_wait3A_168 = arith.constant 0 : i32
      %dma_wait3A_169 = tpu.memref_slice %arg4[%select_n3A, %dma_wait3A_167, %dma_wait3A_168] : memref<16x10000x16xf32, #tpu.memory_space<hbm>> -> memref<1x10000x16xf32, #tpu.memory_space<hbm>>
      %dma_wait3A_170 = tpu.memref_squeeze %dma_wait3A_169 : memref<1x10000x16xf32, #tpu.memory_space<hbm>> -> memref<10000x16xf32, #tpu.memory_space<hbm>>
      %dma_wait3A_171 = arith.constant 0 : i32
      %dma_wait3A_172 = arith.constant 0 : i32
      %dma_wait3A_173 = tpu.memref_slice %dma_wait3A_170[%dma_wait3A_171, %dma_wait3A_172] : memref<10000x16xf32, #tpu.memory_space<hbm>> -> memref<10000x16xf32, #tpu.memory_space<hbm>>
      tpu.wait_indirect_dma semaphore(%arg16 : memref<!tpu.dma_semaphore, #tpu.memory_space<semaphore_mem>>) src(%dma_wait3A_173 : memref<10000x16xf32, #tpu.memory_space<hbm>>) dst(%arg11 : memref<128x16xf32, #tpu.memory_space<vmem>>)
      %dma_start3A_174 = arith.constant 5 : i32
      %dma_start3A_175 = arith.constant 0 : i32
      %dma_start3A_176 = tpu.memref_slice %arg7[%dma_start3A_174, %dma_start3A_175] : memref<16x128xi32, #tpu.memory_space<vmem>> -> memref<1x128xi32, #tpu.memory_space<vmem>>
      %dma_start3A_177 = tpu.memref_squeeze %dma_start3A_176 : memref<1x128xi32, #tpu.memory_space<vmem>> -> memref<128xi32, #tpu.memory_space<vmem>>
      %dma_start3A_178 = arith.constant 0 : i32
      %dma_start3A_179 = arith.constant 0 : i32
      %dma_start3A_180 = tpu.memref_slice %arg4[%select_n3A, %dma_start3A_178, %dma_start3A_179] : memref<16x10000x16xf32, #tpu.memory_space<hbm>> -> memref<1x10000x16xf32, #tpu.memory_space<hbm>>
      %dma_start3A_181 = tpu.memref_squeeze %dma_start3A_180 : memref<1x10000x16xf32, #tpu.memory_space<hbm>> -> memref<10000x16xf32, #tpu.memory_space<hbm>>
      %dma_start3A_182 = arith.constant 0 : i32
      %dma_start3A_183 = arith.constant 0 : i32
      %dma_start3A_184 = tpu.memref_slice %dma_start3A_181[%dma_start3A_182, %dma_start3A_183] : memref<10000x16xf32, #tpu.memory_space<hbm>> -> memref<10000x16xf32, #tpu.memory_space<hbm>>
      tpu.enqueue_indirect_dma source(%dma_start3A_184 : memref<10000x16xf32, #tpu.memory_space<hbm>>) target(%arg10 : memref<128x16xf32, #tpu.memory_space<vmem>>) offsets(%dma_start3A_177 : memref<128xi32, #tpu.memory_space<vmem>>) semaphore(%arg15 : memref<!tpu.dma_semaphore, #tpu.memory_space<semaphore_mem>>)
      %parallel_loop3A_185 = arith.constant 0 : i32
      %parallel_loop3A_186 = arith.constant 8 : i32
      %parallel_loop3A_187 = arith.constant 1 : i32
      scf.for %parallel_loop3A_480 = %parallel_loop3A_185 to %parallel_loop3A_186 step %parallel_loop3A_187  : i32 {
        %parallel_loop3A_481 = arith.constant 16 : i32
        %parallel_loop3A_482 = arith.muli %parallel_loop3A_480, %parallel_loop3A_481 : i32
        %parallel_loop3A_483 = arith.constant 2 : i32
        %parallel_loop3A_484 = arith.index_cast %parallel_loop3A_483 : i32 to index
        %parallel_loop3A_485 = arith.index_cast %parallel_loop3A_482 : i32 to index
        %parallel_loop3A_486 = tpu.vector_load %arg8[%parallel_loop3A_484, %parallel_loop3A_485] {strides = array<i32>} : memref<16x128xi32, #tpu.memory_space<vmem>>, vector<16xi32>,
        %parallel_loop3A_487 = arith.constant 16 : i32
        %parallel_loop3A_488 = arith.muli %parallel_loop3A_480, %parallel_loop3A_487 : i32
        %parallel_loop3A_489 = vector.broadcast %parallel_loop3A_488 : i32 to vector<16xi32>
        %parallel_loop3A_490 = arith.addi %iota3A, %parallel_loop3A_489 : vector<16xi32>
        %parallel_loop3A_491 = tpu.vector_load_idx %arg11[%parallel_loop3A_490, %add3A_35] : memref<128x16xf32, #tpu.memory_space<vmem>>[vector<16xi32>, vector<16xi32>], vector<16xf32>,
        tpu.vector_store_idx %arg13[%parallel_loop3A_486, %broadcast_in_dim3A_58], %parallel_loop3A_491 {add = true} : memref<10008x8xf32, #tpu.memory_space<vmem>>[vector<16xi32>, vector<16xi32>], vector<16xf32>,
        %parallel_loop3A_492 = tpu.vector_load_idx %arg11[%parallel_loop3A_490, %add3A_38] : memref<128x16xf32, #tpu.memory_space<vmem>>[vector<16xi32>, vector<16xi32>], vector<16xf32>,
        tpu.vector_store_idx %arg13[%parallel_loop3A_486, %broadcast_in_dim3A_60], %parallel_loop3A_492 {add = true} : memref<10008x8xf32, #tpu.memory_space<vmem>>[vector<16xi32>, vector<16xi32>], vector<16xf32>,
        %parallel_loop3A_493 = tpu.vector_load_idx %arg11[%parallel_loop3A_490, %add3A_41] : memref<128x16xf32, #tpu.memory_space<vmem>>[vector<16xi32>, vector<16xi32>], vector<16xf32>,
        tpu.vector_store_idx %arg13[%parallel_loop3A_486, %broadcast_in_dim3A_62], %parallel_loop3A_493 {add = true} : memref<10008x8xf32, #tpu.memory_space<vmem>>[vector<16xi32>, vector<16xi32>], vector<16xf32>,
        %parallel_loop3A_494 = tpu.vector_load_idx %arg11[%parallel_loop3A_490, %add3A_44] : memref<128x16xf32, #tpu.memory_space<vmem>>[vector<16xi32>, vector<16xi32>], vector<16xf32>,
        tpu.vector_store_idx %arg13[%parallel_loop3A_486, %broadcast_in_dim3A_64], %parallel_loop3A_494 {add = true} : memref<10008x8xf32, #tpu.memory_space<vmem>>[vector<16xi32>, vector<16xi32>], vector<16xf32>,
        %parallel_loop3A_495 = tpu.vector_load_idx %arg11[%parallel_loop3A_490, %add3A_47] : memref<128x16xf32, #tpu.memory_space<vmem>>[vector<16xi32>, vector<16xi32>], vector<16xf32>,
        tpu.vector_store_idx %arg13[%parallel_loop3A_486, %broadcast_in_dim3A_66], %parallel_loop3A_495 {add = true} : memref<10008x8xf32, #tpu.memory_space<vmem>>[vector<16xi32>, vector<16xi32>], vector<16xf32>,
        %parallel_loop3A_496 = tpu.vector_load_idx %arg11[%parallel_loop3A_490, %add3A_50] : memref<128x16xf32, #tpu.memory_space<vmem>>[vector<16xi32>, vector<16xi32>], vector<16xf32>,
        tpu.vector_store_idx %arg13[%parallel_loop3A_486, %broadcast_in_dim3A_68], %parallel_loop3A_496 {add = true} : memref<10008x8xf32, #tpu.memory_space<vmem>>[vector<16xi32>, vector<16xi32>], vector<16xf32>,
        %parallel_loop3A_497 = tpu.vector_load_idx %arg11[%parallel_loop3A_490, %add3A_53] : memref<128x16xf32, #tpu.memory_space<vmem>>[vector<16xi32>, vector<16xi32>], vector<16xf32>,
        tpu.vector_store_idx %arg13[%parallel_loop3A_486, %broadcast_in_dim3A_70], %parallel_loop3A_497 {add = true} : memref<10008x8xf32, #tpu.memory_space<vmem>>[vector<16xi32>, vector<16xi32>], vector<16xf32>,
        %parallel_loop3A_498 = tpu.vector_load_idx %arg11[%parallel_loop3A_490, %add3A_56] : memref<128x16xf32, #tpu.memory_space<vmem>>[vector<16xi32>, vector<16xi32>], vector<16xf32>,
        tpu.vector_store_idx %arg13[%parallel_loop3A_486, %broadcast_in_dim3A_72], %parallel_loop3A_498 {add = true} : memref<10008x8xf32, #tpu.memory_space<vmem>>[vector<16xi32>, vector<16xi32>], vector<16xf32>,
      } {sc.loop_unroll_factor = 2 : i64, sc.parallel_access}
      %dma_wait3A_188 = arith.constant 3 : i32
      %dma_wait3A_189 = arith.constant 0 : i32
      %dma_wait3A_190 = tpu.memref_slice %arg7[%dma_wait3A_188, %dma_wait3A_189] : memref<16x128xi32, #tpu.memory_space<vmem>> -> memref<1x128xi32, #tpu.memory_space<vmem>>
      %dma_wait3A_191 = tpu.memref_squeeze %dma_wait3A_190 : memref<1x128xi32, #tpu.memory_space<vmem>> -> memref<128xi32, #tpu.memory_space<vmem>>
      %dma_wait3A_192 = arith.constant 0 : i32
      %dma_wait3A_193 = arith.constant 0 : i32
      %dma_wait3A_194 = tpu.memref_slice %arg4[%select_n3A, %dma_wait3A_192, %dma_wait3A_193] : memref<16x10000x16xf32, #tpu.memory_space<hbm>> -> memref<1x10000x16xf32, #tpu.memory_space<hbm>>
      %dma_wait3A_195 = tpu.memref_squeeze %dma_wait3A_194 : memref<1x10000x16xf32, #tpu.memory_space<hbm>> -> memref<10000x16xf32, #tpu.memory_space<hbm>>
      %dma_wait3A_196 = arith.constant 0 : i32
      %dma_wait3A_197 = arith.constant 0 : i32
      %dma_wait3A_198 = tpu.memref_slice %dma_wait3A_195[%dma_wait3A_196, %dma_wait3A_197] : memref<10000x16xf32, #tpu.memory_space<hbm>> -> memref<10000x16xf32, #tpu.memory_space<hbm>>
      tpu.wait_indirect_dma semaphore(%arg17 : memref<!tpu.dma_semaphore, #tpu.memory_space<semaphore_mem>>) src(%dma_wait3A_198 : memref<10000x16xf32, #tpu.memory_space<hbm>>) dst(%arg12 : memref<128x16xf32, #tpu.memory_space<vmem>>)
      %dma_start3A_199 = arith.constant 6 : i32
      %dma_start3A_200 = arith.constant 0 : i32
      %dma_start3A_201 = tpu.memref_slice %arg7[%dma_start3A_199, %dma_start3A_200] : memref<16x128xi32, #tpu.memory_space<vmem>> -> memref<1x128xi32, #tpu.memory_space<vmem>>
      %dma_start3A_202 = tpu.memref_squeeze %dma_start3A_201 : memref<1x128xi32, #tpu.memory_space<vmem>> -> memref<128xi32, #tpu.memory_space<vmem>>
      %dma_start3A_203 = arith.constant 0 : i32
      %dma_start3A_204 = arith.constant 0 : i32
      %dma_start3A_205 = tpu.memref_slice %arg4[%select_n3A, %dma_start3A_203, %dma_start3A_204] : memref<16x10000x16xf32, #tpu.memory_space<hbm>> -> memref<1x10000x16xf32, #tpu.memory_space<hbm>>
      %dma_start3A_206 = tpu.memref_squeeze %dma_start3A_205 : memref<1x10000x16xf32, #tpu.memory_space<hbm>> -> memref<10000x16xf32, #tpu.memory_space<hbm>>
      %dma_start3A_207 = arith.constant 0 : i32
      %dma_start3A_208 = arith.constant 0 : i32
      %dma_start3A_209 = tpu.memref_slice %dma_start3A_206[%dma_start3A_207, %dma_start3A_208] : memref<10000x16xf32, #tpu.memory_space<hbm>> -> memref<10000x16xf32, #tpu.memory_space<hbm>>
      tpu.enqueue_indirect_dma source(%dma_start3A_209 : memref<10000x16xf32, #tpu.memory_space<hbm>>) target(%arg11 : memref<128x16xf32, #tpu.memory_space<vmem>>) offsets(%dma_start3A_202 : memref<128xi32, #tpu.memory_space<vmem>>) semaphore(%arg16 : memref<!tpu.dma_semaphore, #tpu.memory_space<semaphore_mem>>)
      %parallel_loop3A_210 = arith.constant 0 : i32
      %parallel_loop3A_211 = arith.constant 8 : i32
      %parallel_loop3A_212 = arith.constant 1 : i32
      scf.for %parallel_loop3A_480 = %parallel_loop3A_210 to %parallel_loop3A_211 step %parallel_loop3A_212  : i32 {
        %parallel_loop3A_481 = arith.constant 16 : i32
        %parallel_loop3A_482 = arith.muli %parallel_loop3A_480, %parallel_loop3A_481 : i32
        %parallel_loop3A_483 = arith.constant 3 : i32
        %parallel_loop3A_484 = arith.index_cast %parallel_loop3A_483 : i32 to index
        %parallel_loop3A_485 = arith.index_cast %parallel_loop3A_482 : i32 to index
        %parallel_loop3A_486 = tpu.vector_load %arg8[%parallel_loop3A_484, %parallel_loop3A_485] {strides = array<i32>} : memref<16x128xi32, #tpu.memory_space<vmem>>, vector<16xi32>,
        %parallel_loop3A_487 = arith.constant 16 : i32
        %parallel_loop3A_488 = arith.muli %parallel_loop3A_480, %parallel_loop3A_487 : i32
        %parallel_loop3A_489 = vector.broadcast %parallel_loop3A_488 : i32 to vector<16xi32>
        %parallel_loop3A_490 = arith.addi %iota3A, %parallel_loop3A_489 : vector<16xi32>
        %parallel_loop3A_491 = tpu.vector_load_idx %arg12[%parallel_loop3A_490, %add3A_35] : memref<128x16xf32, #tpu.memory_space<vmem>>[vector<16xi32>, vector<16xi32>], vector<16xf32>,
        tpu.vector_store_idx %arg13[%parallel_loop3A_486, %broadcast_in_dim3A_58], %parallel_loop3A_491 {add = true} : memref<10008x8xf32, #tpu.memory_space<vmem>>[vector<16xi32>, vector<16xi32>], vector<16xf32>,
        %parallel_loop3A_492 = tpu.vector_load_idx %arg12[%parallel_loop3A_490, %add3A_38] : memref<128x16xf32, #tpu.memory_space<vmem>>[vector<16xi32>, vector<16xi32>], vector<16xf32>,
        tpu.vector_store_idx %arg13[%parallel_loop3A_486, %broadcast_in_dim3A_60], %parallel_loop3A_492 {add = true} : memref<10008x8xf32, #tpu.memory_space<vmem>>[vector<16xi32>, vector<16xi32>], vector<16xf32>,
        %parallel_loop3A_493 = tpu.vector_load_idx %arg12[%parallel_loop3A_490, %add3A_41] : memref<128x16xf32, #tpu.memory_space<vmem>>[vector<16xi32>, vector<16xi32>], vector<16xf32>,
        tpu.vector_store_idx %arg13[%parallel_loop3A_486, %broadcast_in_dim3A_62], %parallel_loop3A_493 {add = true} : memref<10008x8xf32, #tpu.memory_space<vmem>>[vector<16xi32>, vector<16xi32>], vector<16xf32>,
        %parallel_loop3A_494 = tpu.vector_load_idx %arg12[%parallel_loop3A_490, %add3A_44] : memref<128x16xf32, #tpu.memory_space<vmem>>[vector<16xi32>, vector<16xi32>], vector<16xf32>,
        tpu.vector_store_idx %arg13[%parallel_loop3A_486, %broadcast_in_dim3A_64], %parallel_loop3A_494 {add = true} : memref<10008x8xf32, #tpu.memory_space<vmem>>[vector<16xi32>, vector<16xi32>], vector<16xf32>,
        %parallel_loop3A_495 = tpu.vector_load_idx %arg12[%parallel_loop3A_490, %add3A_47] : memref<128x16xf32, #tpu.memory_space<vmem>>[vector<16xi32>, vector<16xi32>], vector<16xf32>,
        tpu.vector_store_idx %arg13[%parallel_loop3A_486, %broadcast_in_dim3A_66], %parallel_loop3A_495 {add = true} : memref<10008x8xf32, #tpu.memory_space<vmem>>[vector<16xi32>, vector<16xi32>], vector<16xf32>,
        %parallel_loop3A_496 = tpu.vector_load_idx %arg12[%parallel_loop3A_490, %add3A_50] : memref<128x16xf32, #tpu.memory_space<vmem>>[vector<16xi32>, vector<16xi32>], vector<16xf32>,
        tpu.vector_store_idx %arg13[%parallel_loop3A_486, %broadcast_in_dim3A_68], %parallel_loop3A_496 {add = true} : memref<10008x8xf32, #tpu.memory_space<vmem>>[vector<16xi32>, vector<16xi32>], vector<16xf32>,
        %parallel_loop3A_497 = tpu.vector_load_idx %arg12[%parallel_loop3A_490, %add3A_53] : memref<128x16xf32, #tpu.memory_space<vmem>>[vector<16xi32>, vector<16xi32>], vector<16xf32>,
        tpu.vector_store_idx %arg13[%parallel_loop3A_486, %broadcast_in_dim3A_70], %parallel_loop3A_497 {add = true} : memref<10008x8xf32, #tpu.memory_space<vmem>>[vector<16xi32>, vector<16xi32>], vector<16xf32>,
        %parallel_loop3A_498 = tpu.vector_load_idx %arg12[%parallel_loop3A_490, %add3A_56] : memref<128x16xf32, #tpu.memory_space<vmem>>[vector<16xi32>, vector<16xi32>], vector<16xf32>,
        tpu.vector_store_idx %arg13[%parallel_loop3A_486, %broadcast_in_dim3A_72], %parallel_loop3A_498 {add = true} : memref<10008x8xf32, #tpu.memory_space<vmem>>[vector<16xi32>, vector<16xi32>], vector<16xf32>,
      } {sc.loop_unroll_factor = 2 : i64, sc.parallel_access}
      %dma_wait3A_213 = arith.constant 4 : i32
      %dma_wait3A_214 = arith.constant 0 : i32
      %dma_wait3A_215 = tpu.memref_slice %arg7[%dma_wait3A_213, %dma_wait3A_214] : memref<16x128xi32, #tpu.memory_space<vmem>> -> memref<1x128xi32, #tpu.memory_space<vmem>>
      %dma_wait3A_216 = tpu.memref_squeeze %dma_wait3A_215 : memref<1x128xi32, #tpu.memory_space<vmem>> -> memref<128xi32, #tpu.memory_space<vmem>>
      %dma_wait3A_217 = arith.constant 0 : i32
      %dma_wait3A_218 = arith.constant 0 : i32
      %dma_wait3A_219 = tpu.memref_slice %arg4[%select_n3A, %dma_wait3A_217, %dma_wait3A_218] : memref<16x10000x16xf32, #tpu.memory_space<hbm>> -> memref<1x10000x16xf32, #tpu.memory_space<hbm>>
      %dma_wait3A_220 = tpu.memref_squeeze %dma_wait3A_219 : memref<1x10000x16xf32, #tpu.memory_space<hbm>> -> memref<10000x16xf32, #tpu.memory_space<hbm>>
      %dma_wait3A_221 = arith.constant 0 : i32
      %dma_wait3A_222 = arith.constant 0 : i32
      %dma_wait3A_223 = tpu.memref_slice %dma_wait3A_220[%dma_wait3A_221, %dma_wait3A_222] : memref<10000x16xf32, #tpu.memory_space<hbm>> -> memref<10000x16xf32, #tpu.memory_space<hbm>>
      tpu.wait_indirect_dma semaphore(%arg14 : memref<!tpu.dma_semaphore, #tpu.memory_space<semaphore_mem>>) src(%dma_wait3A_223 : memref<10000x16xf32, #tpu.memory_space<hbm>>) dst(%arg9 : memref<128x16xf32, #tpu.memory_space<vmem>>)
      %dma_start3A_224 = arith.constant 7 : i32
      %dma_start3A_225 = arith.constant 0 : i32
      %dma_start3A_226 = tpu.memref_slice %arg7[%dma_start3A_224, %dma_start3A_225] : memref<16x128xi32, #tpu.memory_space<vmem>> -> memref<1x128xi32, #tpu.memory_space<vmem>>
      %dma_start3A_227 = tpu.memref_squeeze %dma_start3A_226 : memref<1x128xi32, #tpu.memory_space<vmem>> -> memref<128xi32, #tpu.memory_space<vmem>>
      %dma_start3A_228 = arith.constant 0 : i32
      %dma_start3A_229 = arith.constant 0 : i32
      %dma_start3A_230 = tpu.memref_slice %arg4[%select_n3A, %dma_start3A_228, %dma_start3A_229] : memref<16x10000x16xf32, #tpu.memory_space<hbm>> -> memref<1x10000x16xf32, #tpu.memory_space<hbm>>
      %dma_start3A_231 = tpu.memref_squeeze %dma_start3A_230 : memref<1x10000x16xf32, #tpu.memory_space<hbm>> -> memref<10000x16xf32, #tpu.memory_space<hbm>>
      %dma_start3A_232 = arith.constant 0 : i32
      %dma_start3A_233 = arith.constant 0 : i32
      %dma_start3A_234 = tpu.memref_slice %dma_start3A_231[%dma_start3A_232, %dma_start3A_233] : memref<10000x16xf32, #tpu.memory_space<hbm>> -> memref<10000x16xf32, #tpu.memory_space<hbm>>
      tpu.enqueue_indirect_dma source(%dma_start3A_234 : memref<10000x16xf32, #tpu.memory_space<hbm>>) target(%arg12 : memref<128x16xf32, #tpu.memory_space<vmem>>) offsets(%dma_start3A_227 : memref<128xi32, #tpu.memory_space<vmem>>) semaphore(%arg17 : memref<!tpu.dma_semaphore, #tpu.memory_space<semaphore_mem>>)
      %parallel_loop3A_235 = arith.constant 0 : i32
      %parallel_loop3A_236 = arith.constant 8 : i32
      %parallel_loop3A_237 = arith.constant 1 : i32
      scf.for %parallel_loop3A_480 = %parallel_loop3A_235 to %parallel_loop3A_236 step %parallel_loop3A_237  : i32 {
        %parallel_loop3A_481 = arith.constant 16 : i32
        %parallel_loop3A_482 = arith.muli %parallel_loop3A_480, %parallel_loop3A_481 : i32
        %parallel_loop3A_483 = arith.constant 4 : i32
        %parallel_loop3A_484 = arith.index_cast %parallel_loop3A_483 : i32 to index
        %parallel_loop3A_485 = arith.index_cast %parallel_loop3A_482 : i32 to index
        %parallel_loop3A_486 = tpu.vector_load %arg8[%parallel_loop3A_484, %parallel_loop3A_485] {strides = array<i32>} : memref<16x128xi32, #tpu.memory_space<vmem>>, vector<16xi32>,
        %parallel_loop3A_487 = arith.constant 16 : i32
        %parallel_loop3A_488 = arith.muli %parallel_loop3A_480, %parallel_loop3A_487 : i32
        %parallel_loop3A_489 = vector.broadcast %parallel_loop3A_488 : i32 to vector<16xi32>
        %parallel_loop3A_490 = arith.addi %iota3A, %parallel_loop3A_489 : vector<16xi32>
        %parallel_loop3A_491 = tpu.vector_load_idx %arg9[%parallel_loop3A_490, %add3A_35] : memref<128x16xf32, #tpu.memory_space<vmem>>[vector<16xi32>, vector<16xi32>], vector<16xf32>,
        tpu.vector_store_idx %arg13[%parallel_loop3A_486, %broadcast_in_dim3A_58], %parallel_loop3A_491 {add = true} : memref<10008x8xf32, #tpu.memory_space<vmem>>[vector<16xi32>, vector<16xi32>], vector<16xf32>,
        %parallel_loop3A_492 = tpu.vector_load_idx %arg9[%parallel_loop3A_490, %add3A_38] : memref<128x16xf32, #tpu.memory_space<vmem>>[vector<16xi32>, vector<16xi32>], vector<16xf32>,
        tpu.vector_store_idx %arg13[%parallel_loop3A_486, %broadcast_in_dim3A_60], %parallel_loop3A_492 {add = true} : memref<10008x8xf32, #tpu.memory_space<vmem>>[vector<16xi32>, vector<16xi32>], vector<16xf32>,
        %parallel_loop3A_493 = tpu.vector_load_idx %arg9[%parallel_loop3A_490, %add3A_41] : memref<128x16xf32, #tpu.memory_space<vmem>>[vector<16xi32>, vector<16xi32>], vector<16xf32>,
        tpu.vector_store_idx %arg13[%parallel_loop3A_486, %broadcast_in_dim3A_62], %parallel_loop3A_493 {add = true} : memref<10008x8xf32, #tpu.memory_space<vmem>>[vector<16xi32>, vector<16xi32>], vector<16xf32>,
        %parallel_loop3A_494 = tpu.vector_load_idx %arg9[%parallel_loop3A_490, %add3A_44] : memref<128x16xf32, #tpu.memory_space<vmem>>[vector<16xi32>, vector<16xi32>], vector<16xf32>,
        tpu.vector_store_idx %arg13[%parallel_loop3A_486, %broadcast_in_dim3A_64], %parallel_loop3A_494 {add = true} : memref<10008x8xf32, #tpu.memory_space<vmem>>[vector<16xi32>, vector<16xi32>], vector<16xf32>,
        %parallel_loop3A_495 = tpu.vector_load_idx %arg9[%parallel_loop3A_490, %add3A_47] : memref<128x16xf32, #tpu.memory_space<vmem>>[vector<16xi32>, vector<16xi32>], vector<16xf32>,
        tpu.vector_store_idx %arg13[%parallel_loop3A_486, %broadcast_in_dim3A_66], %parallel_loop3A_495 {add = true} : memref<10008x8xf32, #tpu.memory_space<vmem>>[vector<16xi32>, vector<16xi32>], vector<16xf32>,
        %parallel_loop3A_496 = tpu.vector_load_idx %arg9[%parallel_loop3A_490, %add3A_50] : memref<128x16xf32, #tpu.memory_space<vmem>>[vector<16xi32>, vector<16xi32>], vector<16xf32>,
        tpu.vector_store_idx %arg13[%parallel_loop3A_486, %broadcast_in_dim3A_68], %parallel_loop3A_496 {add = true} : memref<10008x8xf32, #tpu.memory_space<vmem>>[vector<16xi32>, vector<16xi32>], vector<16xf32>,
        %parallel_loop3A_497 = tpu.vector_load_idx %arg9[%parallel_loop3A_490, %add3A_53] : memref<128x16xf32, #tpu.memory_space<vmem>>[vector<16xi32>, vector<16xi32>], vector<16xf32>,
        tpu.vector_store_idx %arg13[%parallel_loop3A_486, %broadcast_in_dim3A_70], %parallel_loop3A_497 {add = true} : memref<10008x8xf32, #tpu.memory_space<vmem>>[vector<16xi32>, vector<16xi32>], vector<16xf32>,
        %parallel_loop3A_498 = tpu.vector_load_idx %arg9[%parallel_loop3A_490, %add3A_56] : memref<128x16xf32, #tpu.memory_space<vmem>>[vector<16xi32>, vector<16xi32>], vector<16xf32>,
        tpu.vector_store_idx %arg13[%parallel_loop3A_486, %broadcast_in_dim3A_72], %parallel_loop3A_498 {add = true} : memref<10008x8xf32, #tpu.memory_space<vmem>>[vector<16xi32>, vector<16xi32>], vector<16xf32>,
      } {sc.loop_unroll_factor = 2 : i64, sc.parallel_access}
      %dma_wait3A_238 = arith.constant 5 : i32
      %dma_wait3A_239 = arith.constant 0 : i32
      %dma_wait3A_240 = tpu.memref_slice %arg7[%dma_wait3A_238, %dma_wait3A_239] : memref<16x128xi32, #tpu.memory_space<vmem>> -> memref<1x128xi32, #tpu.memory_space<vmem>>
      %dma_wait3A_241 = tpu.memref_squeeze %dma_wait3A_240 : memref<1x128xi32, #tpu.memory_space<vmem>> -> memref<128xi32, #tpu.memory_space<vmem>>
      %dma_wait3A_242 = arith.constant 0 : i32
      %dma_wait3A_243 = arith.constant 0 : i32
      %dma_wait3A_244 = tpu.memref_slice %arg4[%select_n3A, %dma_wait3A_242, %dma_wait3A_243] : memref<16x10000x16xf32, #tpu.memory_space<hbm>> -> memref<1x10000x16xf32, #tpu.memory_space<hbm>>
      %dma_wait3A_245 = tpu.memref_squeeze %dma_wait3A_244 : memref<1x10000x16xf32, #tpu.memory_space<hbm>> -> memref<10000x16xf32, #tpu.memory_space<hbm>>
      %dma_wait3A_246 = arith.constant 0 : i32
      %dma_wait3A_247 = arith.constant 0 : i32
      %dma_wait3A_248 = tpu.memref_slice %dma_wait3A_245[%dma_wait3A_246, %dma_wait3A_247] : memref<10000x16xf32, #tpu.memory_space<hbm>> -> memref<10000x16xf32, #tpu.memory_space<hbm>>
      tpu.wait_indirect_dma semaphore(%arg15 : memref<!tpu.dma_semaphore, #tpu.memory_space<semaphore_mem>>) src(%dma_wait3A_248 : memref<10000x16xf32, #tpu.memory_space<hbm>>) dst(%arg10 : memref<128x16xf32, #tpu.memory_space<vmem>>)
      %dma_start3A_249 = arith.constant 8 : i32
      %dma_start3A_250 = arith.constant 0 : i32
      %dma_start3A_251 = tpu.memref_slice %arg7[%dma_start3A_249, %dma_start3A_250] : memref<16x128xi32, #tpu.memory_space<vmem>> -> memref<1x128xi32, #tpu.memory_space<vmem>>
      %dma_start3A_252 = tpu.memref_squeeze %dma_start3A_251 : memref<1x128xi32, #tpu.memory_space<vmem>> -> memref<128xi32, #tpu.memory_space<vmem>>
      %dma_start3A_253 = arith.constant 0 : i32
      %dma_start3A_254 = arith.constant 0 : i32
      %dma_start3A_255 = tpu.memref_slice %arg4[%select_n3A, %dma_start3A_253, %dma_start3A_254] : memref<16x10000x16xf32, #tpu.memory_space<hbm>> -> memref<1x10000x16xf32, #tpu.memory_space<hbm>>
      %dma_start3A_256 = tpu.memref_squeeze %dma_start3A_255 : memref<1x10000x16xf32, #tpu.memory_space<hbm>> -> memref<10000x16xf32, #tpu.memory_space<hbm>>
      %dma_start3A_257 = arith.constant 0 : i32
      %dma_start3A_258 = arith.constant 0 : i32
      %dma_start3A_259 = tpu.memref_slice %dma_start3A_256[%dma_start3A_257, %dma_start3A_258] : memref<10000x16xf32, #tpu.memory_space<hbm>> -> memref<10000x16xf32, #tpu.memory_space<hbm>>
      tpu.enqueue_indirect_dma source(%dma_start3A_259 : memref<10000x16xf32, #tpu.memory_space<hbm>>) target(%arg9 : memref<128x16xf32, #tpu.memory_space<vmem>>) offsets(%dma_start3A_252 : memref<128xi32, #tpu.memory_space<vmem>>) semaphore(%arg14 : memref<!tpu.dma_semaphore, #tpu.memory_space<semaphore_mem>>)
      %parallel_loop3A_260 = arith.constant 0 : i32
      %parallel_loop3A_261 = arith.constant 8 : i32
      %parallel_loop3A_262 = arith.constant 1 : i32
      scf.for %parallel_loop3A_480 = %parallel_loop3A_260 to %parallel_loop3A_261 step %parallel_loop3A_262  : i32 {
        %parallel_loop3A_481 = arith.constant 16 : i32
        %parallel_loop3A_482 = arith.muli %parallel_loop3A_480, %parallel_loop3A_481 : i32
        %parallel_loop3A_483 = arith.constant 5 : i32
        %parallel_loop3A_484 = arith.index_cast %parallel_loop3A_483 : i32 to index
        %parallel_loop3A_485 = arith.index_cast %parallel_loop3A_482 : i32 to index
        %parallel_loop3A_486 = tpu.vector_load %arg8[%parallel_loop3A_484, %parallel_loop3A_485] {strides = array<i32>} : memref<16x128xi32, #tpu.memory_space<vmem>>, vector<16xi32>,
        %parallel_loop3A_487 = arith.constant 16 : i32
        %parallel_loop3A_488 = arith.muli %parallel_loop3A_480, %parallel_loop3A_487 : i32
        %parallel_loop3A_489 = vector.broadcast %parallel_loop3A_488 : i32 to vector<16xi32>
        %parallel_loop3A_490 = arith.addi %iota3A, %parallel_loop3A_489 : vector<16xi32>
        %parallel_loop3A_491 = tpu.vector_load_idx %arg10[%parallel_loop3A_490, %add3A_35] : memref<128x16xf32, #tpu.memory_space<vmem>>[vector<16xi32>, vector<16xi32>], vector<16xf32>,
        tpu.vector_store_idx %arg13[%parallel_loop3A_486, %broadcast_in_dim3A_58], %parallel_loop3A_491 {add = true} : memref<10008x8xf32, #tpu.memory_space<vmem>>[vector<16xi32>, vector<16xi32>], vector<16xf32>,
        %parallel_loop3A_492 = tpu.vector_load_idx %arg10[%parallel_loop3A_490, %add3A_38] : memref<128x16xf32, #tpu.memory_space<vmem>>[vector<16xi32>, vector<16xi32>], vector<16xf32>,
        tpu.vector_store_idx %arg13[%parallel_loop3A_486, %broadcast_in_dim3A_60], %parallel_loop3A_492 {add = true} : memref<10008x8xf32, #tpu.memory_space<vmem>>[vector<16xi32>, vector<16xi32>], vector<16xf32>,
        %parallel_loop3A_493 = tpu.vector_load_idx %arg10[%parallel_loop3A_490, %add3A_41] : memref<128x16xf32, #tpu.memory_space<vmem>>[vector<16xi32>, vector<16xi32>], vector<16xf32>,
        tpu.vector_store_idx %arg13[%parallel_loop3A_486, %broadcast_in_dim3A_62], %parallel_loop3A_493 {add = true} : memref<10008x8xf32, #tpu.memory_space<vmem>>[vector<16xi32>, vector<16xi32>], vector<16xf32>,
        %parallel_loop3A_494 = tpu.vector_load_idx %arg10[%parallel_loop3A_490, %add3A_44] : memref<128x16xf32, #tpu.memory_space<vmem>>[vector<16xi32>, vector<16xi32>], vector<16xf32>,
        tpu.vector_store_idx %arg13[%parallel_loop3A_486, %broadcast_in_dim3A_64], %parallel_loop3A_494 {add = true} : memref<10008x8xf32, #tpu.memory_space<vmem>>[vector<16xi32>, vector<16xi32>], vector<16xf32>,
        %parallel_loop3A_495 = tpu.vector_load_idx %arg10[%parallel_loop3A_490, %add3A_47] : memref<128x16xf32, #tpu.memory_space<vmem>>[vector<16xi32>, vector<16xi32>], vector<16xf32>,
        tpu.vector_store_idx %arg13[%parallel_loop3A_486, %broadcast_in_dim3A_66], %parallel_loop3A_495 {add = true} : memref<10008x8xf32, #tpu.memory_space<vmem>>[vector<16xi32>, vector<16xi32>], vector<16xf32>,
        %parallel_loop3A_496 = tpu.vector_load_idx %arg10[%parallel_loop3A_490, %add3A_50] : memref<128x16xf32, #tpu.memory_space<vmem>>[vector<16xi32>, vector<16xi32>], vector<16xf32>,
        tpu.vector_store_idx %arg13[%parallel_loop3A_486, %broadcast_in_dim3A_68], %parallel_loop3A_496 {add = true} : memref<10008x8xf32, #tpu.memory_space<vmem>>[vector<16xi32>, vector<16xi32>], vector<16xf32>,
        %parallel_loop3A_497 = tpu.vector_load_idx %arg10[%parallel_loop3A_490, %add3A_53] : memref<128x16xf32, #tpu.memory_space<vmem>>[vector<16xi32>, vector<16xi32>], vector<16xf32>,
        tpu.vector_store_idx %arg13[%parallel_loop3A_486, %broadcast_in_dim3A_70], %parallel_loop3A_497 {add = true} : memref<10008x8xf32, #tpu.memory_space<vmem>>[vector<16xi32>, vector<16xi32>], vector<16xf32>,
        %parallel_loop3A_498 = tpu.vector_load_idx %arg10[%parallel_loop3A_490, %add3A_56] : memref<128x16xf32, #tpu.memory_space<vmem>>[vector<16xi32>, vector<16xi32>], vector<16xf32>,
        tpu.vector_store_idx %arg13[%parallel_loop3A_486, %broadcast_in_dim3A_72], %parallel_loop3A_498 {add = true} : memref<10008x8xf32, #tpu.memory_space<vmem>>[vector<16xi32>, vector<16xi32>], vector<16xf32>,
      } {sc.loop_unroll_factor = 2 : i64, sc.parallel_access}
      %dma_wait3A_263 = arith.constant 6 : i32
      %dma_wait3A_264 = arith.constant 0 : i32
      %dma_wait3A_265 = tpu.memref_slice %arg7[%dma_wait3A_263, %dma_wait3A_264] : memref<16x128xi32, #tpu.memory_space<vmem>> -> memref<1x128xi32, #tpu.memory_space<vmem>>
      %dma_wait3A_266 = tpu.memref_squeeze %dma_wait3A_265 : memref<1x128xi32, #tpu.memory_space<vmem>> -> memref<128xi32, #tpu.memory_space<vmem>>
      %dma_wait3A_267 = arith.constant 0 : i32
      %dma_wait3A_268 = arith.constant 0 : i32
      %dma_wait3A_269 = tpu.memref_slice %arg4[%select_n3A, %dma_wait3A_267, %dma_wait3A_268] : memref<16x10000x16xf32, #tpu.memory_space<hbm>> -> memref<1x10000x16xf32, #tpu.memory_space<hbm>>
      %dma_wait3A_270 = tpu.memref_squeeze %dma_wait3A_269 : memref<1x10000x16xf32, #tpu.memory_space<hbm>> -> memref<10000x16xf32, #tpu.memory_space<hbm>>
      %dma_wait3A_271 = arith.constant 0 : i32
      %dma_wait3A_272 = arith.constant 0 : i32
      %dma_wait3A_273 = tpu.memref_slice %dma_wait3A_270[%dma_wait3A_271, %dma_wait3A_272] : memref<10000x16xf32, #tpu.memory_space<hbm>> -> memref<10000x16xf32, #tpu.memory_space<hbm>>
      tpu.wait_indirect_dma semaphore(%arg16 : memref<!tpu.dma_semaphore, #tpu.memory_space<semaphore_mem>>) src(%dma_wait3A_273 : memref<10000x16xf32, #tpu.memory_space<hbm>>) dst(%arg11 : memref<128x16xf32, #tpu.memory_space<vmem>>)
      %dma_start3A_274 = arith.constant 9 : i32
      %dma_start3A_275 = arith.constant 0 : i32
      %dma_start3A_276 = tpu.memref_slice %arg7[%dma_start3A_274, %dma_start3A_275] : memref<16x128xi32, #tpu.memory_space<vmem>> -> memref<1x128xi32, #tpu.memory_space<vmem>>
      %dma_start3A_277 = tpu.memref_squeeze %dma_start3A_276 : memref<1x128xi32, #tpu.memory_space<vmem>> -> memref<128xi32, #tpu.memory_space<vmem>>
      %dma_start3A_278 = arith.constant 0 : i32
      %dma_start3A_279 = arith.constant 0 : i32
      %dma_start3A_280 = tpu.memref_slice %arg4[%select_n3A, %dma_start3A_278, %dma_start3A_279] : memref<16x10000x16xf32, #tpu.memory_space<hbm>> -> memref<1x10000x16xf32, #tpu.memory_space<hbm>>
      %dma_start3A_281 = tpu.memref_squeeze %dma_start3A_280 : memref<1x10000x16xf32, #tpu.memory_space<hbm>> -> memref<10000x16xf32, #tpu.memory_space<hbm>>
      %dma_start3A_282 = arith.constant 0 : i32
      %dma_start3A_283 = arith.constant 0 : i32
      %dma_start3A_284 = tpu.memref_slice %dma_start3A_281[%dma_start3A_282, %dma_start3A_283] : memref<10000x16xf32, #tpu.memory_space<hbm>> -> memref<10000x16xf32, #tpu.memory_space<hbm>>
      tpu.enqueue_indirect_dma source(%dma_start3A_284 : memref<10000x16xf32, #tpu.memory_space<hbm>>) target(%arg10 : memref<128x16xf32, #tpu.memory_space<vmem>>) offsets(%dma_start3A_277 : memref<128xi32, #tpu.memory_space<vmem>>) semaphore(%arg15 : memref<!tpu.dma_semaphore, #tpu.memory_space<semaphore_mem>>)
      %parallel_loop3A_285 = arith.constant 0 : i32
      %parallel_loop3A_286 = arith.constant 8 : i32
      %parallel_loop3A_287 = arith.constant 1 : i32
      scf.for %parallel_loop3A_480 = %parallel_loop3A_285 to %parallel_loop3A_286 step %parallel_loop3A_287  : i32 {
        %parallel_loop3A_481 = arith.constant 16 : i32
        %parallel_loop3A_482 = arith.muli %parallel_loop3A_480, %parallel_loop3A_481 : i32
        %parallel_loop3A_483 = arith.constant 6 : i32
        %parallel_loop3A_484 = arith.index_cast %parallel_loop3A_483 : i32 to index
        %parallel_loop3A_485 = arith.index_cast %parallel_loop3A_482 : i32 to index
        %parallel_loop3A_486 = tpu.vector_load %arg8[%parallel_loop3A_484, %parallel_loop3A_485] {strides = array<i32>} : memref<16x128xi32, #tpu.memory_space<vmem>>, vector<16xi32>,
        %parallel_loop3A_487 = arith.constant 16 : i32
        %parallel_loop3A_488 = arith.muli %parallel_loop3A_480, %parallel_loop3A_487 : i32
        %parallel_loop3A_489 = vector.broadcast %parallel_loop3A_488 : i32 to vector<16xi32>
        %parallel_loop3A_490 = arith.addi %iota3A, %parallel_loop3A_489 : vector<16xi32>
        %parallel_loop3A_491 = tpu.vector_load_idx %arg11[%parallel_loop3A_490, %add3A_35] : memref<128x16xf32, #tpu.memory_space<vmem>>[vector<16xi32>, vector<16xi32>], vector<16xf32>,
        tpu.vector_store_idx %arg13[%parallel_loop3A_486, %broadcast_in_dim3A_58], %parallel_loop3A_491 {add = true} : memref<10008x8xf32, #tpu.memory_space<vmem>>[vector<16xi32>, vector<16xi32>], vector<16xf32>,
        %parallel_loop3A_492 = tpu.vector_load_idx %arg11[%parallel_loop3A_490, %add3A_38] : memref<128x16xf32, #tpu.memory_space<vmem>>[vector<16xi32>, vector<16xi32>], vector<16xf32>,
        tpu.vector_store_idx %arg13[%parallel_loop3A_486, %broadcast_in_dim3A_60], %parallel_loop3A_492 {add = true} : memref<10008x8xf32, #tpu.memory_space<vmem>>[vector<16xi32>, vector<16xi32>], vector<16xf32>,
        %parallel_loop3A_493 = tpu.vector_load_idx %arg11[%parallel_loop3A_490, %add3A_41] : memref<128x16xf32, #tpu.memory_space<vmem>>[vector<16xi32>, vector<16xi32>], vector<16xf32>,
        tpu.vector_store_idx %arg13[%parallel_loop3A_486, %broadcast_in_dim3A_62], %parallel_loop3A_493 {add = true} : memref<10008x8xf32, #tpu.memory_space<vmem>>[vector<16xi32>, vector<16xi32>], vector<16xf32>,
        %parallel_loop3A_494 = tpu.vector_load_idx %arg11[%parallel_loop3A_490, %add3A_44] : memref<128x16xf32, #tpu.memory_space<vmem>>[vector<16xi32>, vector<16xi32>], vector<16xf32>,
        tpu.vector_store_idx %arg13[%parallel_loop3A_486, %broadcast_in_dim3A_64], %parallel_loop3A_494 {add = true} : memref<10008x8xf32, #tpu.memory_space<vmem>>[vector<16xi32>, vector<16xi32>], vector<16xf32>,
        %parallel_loop3A_495 = tpu.vector_load_idx %arg11[%parallel_loop3A_490, %add3A_47] : memref<128x16xf32, #tpu.memory_space<vmem>>[vector<16xi32>, vector<16xi32>], vector<16xf32>,
        tpu.vector_store_idx %arg13[%parallel_loop3A_486, %broadcast_in_dim3A_66], %parallel_loop3A_495 {add = true} : memref<10008x8xf32, #tpu.memory_space<vmem>>[vector<16xi32>, vector<16xi32>], vector<16xf32>,
        %parallel_loop3A_496 = tpu.vector_load_idx %arg11[%parallel_loop3A_490, %add3A_50] : memref<128x16xf32, #tpu.memory_space<vmem>>[vector<16xi32>, vector<16xi32>], vector<16xf32>,
        tpu.vector_store_idx %arg13[%parallel_loop3A_486, %broadcast_in_dim3A_68], %parallel_loop3A_496 {add = true} : memref<10008x8xf32, #tpu.memory_space<vmem>>[vector<16xi32>, vector<16xi32>], vector<16xf32>,
        %parallel_loop3A_497 = tpu.vector_load_idx %arg11[%parallel_loop3A_490, %add3A_53] : memref<128x16xf32, #tpu.memory_space<vmem>>[vector<16xi32>, vector<16xi32>], vector<16xf32>,
        tpu.vector_store_idx %arg13[%parallel_loop3A_486, %broadcast_in_dim3A_70], %parallel_loop3A_497 {add = true} : memref<10008x8xf32, #tpu.memory_space<vmem>>[vector<16xi32>, vector<16xi32>], vector<16xf32>,
        %parallel_loop3A_498 = tpu.vector_load_idx %arg11[%parallel_loop3A_490, %add3A_56] : memref<128x16xf32, #tpu.memory_space<vmem>>[vector<16xi32>, vector<16xi32>], vector<16xf32>,
        tpu.vector_store_idx %arg13[%parallel_loop3A_486, %broadcast_in_dim3A_72], %parallel_loop3A_498 {add = true} : memref<10008x8xf32, #tpu.memory_space<vmem>>[vector<16xi32>, vector<16xi32>], vector<16xf32>,
      } {sc.loop_unroll_factor = 2 : i64, sc.parallel_access}
      %dma_wait3A_288 = arith.constant 7 : i32
      %dma_wait3A_289 = arith.constant 0 : i32
      %dma_wait3A_290 = tpu.memref_slice %arg7[%dma_wait3A_288, %dma_wait3A_289] : memref<16x128xi32, #tpu.memory_space<vmem>> -> memref<1x128xi32, #tpu.memory_space<vmem>>
      %dma_wait3A_291 = tpu.memref_squeeze %dma_wait3A_290 : memref<1x128xi32, #tpu.memory_space<vmem>> -> memref<128xi32, #tpu.memory_space<vmem>>
      %dma_wait3A_292 = arith.constant 0 : i32
      %dma_wait3A_293 = arith.constant 0 : i32
      %dma_wait3A_294 = tpu.memref_slice %arg4[%select_n3A, %dma_wait3A_292, %dma_wait3A_293] : memref<16x10000x16xf32, #tpu.memory_space<hbm>> -> memref<1x10000x16xf32, #tpu.memory_space<hbm>>
      %dma_wait3A_295 = tpu.memref_squeeze %dma_wait3A_294 : memref<1x10000x16xf32, #tpu.memory_space<hbm>> -> memref<10000x16xf32, #tpu.memory_space<hbm>>
      %dma_wait3A_296 = arith.constant 0 : i32
      %dma_wait3A_297 = arith.constant 0 : i32
      %dma_wait3A_298 = tpu.memref_slice %dma_wait3A_295[%dma_wait3A_296, %dma_wait3A_297] : memref<10000x16xf32, #tpu.memory_space<hbm>> -> memref<10000x16xf32, #tpu.memory_space<hbm>>
      tpu.wait_indirect_dma semaphore(%arg17 : memref<!tpu.dma_semaphore, #tpu.memory_space<semaphore_mem>>) src(%dma_wait3A_298 : memref<10000x16xf32, #tpu.memory_space<hbm>>) dst(%arg12 : memref<128x16xf32, #tpu.memory_space<vmem>>)
      %dma_start3A_299 = arith.constant 10 : i32
      %dma_start3A_300 = arith.constant 0 : i32
      %dma_start3A_301 = tpu.memref_slice %arg7[%dma_start3A_299, %dma_start3A_300] : memref<16x128xi32, #tpu.memory_space<vmem>> -> memref<1x128xi32, #tpu.memory_space<vmem>>
      %dma_start3A_302 = tpu.memref_squeeze %dma_start3A_301 : memref<1x128xi32, #tpu.memory_space<vmem>> -> memref<128xi32, #tpu.memory_space<vmem>>
      %dma_start3A_303 = arith.constant 0 : i32
      %dma_start3A_304 = arith.constant 0 : i32
      %dma_start3A_305 = tpu.memref_slice %arg4[%select_n3A, %dma_start3A_303, %dma_start3A_304] : memref<16x10000x16xf32, #tpu.memory_space<hbm>> -> memref<1x10000x16xf32, #tpu.memory_space<hbm>>
      %dma_start3A_306 = tpu.memref_squeeze %dma_start3A_305 : memref<1x10000x16xf32, #tpu.memory_space<hbm>> -> memref<10000x16xf32, #tpu.memory_space<hbm>>
      %dma_start3A_307 = arith.constant 0 : i32
      %dma_start3A_308 = arith.constant 0 : i32
      %dma_start3A_309 = tpu.memref_slice %dma_start3A_306[%dma_start3A_307, %dma_start3A_308] : memref<10000x16xf32, #tpu.memory_space<hbm>> -> memref<10000x16xf32, #tpu.memory_space<hbm>>
      tpu.enqueue_indirect_dma source(%dma_start3A_309 : memref<10000x16xf32, #tpu.memory_space<hbm>>) target(%arg11 : memref<128x16xf32, #tpu.memory_space<vmem>>) offsets(%dma_start3A_302 : memref<128xi32, #tpu.memory_space<vmem>>) semaphore(%arg16 : memref<!tpu.dma_semaphore, #tpu.memory_space<semaphore_mem>>)
      %parallel_loop3A_310 = arith.constant 0 : i32
      %parallel_loop3A_311 = arith.constant 8 : i32
      %parallel_loop3A_312 = arith.constant 1 : i32
      scf.for %parallel_loop3A_480 = %parallel_loop3A_310 to %parallel_loop3A_311 step %parallel_loop3A_312  : i32 {
        %parallel_loop3A_481 = arith.constant 16 : i32
        %parallel_loop3A_482 = arith.muli %parallel_loop3A_480, %parallel_loop3A_481 : i32
        %parallel_loop3A_483 = arith.constant 7 : i32
        %parallel_loop3A_484 = arith.index_cast %parallel_loop3A_483 : i32 to index
        %parallel_loop3A_485 = arith.index_cast %parallel_loop3A_482 : i32 to index
        %parallel_loop3A_486 = tpu.vector_load %arg8[%parallel_loop3A_484, %parallel_loop3A_485] {strides = array<i32>} : memref<16x128xi32, #tpu.memory_space<vmem>>, vector<16xi32>,
        %parallel_loop3A_487 = arith.constant 16 : i32
        %parallel_loop3A_488 = arith.muli %parallel_loop3A_480, %parallel_loop3A_487 : i32
        %parallel_loop3A_489 = vector.broadcast %parallel_loop3A_488 : i32 to vector<16xi32>
        %parallel_loop3A_490 = arith.addi %iota3A, %parallel_loop3A_489 : vector<16xi32>
        %parallel_loop3A_491 = tpu.vector_load_idx %arg12[%parallel_loop3A_490, %add3A_35] : memref<128x16xf32, #tpu.memory_space<vmem>>[vector<16xi32>, vector<16xi32>], vector<16xf32>,
        tpu.vector_store_idx %arg13[%parallel_loop3A_486, %broadcast_in_dim3A_58], %parallel_loop3A_491 {add = true} : memref<10008x8xf32, #tpu.memory_space<vmem>>[vector<16xi32>, vector<16xi32>], vector<16xf32>,
        %parallel_loop3A_492 = tpu.vector_load_idx %arg12[%parallel_loop3A_490, %add3A_38] : memref<128x16xf32, #tpu.memory_space<vmem>>[vector<16xi32>, vector<16xi32>], vector<16xf32>,
        tpu.vector_store_idx %arg13[%parallel_loop3A_486, %broadcast_in_dim3A_60], %parallel_loop3A_492 {add = true} : memref<10008x8xf32, #tpu.memory_space<vmem>>[vector<16xi32>, vector<16xi32>], vector<16xf32>,
        %parallel_loop3A_493 = tpu.vector_load_idx %arg12[%parallel_loop3A_490, %add3A_41] : memref<128x16xf32, #tpu.memory_space<vmem>>[vector<16xi32>, vector<16xi32>], vector<16xf32>,
        tpu.vector_store_idx %arg13[%parallel_loop3A_486, %broadcast_in_dim3A_62], %parallel_loop3A_493 {add = true} : memref<10008x8xf32, #tpu.memory_space<vmem>>[vector<16xi32>, vector<16xi32>], vector<16xf32>,
        %parallel_loop3A_494 = tpu.vector_load_idx %arg12[%parallel_loop3A_490, %add3A_44] : memref<128x16xf32, #tpu.memory_space<vmem>>[vector<16xi32>, vector<16xi32>], vector<16xf32>,
        tpu.vector_store_idx %arg13[%parallel_loop3A_486, %broadcast_in_dim3A_64], %parallel_loop3A_494 {add = true} : memref<10008x8xf32, #tpu.memory_space<vmem>>[vector<16xi32>, vector<16xi32>], vector<16xf32>,
        %parallel_loop3A_495 = tpu.vector_load_idx %arg12[%parallel_loop3A_490, %add3A_47] : memref<128x16xf32, #tpu.memory_space<vmem>>[vector<16xi32>, vector<16xi32>], vector<16xf32>,
        tpu.vector_store_idx %arg13[%parallel_loop3A_486, %broadcast_in_dim3A_66], %parallel_loop3A_495 {add = true} : memref<10008x8xf32, #tpu.memory_space<vmem>>[vector<16xi32>, vector<16xi32>], vector<16xf32>,
        %parallel_loop3A_496 = tpu.vector_load_idx %arg12[%parallel_loop3A_490, %add3A_50] : memref<128x16xf32, #tpu.memory_space<vmem>>[vector<16xi32>, vector<16xi32>], vector<16xf32>,
        tpu.vector_store_idx %arg13[%parallel_loop3A_486, %broadcast_in_dim3A_68], %parallel_loop3A_496 {add = true} : memref<10008x8xf32, #tpu.memory_space<vmem>>[vector<16xi32>, vector<16xi32>], vector<16xf32>,
        %parallel_loop3A_497 = tpu.vector_load_idx %arg12[%parallel_loop3A_490, %add3A_53] : memref<128x16xf32, #tpu.memory_space<vmem>>[vector<16xi32>, vector<16xi32>], vector<16xf32>,
        tpu.vector_store_idx %arg13[%parallel_loop3A_486, %broadcast_in_dim3A_70], %parallel_loop3A_497 {add = true} : memref<10008x8xf32, #tpu.memory_space<vmem>>[vector<16xi32>, vector<16xi32>], vector<16xf32>,
        %parallel_loop3A_498 = tpu.vector_load_idx %arg12[%parallel_loop3A_490, %add3A_56] : memref<128x16xf32, #tpu.memory_space<vmem>>[vector<16xi32>, vector<16xi32>], vector<16xf32>,
        tpu.vector_store_idx %arg13[%parallel_loop3A_486, %broadcast_in_dim3A_72], %parallel_loop3A_498 {add = true} : memref<10008x8xf32, #tpu.memory_space<vmem>>[vector<16xi32>, vector<16xi32>], vector<16xf32>,
      } {sc.loop_unroll_factor = 2 : i64, sc.parallel_access}
      %dma_wait3A_313 = arith.constant 8 : i32
      %dma_wait3A_314 = arith.constant 0 : i32
      %dma_wait3A_315 = tpu.memref_slice %arg7[%dma_wait3A_313, %dma_wait3A_314] : memref<16x128xi32, #tpu.memory_space<vmem>> -> memref<1x128xi32, #tpu.memory_space<vmem>>
      %dma_wait3A_316 = tpu.memref_squeeze %dma_wait3A_315 : memref<1x128xi32, #tpu.memory_space<vmem>> -> memref<128xi32, #tpu.memory_space<vmem>>
      %dma_wait3A_317 = arith.constant 0 : i32
      %dma_wait3A_318 = arith.constant 0 : i32
      %dma_wait3A_319 = tpu.memref_slice %arg4[%select_n3A, %dma_wait3A_317, %dma_wait3A_318] : memref<16x10000x16xf32, #tpu.memory_space<hbm>> -> memref<1x10000x16xf32, #tpu.memory_space<hbm>>
      %dma_wait3A_320 = tpu.memref_squeeze %dma_wait3A_319 : memref<1x10000x16xf32, #tpu.memory_space<hbm>> -> memref<10000x16xf32, #tpu.memory_space<hbm>>
      %dma_wait3A_321 = arith.constant 0 : i32
      %dma_wait3A_322 = arith.constant 0 : i32
      %dma_wait3A_323 = tpu.memref_slice %dma_wait3A_320[%dma_wait3A_321, %dma_wait3A_322] : memref<10000x16xf32, #tpu.memory_space<hbm>> -> memref<10000x16xf32, #tpu.memory_space<hbm>>
      tpu.wait_indirect_dma semaphore(%arg14 : memref<!tpu.dma_semaphore, #tpu.memory_space<semaphore_mem>>) src(%dma_wait3A_323 : memref<10000x16xf32, #tpu.memory_space<hbm>>) dst(%arg9 : memref<128x16xf32, #tpu.memory_space<vmem>>)
      %dma_start3A_324 = arith.constant 11 : i32
      %dma_start3A_325 = arith.constant 0 : i32
      %dma_start3A_326 = tpu.memref_slice %arg7[%dma_start3A_324, %dma_start3A_325] : memref<16x128xi32, #tpu.memory_space<vmem>> -> memref<1x128xi32, #tpu.memory_space<vmem>>
      %dma_start3A_327 = tpu.memref_squeeze %dma_start3A_326 : memref<1x128xi32, #tpu.memory_space<vmem>> -> memref<128xi32, #tpu.memory_space<vmem>>
      %dma_start3A_328 = arith.constant 0 : i32
      %dma_start3A_329 = arith.constant 0 : i32
      %dma_start3A_330 = tpu.memref_slice %arg4[%select_n3A, %dma_start3A_328, %dma_start3A_329] : memref<16x10000x16xf32, #tpu.memory_space<hbm>> -> memref<1x10000x16xf32, #tpu.memory_space<hbm>>
      %dma_start3A_331 = tpu.memref_squeeze %dma_start3A_330 : memref<1x10000x16xf32, #tpu.memory_space<hbm>> -> memref<10000x16xf32, #tpu.memory_space<hbm>>
      %dma_start3A_332 = arith.constant 0 : i32
      %dma_start3A_333 = arith.constant 0 : i32
      %dma_start3A_334 = tpu.memref_slice %dma_start3A_331[%dma_start3A_332, %dma_start3A_333] : memref<10000x16xf32, #tpu.memory_space<hbm>> -> memref<10000x16xf32, #tpu.memory_space<hbm>>
      tpu.enqueue_indirect_dma source(%dma_start3A_334 : memref<10000x16xf32, #tpu.memory_space<hbm>>) target(%arg12 : memref<128x16xf32, #tpu.memory_space<vmem>>) offsets(%dma_start3A_327 : memref<128xi32, #tpu.memory_space<vmem>>) semaphore(%arg17 : memref<!tpu.dma_semaphore, #tpu.memory_space<semaphore_mem>>)
      %parallel_loop3A_335 = arith.constant 0 : i32
      %parallel_loop3A_336 = arith.constant 8 : i32
      %parallel_loop3A_337 = arith.constant 1 : i32
      scf.for %parallel_loop3A_480 = %parallel_loop3A_335 to %parallel_loop3A_336 step %parallel_loop3A_337  : i32 {
        %parallel_loop3A_481 = arith.constant 16 : i32
        %parallel_loop3A_482 = arith.muli %parallel_loop3A_480, %parallel_loop3A_481 : i32
        %parallel_loop3A_483 = arith.constant 8 : i32
        %parallel_loop3A_484 = arith.index_cast %parallel_loop3A_483 : i32 to index
        %parallel_loop3A_485 = arith.index_cast %parallel_loop3A_482 : i32 to index
        %parallel_loop3A_486 = tpu.vector_load %arg8[%parallel_loop3A_484, %parallel_loop3A_485] {strides = array<i32>} : memref<16x128xi32, #tpu.memory_space<vmem>>, vector<16xi32>,
        %parallel_loop3A_487 = arith.constant 16 : i32
        %parallel_loop3A_488 = arith.muli %parallel_loop3A_480, %parallel_loop3A_487 : i32
        %parallel_loop3A_489 = vector.broadcast %parallel_loop3A_488 : i32 to vector<16xi32>
        %parallel_loop3A_490 = arith.addi %iota3A, %parallel_loop3A_489 : vector<16xi32>
        %parallel_loop3A_491 = tpu.vector_load_idx %arg9[%parallel_loop3A_490, %add3A_35] : memref<128x16xf32, #tpu.memory_space<vmem>>[vector<16xi32>, vector<16xi32>], vector<16xf32>,
        tpu.vector_store_idx %arg13[%parallel_loop3A_486, %broadcast_in_dim3A_58], %parallel_loop3A_491 {add = true} : memref<10008x8xf32, #tpu.memory_space<vmem>>[vector<16xi32>, vector<16xi32>], vector<16xf32>,
        %parallel_loop3A_492 = tpu.vector_load_idx %arg9[%parallel_loop3A_490, %add3A_38] : memref<128x16xf32, #tpu.memory_space<vmem>>[vector<16xi32>, vector<16xi32>], vector<16xf32>,
        tpu.vector_store_idx %arg13[%parallel_loop3A_486, %broadcast_in_dim3A_60], %parallel_loop3A_492 {add = true} : memref<10008x8xf32, #tpu.memory_space<vmem>>[vector<16xi32>, vector<16xi32>], vector<16xf32>,
        %parallel_loop3A_493 = tpu.vector_load_idx %arg9[%parallel_loop3A_490, %add3A_41] : memref<128x16xf32, #tpu.memory_space<vmem>>[vector<16xi32>, vector<16xi32>], vector<16xf32>,
        tpu.vector_store_idx %arg13[%parallel_loop3A_486, %broadcast_in_dim3A_62], %parallel_loop3A_493 {add = true} : memref<10008x8xf32, #tpu.memory_space<vmem>>[vector<16xi32>, vector<16xi32>], vector<16xf32>,
        %parallel_loop3A_494 = tpu.vector_load_idx %arg9[%parallel_loop3A_490, %add3A_44] : memref<128x16xf32, #tpu.memory_space<vmem>>[vector<16xi32>, vector<16xi32>], vector<16xf32>,
        tpu.vector_store_idx %arg13[%parallel_loop3A_486, %broadcast_in_dim3A_64], %parallel_loop3A_494 {add = true} : memref<10008x8xf32, #tpu.memory_space<vmem>>[vector<16xi32>, vector<16xi32>], vector<16xf32>,
        %parallel_loop3A_495 = tpu.vector_load_idx %arg9[%parallel_loop3A_490, %add3A_47] : memref<128x16xf32, #tpu.memory_space<vmem>>[vector<16xi32>, vector<16xi32>], vector<16xf32>,
        tpu.vector_store_idx %arg13[%parallel_loop3A_486, %broadcast_in_dim3A_66], %parallel_loop3A_495 {add = true} : memref<10008x8xf32, #tpu.memory_space<vmem>>[vector<16xi32>, vector<16xi32>], vector<16xf32>,
        %parallel_loop3A_496 = tpu.vector_load_idx %arg9[%parallel_loop3A_490, %add3A_50] : memref<128x16xf32, #tpu.memory_space<vmem>>[vector<16xi32>, vector<16xi32>], vector<16xf32>,
        tpu.vector_store_idx %arg13[%parallel_loop3A_486, %broadcast_in_dim3A_68], %parallel_loop3A_496 {add = true} : memref<10008x8xf32, #tpu.memory_space<vmem>>[vector<16xi32>, vector<16xi32>], vector<16xf32>,
        %parallel_loop3A_497 = tpu.vector_load_idx %arg9[%parallel_loop3A_490, %add3A_53] : memref<128x16xf32, #tpu.memory_space<vmem>>[vector<16xi32>, vector<16xi32>], vector<16xf32>,
        tpu.vector_store_idx %arg13[%parallel_loop3A_486, %broadcast_in_dim3A_70], %parallel_loop3A_497 {add = true} : memref<10008x8xf32, #tpu.memory_space<vmem>>[vector<16xi32>, vector<16xi32>], vector<16xf32>,
        %parallel_loop3A_498 = tpu.vector_load_idx %arg9[%parallel_loop3A_490, %add3A_56] : memref<128x16xf32, #tpu.memory_space<vmem>>[vector<16xi32>, vector<16xi32>], vector<16xf32>,
        tpu.vector_store_idx %arg13[%parallel_loop3A_486, %broadcast_in_dim3A_72], %parallel_loop3A_498 {add = true} : memref<10008x8xf32, #tpu.memory_space<vmem>>[vector<16xi32>, vector<16xi32>], vector<16xf32>,
      } {sc.loop_unroll_factor = 2 : i64, sc.parallel_access}
      %dma_wait3A_338 = arith.constant 9 : i32
      %dma_wait3A_339 = arith.constant 0 : i32
      %dma_wait3A_340 = tpu.memref_slice %arg7[%dma_wait3A_338, %dma_wait3A_339] : memref<16x128xi32, #tpu.memory_space<vmem>> -> memref<1x128xi32, #tpu.memory_space<vmem>>
      %dma_wait3A_341 = tpu.memref_squeeze %dma_wait3A_340 : memref<1x128xi32, #tpu.memory_space<vmem>> -> memref<128xi32, #tpu.memory_space<vmem>>
      %dma_wait3A_342 = arith.constant 0 : i32
      %dma_wait3A_343 = arith.constant 0 : i32
      %dma_wait3A_344 = tpu.memref_slice %arg4[%select_n3A, %dma_wait3A_342, %dma_wait3A_343] : memref<16x10000x16xf32, #tpu.memory_space<hbm>> -> memref<1x10000x16xf32, #tpu.memory_space<hbm>>
      %dma_wait3A_345 = tpu.memref_squeeze %dma_wait3A_344 : memref<1x10000x16xf32, #tpu.memory_space<hbm>> -> memref<10000x16xf32, #tpu.memory_space<hbm>>
      %dma_wait3A_346 = arith.constant 0 : i32
      %dma_wait3A_347 = arith.constant 0 : i32
      %dma_wait3A_348 = tpu.memref_slice %dma_wait3A_345[%dma_wait3A_346, %dma_wait3A_347] : memref<10000x16xf32, #tpu.memory_space<hbm>> -> memref<10000x16xf32, #tpu.memory_space<hbm>>
      tpu.wait_indirect_dma semaphore(%arg15 : memref<!tpu.dma_semaphore, #tpu.memory_space<semaphore_mem>>) src(%dma_wait3A_348 : memref<10000x16xf32, #tpu.memory_space<hbm>>) dst(%arg10 : memref<128x16xf32, #tpu.memory_space<vmem>>)
      %dma_start3A_349 = arith.constant 12 : i32
      %dma_start3A_350 = arith.constant 0 : i32
      %dma_start3A_351 = tpu.memref_slice %arg7[%dma_start3A_349, %dma_start3A_350] : memref<16x128xi32, #tpu.memory_space<vmem>> -> memref<1x128xi32, #tpu.memory_space<vmem>>
      %dma_start3A_352 = tpu.memref_squeeze %dma_start3A_351 : memref<1x128xi32, #tpu.memory_space<vmem>> -> memref<128xi32, #tpu.memory_space<vmem>>
      %dma_start3A_353 = arith.constant 0 : i32
      %dma_start3A_354 = arith.constant 0 : i32
      %dma_start3A_355 = tpu.memref_slice %arg4[%select_n3A, %dma_start3A_353, %dma_start3A_354] : memref<16x10000x16xf32, #tpu.memory_space<hbm>> -> memref<1x10000x16xf32, #tpu.memory_space<hbm>>
      %dma_start3A_356 = tpu.memref_squeeze %dma_start3A_355 : memref<1x10000x16xf32, #tpu.memory_space<hbm>> -> memref<10000x16xf32, #tpu.memory_space<hbm>>
      %dma_start3A_357 = arith.constant 0 : i32
      %dma_start3A_358 = arith.constant 0 : i32
      %dma_start3A_359 = tpu.memref_slice %dma_start3A_356[%dma_start3A_357, %dma_start3A_358] : memref<10000x16xf32, #tpu.memory_space<hbm>> -> memref<10000x16xf32, #tpu.memory_space<hbm>>
      tpu.enqueue_indirect_dma source(%dma_start3A_359 : memref<10000x16xf32, #tpu.memory_space<hbm>>) target(%arg9 : memref<128x16xf32, #tpu.memory_space<vmem>>) offsets(%dma_start3A_352 : memref<128xi32, #tpu.memory_space<vmem>>) semaphore(%arg14 : memref<!tpu.dma_semaphore, #tpu.memory_space<semaphore_mem>>)
      %parallel_loop3A_360 = arith.constant 0 : i32
      %parallel_loop3A_361 = arith.constant 8 : i32
      %parallel_loop3A_362 = arith.constant 1 : i32
      scf.for %parallel_loop3A_480 = %parallel_loop3A_360 to %parallel_loop3A_361 step %parallel_loop3A_362  : i32 {
        %parallel_loop3A_481 = arith.constant 16 : i32
        %parallel_loop3A_482 = arith.muli %parallel_loop3A_480, %parallel_loop3A_481 : i32
        %parallel_loop3A_483 = arith.constant 9 : i32
        %parallel_loop3A_484 = arith.index_cast %parallel_loop3A_483 : i32 to index
        %parallel_loop3A_485 = arith.index_cast %parallel_loop3A_482 : i32 to index
        %parallel_loop3A_486 = tpu.vector_load %arg8[%parallel_loop3A_484, %parallel_loop3A_485] {strides = array<i32>} : memref<16x128xi32, #tpu.memory_space<vmem>>, vector<16xi32>,
        %parallel_loop3A_487 = arith.constant 16 : i32
        %parallel_loop3A_488 = arith.muli %parallel_loop3A_480, %parallel_loop3A_487 : i32
        %parallel_loop3A_489 = vector.broadcast %parallel_loop3A_488 : i32 to vector<16xi32>
        %parallel_loop3A_490 = arith.addi %iota3A, %parallel_loop3A_489 : vector<16xi32>
        %parallel_loop3A_491 = tpu.vector_load_idx %arg10[%parallel_loop3A_490, %add3A_35] : memref<128x16xf32, #tpu.memory_space<vmem>>[vector<16xi32>, vector<16xi32>], vector<16xf32>,
        tpu.vector_store_idx %arg13[%parallel_loop3A_486, %broadcast_in_dim3A_58], %parallel_loop3A_491 {add = true} : memref<10008x8xf32, #tpu.memory_space<vmem>>[vector<16xi32>, vector<16xi32>], vector<16xf32>,
        %parallel_loop3A_492 = tpu.vector_load_idx %arg10[%parallel_loop3A_490, %add3A_38] : memref<128x16xf32, #tpu.memory_space<vmem>>[vector<16xi32>, vector<16xi32>], vector<16xf32>,
        tpu.vector_store_idx %arg13[%parallel_loop3A_486, %broadcast_in_dim3A_60], %parallel_loop3A_492 {add = true} : memref<10008x8xf32, #tpu.memory_space<vmem>>[vector<16xi32>, vector<16xi32>], vector<16xf32>,
        %parallel_loop3A_493 = tpu.vector_load_idx %arg10[%parallel_loop3A_490, %add3A_41] : memref<128x16xf32, #tpu.memory_space<vmem>>[vector<16xi32>, vector<16xi32>], vector<16xf32>,
        tpu.vector_store_idx %arg13[%parallel_loop3A_486, %broadcast_in_dim3A_62], %parallel_loop3A_493 {add = true} : memref<10008x8xf32, #tpu.memory_space<vmem>>[vector<16xi32>, vector<16xi32>], vector<16xf32>,
        %parallel_loop3A_494 = tpu.vector_load_idx %arg10[%parallel_loop3A_490, %add3A_44] : memref<128x16xf32, #tpu.memory_space<vmem>>[vector<16xi32>, vector<16xi32>], vector<16xf32>,
        tpu.vector_store_idx %arg13[%parallel_loop3A_486, %broadcast_in_dim3A_64], %parallel_loop3A_494 {add = true} : memref<10008x8xf32, #tpu.memory_space<vmem>>[vector<16xi32>, vector<16xi32>], vector<16xf32>,
        %parallel_loop3A_495 = tpu.vector_load_idx %arg10[%parallel_loop3A_490, %add3A_47] : memref<128x16xf32, #tpu.memory_space<vmem>>[vector<16xi32>, vector<16xi32>], vector<16xf32>,
        tpu.vector_store_idx %arg13[%parallel_loop3A_486, %broadcast_in_dim3A_66], %parallel_loop3A_495 {add = true} : memref<10008x8xf32, #tpu.memory_space<vmem>>[vector<16xi32>, vector<16xi32>], vector<16xf32>,
        %parallel_loop3A_496 = tpu.vector_load_idx %arg10[%parallel_loop3A_490, %add3A_50] : memref<128x16xf32, #tpu.memory_space<vmem>>[vector<16xi32>, vector<16xi32>], vector<16xf32>,
        tpu.vector_store_idx %arg13[%parallel_loop3A_486, %broadcast_in_dim3A_68], %parallel_loop3A_496 {add = true} : memref<10008x8xf32, #tpu.memory_space<vmem>>[vector<16xi32>, vector<16xi32>], vector<16xf32>,
        %parallel_loop3A_497 = tpu.vector_load_idx %arg10[%parallel_loop3A_490, %add3A_53] : memref<128x16xf32, #tpu.memory_space<vmem>>[vector<16xi32>, vector<16xi32>], vector<16xf32>,
        tpu.vector_store_idx %arg13[%parallel_loop3A_486, %broadcast_in_dim3A_70], %parallel_loop3A_497 {add = true} : memref<10008x8xf32, #tpu.memory_space<vmem>>[vector<16xi32>, vector<16xi32>], vector<16xf32>,
        %parallel_loop3A_498 = tpu.vector_load_idx %arg10[%parallel_loop3A_490, %add3A_56] : memref<128x16xf32, #tpu.memory_space<vmem>>[vector<16xi32>, vector<16xi32>], vector<16xf32>,
        tpu.vector_store_idx %arg13[%parallel_loop3A_486, %broadcast_in_dim3A_72], %parallel_loop3A_498 {add = true} : memref<10008x8xf32, #tpu.memory_space<vmem>>[vector<16xi32>, vector<16xi32>], vector<16xf32>,
      } {sc.loop_unroll_factor = 2 : i64, sc.parallel_access}
      %dma_wait3A_363 = arith.constant 10 : i32
      %dma_wait3A_364 = arith.constant 0 : i32
      %dma_wait3A_365 = tpu.memref_slice %arg7[%dma_wait3A_363, %dma_wait3A_364] : memref<16x128xi32, #tpu.memory_space<vmem>> -> memref<1x128xi32, #tpu.memory_space<vmem>>
      %dma_wait3A_366 = tpu.memref_squeeze %dma_wait3A_365 : memref<1x128xi32, #tpu.memory_space<vmem>> -> memref<128xi32, #tpu.memory_space<vmem>>
      %dma_wait3A_367 = arith.constant 0 : i32
      %dma_wait3A_368 = arith.constant 0 : i32
      %dma_wait3A_369 = tpu.memref_slice %arg4[%select_n3A, %dma_wait3A_367, %dma_wait3A_368] : memref<16x10000x16xf32, #tpu.memory_space<hbm>> -> memref<1x10000x16xf32, #tpu.memory_space<hbm>>
      %dma_wait3A_370 = tpu.memref_squeeze %dma_wait3A_369 : memref<1x10000x16xf32, #tpu.memory_space<hbm>> -> memref<10000x16xf32, #tpu.memory_space<hbm>>
      %dma_wait3A_371 = arith.constant 0 : i32
      %dma_wait3A_372 = arith.constant 0 : i32
      %dma_wait3A_373 = tpu.memref_slice %dma_wait3A_370[%dma_wait3A_371, %dma_wait3A_372] : memref<10000x16xf32, #tpu.memory_space<hbm>> -> memref<10000x16xf32, #tpu.memory_space<hbm>>
      tpu.wait_indirect_dma semaphore(%arg16 : memref<!tpu.dma_semaphore, #tpu.memory_space<semaphore_mem>>) src(%dma_wait3A_373 : memref<10000x16xf32, #tpu.memory_space<hbm>>) dst(%arg11 : memref<128x16xf32, #tpu.memory_space<vmem>>)
      %dma_start3A_374 = arith.constant 13 : i32
      %dma_start3A_375 = arith.constant 0 : i32
      %dma_start3A_376 = tpu.memref_slice %arg7[%dma_start3A_374, %dma_start3A_375] : memref<16x128xi32, #tpu.memory_space<vmem>> -> memref<1x128xi32, #tpu.memory_space<vmem>>
      %dma_start3A_377 = tpu.memref_squeeze %dma_start3A_376 : memref<1x128xi32, #tpu.memory_space<vmem>> -> memref<128xi32, #tpu.memory_space<vmem>>
      %dma_start3A_378 = arith.constant 0 : i32
      %dma_start3A_379 = arith.constant 0 : i32
      %dma_start3A_380 = tpu.memref_slice %arg4[%select_n3A, %dma_start3A_378, %dma_start3A_379] : memref<16x10000x16xf32, #tpu.memory_space<hbm>> -> memref<1x10000x16xf32, #tpu.memory_space<hbm>>
      %dma_start3A_381 = tpu.memref_squeeze %dma_start3A_380 : memref<1x10000x16xf32, #tpu.memory_space<hbm>> -> memref<10000x16xf32, #tpu.memory_space<hbm>>
      %dma_start3A_382 = arith.constant 0 : i32
      %dma_start3A_383 = arith.constant 0 : i32
      %dma_start3A_384 = tpu.memref_slice %dma_start3A_381[%dma_start3A_382, %dma_start3A_383] : memref<10000x16xf32, #tpu.memory_space<hbm>> -> memref<10000x16xf32, #tpu.memory_space<hbm>>
      tpu.enqueue_indirect_dma source(%dma_start3A_384 : memref<10000x16xf32, #tpu.memory_space<hbm>>) target(%arg10 : memref<128x16xf32, #tpu.memory_space<vmem>>) offsets(%dma_start3A_377 : memref<128xi32, #tpu.memory_space<vmem>>) semaphore(%arg15 : memref<!tpu.dma_semaphore, #tpu.memory_space<semaphore_mem>>)
      %parallel_loop3A_385 = arith.constant 0 : i32
      %parallel_loop3A_386 = arith.constant 8 : i32
      %parallel_loop3A_387 = arith.constant 1 : i32
      scf.for %parallel_loop3A_480 = %parallel_loop3A_385 to %parallel_loop3A_386 step %parallel_loop3A_387  : i32 {
        %parallel_loop3A_481 = arith.constant 16 : i32
        %parallel_loop3A_482 = arith.muli %parallel_loop3A_480, %parallel_loop3A_481 : i32
        %parallel_loop3A_483 = arith.constant 10 : i32
        %parallel_loop3A_484 = arith.index_cast %parallel_loop3A_483 : i32 to index
        %parallel_loop3A_485 = arith.index_cast %parallel_loop3A_482 : i32 to index
        %parallel_loop3A_486 = tpu.vector_load %arg8[%parallel_loop3A_484, %parallel_loop3A_485] {strides = array<i32>} : memref<16x128xi32, #tpu.memory_space<vmem>>, vector<16xi32>,
        %parallel_loop3A_487 = arith.constant 16 : i32
        %parallel_loop3A_488 = arith.muli %parallel_loop3A_480, %parallel_loop3A_487 : i32
        %parallel_loop3A_489 = vector.broadcast %parallel_loop3A_488 : i32 to vector<16xi32>
        %parallel_loop3A_490 = arith.addi %iota3A, %parallel_loop3A_489 : vector<16xi32>
        %parallel_loop3A_491 = tpu.vector_load_idx %arg11[%parallel_loop3A_490, %add3A_35] : memref<128x16xf32, #tpu.memory_space<vmem>>[vector<16xi32>, vector<16xi32>], vector<16xf32>,
        tpu.vector_store_idx %arg13[%parallel_loop3A_486, %broadcast_in_dim3A_58], %parallel_loop3A_491 {add = true} : memref<10008x8xf32, #tpu.memory_space<vmem>>[vector<16xi32>, vector<16xi32>], vector<16xf32>,
        %parallel_loop3A_492 = tpu.vector_load_idx %arg11[%parallel_loop3A_490, %add3A_38] : memref<128x16xf32, #tpu.memory_space<vmem>>[vector<16xi32>, vector<16xi32>], vector<16xf32>,
        tpu.vector_store_idx %arg13[%parallel_loop3A_486, %broadcast_in_dim3A_60], %parallel_loop3A_492 {add = true} : memref<10008x8xf32, #tpu.memory_space<vmem>>[vector<16xi32>, vector<16xi32>], vector<16xf32>,
        %parallel_loop3A_493 = tpu.vector_load_idx %arg11[%parallel_loop3A_490, %add3A_41] : memref<128x16xf32, #tpu.memory_space<vmem>>[vector<16xi32>, vector<16xi32>], vector<16xf32>,
        tpu.vector_store_idx %arg13[%parallel_loop3A_486, %broadcast_in_dim3A_62], %parallel_loop3A_493 {add = true} : memref<10008x8xf32, #tpu.memory_space<vmem>>[vector<16xi32>, vector<16xi32>], vector<16xf32>,
        %parallel_loop3A_494 = tpu.vector_load_idx %arg11[%parallel_loop3A_490, %add3A_44] : memref<128x16xf32, #tpu.memory_space<vmem>>[vector<16xi32>, vector<16xi32>], vector<16xf32>,
        tpu.vector_store_idx %arg13[%parallel_loop3A_486, %broadcast_in_dim3A_64], %parallel_loop3A_494 {add = true} : memref<10008x8xf32, #tpu.memory_space<vmem>>[vector<16xi32>, vector<16xi32>], vector<16xf32>,
        %parallel_loop3A_495 = tpu.vector_load_idx %arg11[%parallel_loop3A_490, %add3A_47] : memref<128x16xf32, #tpu.memory_space<vmem>>[vector<16xi32>, vector<16xi32>], vector<16xf32>,
        tpu.vector_store_idx %arg13[%parallel_loop3A_486, %broadcast_in_dim3A_66], %parallel_loop3A_495 {add = true} : memref<10008x8xf32, #tpu.memory_space<vmem>>[vector<16xi32>, vector<16xi32>], vector<16xf32>,
        %parallel_loop3A_496 = tpu.vector_load_idx %arg11[%parallel_loop3A_490, %add3A_50] : memref<128x16xf32, #tpu.memory_space<vmem>>[vector<16xi32>, vector<16xi32>], vector<16xf32>,
        tpu.vector_store_idx %arg13[%parallel_loop3A_486, %broadcast_in_dim3A_68], %parallel_loop3A_496 {add = true} : memref<10008x8xf32, #tpu.memory_space<vmem>>[vector<16xi32>, vector<16xi32>], vector<16xf32>,
        %parallel_loop3A_497 = tpu.vector_load_idx %arg11[%parallel_loop3A_490, %add3A_53] : memref<128x16xf32, #tpu.memory_space<vmem>>[vector<16xi32>, vector<16xi32>], vector<16xf32>,
        tpu.vector_store_idx %arg13[%parallel_loop3A_486, %broadcast_in_dim3A_70], %parallel_loop3A_497 {add = true} : memref<10008x8xf32, #tpu.memory_space<vmem>>[vector<16xi32>, vector<16xi32>], vector<16xf32>,
        %parallel_loop3A_498 = tpu.vector_load_idx %arg11[%parallel_loop3A_490, %add3A_56] : memref<128x16xf32, #tpu.memory_space<vmem>>[vector<16xi32>, vector<16xi32>], vector<16xf32>,
        tpu.vector_store_idx %arg13[%parallel_loop3A_486, %broadcast_in_dim3A_72], %parallel_loop3A_498 {add = true} : memref<10008x8xf32, #tpu.memory_space<vmem>>[vector<16xi32>, vector<16xi32>], vector<16xf32>,
      } {sc.loop_unroll_factor = 2 : i64, sc.parallel_access}
      %dma_wait3A_388 = arith.constant 11 : i32
      %dma_wait3A_389 = arith.constant 0 : i32
      %dma_wait3A_390 = tpu.memref_slice %arg7[%dma_wait3A_388, %dma_wait3A_389] : memref<16x128xi32, #tpu.memory_space<vmem>> -> memref<1x128xi32, #tpu.memory_space<vmem>>
      %dma_wait3A_391 = tpu.memref_squeeze %dma_wait3A_390 : memref<1x128xi32, #tpu.memory_space<vmem>> -> memref<128xi32, #tpu.memory_space<vmem>>
      %dma_wait3A_392 = arith.constant 0 : i32
      %dma_wait3A_393 = arith.constant 0 : i32
      %dma_wait3A_394 = tpu.memref_slice %arg4[%select_n3A, %dma_wait3A_392, %dma_wait3A_393] : memref<16x10000x16xf32, #tpu.memory_space<hbm>> -> memref<1x10000x16xf32, #tpu.memory_space<hbm>>
      %dma_wait3A_395 = tpu.memref_squeeze %dma_wait3A_394 : memref<1x10000x16xf32, #tpu.memory_space<hbm>> -> memref<10000x16xf32, #tpu.memory_space<hbm>>
      %dma_wait3A_396 = arith.constant 0 : i32
      %dma_wait3A_397 = arith.constant 0 : i32
      %dma_wait3A_398 = tpu.memref_slice %dma_wait3A_395[%dma_wait3A_396, %dma_wait3A_397] : memref<10000x16xf32, #tpu.memory_space<hbm>> -> memref<10000x16xf32, #tpu.memory_space<hbm>>
      tpu.wait_indirect_dma semaphore(%arg17 : memref<!tpu.dma_semaphore, #tpu.memory_space<semaphore_mem>>) src(%dma_wait3A_398 : memref<10000x16xf32, #tpu.memory_space<hbm>>) dst(%arg12 : memref<128x16xf32, #tpu.memory_space<vmem>>)
      %dma_start3A_399 = arith.constant 14 : i32
      %dma_start3A_400 = arith.constant 0 : i32
      %dma_start3A_401 = tpu.memref_slice %arg7[%dma_start3A_399, %dma_start3A_400] : memref<16x128xi32, #tpu.memory_space<vmem>> -> memref<1x128xi32, #tpu.memory_space<vmem>>
      %dma_start3A_402 = tpu.memref_squeeze %dma_start3A_401 : memref<1x128xi32, #tpu.memory_space<vmem>> -> memref<128xi32, #tpu.memory_space<vmem>>
      %dma_start3A_403 = arith.constant 0 : i32
      %dma_start3A_404 = arith.constant 0 : i32
      %dma_start3A_405 = tpu.memref_slice %arg4[%select_n3A, %dma_start3A_403, %dma_start3A_404] : memref<16x10000x16xf32, #tpu.memory_space<hbm>> -> memref<1x10000x16xf32, #tpu.memory_space<hbm>>
      %dma_start3A_406 = tpu.memref_squeeze %dma_start3A_405 : memref<1x10000x16xf32, #tpu.memory_space<hbm>> -> memref<10000x16xf32, #tpu.memory_space<hbm>>
      %dma_start3A_407 = arith.constant 0 : i32
      %dma_start3A_408 = arith.constant 0 : i32
      %dma_start3A_409 = tpu.memref_slice %dma_start3A_406[%dma_start3A_407, %dma_start3A_408] : memref<10000x16xf32, #tpu.memory_space<hbm>> -> memref<10000x16xf32, #tpu.memory_space<hbm>>
      tpu.enqueue_indirect_dma source(%dma_start3A_409 : memref<10000x16xf32, #tpu.memory_space<hbm>>) target(%arg11 : memref<128x16xf32, #tpu.memory_space<vmem>>) offsets(%dma_start3A_402 : memref<128xi32, #tpu.memory_space<vmem>>) semaphore(%arg16 : memref<!tpu.dma_semaphore, #tpu.memory_space<semaphore_mem>>)
      %parallel_loop3A_410 = arith.constant 0 : i32
      %parallel_loop3A_411 = arith.constant 8 : i32
      %parallel_loop3A_412 = arith.constant 1 : i32
      scf.for %parallel_loop3A_480 = %parallel_loop3A_410 to %parallel_loop3A_411 step %parallel_loop3A_412  : i32 {
        %parallel_loop3A_481 = arith.constant 16 : i32
        %parallel_loop3A_482 = arith.muli %parallel_loop3A_480, %parallel_loop3A_481 : i32
        %parallel_loop3A_483 = arith.constant 11 : i32
        %parallel_loop3A_484 = arith.index_cast %parallel_loop3A_483 : i32 to index
        %parallel_loop3A_485 = arith.index_cast %parallel_loop3A_482 : i32 to index
        %parallel_loop3A_486 = tpu.vector_load %arg8[%parallel_loop3A_484, %parallel_loop3A_485] {strides = array<i32>} : memref<16x128xi32, #tpu.memory_space<vmem>>, vector<16xi32>,
        %parallel_loop3A_487 = arith.constant 16 : i32
        %parallel_loop3A_488 = arith.muli %parallel_loop3A_480, %parallel_loop3A_487 : i32
        %parallel_loop3A_489 = vector.broadcast %parallel_loop3A_488 : i32 to vector<16xi32>
        %parallel_loop3A_490 = arith.addi %iota3A, %parallel_loop3A_489 : vector<16xi32>
        %parallel_loop3A_491 = tpu.vector_load_idx %arg12[%parallel_loop3A_490, %add3A_35] : memref<128x16xf32, #tpu.memory_space<vmem>>[vector<16xi32>, vector<16xi32>], vector<16xf32>,
        tpu.vector_store_idx %arg13[%parallel_loop3A_486, %broadcast_in_dim3A_58], %parallel_loop3A_491 {add = true} : memref<10008x8xf32, #tpu.memory_space<vmem>>[vector<16xi32>, vector<16xi32>], vector<16xf32>,
        %parallel_loop3A_492 = tpu.vector_load_idx %arg12[%parallel_loop3A_490, %add3A_38] : memref<128x16xf32, #tpu.memory_space<vmem>>[vector<16xi32>, vector<16xi32>], vector<16xf32>,
        tpu.vector_store_idx %arg13[%parallel_loop3A_486, %broadcast_in_dim3A_60], %parallel_loop3A_492 {add = true} : memref<10008x8xf32, #tpu.memory_space<vmem>>[vector<16xi32>, vector<16xi32>], vector<16xf32>,
        %parallel_loop3A_493 = tpu.vector_load_idx %arg12[%parallel_loop3A_490, %add3A_41] : memref<128x16xf32, #tpu.memory_space<vmem>>[vector<16xi32>, vector<16xi32>], vector<16xf32>,
        tpu.vector_store_idx %arg13[%parallel_loop3A_486, %broadcast_in_dim3A_62], %parallel_loop3A_493 {add = true} : memref<10008x8xf32, #tpu.memory_space<vmem>>[vector<16xi32>, vector<16xi32>], vector<16xf32>,
        %parallel_loop3A_494 = tpu.vector_load_idx %arg12[%parallel_loop3A_490, %add3A_44] : memref<128x16xf32, #tpu.memory_space<vmem>>[vector<16xi32>, vector<16xi32>], vector<16xf32>,
        tpu.vector_store_idx %arg13[%parallel_loop3A_486, %broadcast_in_dim3A_64], %parallel_loop3A_494 {add = true} : memref<10008x8xf32, #tpu.memory_space<vmem>>[vector<16xi32>, vector<16xi32>], vector<16xf32>,
        %parallel_loop3A_495 = tpu.vector_load_idx %arg12[%parallel_loop3A_490, %add3A_47] : memref<128x16xf32, #tpu.memory_space<vmem>>[vector<16xi32>, vector<16xi32>], vector<16xf32>,
        tpu.vector_store_idx %arg13[%parallel_loop3A_486, %broadcast_in_dim3A_66], %parallel_loop3A_495 {add = true} : memref<10008x8xf32, #tpu.memory_space<vmem>>[vector<16xi32>, vector<16xi32>], vector<16xf32>,
        %parallel_loop3A_496 = tpu.vector_load_idx %arg12[%parallel_loop3A_490, %add3A_50] : memref<128x16xf32, #tpu.memory_space<vmem>>[vector<16xi32>, vector<16xi32>], vector<16xf32>,
        tpu.vector_store_idx %arg13[%parallel_loop3A_486, %broadcast_in_dim3A_68], %parallel_loop3A_496 {add = true} : memref<10008x8xf32, #tpu.memory_space<vmem>>[vector<16xi32>, vector<16xi32>], vector<16xf32>,
        %parallel_loop3A_497 = tpu.vector_load_idx %arg12[%parallel_loop3A_490, %add3A_53] : memref<128x16xf32, #tpu.memory_space<vmem>>[vector<16xi32>, vector<16xi32>], vector<16xf32>,
        tpu.vector_store_idx %arg13[%parallel_loop3A_486, %broadcast_in_dim3A_70], %parallel_loop3A_497 {add = true} : memref<10008x8xf32, #tpu.memory_space<vmem>>[vector<16xi32>, vector<16xi32>], vector<16xf32>,
        %parallel_loop3A_498 = tpu.vector_load_idx %arg12[%parallel_loop3A_490, %add3A_56] : memref<128x16xf32, #tpu.memory_space<vmem>>[vector<16xi32>, vector<16xi32>], vector<16xf32>,
        tpu.vector_store_idx %arg13[%parallel_loop3A_486, %broadcast_in_dim3A_72], %parallel_loop3A_498 {add = true} : memref<10008x8xf32, #tpu.memory_space<vmem>>[vector<16xi32>, vector<16xi32>], vector<16xf32>,
      } {sc.loop_unroll_factor = 2 : i64, sc.parallel_access}
      %dma_wait3A_413 = arith.constant 12 : i32
      %dma_wait3A_414 = arith.constant 0 : i32
      %dma_wait3A_415 = tpu.memref_slice %arg7[%dma_wait3A_413, %dma_wait3A_414] : memref<16x128xi32, #tpu.memory_space<vmem>> -> memref<1x128xi32, #tpu.memory_space<vmem>>
      %dma_wait3A_416 = tpu.memref_squeeze %dma_wait3A_415 : memref<1x128xi32, #tpu.memory_space<vmem>> -> memref<128xi32, #tpu.memory_space<vmem>>
      %dma_wait3A_417 = arith.constant 0 : i32
      %dma_wait3A_418 = arith.constant 0 : i32
      %dma_wait3A_419 = tpu.memref_slice %arg4[%select_n3A, %dma_wait3A_417, %dma_wait3A_418] : memref<16x10000x16xf32, #tpu.memory_space<hbm>> -> memref<1x10000x16xf32, #tpu.memory_space<hbm>>
      %dma_wait3A_420 = tpu.memref_squeeze %dma_wait3A_419 : memref<1x10000x16xf32, #tpu.memory_space<hbm>> -> memref<10000x16xf32, #tpu.memory_space<hbm>>
      %dma_wait3A_421 = arith.constant 0 : i32
      %dma_wait3A_422 = arith.constant 0 : i32
      %dma_wait3A_423 = tpu.memref_slice %dma_wait3A_420[%dma_wait3A_421, %dma_wait3A_422] : memref<10000x16xf32, #tpu.memory_space<hbm>> -> memref<10000x16xf32, #tpu.memory_space<hbm>>
      tpu.wait_indirect_dma semaphore(%arg14 : memref<!tpu.dma_semaphore, #tpu.memory_space<semaphore_mem>>) src(%dma_wait3A_423 : memref<10000x16xf32, #tpu.memory_space<hbm>>) dst(%arg9 : memref<128x16xf32, #tpu.memory_space<vmem>>)
      %dma_start3A_424 = arith.constant 15 : i32
      %dma_start3A_425 = arith.constant 0 : i32
      %dma_start3A_426 = tpu.memref_slice %arg7[%dma_start3A_424, %dma_start3A_425] : memref<16x128xi32, #tpu.memory_space<vmem>> -> memref<1x128xi32, #tpu.memory_space<vmem>>
      %dma_start3A_427 = tpu.memref_squeeze %dma_start3A_426 : memref<1x128xi32, #tpu.memory_space<vmem>> -> memref<128xi32, #tpu.memory_space<vmem>>
      %dma_start3A_428 = arith.constant 0 : i32
      %dma_start3A_429 = arith.constant 0 : i32
      %dma_start3A_430 = tpu.memref_slice %arg4[%select_n3A, %dma_start3A_428, %dma_start3A_429] : memref<16x10000x16xf32, #tpu.memory_space<hbm>> -> memref<1x10000x16xf32, #tpu.memory_space<hbm>>
      %dma_start3A_431 = tpu.memref_squeeze %dma_start3A_430 : memref<1x10000x16xf32, #tpu.memory_space<hbm>> -> memref<10000x16xf32, #tpu.memory_space<hbm>>
      %dma_start3A_432 = arith.constant 0 : i32
      %dma_start3A_433 = arith.constant 0 : i32
      %dma_start3A_434 = tpu.memref_slice %dma_start3A_431[%dma_start3A_432, %dma_start3A_433] : memref<10000x16xf32, #tpu.memory_space<hbm>> -> memref<10000x16xf32, #tpu.memory_space<hbm>>
      tpu.enqueue_indirect_dma source(%dma_start3A_434 : memref<10000x16xf32, #tpu.memory_space<hbm>>) target(%arg12 : memref<128x16xf32, #tpu.memory_space<vmem>>) offsets(%dma_start3A_427 : memref<128xi32, #tpu.memory_space<vmem>>) semaphore(%arg17 : memref<!tpu.dma_semaphore, #tpu.memory_space<semaphore_mem>>)
      %parallel_loop3A_435 = arith.constant 0 : i32
      %parallel_loop3A_436 = arith.constant 8 : i32
      %parallel_loop3A_437 = arith.constant 1 : i32
      scf.for %parallel_loop3A_480 = %parallel_loop3A_435 to %parallel_loop3A_436 step %parallel_loop3A_437  : i32 {
        %parallel_loop3A_481 = arith.constant 16 : i32
        %parallel_loop3A_482 = arith.muli %parallel_loop3A_480, %parallel_loop3A_481 : i32
        %parallel_loop3A_483 = arith.constant 12 : i32
        %parallel_loop3A_484 = arith.index_cast %parallel_loop3A_483 : i32 to index
        %parallel_loop3A_485 = arith.index_cast %parallel_loop3A_482 : i32 to index
        %parallel_loop3A_486 = tpu.vector_load %arg8[%parallel_loop3A_484, %parallel_loop3A_485] {strides = array<i32>} : memref<16x128xi32, #tpu.memory_space<vmem>>, vector<16xi32>,
        %parallel_loop3A_487 = arith.constant 16 : i32
        %parallel_loop3A_488 = arith.muli %parallel_loop3A_480, %parallel_loop3A_487 : i32
        %parallel_loop3A_489 = vector.broadcast %parallel_loop3A_488 : i32 to vector<16xi32>
        %parallel_loop3A_490 = arith.addi %iota3A, %parallel_loop3A_489 : vector<16xi32>
        %parallel_loop3A_491 = tpu.vector_load_idx %arg9[%parallel_loop3A_490, %add3A_35] : memref<128x16xf32, #tpu.memory_space<vmem>>[vector<16xi32>, vector<16xi32>], vector<16xf32>,
        tpu.vector_store_idx %arg13[%parallel_loop3A_486, %broadcast_in_dim3A_58], %parallel_loop3A_491 {add = true} : memref<10008x8xf32, #tpu.memory_space<vmem>>[vector<16xi32>, vector<16xi32>], vector<16xf32>,
        %parallel_loop3A_492 = tpu.vector_load_idx %arg9[%parallel_loop3A_490, %add3A_38] : memref<128x16xf32, #tpu.memory_space<vmem>>[vector<16xi32>, vector<16xi32>], vector<16xf32>,
        tpu.vector_store_idx %arg13[%parallel_loop3A_486, %broadcast_in_dim3A_60], %parallel_loop3A_492 {add = true} : memref<10008x8xf32, #tpu.memory_space<vmem>>[vector<16xi32>, vector<16xi32>], vector<16xf32>,
        %parallel_loop3A_493 = tpu.vector_load_idx %arg9[%parallel_loop3A_490, %add3A_41] : memref<128x16xf32, #tpu.memory_space<vmem>>[vector<16xi32>, vector<16xi32>], vector<16xf32>,
        tpu.vector_store_idx %arg13[%parallel_loop3A_486, %broadcast_in_dim3A_62], %parallel_loop3A_493 {add = true} : memref<10008x8xf32, #tpu.memory_space<vmem>>[vector<16xi32>, vector<16xi32>], vector<16xf32>,
        %parallel_loop3A_494 = tpu.vector_load_idx %arg9[%parallel_loop3A_490, %add3A_44] : memref<128x16xf32, #tpu.memory_space<vmem>>[vector<16xi32>, vector<16xi32>], vector<16xf32>,
        tpu.vector_store_idx %arg13[%parallel_loop3A_486, %broadcast_in_dim3A_64], %parallel_loop3A_494 {add = true} : memref<10008x8xf32, #tpu.memory_space<vmem>>[vector<16xi32>, vector<16xi32>], vector<16xf32>,
        %parallel_loop3A_495 = tpu.vector_load_idx %arg9[%parallel_loop3A_490, %add3A_47] : memref<128x16xf32, #tpu.memory_space<vmem>>[vector<16xi32>, vector<16xi32>], vector<16xf32>,
        tpu.vector_store_idx %arg13[%parallel_loop3A_486, %broadcast_in_dim3A_66], %parallel_loop3A_495 {add = true} : memref<10008x8xf32, #tpu.memory_space<vmem>>[vector<16xi32>, vector<16xi32>], vector<16xf32>,
        %parallel_loop3A_496 = tpu.vector_load_idx %arg9[%parallel_loop3A_490, %add3A_50] : memref<128x16xf32, #tpu.memory_space<vmem>>[vector<16xi32>, vector<16xi32>], vector<16xf32>,
        tpu.vector_store_idx %arg13[%parallel_loop3A_486, %broadcast_in_dim3A_68], %parallel_loop3A_496 {add = true} : memref<10008x8xf32, #tpu.memory_space<vmem>>[vector<16xi32>, vector<16xi32>], vector<16xf32>,
        %parallel_loop3A_497 = tpu.vector_load_idx %arg9[%parallel_loop3A_490, %add3A_53] : memref<128x16xf32, #tpu.memory_space<vmem>>[vector<16xi32>, vector<16xi32>], vector<16xf32>,
        tpu.vector_store_idx %arg13[%parallel_loop3A_486, %broadcast_in_dim3A_70], %parallel_loop3A_497 {add = true} : memref<10008x8xf32, #tpu.memory_space<vmem>>[vector<16xi32>, vector<16xi32>], vector<16xf32>,
        %parallel_loop3A_498 = tpu.vector_load_idx %arg9[%parallel_loop3A_490, %add3A_56] : memref<128x16xf32, #tpu.memory_space<vmem>>[vector<16xi32>, vector<16xi32>], vector<16xf32>,
        tpu.vector_store_idx %arg13[%parallel_loop3A_486, %broadcast_in_dim3A_72], %parallel_loop3A_498 {add = true} : memref<10008x8xf32, #tpu.memory_space<vmem>>[vector<16xi32>, vector<16xi32>], vector<16xf32>,
      } {sc.loop_unroll_factor = 2 : i64, sc.parallel_access}
      %dma_wait3A_438 = arith.constant 13 : i32
      %dma_wait3A_439 = arith.constant 0 : i32
      %dma_wait3A_440 = tpu.memref_slice %arg7[%dma_wait3A_438, %dma_wait3A_439] : memref<16x128xi32, #tpu.memory_space<vmem>> -> memref<1x128xi32, #tpu.memory_space<vmem>>
      %dma_wait3A_441 = tpu.memref_squeeze %dma_wait3A_440 : memref<1x128xi32, #tpu.memory_space<vmem>> -> memref<128xi32, #tpu.memory_space<vmem>>
      %dma_wait3A_442 = arith.constant 0 : i32
      %dma_wait3A_443 = arith.constant 0 : i32
      %dma_wait3A_444 = tpu.memref_slice %arg4[%select_n3A, %dma_wait3A_442, %dma_wait3A_443] : memref<16x10000x16xf32, #tpu.memory_space<hbm>> -> memref<1x10000x16xf32, #tpu.memory_space<hbm>>
      %dma_wait3A_445 = tpu.memref_squeeze %dma_wait3A_444 : memref<1x10000x16xf32, #tpu.memory_space<hbm>> -> memref<10000x16xf32, #tpu.memory_space<hbm>>
      %dma_wait3A_446 = arith.constant 0 : i32
      %dma_wait3A_447 = arith.constant 0 : i32
      %dma_wait3A_448 = tpu.memref_slice %dma_wait3A_445[%dma_wait3A_446, %dma_wait3A_447] : memref<10000x16xf32, #tpu.memory_space<hbm>> -> memref<10000x16xf32, #tpu.memory_space<hbm>>
      tpu.wait_indirect_dma semaphore(%arg15 : memref<!tpu.dma_semaphore, #tpu.memory_space<semaphore_mem>>) src(%dma_wait3A_448 : memref<10000x16xf32, #tpu.memory_space<hbm>>) dst(%arg10 : memref<128x16xf32, #tpu.memory_space<vmem>>)
      %parallel_loop3A_449 = arith.constant 0 : i32
      %parallel_loop3A_450 = arith.constant 8 : i32
      %parallel_loop3A_451 = arith.constant 1 : i32
      scf.for %parallel_loop3A_480 = %parallel_loop3A_449 to %parallel_loop3A_450 step %parallel_loop3A_451  : i32 {
        %parallel_loop3A_481 = arith.constant 16 : i32
        %parallel_loop3A_482 = arith.muli %parallel_loop3A_480, %parallel_loop3A_481 : i32
        %parallel_loop3A_483 = arith.constant 13 : i32
        %parallel_loop3A_484 = arith.index_cast %parallel_loop3A_483 : i32 to index
        %parallel_loop3A_485 = arith.index_cast %parallel_loop3A_482 : i32 to index
        %parallel_loop3A_486 = tpu.vector_load %arg8[%parallel_loop3A_484, %parallel_loop3A_485] {strides = array<i32>} : memref<16x128xi32, #tpu.memory_space<vmem>>, vector<16xi32>,
        %parallel_loop3A_487 = arith.constant 16 : i32
        %parallel_loop3A_488 = arith.muli %parallel_loop3A_480, %parallel_loop3A_487 : i32
        %parallel_loop3A_489 = vector.broadcast %parallel_loop3A_488 : i32 to vector<16xi32>
        %parallel_loop3A_490 = arith.addi %iota3A, %parallel_loop3A_489 : vector<16xi32>
        %parallel_loop3A_491 = tpu.vector_load_idx %arg10[%parallel_loop3A_490, %add3A_35] : memref<128x16xf32, #tpu.memory_space<vmem>>[vector<16xi32>, vector<16xi32>], vector<16xf32>,
        tpu.vector_store_idx %arg13[%parallel_loop3A_486, %broadcast_in_dim3A_58], %parallel_loop3A_491 {add = true} : memref<10008x8xf32, #tpu.memory_space<vmem>>[vector<16xi32>, vector<16xi32>], vector<16xf32>,
        %parallel_loop3A_492 = tpu.vector_load_idx %arg10[%parallel_loop3A_490, %add3A_38] : memref<128x16xf32, #tpu.memory_space<vmem>>[vector<16xi32>, vector<16xi32>], vector<16xf32>,
        tpu.vector_store_idx %arg13[%parallel_loop3A_486, %broadcast_in_dim3A_60], %parallel_loop3A_492 {add = true} : memref<10008x8xf32, #tpu.memory_space<vmem>>[vector<16xi32>, vector<16xi32>], vector<16xf32>,
        %parallel_loop3A_493 = tpu.vector_load_idx %arg10[%parallel_loop3A_490, %add3A_41] : memref<128x16xf32, #tpu.memory_space<vmem>>[vector<16xi32>, vector<16xi32>], vector<16xf32>,
        tpu.vector_store_idx %arg13[%parallel_loop3A_486, %broadcast_in_dim3A_62], %parallel_loop3A_493 {add = true} : memref<10008x8xf32, #tpu.memory_space<vmem>>[vector<16xi32>, vector<16xi32>], vector<16xf32>,
        %parallel_loop3A_494 = tpu.vector_load_idx %arg10[%parallel_loop3A_490, %add3A_44] : memref<128x16xf32, #tpu.memory_space<vmem>>[vector<16xi32>, vector<16xi32>], vector<16xf32>,
        tpu.vector_store_idx %arg13[%parallel_loop3A_486, %broadcast_in_dim3A_64], %parallel_loop3A_494 {add = true} : memref<10008x8xf32, #tpu.memory_space<vmem>>[vector<16xi32>, vector<16xi32>], vector<16xf32>,
        %parallel_loop3A_495 = tpu.vector_load_idx %arg10[%parallel_loop3A_490, %add3A_47] : memref<128x16xf32, #tpu.memory_space<vmem>>[vector<16xi32>, vector<16xi32>], vector<16xf32>,
        tpu.vector_store_idx %arg13[%parallel_loop3A_486, %broadcast_in_dim3A_66], %parallel_loop3A_495 {add = true} : memref<10008x8xf32, #tpu.memory_space<vmem>>[vector<16xi32>, vector<16xi32>], vector<16xf32>,
        %parallel_loop3A_496 = tpu.vector_load_idx %arg10[%parallel_loop3A_490, %add3A_50] : memref<128x16xf32, #tpu.memory_space<vmem>>[vector<16xi32>, vector<16xi32>], vector<16xf32>,
        tpu.vector_store_idx %arg13[%parallel_loop3A_486, %broadcast_in_dim3A_68], %parallel_loop3A_496 {add = true} : memref<10008x8xf32, #tpu.memory_space<vmem>>[vector<16xi32>, vector<16xi32>], vector<16xf32>,
        %parallel_loop3A_497 = tpu.vector_load_idx %arg10[%parallel_loop3A_490, %add3A_53] : memref<128x16xf32, #tpu.memory_space<vmem>>[vector<16xi32>, vector<16xi32>], vector<16xf32>,
        tpu.vector_store_idx %arg13[%parallel_loop3A_486, %broadcast_in_dim3A_70], %parallel_loop3A_497 {add = true} : memref<10008x8xf32, #tpu.memory_space<vmem>>[vector<16xi32>, vector<16xi32>], vector<16xf32>,
        %parallel_loop3A_498 = tpu.vector_load_idx %arg10[%parallel_loop3A_490, %add3A_56] : memref<128x16xf32, #tpu.memory_space<vmem>>[vector<16xi32>, vector<16xi32>], vector<16xf32>,
        tpu.vector_store_idx %arg13[%parallel_loop3A_486, %broadcast_in_dim3A_72], %parallel_loop3A_498 {add = true} : memref<10008x8xf32, #tpu.memory_space<vmem>>[vector<16xi32>, vector<16xi32>], vector<16xf32>,
      } {sc.loop_unroll_factor = 2 : i64, sc.parallel_access}
      %dma_wait3A_452 = arith.constant 14 : i32
      %dma_wait3A_453 = arith.constant 0 : i32
      %dma_wait3A_454 = tpu.memref_slice %arg7[%dma_wait3A_452, %dma_wait3A_453] : memref<16x128xi32, #tpu.memory_space<vmem>> -> memref<1x128xi32, #tpu.memory_space<vmem>>
      %dma_wait3A_455 = tpu.memref_squeeze %dma_wait3A_454 : memref<1x128xi32, #tpu.memory_space<vmem>> -> memref<128xi32, #tpu.memory_space<vmem>>
      %dma_wait3A_456 = arith.constant 0 : i32
      %dma_wait3A_457 = arith.constant 0 : i32
      %dma_wait3A_458 = tpu.memref_slice %arg4[%select_n3A, %dma_wait3A_456, %dma_wait3A_457] : memref<16x10000x16xf32, #tpu.memory_space<hbm>> -> memref<1x10000x16xf32, #tpu.memory_space<hbm>>
      %dma_wait3A_459 = tpu.memref_squeeze %dma_wait3A_458 : memref<1x10000x16xf32, #tpu.memory_space<hbm>> -> memref<10000x16xf32, #tpu.memory_space<hbm>>
      %dma_wait3A_460 = arith.constant 0 : i32
      %dma_wait3A_461 = arith.constant 0 : i32
      %dma_wait3A_462 = tpu.memref_slice %dma_wait3A_459[%dma_wait3A_460, %dma_wait3A_461] : memref<10000x16xf32, #tpu.memory_space<hbm>> -> memref<10000x16xf32, #tpu.memory_space<hbm>>
      tpu.wait_indirect_dma semaphore(%arg16 : memref<!tpu.dma_semaphore, #tpu.memory_space<semaphore_mem>>) src(%dma_wait3A_462 : memref<10000x16xf32, #tpu.memory_space<hbm>>) dst(%arg11 : memref<128x16xf32, #tpu.memory_space<vmem>>)
      %parallel_loop3A_463 = arith.constant 0 : i32
      %parallel_loop3A_464 = arith.constant 8 : i32
      %parallel_loop3A_465 = arith.constant 1 : i32
      scf.for %parallel_loop3A_480 = %parallel_loop3A_463 to %parallel_loop3A_464 step %parallel_loop3A_465  : i32 {
        %parallel_loop3A_481 = arith.constant 16 : i32
        %parallel_loop3A_482 = arith.muli %parallel_loop3A_480, %parallel_loop3A_481 : i32
        %parallel_loop3A_483 = arith.constant 14 : i32
        %parallel_loop3A_484 = arith.index_cast %parallel_loop3A_483 : i32 to index
        %parallel_loop3A_485 = arith.index_cast %parallel_loop3A_482 : i32 to index
        %parallel_loop3A_486 = tpu.vector_load %arg8[%parallel_loop3A_484, %parallel_loop3A_485] {strides = array<i32>} : memref<16x128xi32, #tpu.memory_space<vmem>>, vector<16xi32>,
        %parallel_loop3A_487 = arith.constant 16 : i32
        %parallel_loop3A_488 = arith.muli %parallel_loop3A_480, %parallel_loop3A_487 : i32
        %parallel_loop3A_489 = vector.broadcast %parallel_loop3A_488 : i32 to vector<16xi32>
        %parallel_loop3A_490 = arith.addi %iota3A, %parallel_loop3A_489 : vector<16xi32>
        %parallel_loop3A_491 = tpu.vector_load_idx %arg11[%parallel_loop3A_490, %add3A_35] : memref<128x16xf32, #tpu.memory_space<vmem>>[vector<16xi32>, vector<16xi32>], vector<16xf32>,
        tpu.vector_store_idx %arg13[%parallel_loop3A_486, %broadcast_in_dim3A_58], %parallel_loop3A_491 {add = true} : memref<10008x8xf32, #tpu.memory_space<vmem>>[vector<16xi32>, vector<16xi32>], vector<16xf32>,
        %parallel_loop3A_492 = tpu.vector_load_idx %arg11[%parallel_loop3A_490, %add3A_38] : memref<128x16xf32, #tpu.memory_space<vmem>>[vector<16xi32>, vector<16xi32>], vector<16xf32>,
        tpu.vector_store_idx %arg13[%parallel_loop3A_486, %broadcast_in_dim3A_60], %parallel_loop3A_492 {add = true} : memref<10008x8xf32, #tpu.memory_space<vmem>>[vector<16xi32>, vector<16xi32>], vector<16xf32>,
        %parallel_loop3A_493 = tpu.vector_load_idx %arg11[%parallel_loop3A_490, %add3A_41] : memref<128x16xf32, #tpu.memory_space<vmem>>[vector<16xi32>, vector<16xi32>], vector<16xf32>,
        tpu.vector_store_idx %arg13[%parallel_loop3A_486, %broadcast_in_dim3A_62], %parallel_loop3A_493 {add = true} : memref<10008x8xf32, #tpu.memory_space<vmem>>[vector<16xi32>, vector<16xi32>], vector<16xf32>,
        %parallel_loop3A_494 = tpu.vector_load_idx %arg11[%parallel_loop3A_490, %add3A_44] : memref<128x16xf32, #tpu.memory_space<vmem>>[vector<16xi32>, vector<16xi32>], vector<16xf32>,
        tpu.vector_store_idx %arg13[%parallel_loop3A_486, %broadcast_in_dim3A_64], %parallel_loop3A_494 {add = true} : memref<10008x8xf32, #tpu.memory_space<vmem>>[vector<16xi32>, vector<16xi32>], vector<16xf32>,
        %parallel_loop3A_495 = tpu.vector_load_idx %arg11[%parallel_loop3A_490, %add3A_47] : memref<128x16xf32, #tpu.memory_space<vmem>>[vector<16xi32>, vector<16xi32>], vector<16xf32>,
        tpu.vector_store_idx %arg13[%parallel_loop3A_486, %broadcast_in_dim3A_66], %parallel_loop3A_495 {add = true} : memref<10008x8xf32, #tpu.memory_space<vmem>>[vector<16xi32>, vector<16xi32>], vector<16xf32>,
        %parallel_loop3A_496 = tpu.vector_load_idx %arg11[%parallel_loop3A_490, %add3A_50] : memref<128x16xf32, #tpu.memory_space<vmem>>[vector<16xi32>, vector<16xi32>], vector<16xf32>,
        tpu.vector_store_idx %arg13[%parallel_loop3A_486, %broadcast_in_dim3A_68], %parallel_loop3A_496 {add = true} : memref<10008x8xf32, #tpu.memory_space<vmem>>[vector<16xi32>, vector<16xi32>], vector<16xf32>,
        %parallel_loop3A_497 = tpu.vector_load_idx %arg11[%parallel_loop3A_490, %add3A_53] : memref<128x16xf32, #tpu.memory_space<vmem>>[vector<16xi32>, vector<16xi32>], vector<16xf32>,
        tpu.vector_store_idx %arg13[%parallel_loop3A_486, %broadcast_in_dim3A_70], %parallel_loop3A_497 {add = true} : memref<10008x8xf32, #tpu.memory_space<vmem>>[vector<16xi32>, vector<16xi32>], vector<16xf32>,
        %parallel_loop3A_498 = tpu.vector_load_idx %arg11[%parallel_loop3A_490, %add3A_56] : memref<128x16xf32, #tpu.memory_space<vmem>>[vector<16xi32>, vector<16xi32>], vector<16xf32>,
        tpu.vector_store_idx %arg13[%parallel_loop3A_486, %broadcast_in_dim3A_72], %parallel_loop3A_498 {add = true} : memref<10008x8xf32, #tpu.memory_space<vmem>>[vector<16xi32>, vector<16xi32>], vector<16xf32>,
      } {sc.loop_unroll_factor = 2 : i64, sc.parallel_access}
      %dma_wait3A_466 = arith.constant 15 : i32
      %dma_wait3A_467 = arith.constant 0 : i32
      %dma_wait3A_468 = tpu.memref_slice %arg7[%dma_wait3A_466, %dma_wait3A_467] : memref<16x128xi32, #tpu.memory_space<vmem>> -> memref<1x128xi32, #tpu.memory_space<vmem>>
      %dma_wait3A_469 = tpu.memref_squeeze %dma_wait3A_468 : memref<1x128xi32, #tpu.memory_space<vmem>> -> memref<128xi32, #tpu.memory_space<vmem>>
      %dma_wait3A_470 = arith.constant 0 : i32
      %dma_wait3A_471 = arith.constant 0 : i32
      %dma_wait3A_472 = tpu.memref_slice %arg4[%select_n3A, %dma_wait3A_470, %dma_wait3A_471] : memref<16x10000x16xf32, #tpu.memory_space<hbm>> -> memref<1x10000x16xf32, #tpu.memory_space<hbm>>
      %dma_wait3A_473 = tpu.memref_squeeze %dma_wait3A_472 : memref<1x10000x16xf32, #tpu.memory_space<hbm>> -> memref<10000x16xf32, #tpu.memory_space<hbm>>
      %dma_wait3A_474 = arith.constant 0 : i32
      %dma_wait3A_475 = arith.constant 0 : i32
      %dma_wait3A_476 = tpu.memref_slice %dma_wait3A_473[%dma_wait3A_474, %dma_wait3A_475] : memref<10000x16xf32, #tpu.memory_space<hbm>> -> memref<10000x16xf32, #tpu.memory_space<hbm>>
      tpu.wait_indirect_dma semaphore(%arg17 : memref<!tpu.dma_semaphore, #tpu.memory_space<semaphore_mem>>) src(%dma_wait3A_476 : memref<10000x16xf32, #tpu.memory_space<hbm>>) dst(%arg12 : memref<128x16xf32, #tpu.memory_space<vmem>>)
      %parallel_loop3A_477 = arith.constant 0 : i32
      %parallel_loop3A_478 = arith.constant 8 : i32
      %parallel_loop3A_479 = arith.constant 1 : i32
      scf.for %parallel_loop3A_480 = %parallel_loop3A_477 to %parallel_loop3A_478 step %parallel_loop3A_479  : i32 {
        %parallel_loop3A_481 = arith.constant 16 : i32
        %parallel_loop3A_482 = arith.muli %parallel_loop3A_480, %parallel_loop3A_481 : i32
        %parallel_loop3A_483 = arith.constant 15 : i32
        %parallel_loop3A_484 = arith.index_cast %parallel_loop3A_483 : i32 to index
        %parallel_loop3A_485 = arith.index_cast %parallel_loop3A_482 : i32 to index
        %parallel_loop3A_486 = tpu.vector_load %arg8[%parallel_loop3A_484, %parallel_loop3A_485] {strides = array<i32>} : memref<16x128xi32, #tpu.memory_space<vmem>>, vector<16xi32>,
        %parallel_loop3A_487 = arith.constant 16 : i32
        %parallel_loop3A_488 = arith.muli %parallel_loop3A_480, %parallel_loop3A_487 : i32
        %parallel_loop3A_489 = vector.broadcast %parallel_loop3A_488 : i32 to vector<16xi32>
        %parallel_loop3A_490 = arith.addi %iota3A, %parallel_loop3A_489 : vector<16xi32>
        %parallel_loop3A_491 = tpu.vector_load_idx %arg12[%parallel_loop3A_490, %add3A_35] : memref<128x16xf32, #tpu.memory_space<vmem>>[vector<16xi32>, vector<16xi32>], vector<16xf32>,
        tpu.vector_store_idx %arg13[%parallel_loop3A_486, %broadcast_in_dim3A_58], %parallel_loop3A_491 {add = true} : memref<10008x8xf32, #tpu.memory_space<vmem>>[vector<16xi32>, vector<16xi32>], vector<16xf32>,
        %parallel_loop3A_492 = tpu.vector_load_idx %arg12[%parallel_loop3A_490, %add3A_38] : memref<128x16xf32, #tpu.memory_space<vmem>>[vector<16xi32>, vector<16xi32>], vector<16xf32>,
        tpu.vector_store_idx %arg13[%parallel_loop3A_486, %broadcast_in_dim3A_60], %parallel_loop3A_492 {add = true} : memref<10008x8xf32, #tpu.memory_space<vmem>>[vector<16xi32>, vector<16xi32>], vector<16xf32>,
        %parallel_loop3A_493 = tpu.vector_load_idx %arg12[%parallel_loop3A_490, %add3A_41] : memref<128x16xf32, #tpu.memory_space<vmem>>[vector<16xi32>, vector<16xi32>], vector<16xf32>,
        tpu.vector_store_idx %arg13[%parallel_loop3A_486, %broadcast_in_dim3A_62], %parallel_loop3A_493 {add = true} : memref<10008x8xf32, #tpu.memory_space<vmem>>[vector<16xi32>, vector<16xi32>], vector<16xf32>,
        %parallel_loop3A_494 = tpu.vector_load_idx %arg12[%parallel_loop3A_490, %add3A_44] : memref<128x16xf32, #tpu.memory_space<vmem>>[vector<16xi32>, vector<16xi32>], vector<16xf32>,
        tpu.vector_store_idx %arg13[%parallel_loop3A_486, %broadcast_in_dim3A_64], %parallel_loop3A_494 {add = true} : memref<10008x8xf32, #tpu.memory_space<vmem>>[vector<16xi32>, vector<16xi32>], vector<16xf32>,
        %parallel_loop3A_495 = tpu.vector_load_idx %arg12[%parallel_loop3A_490, %add3A_47] : memref<128x16xf32, #tpu.memory_space<vmem>>[vector<16xi32>, vector<16xi32>], vector<16xf32>,
        tpu.vector_store_idx %arg13[%parallel_loop3A_486, %broadcast_in_dim3A_66], %parallel_loop3A_495 {add = true} : memref<10008x8xf32, #tpu.memory_space<vmem>>[vector<16xi32>, vector<16xi32>], vector<16xf32>,
        %parallel_loop3A_496 = tpu.vector_load_idx %arg12[%parallel_loop3A_490, %add3A_50] : memref<128x16xf32, #tpu.memory_space<vmem>>[vector<16xi32>, vector<16xi32>], vector<16xf32>,
        tpu.vector_store_idx %arg13[%parallel_loop3A_486, %broadcast_in_dim3A_68], %parallel_loop3A_496 {add = true} : memref<10008x8xf32, #tpu.memory_space<vmem>>[vector<16xi32>, vector<16xi32>], vector<16xf32>,
        %parallel_loop3A_497 = tpu.vector_load_idx %arg12[%parallel_loop3A_490, %add3A_53] : memref<128x16xf32, #tpu.memory_space<vmem>>[vector<16xi32>, vector<16xi32>], vector<16xf32>,
        tpu.vector_store_idx %arg13[%parallel_loop3A_486, %broadcast_in_dim3A_70], %parallel_loop3A_497 {add = true} : memref<10008x8xf32, #tpu.memory_space<vmem>>[vector<16xi32>, vector<16xi32>], vector<16xf32>,
        %parallel_loop3A_498 = tpu.vector_load_idx %arg12[%parallel_loop3A_490, %add3A_56] : memref<128x16xf32, #tpu.memory_space<vmem>>[vector<16xi32>, vector<16xi32>], vector<16xf32>,
        tpu.vector_store_idx %arg13[%parallel_loop3A_486, %broadcast_in_dim3A_72], %parallel_loop3A_498 {add = true} : memref<10008x8xf32, #tpu.memory_space<vmem>>[vector<16xi32>, vector<16xi32>], vector<16xf32>,
      } {sc.loop_unroll_factor = 2 : i64, sc.parallel_access}
    }
    %scan3A_77 = arith.constant 79 : i32
    "tpu.region"() ({
      %run_scoped3A = tpu.sem_alloc : memref<!tpu.dma_semaphore, #tpu.memory_space<semaphore_mem>>
      %dma_start3A = arith.constant 0 : i32
      %dma_start3A_78 = arith.constant 0 : i32
      %dma_start3A_79 = tpu.memref_slice %arg6[%add3A, %dma_start3A, %dma_start3A_78] : memref<32x10008x8xf32, #tpu.memory_space<hbm>> -> memref<1x10008x8xf32, #tpu.memory_space<hbm>>
      %dma_start3A_80 = tpu.memref_squeeze %dma_start3A_79 : memref<1x10008x8xf32, #tpu.memory_space<hbm>> -> memref<10008x8xf32, #tpu.memory_space<hbm>>
      %dma_start3A_81 = arith.constant 0 : i32
      %dma_start3A_82 = arith.constant 0 : i32
      %dma_start3A_83 = tpu.memref_slice %arg6[%add3A, %dma_start3A_81, %dma_start3A_82] : memref<32x10008x8xf32, #tpu.memory_space<hbm>> -> memref<1x10008x8xf32, #tpu.memory_space<hbm>>
      %dma_start3A_84 = tpu.memref_squeeze %dma_start3A_83 : memref<1x10008x8xf32, #tpu.memory_space<hbm>> -> memref<10008x8xf32, #tpu.memory_space<hbm>>
      tpu.enqueue_dma source(%arg13 : memref<10008x8xf32, #tpu.memory_space<vmem>>) target(%dma_start3A_84 : memref<10008x8xf32, #tpu.memory_space<hbm>>) target_semaphore(%run_scoped3A : memref<!tpu.dma_semaphore, #tpu.memory_space<semaphore_mem>>)
      %dma_wait3A = arith.constant 0 : i32
      %dma_wait3A_85 = arith.constant 0 : i32
      %dma_wait3A_86 = tpu.memref_slice %arg6[%add3A, %dma_wait3A, %dma_wait3A_85] : memref<32x10008x8xf32, #tpu.memory_space<hbm>> -> memref<1x10008x8xf32, #tpu.memory_space<hbm>>
      %dma_wait3A_87 = tpu.memref_squeeze %dma_wait3A_86 : memref<1x10008x8xf32, #tpu.memory_space<hbm>> -> memref<10008x8xf32, #tpu.memory_space<hbm>>
      %dma_wait3A_88 = arith.constant 0 : i32
      %dma_wait3A_89 = arith.constant 0 : i32
      %dma_wait3A_90 = tpu.memref_slice %arg6[%add3A, %dma_wait3A_88, %dma_wait3A_89] : memref<32x10008x8xf32, #tpu.memory_space<hbm>> -> memref<1x10008x8xf32, #tpu.memory_space<hbm>>
      %dma_wait3A_91 = tpu.memref_squeeze %dma_wait3A_90 : memref<1x10008x8xf32, #tpu.memory_space<hbm>> -> memref<10008x8xf32, #tpu.memory_space<hbm>>
      tpu.wait_dma2 semaphore(%run_scoped3A : memref<!tpu.dma_semaphore, #tpu.memory_space<semaphore_mem>>) src(%arg13 : memref<10008x8xf32, #tpu.memory_space<vmem>>) dst(%dma_wait3A_91 : memref<10008x8xf32, #tpu.memory_space<hbm>>)
      tpu.yield
    }) : () -> ()
    return
  }
}

module attributes {stable_mosaic.version = 14 : i64} {
  func.func @_tc1_body(%arg0: i32, %arg1: memref<1000x256xf32, #tpu.memory_space<vmem>>, %arg2: memref<256x256xf32, #tpu.memory_space<vmem>>, %arg3: memref<1000x32xf32, #tpu.memory_space<vmem>>, %arg4: memref<1000x256xf32, #tpu.memory_space<vmem>>) attributes {dimension_semantics = [#tpu.dimension_semantics<arbitrary>], iteration_bounds = array<i64: 10>, scalar_prefetch = 0 : i64, scratch_operands = 0 : i64, tpu.core_type = #tpu.core_type<tc>, window_params = [{transform_indices = @transform_0, window_bounds = array<i64: 1000, 256>}, {pipeline_mode = #tpu.pipeline_mode<synchronous>, transform_indices = @transform_1, window_bounds = array<i64: 256, 256>}, {transform_indices = @transform_2, window_bounds = array<i64: 1000, 32>}, {transform_indices = @transform_3, window_bounds = array<i64: 1000, 256>}]} {
    %get3A = arith.constant 0 : index
    %get3A_0 = arith.constant 0 : index
    %get3A_1 = vector.load %arg1[%get3A, %get3A_0] : memref<1000x256xf32, #tpu.memory_space<vmem>>, vector<1000x256xf32>
    %get3A_2 = arith.constant 0 : index
    %get3A_3 = arith.constant 0 : index
    %get3A_4 = vector.load %arg2[%get3A_2, %get3A_3] : memref<256x256xf32, #tpu.memory_space<vmem>>, vector<256x256xf32>
    %dot_general3A = arith.constant dense<0.000000e+00> : vector<1000x256xf32>
    %dot_general3A_5 = tpu.matmul %get3A_1, %get3A_4, %dot_general3A {dimension_numbers = #tpu.dot_dimension_numbers<[1], [0], [0], [1], [0, 0, 1, 1], [], []>, transpose_lhs_hint = false} : vector<1000x256xf32>, vector<256x256xf32>, vector<1000x256xf32> -> vector<1000x256xf32>
    %get3A_6 = arith.constant 0 : index
    %get3A_7 = arith.constant 0 : index
    %get3A_8 = vector.load %arg3[%get3A_6, %get3A_7] : memref<1000x32xf32, #tpu.memory_space<vmem>>, vector<1000x32xf32>
    %reduce_sum3A = arith.constant dense<0.000000e+00> : vector<1000xf32>
    %reduce_sum3A_9 = vector.multi_reduction <add>, %get3A_8, %reduce_sum3A [1] : vector<1000x32xf32> to vector<1000xf32>
    %broadcast_in_dim3A = vector.shape_cast %reduce_sum3A_9 : vector<1000xf32> to vector<1000x1xf32>
    %add3A = arith.constant 1.000000e+00 : f32
    %add3A_10 = vector.broadcast %add3A : f32 to vector<1000x1xf32>
    %add3A_11 = arith.addf %broadcast_in_dim3A, %add3A_10 : vector<1000x1xf32>
    %rsqrt3A = math.rsqrt %add3A_11 : vector<1000x1xf32>
    %mul3A = vector.broadcast %rsqrt3A : vector<1000x1xf32> to vector<1000x256xf32>
    %mul3A_12 = arith.mulf %dot_general3A_5, %mul3A : vector<1000x256xf32>
    %swap3A = arith.constant 0 : index
    %swap3A_13 = arith.constant 0 : index
    %swap3A_14 = vector.load %arg4[%swap3A, %swap3A_13] : memref<1000x256xf32, #tpu.memory_space<vmem>>, vector<1000x256xf32>
    tpu.vector_store %arg4[%swap3A, %swap3A_13], %mul3A_12 {strides = array<i32>} : memref<1000x256xf32, #tpu.memory_space<vmem>>, vector<1000x256xf32>,
    return
  }
  func.func @transform_0(%arg0: i32) -> (i32, i32) {
    %c0_i32 = arith.constant 0 : i32
    %c0_i32_0 = arith.constant 0 : i32
    return %arg0, %c0_i32 : i32, i32
  }
  func.func @transform_1(%arg0: i32) -> (i32, i32) {
    %c0_i32 = arith.constant 0 : i32
    %c0_i32_0 = arith.constant 0 : i32
    %c0_i32_1 = arith.constant 0 : i32
    return %c0_i32, %c0_i32_0 : i32, i32
  }
  func.func @transform_2(%arg0: i32) -> (i32, i32) {
    %c0_i32 = arith.constant 0 : i32
    %c0_i32_0 = arith.constant 0 : i32
    return %arg0, %c0_i32 : i32, i32
  }
  func.func @transform_3(%arg0: i32) -> (i32, i32) {
    %c0_i32 = arith.constant 0 : i32
    %c0_i32_0 = arith.constant 0 : i32
    return %arg0, %c0_i32 : i32, i32
  }
}

module attributes {stable_mosaic.version = 14 : i64} {
  func.func @_tc2_body(%arg0: i32, %arg1: memref<1000x256xf32, #tpu.memory_space<vmem>>, %arg2: memref<1000x256xf32, #tpu.memory_space<vmem>>, %arg3: memref<1000x32xf32, #tpu.memory_space<vmem>>, %arg4: memref<1x256xf32, #tpu.memory_space<vmem>>, %arg5: memref<256x256xf32, #tpu.memory_space<vmem>>, %arg6: memref<1x256xf32, #tpu.memory_space<vmem>>, %arg7: memref<1000x256xf32, #tpu.memory_space<vmem>>) attributes {dimension_semantics = [#tpu.dimension_semantics<arbitrary>], iteration_bounds = array<i64: 10>, scalar_prefetch = 0 : i64, scratch_operands = 0 : i64, tpu.core_type = #tpu.core_type<tc>, window_params = [{transform_indices = @transform_0, window_bounds = array<i64: 1000, 256>}, {transform_indices = @transform_1, window_bounds = array<i64: 1000, 256>}, {transform_indices = @transform_2, window_bounds = array<i64: 1000, 32>}, {pipeline_mode = #tpu.pipeline_mode<synchronous>, transform_indices = @transform_3, window_bounds = array<i64: 1, 256>}, {pipeline_mode = #tpu.pipeline_mode<synchronous>, transform_indices = @transform_4, window_bounds = array<i64: 256, 256>}, {pipeline_mode = #tpu.pipeline_mode<synchronous>, transform_indices = @transform_5, window_bounds = array<i64: 1, 256>}, {transform_indices = @transform_6, window_bounds = array<i64: 1000, 256>}]} {
    %get3A = arith.constant 0 : index
    %get3A_0 = arith.constant 0 : index
    %get3A_1 = vector.load %arg3[%get3A, %get3A_0] : memref<1000x32xf32, #tpu.memory_space<vmem>>, vector<1000x32xf32>
    %reduce_sum3A = arith.constant dense<0.000000e+00> : vector<1000xf32>
    %reduce_sum3A_2 = vector.multi_reduction <add>, %get3A_1, %reduce_sum3A [1] : vector<1000x32xf32> to vector<1000xf32>
    %broadcast_in_dim3A = vector.shape_cast %reduce_sum3A_2 : vector<1000xf32> to vector<1000x1xf32>
    %add3A = arith.constant 1.000000e+00 : f32
    %add3A_3 = vector.broadcast %add3A : f32 to vector<1000x1xf32>
    %add3A_4 = arith.addf %broadcast_in_dim3A, %add3A_3 : vector<1000x1xf32>
    %rsqrt3A = math.rsqrt %add3A_4 : vector<1000x1xf32>
    %get3A_5 = arith.constant 0 : index
    %get3A_6 = arith.constant 0 : index
    %get3A_7 = vector.load %arg1[%get3A_5, %get3A_6] : memref<1000x256xf32, #tpu.memory_space<vmem>>, vector<1000x256xf32>
    %get3A_8 = arith.constant 0 : index
    %get3A_9 = arith.constant 0 : index
    %get3A_10 = vector.load %arg2[%get3A_8, %get3A_9] : memref<1000x256xf32, #tpu.memory_space<vmem>>, vector<1000x256xf32>
    %add3A_11 = arith.addf %get3A_7, %get3A_10 : vector<1000x256xf32>
    %mul3A = vector.broadcast %rsqrt3A : vector<1000x1xf32> to vector<1000x256xf32>
    %mul3A_12 = arith.mulf %add3A_11, %mul3A : vector<1000x256xf32>
    %get3A_13 = arith.constant 0 : index
    %get3A_14 = arith.constant 0 : index
    %get3A_15 = vector.load %arg4[%get3A_13, %get3A_14] : memref<1x256xf32, #tpu.memory_space<vmem>>, vector<1x256xf32>
    %add3A_16 = vector.broadcast %get3A_15 : vector<1x256xf32> to vector<1000x256xf32>
    %add3A_17 = arith.addf %mul3A_12, %add3A_16 : vector<1000x256xf32>
    %tanh3A = math.tanh %add3A_17 : vector<1000x256xf32>
    %get3A_18 = arith.constant 0 : index
    %get3A_19 = arith.constant 0 : index
    %get3A_20 = vector.load %arg5[%get3A_18, %get3A_19] : memref<256x256xf32, #tpu.memory_space<vmem>>, vector<256x256xf32>
    %dot_general3A = arith.constant dense<0.000000e+00> : vector<1000x256xf32>
    %dot_general3A_21 = tpu.matmul %tanh3A, %get3A_20, %dot_general3A {dimension_numbers = #tpu.dot_dimension_numbers<[1], [0], [0], [1], [0, 0, 1, 1], [], []>, transpose_lhs_hint = false} : vector<1000x256xf32>, vector<256x256xf32>, vector<1000x256xf32> -> vector<1000x256xf32>
    %get3A_22 = arith.constant 0 : index
    %get3A_23 = arith.constant 0 : index
    %get3A_24 = vector.load %arg6[%get3A_22, %get3A_23] : memref<1x256xf32, #tpu.memory_space<vmem>>, vector<1x256xf32>
    %add3A_25 = vector.broadcast %get3A_24 : vector<1x256xf32> to vector<1000x256xf32>
    %add3A_26 = arith.addf %dot_general3A_21, %add3A_25 : vector<1000x256xf32>
    %swap3A = arith.constant 0 : index
    %swap3A_27 = arith.constant 0 : index
    %swap3A_28 = vector.load %arg7[%swap3A, %swap3A_27] : memref<1000x256xf32, #tpu.memory_space<vmem>>, vector<1000x256xf32>
    tpu.vector_store %arg7[%swap3A, %swap3A_27], %add3A_26 {strides = array<i32>} : memref<1000x256xf32, #tpu.memory_space<vmem>>, vector<1000x256xf32>,
    return
  }
  func.func @transform_0(%arg0: i32) -> (i32, i32) {
    %c0_i32 = arith.constant 0 : i32
    %c0_i32_0 = arith.constant 0 : i32
    return %arg0, %c0_i32 : i32, i32
  }
  func.func @transform_1(%arg0: i32) -> (i32, i32) {
    %c0_i32 = arith.constant 0 : i32
    %c0_i32_0 = arith.constant 0 : i32
    return %arg0, %c0_i32 : i32, i32
  }
  func.func @transform_2(%arg0: i32) -> (i32, i32) {
    %c0_i32 = arith.constant 0 : i32
    %c0_i32_0 = arith.constant 0 : i32
    return %arg0, %c0_i32 : i32, i32
  }
  func.func @transform_3(%arg0: i32) -> (i32, i32) {
    %c0_i32 = arith.constant 0 : i32
    %c0_i32_0 = arith.constant 0 : i32
    %c0_i32_1 = arith.constant 0 : i32
    return %c0_i32, %c0_i32_0 : i32, i32
  }
  func.func @transform_4(%arg0: i32) -> (i32, i32) {
    %c0_i32 = arith.constant 0 : i32
    %c0_i32_0 = arith.constant 0 : i32
    %c0_i32_1 = arith.constant 0 : i32
    return %c0_i32, %c0_i32_0 : i32, i32
  }
  func.func @transform_5(%arg0: i32) -> (i32, i32) {
    %c0_i32 = arith.constant 0 : i32
    %c0_i32_0 = arith.constant 0 : i32
    %c0_i32_1 = arith.constant 0 : i32
    return %c0_i32, %c0_i32_0 : i32, i32
  }
  func.func @transform_6(%arg0: i32) -> (i32, i32) {
    %c0_i32 = arith.constant 0 : i32
    %c0_i32_0 = arith.constant 0 : i32
    return %arg0, %c0_i32 : i32, i32
  }
}

</mosaic_0001>

<sc_bundles>
// kernel: kernel.6.cloned.1.call-start
scs
__scs_entry_jumppad:
0x0: {  	(pc) =	sbr.rel $0x88, $3  }
0x1: {  	(tag) =	ssettag $0x0;
	lr =	simm.s32 $0x1  }
0x2: {  	[smem:$0x3F9B] =	sst lr;
	_ =	strace $0xD0000000  }
0x3: {  	_ = 	snop  }
0x4: {  	_ = 	snop  }
0x5: {  	_ = 	snop  }
0x6: {  	_ = 	snop  }
0x7: {  	_ = 	snop  }
__scs_overlays_trampoline_lowered:
0x8: {  	[smem:$0x3FAA] =	sst s0  }
0x9: {  	[smem:$0x3FAB] =	sst s1  }
0xa: {  	[smem:$0x3FAC] =	sst s2  }
0xb: {  	[smem:$0x3FAD] =	sst s3  }
0xc: {  	[smem:$0x3FAE] =	sst s4  }
0xd: {  	[smem:$0x3FAF] =	sst s5  }
0xe: {  	[smem:$0x3FB0] =	sst s6  }
0xf: {  	[smem:$0x3FB1] =	sst s7  }
0x10: {  	[smem:$0x3FB2] =	sst s8  }
0x11: {  	[smem:$0x3FB3] =	sst s9;
	s0 =	simm.s32 @!p0 $0x0  }
0x12: {  	s1 =	sld [smem:$0x3F99];
	s0 =	simm.s32 @p0 $0x1  }
0x13: {  	[smem:$0x3FB4] =	sst s0;
	s0 =	simm.s32 @!p1 $0x0  }
0x14: {  	s2 =	sld [smem:$0x3F98];
	s0 =	simm.s32 @p1 $0x1  }
0x15: {  	[smem:$0x3FB5] =	sst s0;
	s0 =	simm.s32 @!p2 $0x0  }
0x16: {  	s3 =	sld [smem:$0x3FDB];
	s0 =	simm.s32 @p2 $0x1  }
0x17: {  	s4 =	simm.s32 $0x1BF5;
	[smem:$0x3FB7] =	sst s0  }
0x18: {  	s0 =	sld [smem:$0x3F9A];
	_ =	swait.ge [sflag:s4], $0x0  }
0x19: {  	s7 =	sld [smem:$0x3F9B]  }
0x1a: {  	s8 =	sadd.s32 $0xFFFFE003, lr  }
0x1b: {  	s9 =	sadd.s32 $0xFFFFFEF7, lr;
	s5 =	simm.s32 $0xFFFFFFFF;
	p2 =	slt.u32 s8, $0xFFFFF086  }
0x1c: {  	p1 =	slt.u32 s9, $0xF7A;
	s5 =	simm.s32 @!p2 $0x0  }
0x1d: {  	s5 =	simm.s32 @p1 $0x1;
	p0 =	seq.s32 s7, s2  }
0x1e: {  	s7 =	smul.u32 @!p0 $0xF7A, s2;
	p2 =	seq.s32 @!p0 s5, $0x0  }
0x1f: {  	s9 =	smul.u32 $0xF7A, s1;
	s8 =	simm.s32 @!p0 $0x1BF5;
	p2 =	por !p2, p0  }
0x20: {  	[sflag:s8] =	ssyncset.s32 @!p0 $0xFFFFF086;
	s6 =	sadd.s32 @!p0 s3, s7;
	s7 =	simm.s32 @!p0 $0x108  }
0x21: {  	s3 =	sadd.s32 s3, s9;
	s6 =	sadd.s32 @!p0 $0x88, s6;
	s7 =	simm.s32 @p2 $0x1082  }
0x22: {  	[simem:s7], [sflag:s8] =	dma.local @!p0 [hbm:s6], $0xF7A  }
0x23: {  	s9 =	sor.u32 $0xD0000000, s2;
	s6 =	simm.s32 $0x108;
	_ =	swait.ge @!p0 [sflag:s8], $0x0  }
0x24: {  	s3 =	sadd.s32 $0x88, s3;
	s6 =	simm.s32 @!p1 $0x1082;
	[sflag:s4] =	ssyncset.s32 $0xFFFFF086  }
0x25: {  	[simem:s6], [sflag:s4] =	dma.local [hbm:s3], $0xF7A  }
0x26: {  	[smem:$0x3F9B] =	sst s1;
	(tag) =	ssettag s2;
	_ =	strace s9  }
0x27: {  	s1 =	sld [smem:$0x3FAB]  }
0x28: {  	s2 =	sld [smem:$0x3FAC]  }
0x29: {  	s4 =	sld [smem:$0x3FAE]  }
0x2a: {  	p0 =	seq.s32 s5, $0x0;
	s5 =	sld [smem:$0x3FAF]  }
0x2b: {  	s6 =	sld [smem:$0x3FB0]  }
0x2c: {  	s7 =	sld [smem:$0x3FB1]  }
0x2d: {  	s3 =	simm.s32 $0x108;
	s8 =	sld [smem:$0x3FB2]  }
0x2e: {  	s3 =	simm.s32 @!p0 $0x1082;
	s9 =	sld [smem:$0x3FB3]  }
0x2f: {  	lr =	sadd.s32 s0, s3;
	s0 =	sld [smem:$0x3FAA]  }
0x30: {  	s3 =	sld [smem:$0x3FAD]  }
0x31: {  	[smem:$0x3FB6] =	sst s10  }
0x32: {  	s10 =	sld [smem:$0x3FB4];
	_ =	sdelay $0x3  }
0x33: {  	p0 =	seq.s32 s10, $0x1;
	s10 =	sld [smem:$0x3FB6];
	_ =	sdelay $0x3  }
0x34: {  	[smem:$0x3FB6] =	sst s10  }
0x35: {  	s10 =	sld [smem:$0x3FB5];
	_ =	sdelay $0x3  }
0x36: {  	p1 =	seq.s32 s10, $0x1;
	s10 =	sld [smem:$0x3FB6];
	_ =	sdelay $0x3  }
0x37: {  	[smem:$0x3FB6] =	sst s10  }
0x38: {  	s10 =	sld [smem:$0x3FB7]  }
0x39: {  	_ = 	snop;
	(pc) =	sbr.ind lr, $3  }
0x3a: {  	_ = 	snop  }
0x3b: {  	_ = 	snop  }
0x3c: {  	p2 =	seq.s32 s10, $0x1;
	s10 =	sld [smem:$0x3FB6]  }
0x3d: {  	_ =	shalt  }
0x3e: {  	_ =	shalt  }
0x3f: {  	_ =	shalt  }
0x40: {  	_ =	shalt  }
0x41: {  	_ =	shalt  }
0x42: {  	_ =	shalt  }
0x43: {  	_ =	shalt  }
0x44: {  	_ =	shalt  }
0x45: {  	_ =	shalt  }
0x46: {  	_ =	shalt  }
0x47: {  	_ =	shalt  }
0x48: {  	_ =	shalt  }
0x49: {  	_ =	shalt  }
0x4a: {  	_ =	shalt  }
0x4b: {  	_ =	shalt  }
0x4c: {  	_ =	shalt  }
0x4d: {  	_ =	shalt  }
0x4e: {  	_ =	shalt  }
0x4f: {  	_ =	shalt  }
0x50: {  	_ =	shalt  }
0x51: {  	_ =	shalt  }
0x52: {  	_ =	shalt  }
0x53: {  	_ =	shalt  }
0x54: {  	_ =	shalt  }
0x55: {  	_ =	shalt  }
0x56: {  	_ =	shalt  }
0x57: {  	_ =	shalt  }
0x58: {  	_ =	shalt  }
0x59: {  	_ =	shalt  }
0x5a: {  	_ =	shalt  }
0x5b: {  	_ =	shalt  }
0x5c: {  	_ =	shalt  }
0x5d: {  	_ =	shalt  }
0x5e: {  	_ =	shalt  }
0x5f: {  	_ =	shalt  }
0x60: {  	_ =	shalt  }
0x61: {  	_ =	shalt  }
0x62: {  	_ =	shalt  }
0x63: {  	_ =	shalt  }
0x64: {  	_ =	shalt  }
0x65: {  	_ =	shalt  }
0x66: {  	_ =	shalt  }
0x67: {  	_ =	shalt  }
0x68: {  	_ =	shalt  }
0x69: {  	_ =	shalt  }
0x6a: {  	_ =	shalt  }
0x6b: {  	_ =	shalt  }
0x6c: {  	_ =	shalt  }
0x6d: {  	_ =	shalt  }
0x6e: {  	_ =	shalt  }
0x6f: {  	_ =	shalt  }
0x70: {  	_ =	shalt  }
0x71: {  	_ =	shalt  }
0x72: {  	_ =	shalt  }
0x73: {  	_ =	shalt  }
0x74: {  	_ =	shalt  }
0x75: {  	_ =	shalt  }
0x76: {  	_ =	shalt  }
0x77: {  	_ =	shalt  }
0x78: {  	_ =	shalt  }
0x79: {  	_ =	shalt  }
0x7a: {  	_ =	shalt  }
0x7b: {  	_ =	shalt  }
0x7c: {  	_ =	shalt  }
0x7d: {  	_ =	shalt  }
0x7e: {  	_ =	shalt  }
0x7f: {  	_ =	shalt  }
0x80: {  	_ =	shalt  }
0x81: {  	_ =	shalt  }
0x82: {  	_ =	shalt  }
0x83: {  	_ =	shalt  }
0x84: {  	_ =	shalt  }
0x85: {  	_ =	shalt  }
0x86: {  	_ =	shalt  }
0x87: {  	_ =	shalt  }
.Lfunc_end0:
.L_simem_size_0:
called_computation_lowered:
.L_overlay_start_0:
0x88: {  	s2 =	sld [smem:$0x3FD9]  }
0x89: {  	s3 =	sld [smem:$0x3FFE];
	_ =	sdelay $0x1  }
0x8a: {  	s1 =	srdreg.scid  }
0x8b: {  	s0 =	sand.u32 $0x1, s1  }
0x8c: {  	s17 =	sshll.u32 s0, $0xA;
	s2 =	sadd.s32 s3, s2  }
0x8d: {  	s2 =	sadd.s32 s2, s17  }
0x8e: {  	[smem:$0x3FC2] =	sst s2  }
0x8f: {  	_ = 	snop  }
0x90: {  	s2 =	sld [smem:$0x3FD0];
	(tm) =	ssettm $0x1  }
0x91: {  	s18 =	sld [smem:$0x3FFB];
	_ =	sdelay $0x3  }
0x92: {  	_ =	strace s18  }
0x93: {  	s3 =	sld [smem:$0x3FFC];
	_ =	sdelay $0x3  }
0x94: {  	_ =	strace s3  }
0x95: {  	s3 =	sld [smem:$0x3FFD];
	_ =	sdelay $0x3  }
0x96: {  	_ =	strace s3  }
0x97: {  	_ =	strace $0x8FFFFFFF  }
0x98: {  	s19 =	sld [smem:$0x3FDB];
	_ =	sdelay $0x1  }
0x99: {  	s4 =	simm.s32 $_scs_section_size  }
0x9a: {  	s5 =	simm.s32 $_size__tile_overlayer_lowered;
	s6 =	simm.s32 $_tile_overlayer_lowered  }
0x9b: {  	s22 =	simm.s32 $0x1BFF;
	s21 =	sshll.u32 s6, $0x1;
	s3 =	sadd.s32 s4, s19  }
0x9c: {  	s7 =	simm.s32 $0x0;
	s20 =	sshll.u32 s5, $0x1;
	s5 =	sadd.s32 s21, s3  }
0x9d: {  	[timem:s7], [sflag:s22] =	dma.local [hbm:s5], s20  }
0x9e: {  	_ =	swait.ge [sflag:s22], s20  }
0x9f: {  	s4 =	ssub.s32 $0x0, s20;
	[sflag:s22] =	ssyncset.done $0x0  }
0xa0: {  	[sflag:s22] =	ssyncadd.s32 s4;
	_ =	sdelay $0x1  }
0xa1: {  	s23 =	simm.s32 $0x1B8B  }
0xa2: {  	_ =	swait.ge [sflag:s23], $0x1  }
0xa3: {  	[sflag:s23] =	ssyncset.done $0x0  }
0xa4: {  	s25 =	simm.s32 $0x1B8E;
	s24 =	sld [smem:$0x3FFE];
	[sflag:s23] =	ssyncadd.s32 $0xFFFFFFFF  }
0xa5: {  	s26 =	simm.s32 $execute0_lowered;
	[smem:$0x3FD2] =	sst s25  }
0xa6: {  	s5 =	sshll.u32 s26, $0x1;
	_ =	strace $0x80000046;
	[dreg:$0x1] =	wrdreg $0xFFFFFFFF  }
0xa7: {  	s28 =	simm.s32 $_size_execute0_lowered;
	s3 =	sadd.s32 s3, s5;
	[dreg:$0x0] =	wrdreg $0x0  }
0xa8: {  	s5 =	sshll.u32 s28, $0x1;
	[dreg:$0x2] =	wrdreg s3  }
0xa9: {  	[dreg:$0x3] =	wrdreg s5  }
0xaa: {  	[dreg:$0x4] =	wrdreg $0xC0  }
0xab: {  	_ =	task [dreg:s7], $0x5FFFF  }
0xac: {  	[dreg:$0x1] =	wrdreg $0xFFFFFFFF  }
0xad: {  	[dreg:$0x0] =	wrdreg $0x60  }
0xae: {  	[dreg:$0x2] =	wrdreg s2  }
0xaf: {  	[dreg:$0x3] =	wrdreg s24  }
0xb0: {  	[dreg:$0x4] =	wrdreg $0x9  }
0xb1: {  	_ =	task.clear_ibuf [dreg:s7], $0x5FFFF;
	_ =	strace $0x90000046  }
0xb2: {  	s29 =	simm.s32 $0x9;
	_ =	strace $0x80000048  }
0xb3: {  	_ =	swait.ge [sflag:s29], $0x1  }
0xb4: {  	[sflag:s29] =	ssyncadd.s32 $0xFFFFFFFF  }
0xb5: {  	_ =	strace $0x90000048  }
0xb6: {  	_ =	sfence  }
0xb7: {  	s30 =	sld [smem:$0x0];
	_ =	sdelay $0x2  }
0xb8: {  	s31 =	sshll.u32 s1, $0xD;
	s1 =	sshrl.u32 s1, $0x2  }
0xb9: {  	s3 =	sand.u32 $0x4000, s31;
	s1 =	sadd.s32 s1, s30  }
0xba: {  	s0 =	sor.u32 s3, s0;
	s1 =	sshll.u32 s1, $0x11  }
0xbb: {  	s0 =	sor.u32 s1, s0  }
0xbc: {  	s0 =	sadd.s32 $0x8F2B, s0  }
0xbd: {  	[sflag:s0] =	ssyncadd.remote.s32 $0x1  }
0xbe: {  	_ =	sfence.sel $0xFFFF  }
0xbf: {  	[dreg:$0x0] =	wrdreg $0xFFFFFFFF;
	(pc) =	sbr.abs _section_cstart, $3  }
0xc0: {  	[dreg:$0x1] =	wrdreg $0xFFFFFFFF  }
0xc1: {  	_ =	task.clear_ibuf [dreg:s7], $0x2FFFF;
	_ =	strace $0x9FFFFFFF  }
0xc2: {  	(tm) =	ssettm $0x7FFFFFFF  }
0xc3: {  	_ =	shalt  }
tec
execute0_lowered:
.L_overlay_start_1:
0x0: {  	(tag) =	ssettag $0x1  }
0x1: {  	s3 =	rddreg [dreg:$0x0];
	s1 =	srdreg.scid  }
0x2: {  	s0 =	stileid.u32;
	s4 =	rddreg [dreg:$0x1];
	s9 =	simm.s32 $0x400  }
0x3: {  	s5 =	sand.u32 $0x1, s1;
	s2 =	sshll.u32 s0, $0x1;
	s1 =	rddreg [dreg:$0x2]  }
0x4: {  	s7 =	sshrl.u32 s0, $0x2;
	s6 =	sor.u32 s5, s2;
	s2 =	simm.s32 $0x0  }
0x5: {  	s7 =	smul.u32 $0x13C00, s7;
	s5 =	ssub.s32 $0x2, s5;
	s8 =	sshll.u32 s6, $0x7  }
0x6: {  	[smem:$0x7FF] =	sst s2;
	s6 =	smul.u32 $0x500, s6;
	s8 =	sand.u32 $0x380, s8  }
0x7: {  	s31 =	sshrl.u32 s5, $0x1;
	_ =	strace $0x80000047;
	s7 =	sor.u32 s7, s8  }
0x8: {  	s5 =	ssub.s32 s5, s31;
	s3 =	sadd.s32 s3, s6;
	s7 =	sshrl.u32 s7, $0x3  }
0x9: {  	s5 =	smax.u32 s5, $0x1;
	s6 =	simm.s32 $0x1;
	s4 =	sadd.s32 s7, s4  }
0xa: {  	v0 =	vimm.f32 $0.0e+00;
	v1 =	vimm.f32 $1.000000000e+00;
	s8 =	simm.s32 $0x80;
	s7 =	simm.s32 $0x2800;
	s4 =	sadd.s32 $0x7200, s4  }
.LBB2_1:
0xb: {  	s10 =	simm.s32 $0x40;
	s11 =	simm.s32 $0x0  }
.LBB2_2:
0xc: {  	p0 =	sne.s32 s10, $0x9DC0;
	[tilespmem:s11+$0x2800] =	vst v0;
	s11 =	smov.u32 s10;
	s10 =	sadd.s32 $0x40, s10  }
.Ltmp0:
0xd: {  	(pc) =	sbr.rel @p0 .LBB2_2-.Ltmp0, $2  }
0xe: {  	_ =	sdelay $0x2  }
0xf: {  	s11 =	sshra.s32 s11, $0x2  }
0x10: {  	[tilespmem:s11+$0x2800] =	vst v0;
	s10 =	simm.s32 $0x0  }
0x11: {  	[tilespmem:s10], [sflag:$0x1] =	stream.linear.gather [hbm4b:s3+s10], $0x2780, $0x38;
	[tilespmem:$0x4F80] =	vst v63  }
0x12: {  	_ =	swait.ge [sflag:s6], $0x2780  }
0x13: {  	[sflag:s6] =	ssyncset.done $0x0  }
0x14: {  	[sflag:s6] =	ssyncadd.s32 $0xFFFFD880  }
.LBB2_4:
0x15: {  	s11 =	sshra.s32 s10, $0x2  }
0x16: {  	v2 =	vld [tilespmem:s11+$0x0];
	_ =	sdelay $0x7  }
0x17: {  	[tilespmem:v2+s7+$0x0] =	vst.idx.add.f32.msk $0xffff, v1  }
0x18: {  	v2 =	vld [tilespmem:s11+$0x10];
	_ =	sdelay $0x7  }
0x19: {  	[tilespmem:v2+s7+$0x0] =	vst.idx.add.f32.msk $0xffff, v1  }
0x1a: {  	v2 =	vld [tilespmem:s11+$0x20];
	_ =	sdelay $0x7  }
0x1b: {  	[tilespmem:v2+s7+$0x0] =	vst.idx.add.f32.msk $0xffff, v1  }
0x1c: {  	v2 =	vld [tilespmem:s11+$0x30];
	_ =	sdelay $0x2  }
0x1d: {  	p0 =	sne.s32 s10, $0x9C00  }
.Ltmp1:
0x1e: {  	_ = 	snop;
	(pc) =	sbr.rel @p0 .LBB2_4-.Ltmp1, $2  }
0x1f: {  	_ =	sdelay $0x2  }
0x20: {  	s10 =	sadd.s32 $0x200, s10;
	[tilespmem:v2+s7+$0x0] =	vst.idx.add.f32.msk $0xffff, v1  }
0x21: {  	s2 =	sadd.s32 $0x1, s2  }
0x22: {  	p0 =	sne.s32 s2, s5  }
.Ltmp2:
0x23: {  	_ = 	snop;
	(pc) =	sbr.rel @p0 .LBB2_1-.Ltmp2, $4  }
0x24: {  	[hbm4b:s4+s8] =	stream.strided.scatter [tilespmem:s7], [sflag:$0x1], $0x2780, s9, s8, $0x38;
	[tilespmem:$0x4F80] =	vst v63  }
0x25: {  	_ =	swait.ge [sflag:s6], $0x2780  }
0x26: {  	[sflag:s6] =	ssyncset.done $0x0  }
0x27: {  	[sflag:s6] =	ssyncadd.s32 $0xFFFFD880  }
0x28: {  	_ =	sfence.sel $0x180000  }
0x29: {  	[bflag:$0x0] =	sbarrier.arrive $0xFFFF  }
0x2a: {  	p0 =	sne.s32 s0, $0x0;
	_ =	strace $0x90000047  }
0x2b: {  	s0 =	sadd.s32 @!p0 $0x100000, s1;
	[bflag:$0x2] =	sbarrier.arrive $0xFFFF  }
0x2c: {  	[sflag:s0] =	ssyncadd.tile.s32 @!p0 $0x1;
	_ =	shalt  }
.Lfunc_end2:
_tile_overlayer_lowered:
.L_overlay_start_2:
0x2d: {  	(tag) =	ssettag $0x2  }
0x2e: {  	s0 =	rddreg [dreg:$0x0];
	s2 =	stileid.u32  }
0x2f: {  	s1 =	rddreg [dreg:$0x1];
	p0 =	sne.s32 s2, $0x0  }
0x30: {  	s3 =	rddreg [dreg:$0x2];
	[bflag:$0x3] =	sbarrier.arrive $0xFFFF;
	s2 =	simm.s32 @!p0 $0x1C01  }
0x31: {  	[timem:s3], [sflag:s2] =	dma.local @!p0 [hbm:s0], s1  }
0x32: {  	s0 =	simm.s32 @!p0 $0x1  }
0x33: {  	_ =	swait.ge @!p0 [sflag:s0], s1  }
0x34: {  	s1 =	ssub.s32 @!p0 $0x0, s1;
	[sflag:s0] =	ssyncset.done @!p0 $0x0  }
0x35: {  	[sflag:s0] =	ssyncadd.s32 @!p0 s1  }
0x36: {  	[bflag:$0x3] =	sbarrier.arrive $0xFFFF  }
0x37: {  	_ =	shalt  }

// kernel: kernel.9.cloned.1.call-start
scs
__scs_entry_jumppad:
0x0: {  	(pc) =	sbr.rel $0x88, $3  }
0x1: {  	(tag) =	ssettag $0x0;
	lr =	simm.s32 $0x1  }
0x2: {  	[smem:$0x3F9B] =	sst lr;
	_ =	strace $0xD0000000  }
0x3: {  	_ = 	snop  }
0x4: {  	_ = 	snop  }
0x5: {  	_ = 	snop  }
0x6: {  	_ = 	snop  }
0x7: {  	_ = 	snop  }
__scs_overlays_trampoline_lowered:
0x8: {  	[smem:$0x3FAA] =	sst s0  }
0x9: {  	[smem:$0x3FAB] =	sst s1  }
0xa: {  	[smem:$0x3FAC] =	sst s2  }
0xb: {  	[smem:$0x3FAD] =	sst s3  }
0xc: {  	[smem:$0x3FAE] =	sst s4  }
0xd: {  	[smem:$0x3FAF] =	sst s5  }
0xe: {  	[smem:$0x3FB0] =	sst s6  }
0xf: {  	[smem:$0x3FB1] =	sst s7  }
0x10: {  	[smem:$0x3FB2] =	sst s8  }
0x11: {  	[smem:$0x3FB3] =	sst s9;
	s0 =	simm.s32 @!p0 $0x0  }
0x12: {  	s1 =	sld [smem:$0x3F99];
	s0 =	simm.s32 @p0 $0x1  }
0x13: {  	[smem:$0x3FB4] =	sst s0;
	s0 =	simm.s32 @!p1 $0x0  }
0x14: {  	s2 =	sld [smem:$0x3F98];
	s0 =	simm.s32 @p1 $0x1  }
0x15: {  	[smem:$0x3FB5] =	sst s0;
	s0 =	simm.s32 @!p2 $0x0  }
0x16: {  	s3 =	sld [smem:$0x3FDB];
	s0 =	simm.s32 @p2 $0x1  }
0x17: {  	s4 =	simm.s32 $0x1BF5;
	[smem:$0x3FB7] =	sst s0  }
0x18: {  	s0 =	sld [smem:$0x3F9A];
	_ =	swait.ge [sflag:s4], $0x0  }
0x19: {  	s7 =	sld [smem:$0x3F9B]  }
0x1a: {  	s8 =	sadd.s32 $0xFFFFE003, lr  }
0x1b: {  	s9 =	sadd.s32 $0xFFFFFEF7, lr;
	s5 =	simm.s32 $0xFFFFFFFF;
	p2 =	slt.u32 s8, $0xFFFFF086  }
0x1c: {  	p1 =	slt.u32 s9, $0xF7A;
	s5 =	simm.s32 @!p2 $0x0  }
0x1d: {  	s5 =	simm.s32 @p1 $0x1;
	p0 =	seq.s32 s7, s2  }
0x1e: {  	s7 =	smul.u32 @!p0 $0xF7A, s2;
	p2 =	seq.s32 @!p0 s5, $0x0  }
0x1f: {  	s9 =	smul.u32 $0xF7A, s1;
	s8 =	simm.s32 @!p0 $0x1BF5;
	p2 =	por !p2, p0  }
0x20: {  	[sflag:s8] =	ssyncset.s32 @!p0 $0xFFFFF086;
	s6 =	sadd.s32 @!p0 s3, s7;
	s7 =	simm.s32 @!p0 $0x108  }
0x21: {  	s3 =	sadd.s32 s3, s9;
	s6 =	sadd.s32 @!p0 $0x88, s6;
	s7 =	simm.s32 @p2 $0x1082  }
0x22: {  	[simem:s7], [sflag:s8] =	dma.local @!p0 [hbm:s6], $0xF7A  }
0x23: {  	s9 =	sor.u32 $0xD0000000, s2;
	s6 =	simm.s32 $0x108;
	_ =	swait.ge @!p0 [sflag:s8], $0x0  }
0x24: {  	s3 =	sadd.s32 $0x88, s3;
	s6 =	simm.s32 @!p1 $0x1082;
	[sflag:s4] =	ssyncset.s32 $0xFFFFF086  }
0x25: {  	[simem:s6], [sflag:s4] =	dma.local [hbm:s3], $0xF7A  }
0x26: {  	[smem:$0x3F9B] =	sst s1;
	(tag) =	ssettag s2;
	_ =	strace s9  }
0x27: {  	s1 =	sld [smem:$0x3FAB]  }
0x28: {  	s2 =	sld [smem:$0x3FAC]  }
0x29: {  	s4 =	sld [smem:$0x3FAE]  }
0x2a: {  	p0 =	seq.s32 s5, $0x0;
	s5 =	sld [smem:$0x3FAF]  }
0x2b: {  	s6 =	sld [smem:$0x3FB0]  }
0x2c: {  	s7 =	sld [smem:$0x3FB1]  }
0x2d: {  	s3 =	simm.s32 $0x108;
	s8 =	sld [smem:$0x3FB2]  }
0x2e: {  	s3 =	simm.s32 @!p0 $0x1082;
	s9 =	sld [smem:$0x3FB3]  }
0x2f: {  	lr =	sadd.s32 s0, s3;
	s0 =	sld [smem:$0x3FAA]  }
0x30: {  	s3 =	sld [smem:$0x3FAD]  }
0x31: {  	[smem:$0x3FB6] =	sst s10  }
0x32: {  	s10 =	sld [smem:$0x3FB4];
	_ =	sdelay $0x3  }
0x33: {  	p0 =	seq.s32 s10, $0x1;
	s10 =	sld [smem:$0x3FB6];
	_ =	sdelay $0x3  }
0x34: {  	[smem:$0x3FB6] =	sst s10  }
0x35: {  	s10 =	sld [smem:$0x3FB5];
	_ =	sdelay $0x3  }
0x36: {  	p1 =	seq.s32 s10, $0x1;
	s10 =	sld [smem:$0x3FB6];
	_ =	sdelay $0x3  }
0x37: {  	[smem:$0x3FB6] =	sst s10  }
0x38: {  	s10 =	sld [smem:$0x3FB7]  }
0x39: {  	_ = 	snop;
	(pc) =	sbr.ind lr, $3  }
0x3a: {  	_ = 	snop  }
0x3b: {  	_ = 	snop  }
0x3c: {  	p2 =	seq.s32 s10, $0x1;
	s10 =	sld [smem:$0x3FB6]  }
0x3d: {  	_ =	shalt  }
0x3e: {  	_ =	shalt  }
0x3f: {  	_ =	shalt  }
0x40: {  	_ =	shalt  }
0x41: {  	_ =	shalt  }
0x42: {  	_ =	shalt  }
0x43: {  	_ =	shalt  }
0x44: {  	_ =	shalt  }
0x45: {  	_ =	shalt  }
0x46: {  	_ =	shalt  }
0x47: {  	_ =	shalt  }
0x48: {  	_ =	shalt  }
0x49: {  	_ =	shalt  }
0x4a: {  	_ =	shalt  }
0x4b: {  	_ =	shalt  }
0x4c: {  	_ =	shalt  }
0x4d: {  	_ =	shalt  }
0x4e: {  	_ =	shalt  }
0x4f: {  	_ =	shalt  }
0x50: {  	_ =	shalt  }
0x51: {  	_ =	shalt  }
0x52: {  	_ =	shalt  }
0x53: {  	_ =	shalt  }
0x54: {  	_ =	shalt  }
0x55: {  	_ =	shalt  }
0x56: {  	_ =	shalt  }
0x57: {  	_ =	shalt  }
0x58: {  	_ =	shalt  }
0x59: {  	_ =	shalt  }
0x5a: {  	_ =	shalt  }
0x5b: {  	_ =	shalt  }
0x5c: {  	_ =	shalt  }
0x5d: {  	_ =	shalt  }
0x5e: {  	_ =	shalt  }
0x5f: {  	_ =	shalt  }
0x60: {  	_ =	shalt  }
0x61: {  	_ =	shalt  }
0x62: {  	_ =	shalt  }
0x63: {  	_ =	shalt  }
0x64: {  	_ =	shalt  }
0x65: {  	_ =	shalt  }
0x66: {  	_ =	shalt  }
0x67: {  	_ =	shalt  }
0x68: {  	_ =	shalt  }
0x69: {  	_ =	shalt  }
0x6a: {  	_ =	shalt  }
0x6b: {  	_ =	shalt  }
0x6c: {  	_ =	shalt  }
0x6d: {  	_ =	shalt  }
0x6e: {  	_ =	shalt  }
0x6f: {  	_ =	shalt  }
0x70: {  	_ =	shalt  }
0x71: {  	_ =	shalt  }
0x72: {  	_ =	shalt  }
0x73: {  	_ =	shalt  }
0x74: {  	_ =	shalt  }
0x75: {  	_ =	shalt  }
0x76: {  	_ =	shalt  }
0x77: {  	_ =	shalt  }
0x78: {  	_ =	shalt  }
0x79: {  	_ =	shalt  }
0x7a: {  	_ =	shalt  }
0x7b: {  	_ =	shalt  }
0x7c: {  	_ =	shalt  }
0x7d: {  	_ =	shalt  }
0x7e: {  	_ =	shalt  }
0x7f: {  	_ =	shalt  }
0x80: {  	_ =	shalt  }
0x81: {  	_ =	shalt  }
0x82: {  	_ =	shalt  }
0x83: {  	_ =	shalt  }
0x84: {  	_ =	shalt  }
0x85: {  	_ =	shalt  }
0x86: {  	_ =	shalt  }
0x87: {  	_ =	shalt  }
.Lfunc_end0:
.L_simem_size_0:
called_computation.1_lowered:
.L_overlay_start_0:
0x88: {  	s2 =	sld [smem:$0x3FD9]  }
0x89: {  	s3 =	sld [smem:$0x3FFE];
	_ =	sdelay $0x1  }
0x8a: {  	s1 =	srdreg.scid  }
0x8b: {  	s0 =	sand.u32 $0x1, s1  }
0x8c: {  	s17 =	sshll.u32 s0, $0xA;
	s2 =	sadd.s32 s3, s2  }
0x8d: {  	s2 =	sadd.s32 s2, s17  }
0x8e: {  	[smem:$0x3FC2] =	sst s2  }
0x8f: {  	_ = 	snop  }
0x90: {  	s2 =	sld [smem:$0x3FD0];
	(tm) =	ssettm $0x1  }
0x91: {  	s18 =	sld [smem:$0x3FFB];
	_ =	sdelay $0x3  }
0x92: {  	_ =	strace s18  }
0x93: {  	s3 =	sld [smem:$0x3FFC];
	_ =	sdelay $0x3  }
0x94: {  	_ =	strace s3  }
0x95: {  	s3 =	sld [smem:$0x3FFD];
	_ =	sdelay $0x3  }
0x96: {  	_ =	strace s3  }
0x97: {  	_ =	strace $0x8FFFFFFF  }
0x98: {  	s19 =	sld [smem:$0x3FDB];
	_ =	sdelay $0x1  }
0x99: {  	s4 =	simm.s32 $_scs_section_size  }
0x9a: {  	s5 =	simm.s32 $_size__tile_overlayer_lowered;
	s6 =	simm.s32 $_tile_overlayer_lowered  }
0x9b: {  	s22 =	simm.s32 $0x1BFF;
	s21 =	sshll.u32 s6, $0x1;
	s3 =	sadd.s32 s4, s19  }
0x9c: {  	s7 =	simm.s32 $0x0;
	s20 =	sshll.u32 s5, $0x1;
	s5 =	sadd.s32 s21, s3  }
0x9d: {  	[timem:s7], [sflag:s22] =	dma.local [hbm:s5], s20  }
0x9e: {  	_ =	swait.ge [sflag:s22], s20  }
0x9f: {  	s4 =	ssub.s32 $0x0, s20;
	[sflag:s22] =	ssyncset.done $0x0  }
0xa0: {  	[sflag:s22] =	ssyncadd.s32 s4;
	_ =	sdelay $0x1  }
0xa1: {  	s23 =	simm.s32 $0x1B8B  }
0xa2: {  	_ =	swait.ge [sflag:s23], $0x1  }
0xa3: {  	[sflag:s23] =	ssyncset.done $0x0  }
0xa4: {  	s25 =	simm.s32 $0x1B8E;
	s24 =	sld [smem:$0x3FFE];
	[sflag:s23] =	ssyncadd.s32 $0xFFFFFFFF  }
0xa5: {  	s26 =	simm.s32 $execute0_lowered;
	[smem:$0x3FD2] =	sst s25  }
0xa6: {  	s5 =	sshll.u32 s26, $0x1;
	_ =	strace $0x80000049;
	[dreg:$0x1] =	wrdreg $0xFFFFFFFF  }
0xa7: {  	s28 =	simm.s32 $_size_execute0_lowered;
	s3 =	sadd.s32 s3, s5;
	[dreg:$0x0] =	wrdreg $0x0  }
0xa8: {  	s5 =	sshll.u32 s28, $0x1;
	[dreg:$0x2] =	wrdreg s3  }
0xa9: {  	[dreg:$0x3] =	wrdreg s5  }
0xaa: {  	[dreg:$0x4] =	wrdreg $0xC0  }
0xab: {  	_ =	task [dreg:s7], $0x5FFFF  }
0xac: {  	[dreg:$0x1] =	wrdreg $0xFFFFFFFF  }
0xad: {  	[dreg:$0x0] =	wrdreg $0x60  }
0xae: {  	[dreg:$0x2] =	wrdreg s24  }
0xaf: {  	[dreg:$0x3] =	wrdreg s2  }
0xb0: {  	[dreg:$0x4] =	wrdreg $0x9  }
0xb1: {  	_ =	task.clear_ibuf [dreg:s7], $0x5FFFF;
	_ =	strace $0x90000049  }
0xb2: {  	s29 =	simm.s32 $0x9;
	_ =	strace $0x8000004B  }
0xb3: {  	_ =	swait.ge [sflag:s29], $0x1  }
0xb4: {  	[sflag:s29] =	ssyncadd.s32 $0xFFFFFFFF  }
0xb5: {  	_ =	strace $0x9000004B  }
0xb6: {  	_ =	sfence  }
0xb7: {  	s30 =	sld [smem:$0x0];
	_ =	sdelay $0x2  }
0xb8: {  	s31 =	sshll.u32 s1, $0xD;
	s1 =	sshrl.u32 s1, $0x2  }
0xb9: {  	s3 =	sand.u32 $0x4000, s31;
	s1 =	sadd.s32 s1, s30  }
0xba: {  	s0 =	sor.u32 s3, s0;
	s1 =	sshll.u32 s1, $0x11  }
0xbb: {  	s0 =	sor.u32 s1, s0  }
0xbc: {  	s0 =	sadd.s32 $0x8F2B, s0  }
0xbd: {  	[sflag:s0] =	ssyncadd.remote.s32 $0x1  }
0xbe: {  	_ =	sfence.sel $0xFFFF  }
0xbf: {  	[dreg:$0x0] =	wrdreg $0xFFFFFFFF;
	(pc) =	sbr.abs _section_cstart, $3  }
0xc0: {  	[dreg:$0x1] =	wrdreg $0xFFFFFFFF  }
0xc1: {  	_ =	task.clear_ibuf [dreg:s7], $0x2FFFF;
	_ =	strace $0x9FFFFFFF  }
0xc2: {  	(tm) =	ssettm $0x7FFFFFFF  }
0xc3: {  	_ =	shalt  }
tec
execute0_lowered:
.L_overlay_start_1:
0x0: {  	(tag) =	ssettag $0x1  }
0x1: {  	s0 =	srdreg.scid  }
0x2: {  	s6 =	stileid.u32;
	s5 =	rddreg [dreg:$0x0]  }
0x3: {  	s7 =	rddreg [dreg:$0x1];
	s2 =	simm.s32 $0x0;
	s4 =	simm.s32 $0x1  }
0x4: {  	s10 =	simm.s32 $0x3000;
	s11 =	simm.s32 $0x5;
	s13 =	simm.s32 $0x80  }
0x5: {  	s14 =	simm.s32 $0x1000;
	s15 =	simm.s32 $0x1800;
	s17 =	simm.s32 $0x2000  }
0x6: {  	s22 =	simm.s32 $0x3;
	s23 =	simm.s32 $0x280;
	s24 =	simm.s32 $0x4  }
0x7: {  	s28 =	simm.s32 $0x400;
	s29 =	simm.s32 $0x480;
	s30 =	simm.s32 $0x500  }
0x8: {  	s31 =	simm.s32 $0x580;
	s12 =	simm.s32 $0x0;
	s0 =	sand.u32 $0x1, s0  }
0x9: {  	s1 =	sshll.u32 s6, $0x1;
	[smem:$0x7FF] =	sst s2;
	s3 =	sadd.s32 $0x11000, s5  }
0xa: {  	s18 =	sadd.s32 $0x7200, s5;
	s1 =	sor.u32 s0, s1;
	p1 =	seq.s32 s0, $0x1  }
0xb: {  	_ =	strace $0x8000004A;
	s8 =	ssub.s32 $0x2, s0;
	p0 =	seq.s32 s1, $0x0  }
0xc: {  	[dreg:$0x3] =	wrdreg s18;
	s1 =	smul.u32 $0x2718, s1;
	p0 =	por !p0, !p1  }
0xd: {  	s21 =	sshll.u32 s0, $0x3;
	s0 =	simm.s32 $0x680;
	p0 =	por !p0, !p0  }
0xe: {  	s19 =	sshrl.u32 s8, $0x1;
	s1 =	sadd.s32 s1, s5;
	s4 =	simm.s32 @!p0 $0x0  }
0xf: {  	s25 =	sadd.s32 $0x8B400, s1;
	s1 =	simm.s32 $0x600;
	s6 =	ssub.s32 s6, s4  }
0x10: {  	s4 =	sadd.s32 $0x2200, s5;
	s5 =	ssub.s32 s8, s19;
	[dreg:$0x4] =	wrdreg s25  }
0x11: {  	s19 =	simm.s32 $0x2800;
	s25 =	simm.s32 $0x300;
	s9 =	smul.u32 $0x27100, s6  }
0x12: {  	s8 =	simm.s32 $0x780;
	s6 =	simm.s32 $0x1;
	s26 =	smax.u32 s5, $0x1  }
0x13: {  	v1 =	vlaneseq.u32;
	s5 =	simm.s32 $0x700;
	[dreg:$0x5] =	wrdreg s26;
	s20 =	sshrl.u32 s9, $0x3  }
0x14: {  	v1 =	vmul.u32 $0x10, v1;
	v0 =	vmov s21;
	s26 =	simm.s32 $0x380;
	s7 =	sadd.s32 s7, s20;
	s20 =	simm.s32 $0x2  }
.LBB2_1:
0x15: {  	[dreg:$0x6] =	wrdreg s12  }
0x16: {  	s9 =	rddreg [dreg:$0x3]  }
0x17: {  	[tilespmem:s10], [sflag:$0x5] =	stream.linear.gather [hbm4b:s9+s2], $0x138C0, $0x38;
	[tilespmem:$0x168C0] =	vst v63  }
0x18: {  	_ =	swait.ge [sflag:s11], $0x138C0  }
0x19: {  	[sflag:s11] =	ssyncset.done $0x0  }
0x1a: {  	s9 =	simm.s32 $0x0;
	[sflag:s11] =	ssyncadd.s32 $0xFFFEC740  }
.LBB2_2:
0x1b: {  	s12 =	sshll.u32 s9, $0x8  }
0x1c: {  	s16 =	sadd.s32 s3, s12  }
0x1d: {  	[tilespmem:s2], [sflag:$0x5] =	stream.linear.gather [hbm4b:s16+s2], $0x800, $0x38;
	[tilespmem:$0x168C0] =	vst v63  }
0x1e: {  	_ =	swait.ge [sflag:s11], $0x800  }
0x1f: {  	[sflag:s11] =	ssyncset.done $0x0  }
0x20: {  	s21 =	simm.s32 $0x800;
	s12 =	sadd.s32 s4, s12;
	[sflag:s11] =	ssyncadd.s32 $0xFFFFF800  }
0x21: {  	[tilespmem:s21], [sflag:$0x5] =	stream.linear.gather [hbm4b:s12+s2], $0x800, $0x38;
	[tilespmem:$0x168C0] =	vst v63  }
0x22: {  	_ =	swait.ge [sflag:s11], $0x800  }
0x23: {  	[sflag:s11] =	ssyncset.done $0x0  }
0x24: {  	[sflag:s11] =	ssyncadd.s32 $0xFFFFF800  }
0x25: {  	[tilespmem:s14], [sflag:$0x1] =	stream.indirect.gather [hbm4b:s7+s13], $0x10, s2, s13, $0xb8;
	[tilespmem:$0x168C0] =	vst v63  }
0x26: {  	_ = 	snop  }
0x27: {  	[tilespmem:s15], [sflag:$0x2] =	stream.indirect.gather [hbm4b:s7+s13], $0x10, s13, s13, $0xb8;
	[tilespmem:$0x168C0] =	vst v63  }
0x28: {  	s18 =	simm.s32 $0x100  }
0x29: {  	[tilespmem:s17], [sflag:$0x3] =	stream.indirect.gather [hbm4b:s7+s13], $0x10, s18, s13, $0xb8;
	[tilespmem:$0x168C0] =	vst v63  }
0x2a: {  	s21 =	simm.s32 $0x0;
	_ =	swait.ge [sflag:s6], $0x800  }
0x2b: {  	v2 =	vmov s21;
	[sflag:s6] =	ssyncset.done $0x0  }
0x2c: {  	s16 =	simm.s32 $0x180;
	v2 =	vshll.u32 v2, $0x4;
	s18 =	simm.s32 $0x810;
	[sflag:s6] =	ssyncadd.s32 $0xFFFFF800  }
0x2d: {  	v2 =	vor.u32 v1, v2;
	[tilespmem:s19], [sflag:$0x4] =	stream.indirect.gather [hbm4b:s7+s13], $0x10, s16, s13, $0xb8;
	[tilespmem:$0x168C0] =	vst v63  }
0x2e: {  	s21 =	simm.s32 $0x10;
	v4 =	vor.u32 v0, v2;
	v2 =	vld [tilespmem:s18+$0xFFFFFFF0]  }
0x2f: {  	v3 =	vmov s21  }
0x30: {  	v3 =	vshll.u32 v3, $0x4  }
0x31: {  	v3 =	vor.u32 v1, v3  }
0x32: {  	v5 =	vor.u32 v0, v3;
	v3 =	vld [tilespmem:s18+$0x0]  }
0x33: {  	v6 =	vld.idx.msk [tilespmem:v4+s14+$0x0], $0xffff;
	v7 =	vshll.u32 v2, $0x3  }
0x34: {  	v2 =	vor.u32 $0x1, v4;
	_ =	sdelay $0x2  }
0x35: {  	v8 =	vld.idx.msk [tilespmem:v5+s14+$0x0], $0xffff;
	v10 =	vshll.u32 v3, $0x3  }
0x36: {  	v3 =	vor.u32 $0x1, v5;
	[tilespmem:v7+s10+$0x0] =	vst.idx.add.f32.msk $0xffff, v6  }
0x37: {  	v6 =	vor.u32 $0x1, v7;
	v2 =	vld.idx.msk [tilespmem:v2+s14+$0x0], $0xffff  }
0x38: {  	v9 =	vor.u32 $0x2, v4;
	_ =	sdelay $0x1  }
0x39: {  	[tilespmem:v10+s10+$0x0] =	vst.idx.add.f32.msk $0xffff, v8  }
0x3a: {  	v8 =	vor.u32 $0x1, v10;
	v3 =	vld.idx.msk [tilespmem:v3+s14+$0x0], $0xffff  }
0x3b: {  	v11 =	vor.u32 $0x2, v5;
	[tilespmem:v6+s10+$0x0] =	vst.idx.add.f32.msk $0xffff, v2  }
0x3c: {  	v6 =	vor.u32 $0x2, v7;
	v2 =	vld.idx.msk [tilespmem:v9+s14+$0x0], $0xffff  }
0x3d: {  	v9 =	vor.u32 $0x3, v4;
	_ =	sdelay $0x1  }
0x3e: {  	[tilespmem:v8+s10+$0x0] =	vst.idx.add.f32.msk $0xffff, v3  }
0x3f: {  	v3 =	vor.u32 $0x2, v10;
	v8 =	vld.idx.msk [tilespmem:v11+s14+$0x0], $0xffff  }
0x40: {  	v11 =	vor.u32 $0x3, v5;
	[tilespmem:v6+s10+$0x0] =	vst.idx.add.f32.msk $0xffff, v2  }
0x41: {  	v6 =	vor.u32 $0x3, v7;
	v2 =	vld.idx.msk [tilespmem:v9+s14+$0x0], $0xffff;
	_ =	sdelay $0x1  }
0x42: {  	s18 =	simm.s32 $0x20;
	v9 =	vor.u32 $0x4, v4  }
0x43: {  	[tilespmem:v3+s10+$0x0] =	vst.idx.add.f32.msk $0xffff, v8;
	v3 =	vmov s18  }
0x44: {  	v8 =	vld.idx.msk [tilespmem:v11+s14+$0x0], $0xffff;
	v3 =	vshll.u32 v3, $0x4;
	v11 =	vor.u32 $0x3, v10  }
0x45: {  	s12 =	simm.s32 $0x830;
	s21 =	simm.s32 $0x30;
	v3 =	vor.u32 v1, v3;
	[tilespmem:v6+s10+$0x0] =	vst.idx.add.f32.msk $0xffff, v2  }
0x46: {  	v6 =	vmov s21;
	v2 =	vor.u32 v0, v3;
	v3 =	vld [tilespmem:s12+$0xFFFFFFF0]  }
0x47: {  	v12 =	vor.u32 $0x4, v7;
	v6 =	vshll.u32 v6, $0x4;
	v9 =	vld.idx.msk [tilespmem:v9+s14+$0x0], $0xffff  }
0x48: {  	v13 =	vor.u32 $0x5, v4;
	v6 =	vor.u32 v1, v6  }
0x49: {  	[tilespmem:v11+s10+$0x0] =	vst.idx.add.f32.msk $0xffff, v8;
	v14 =	vor.u32 v0, v6  }
0x4a: {  	v15 =	vor.u32 $0x4, v5;
	v6 =	vld [tilespmem:s12+$0x0]  }
0x4b: {  	v8 =	vld.idx.msk [tilespmem:v2+s14+$0x0], $0xffff;
	v3 =	vshll.u32 v3, $0x3  }
0x4c: {  	[tilespmem:v12+s10+$0x0] =	vst.idx.add.f32.msk $0xffff, v9;
	v9 =	vor.u32 $0x1, v2  }
0x4d: {  	v12 =	vor.u32 $0x5, v7;
	v11 =	vld.idx.msk [tilespmem:v13+s14+$0x0], $0xffff  }
0x4e: {  	v16 =	vor.u32 $0x6, v4;
	v13 =	vld.idx.msk [tilespmem:v14+s14+$0x0], $0xffff  }
0x4f: {  	v21 =	vshll.u32 v6, $0x3;
	v6 =	vld.idx.msk [tilespmem:v15+s14+$0x0], $0xffff  }
0x50: {  	v15 =	vor.u32 $0x1, v14;
	[tilespmem:v3+s10+$0x0] =	vst.idx.add.f32.msk $0xffff, v8  }
0x51: {  	v8 =	vor.u32 $0x4, v10;
	v9 =	vld.idx.msk [tilespmem:v9+s14+$0x0], $0xffff  }
0x52: {  	v17 =	vor.u32 $0x1, v3;
	[tilespmem:v12+s10+$0x0] =	vst.idx.add.f32.msk $0xffff, v11  }
0x53: {  	v11 =	vor.u32 $0x2, v2;
	v12 =	vld.idx.msk [tilespmem:v16+s14+$0x0], $0xffff  }
0x54: {  	[tilespmem:v21+s10+$0x0] =	vst.idx.add.f32.msk $0xffff, v13;
	v13 =	vor.u32 $0x6, v7  }
0x55: {  	v4 =	vor.u32 $0x7, v4;
	v15 =	vld.idx.msk [tilespmem:v15+s14+$0x0], $0xffff  }
0x56: {  	v16 =	vor.u32 $0x1, v21;
	[tilespmem:v8+s10+$0x0] =	vst.idx.add.f32.msk $0xffff, v6  }
0x57: {  	v6 =	vor.u32 $0x2, v14;
	[tilespmem:v17+s10+$0x0] =	vst.idx.add.f32.msk $0xffff, v9  }
0x58: {  	v8 =	vor.u32 $0x5, v5;
	v11 =	vld.idx.msk [tilespmem:v11+s14+$0x0], $0xffff  }
0x59: {  	v18 =	vor.u32 $0x2, v3;
	[tilespmem:v13+s10+$0x0] =	vst.idx.add.f32.msk $0xffff, v12  }
0x5a: {  	v20 =	vor.u32 $0x3, v2;
	v22 =	vld.idx.msk [tilespmem:v4+s14+$0x0], $0xffff  }
0x5b: {  	v23 =	vor.u32 $0x7, v7;
	v24 =	vor.u32 $0x2, v21;
	[tilespmem:v16+s10+$0x0] =	vst.idx.add.f32.msk $0xffff, v15  }
0x5c: {  	v7 =	vor.u32 $0x6, v5;
	v9 =	vor.u32 $0x5, v10;
	v17 =	vor.u32 $0x3, v14;
	v25 =	vld.idx.msk [tilespmem:v6+s14+$0x0], $0xffff  }
0x5d: {  	v13 =	vor.u32 $0x4, v14;
	v12 =	vor.u32 $0x5, v14;
	v4 =	vor.u32 $0x7, v10;
	v19 =	vld.idx.msk [tilespmem:v8+s14+$0x0], $0xffff  }
0x5e: {  	v15 =	vor.u32 $0x6, v14;
	v16 =	vor.u32 $0x3, v21;
	v6 =	vor.u32 $0x6, v10;
	[tilespmem:v18+s10+$0x0] =	vst.idx.add.f32.msk $0xffff, v11  }
0x5f: {  	v8 =	vor.u32 $0x7, v14;
	v14 =	vor.u32 $0x4, v21;
	v10 =	vor.u32 $0x7, v21;
	v20 =	vld.idx.msk [tilespmem:v20+s14+$0x0], $0xffff  }
0x60: {  	v18 =	vor.u32 $0x5, v21;
	v11 =	vor.u32 $0x6, v21;
	v21 =	vor.u32 $0x3, v3;
	[tilespmem:v23+s10+$0x0] =	vst.idx.add.f32.msk $0xffff, v22  }
0x61: {  	s16 =	simm.s32 $0x2;
	s18 =	simm.s32 $0x50;
	v5 =	vor.u32 $0x7, v5;
	v22 =	vor.u32 $0x4, v2;
	[tilespmem:v24+s10+$0x0] =	vst.idx.add.f32.msk $0xffff, v25  }
.LBB2_3:
0x62: {  	s21 =	sadd.s32 $0xFFFFFFF0, s18;
	v23 =	vmov s18;
	v24 =	vld.idx.msk [tilespmem:v17+s14+$0x0], $0xffff  }
0x63: {  	s16 =	sadd.s32 $0x2, s16;
	v17 =	vmov s21;
	v23 =	vshll.u32 v23, $0x4;
	[tilespmem:v9+s10+$0x0] =	vst.idx.add.f32.msk $0xffff, v19;
	v9 =	vmov v18  }
0x64: {  	p0 =	slt.u32 s16, $0x6;
	v17 =	vshll.u32 v17, $0x4;
	v18 =	vor.u32 v1, v23;
	v19 =	vld.idx.msk [tilespmem:v7+s14+$0x0], $0xffff;
	v7 =	vmov v15  }
0x65: {  	v15 =	vor.u32 v1, v17;
	v18 =	vor.u32 v0, v18;
	[tilespmem:v21+s10+$0x0] =	vst.idx.add.f32.msk $0xffff, v20  }
0x66: {  	s12 =	sadd.s32 $0x20, s12;
	v20 =	vor.u32 v0, v15;
	v21 =	vor.u32 $0x1, v18;
	v23 =	vor.u32 $0x2, v18;
	v22 =	vld.idx.msk [tilespmem:v22+s14+$0x0], $0xffff  }
0x67: {  	v27 =	vor.u32 $0x4, v3;
	v17 =	vor.u32 $0x3, v18;
	v26 =	vor.u32 $0x4, v18;
	v25 =	vld [tilespmem:s12+$0xFFFFFFF0]  }
0x68: {  	v30 =	vor.u32 $0x5, v2;
	v29 =	vor.u32 $0x5, v18;
	v15 =	vor.u32 $0x6, v18;
	v28 =	vld [tilespmem:s12+$0x0]  }
0x69: {  	v31 =	vor.u32 $0x7, v18;
	[tilespmem:v16+s10+$0x0] =	vst.idx.add.f32.msk $0xffff, v24  }
0x6a: {  	v24 =	vld.idx.msk [tilespmem:v18+s14+$0x0], $0xffff  }
0x6b: {  	v32 =	vld.idx.msk [tilespmem:v20+s14+$0x0], $0xffff  }
0x6c: {  	v25 =	vshll.u32 v25, $0x3;
	[tilespmem:v27+s10+$0x0] =	vst.idx.add.f32.msk $0xffff, v22  }
0x6d: {  	v22 =	vor.u32 $0x1, v20;
	v27 =	vshll.u32 v28, $0x3;
	v28 =	vld.idx.msk [tilespmem:v30+s14+$0x0], $0xffff  }
0x6e: {  	v34 =	vor.u32 $0x5, v3;
	v30 =	vor.u32 $0x1, v27;
	v33 =	vor.u32 $0x2, v27;
	v35 =	vld.idx.msk [tilespmem:v13+s14+$0x0], $0xffff;
	v13 =	vmovc v26  }
0x6f: {  	v36 =	vor.u32 $0x6, v2;
	v16 =	vor.u32 $0x3, v27;
	v26 =	vor.u32 $0x4, v27;
	[tilespmem:v6+s10+$0x0] =	vst.idx.add.f32.msk $0xffff, v19;
	v6 =	vmovc v11  }
0x70: {  	v18 =	vor.u32 $0x5, v27;
	v37 =	vor.u32 $0x7, v27;
	v11 =	vor.u32 $0x6, v27;
	v38 =	vld.idx.msk [tilespmem:v5+s14+$0x0], $0xffff;
	v5 =	vmovc v8;
	v8 =	vmovc v31  }
0x71: {  	[tilespmem:v25+s10+$0x0] =	vst.idx.add.f32.msk $0xffff, v32  }
0x72: {  	v19 =	vld.idx.msk [tilespmem:v22+s14+$0x0], $0xffff  }
0x73: {  	v22 =	vor.u32 $0x1, v25;
	[tilespmem:v34+s10+$0x0] =	vst.idx.add.f32.msk $0xffff, v28  }
0x74: {  	v28 =	vor.u32 $0x2, v20;
	v31 =	vld.idx.msk [tilespmem:v36+s14+$0x0], $0xffff  }
0x75: {  	[tilespmem:v27+s10+$0x0] =	vst.idx.add.f32.msk $0xffff, v24;
	v24 =	vor.u32 $0x6, v3  }
0x76: {  	v27 =	vor.u32 $0x7, v2;
	v2 =	vmov v20;
	v21 =	vld.idx.msk [tilespmem:v21+s14+$0x0], $0xffff  }
0x77: {  	[tilespmem:v14+s10+$0x0] =	vst.idx.add.f32.msk $0xffff, v35;
	v14 =	vmov v26  }
0x78: {  	[tilespmem:v22+s10+$0x0] =	vst.idx.add.f32.msk $0xffff, v19  }
0x79: {  	v20 =	vld.idx.msk [tilespmem:v28+s14+$0x0], $0xffff  }
0x7a: {  	v22 =	vor.u32 $0x2, v25;
	[tilespmem:v24+s10+$0x0] =	vst.idx.add.f32.msk $0xffff, v31  }
0x7b: {  	v24 =	vor.u32 $0x3, v2;
	v26 =	vld.idx.msk [tilespmem:v27+s14+$0x0], $0xffff  }
0x7c: {  	[tilespmem:v30+s10+$0x0] =	vst.idx.add.f32.msk $0xffff, v21;
	v21 =	vor.u32 $0x7, v3;
	v3 =	vmov v25  }
0x7d: {  	v23 =	vld.idx.msk [tilespmem:v23+s14+$0x0], $0xffff  }
0x7e: {  	v19 =	vld.idx.msk [tilespmem:v12+s14+$0x0], $0xffff;
	v12 =	vmov v29  }
.Ltmp0:
0x7f: {  	[tilespmem:v22+s10+$0x0] =	vst.idx.add.f32.msk $0xffff, v20;
	(pc) =	sbr.rel @p0 .LBB2_3-.Ltmp0, $4  }
0x80: {  	v20 =	vld.idx.msk [tilespmem:v24+s14+$0x0], $0xffff  }
0x81: {  	[tilespmem:v21+s10+$0x0] =	vst.idx.add.f32.msk $0xffff, v26  }
0x82: {  	v21 =	vor.u32 $0x3, v3;
	[tilespmem:v4+s10+$0x0] =	vst.idx.add.f32.msk $0xffff, v38;
	v4 =	vmov v10;
	v10 =	vmov v37  }
0x83: {  	s18 =	sadd.s32 $0x20, s18;
	v22 =	vor.u32 $0x4, v2;
	[tilespmem:v33+s10+$0x0] =	vst.idx.add.f32.msk $0xffff, v23  }
0x84: {  	_ =	sdelay $0x3  }
0x85: {  	v17 =	vld.idx.msk [tilespmem:v17+s14+$0x0], $0xffff;
	_ =	sdelay $0x2  }
0x86: {  	[tilespmem:v21+s10+$0x0] =	vst.idx.add.f32.msk $0xffff, v20  }
0x87: {  	v21 =	vor.u32 $0x4, v3;
	v20 =	vld.idx.msk [tilespmem:v22+s14+$0x0], $0xffff  }
0x88: {  	v22 =	vor.u32 $0x5, v2;
	[tilespmem:v16+s10+$0x0] =	vst.idx.add.f32.msk $0xffff, v17  }
0x89: {  	v13 =	vld.idx.msk [tilespmem:v13+s14+$0x0], $0xffff;
	_ =	sdelay $0x2  }
0x8a: {  	[tilespmem:v21+s10+$0x0] =	vst.idx.add.f32.msk $0xffff, v20  }
0x8b: {  	v17 =	vor.u32 $0x5, v3;
	v16 =	vld.idx.msk [tilespmem:v22+s14+$0x0], $0xffff  }
0x8c: {  	v20 =	vor.u32 $0x6, v2;
	[tilespmem:v14+s10+$0x0] =	vst.idx.add.f32.msk $0xffff, v13  }
0x8d: {  	v12 =	vld.idx.msk [tilespmem:v12+s14+$0x0], $0xffff  }
0x8e: {  	[tilespmem:v9+s10+$0x0] =	vst.idx.add.f32.msk $0xffff, v19  }
0x8f: {  	v7 =	vld.idx.msk [tilespmem:v7+s14+$0x0], $0xffff  }
0x90: {  	[tilespmem:v17+s10+$0x0] =	vst.idx.add.f32.msk $0xffff, v16  }
0x91: {  	v13 =	vor.u32 $0x6, v3;
	v9 =	vld.idx.msk [tilespmem:v20+s14+$0x0], $0xffff  }
0x92: {  	v2 =	vor.u32 $0x7, v2;
	[tilespmem:v18+s10+$0x0] =	vst.idx.add.f32.msk $0xffff, v12  }
0x93: {  	v12 =	vld.idx.msk [tilespmem:v15+s14+$0x0], $0xffff  }
0x94: {  	[tilespmem:v6+s10+$0x0] =	vst.idx.add.f32.msk $0xffff, v7  }
0x95: {  	v5 =	vld.idx.msk [tilespmem:v5+s14+$0x0], $0xffff  }
0x96: {  	[tilespmem:v13+s10+$0x0] =	vst.idx.add.f32.msk $0xffff, v9  }
0x97: {  	v2 =	vld.idx.msk [tilespmem:v2+s14+$0x0], $0xffff  }
0x98: {  	v3 =	vor.u32 $0x7, v3;
	[tilespmem:v11+s10+$0x0] =	vst.idx.add.f32.msk $0xffff, v12  }
0x99: {  	v6 =	vld.idx.msk [tilespmem:v8+s14+$0x0], $0xffff;
	_ =	sdelay $0x2  }
0x9a: {  	[tilespmem:v4+s10+$0x0] =	vst.idx.add.f32.msk $0xffff, v5  }
0x9b: {  	[tilespmem:v3+s10+$0x0] =	vst.idx.add.f32.msk $0xffff, v2  }
0x9c: {  	[tilespmem:v10+s10+$0x0] =	vst.idx.add.f32.msk $0xffff, v6  }
0x9d: {  	s12 =	simm.s32 $0x0;
	_ =	swait.ge [sflag:s20], $0x800  }
0x9e: {  	v2 =	vmov s12;
	[sflag:s20] =	ssyncset.done $0x0  }
0x9f: {  	s18 =	simm.s32 $0x200;
	s21 =	simm.s32 $0x890;
	v2 =	vshll.u32 v2, $0x4;
	[sflag:s20] =	ssyncadd.s32 $0xFFFFF800  }
0xa0: {  	v2 =	vor.u32 v1, v2;
	[tilespmem:s14], [sflag:$0x1] =	stream.indirect.gather [hbm4b:s7+s13], $0x10, s18, s13, $0xb8;
	[tilespmem:$0x168C0] =	vst v63  }
0xa1: {  	s16 =	simm.s32 $0x10;
	v4 =	vor.u32 v0, v2;
	v2 =	vld [tilespmem:s21+$0xFFFFFFF0]  }
0xa2: {  	v3 =	vmov s16  }
0xa3: {  	v3 =	vshll.u32 v3, $0x4  }
0xa4: {  	v3 =	vor.u32 v1, v3  }
0xa5: {  	v5 =	vor.u32 v0, v3;
	v3 =	vld [tilespmem:s21+$0x0]  }
0xa6: {  	v6 =	vld.idx.msk [tilespmem:v4+s15+$0x0], $0xffff;
	v7 =	vshll.u32 v2, $0x3  }
0xa7: {  	v2 =	vor.u32 $0x1, v4;
	_ =	sdelay $0x2  }
0xa8: {  	v8 =	vld.idx.msk [tilespmem:v5+s15+$0x0], $0xffff;
	v10 =	vshll.u32 v3, $0x3  }
0xa9: {  	v3 =	vor.u32 $0x1, v5;
	[tilespmem:v7+s10+$0x0] =	vst.idx.add.f32.msk $0xffff, v6  }
0xaa: {  	v6 =	vor.u32 $0x1, v7;
	v2 =	vld.idx.msk [tilespmem:v2+s15+$0x0], $0xffff  }
0xab: {  	v9 =	vor.u32 $0x2, v4;
	_ =	sdelay $0x1  }
0xac: {  	[tilespmem:v10+s10+$0x0] =	vst.idx.add.f32.msk $0xffff, v8  }
0xad: {  	v8 =	vor.u32 $0x1, v10;
	v3 =	vld.idx.msk [tilespmem:v3+s15+$0x0], $0xffff  }
0xae: {  	v11 =	vor.u32 $0x2, v5;
	[tilespmem:v6+s10+$0x0] =	vst.idx.add.f32.msk $0xffff, v2  }
0xaf: {  	v6 =	vor.u32 $0x2, v7;
	v2 =	vld.idx.msk [tilespmem:v9+s15+$0x0], $0xffff  }
0xb0: {  	v9 =	vor.u32 $0x3, v4;
	_ =	sdelay $0x1  }
0xb1: {  	[tilespmem:v8+s10+$0x0] =	vst.idx.add.f32.msk $0xffff, v3  }
0xb2: {  	v3 =	vor.u32 $0x2, v10;
	v8 =	vld.idx.msk [tilespmem:v11+s15+$0x0], $0xffff  }
0xb3: {  	v11 =	vor.u32 $0x3, v5;
	[tilespmem:v6+s10+$0x0] =	vst.idx.add.f32.msk $0xffff, v2  }
0xb4: {  	v6 =	vor.u32 $0x3, v7;
	v2 =	vld.idx.msk [tilespmem:v9+s15+$0x0], $0xffff;
	_ =	sdelay $0x1  }
0xb5: {  	s18 =	simm.s32 $0x20;
	v9 =	vor.u32 $0x4, v4  }
0xb6: {  	[tilespmem:v3+s10+$0x0] =	vst.idx.add.f32.msk $0xffff, v8;
	v3 =	vmov s18  }
0xb7: {  	v8 =	vld.idx.msk [tilespmem:v11+s15+$0x0], $0xffff;
	v3 =	vshll.u32 v3, $0x4;
	v11 =	vor.u32 $0x3, v10  }
0xb8: {  	s12 =	simm.s32 $0x8B0;
	s21 =	simm.s32 $0x30;
	v3 =	vor.u32 v1, v3;
	[tilespmem:v6+s10+$0x0] =	vst.idx.add.f32.msk $0xffff, v2  }
0xb9: {  	v6 =	vmov s21;
	v2 =	vor.u32 v0, v3;
	v3 =	vld [tilespmem:s12+$0xFFFFFFF0]  }
0xba: {  	v12 =	vor.u32 $0x4, v7;
	v6 =	vshll.u32 v6, $0x4;
	v9 =	vld.idx.msk [tilespmem:v9+s15+$0x0], $0xffff  }
0xbb: {  	v13 =	vor.u32 $0x5, v4;
	v6 =	vor.u32 v1, v6  }
0xbc: {  	[tilespmem:v11+s10+$0x0] =	vst.idx.add.f32.msk $0xffff, v8;
	v14 =	vor.u32 v0, v6  }
0xbd: {  	v15 =	vor.u32 $0x4, v5;
	v6 =	vld [tilespmem:s12+$0x0]  }
0xbe: {  	v8 =	vld.idx.msk [tilespmem:v2+s15+$0x0], $0xffff;
	v3 =	vshll.u32 v3, $0x3  }
0xbf: {  	[tilespmem:v12+s10+$0x0] =	vst.idx.add.f32.msk $0xffff, v9;
	v9 =	vor.u32 $0x1, v2  }
0xc0: {  	v12 =	vor.u32 $0x5, v7;
	v11 =	vld.idx.msk [tilespmem:v13+s15+$0x0], $0xffff  }
0xc1: {  	v16 =	vor.u32 $0x6, v4;
	v13 =	vld.idx.msk [tilespmem:v14+s15+$0x0], $0xffff  }
0xc2: {  	v21 =	vshll.u32 v6, $0x3;
	v6 =	vld.idx.msk [tilespmem:v15+s15+$0x0], $0xffff  }
0xc3: {  	v15 =	vor.u32 $0x1, v14;
	[tilespmem:v3+s10+$0x0] =	vst.idx.add.f32.msk $0xffff, v8  }
0xc4: {  	v8 =	vor.u32 $0x4, v10;
	v9 =	vld.idx.msk [tilespmem:v9+s15+$0x0], $0xffff  }
0xc5: {  	v17 =	vor.u32 $0x1, v3;
	[tilespmem:v12+s10+$0x0] =	vst.idx.add.f32.msk $0xffff, v11  }
0xc6: {  	v11 =	vor.u32 $0x2, v2;
	v12 =	vld.idx.msk [tilespmem:v16+s15+$0x0], $0xffff  }
0xc7: {  	[tilespmem:v21+s10+$0x0] =	vst.idx.add.f32.msk $0xffff, v13;
	v13 =	vor.u32 $0x6, v7  }
0xc8: {  	v4 =	vor.u32 $0x7, v4;
	v15 =	vld.idx.msk [tilespmem:v15+s15+$0x0], $0xffff  }
0xc9: {  	v16 =	vor.u32 $0x1, v21;
	[tilespmem:v8+s10+$0x0] =	vst.idx.add.f32.msk $0xffff, v6  }
0xca: {  	v6 =	vor.u32 $0x2, v14;
	[tilespmem:v17+s10+$0x0] =	vst.idx.add.f32.msk $0xffff, v9  }
0xcb: {  	v8 =	vor.u32 $0x5, v5;
	v11 =	vld.idx.msk [tilespmem:v11+s15+$0x0], $0xffff  }
0xcc: {  	v18 =	vor.u32 $0x2, v3;
	[tilespmem:v13+s10+$0x0] =	vst.idx.add.f32.msk $0xffff, v12  }
0xcd: {  	v20 =	vor.u32 $0x3, v2;
	v22 =	vld.idx.msk [tilespmem:v4+s15+$0x0], $0xffff  }
0xce: {  	v23 =	vor.u32 $0x7, v7;
	v24 =	vor.u32 $0x2, v21;
	[tilespmem:v16+s10+$0x0] =	vst.idx.add.f32.msk $0xffff, v15  }
0xcf: {  	v7 =	vor.u32 $0x6, v5;
	v9 =	vor.u32 $0x5, v10;
	v17 =	vor.u32 $0x3, v14;
	v25 =	vld.idx.msk [tilespmem:v6+s15+$0x0], $0xffff  }
0xd0: {  	v13 =	vor.u32 $0x4, v14;
	v12 =	vor.u32 $0x5, v14;
	v4 =	vor.u32 $0x7, v10;
	v19 =	vld.idx.msk [tilespmem:v8+s15+$0x0], $0xffff  }
0xd1: {  	v15 =	vor.u32 $0x6, v14;
	v16 =	vor.u32 $0x3, v21;
	v6 =	vor.u32 $0x6, v10;
	[tilespmem:v18+s10+$0x0] =	vst.idx.add.f32.msk $0xffff, v11  }
0xd2: {  	v8 =	vor.u32 $0x7, v14;
	v14 =	vor.u32 $0x4, v21;
	v10 =	vor.u32 $0x7, v21;
	v20 =	vld.idx.msk [tilespmem:v20+s15+$0x0], $0xffff  }
0xd3: {  	v18 =	vor.u32 $0x5, v21;
	v11 =	vor.u32 $0x6, v21;
	v21 =	vor.u32 $0x3, v3;
	[tilespmem:v23+s10+$0x0] =	vst.idx.add.f32.msk $0xffff, v22  }
0xd4: {  	s16 =	simm.s32 $0x2;
	s18 =	simm.s32 $0x50;
	v5 =	vor.u32 $0x7, v5;
	v22 =	vor.u32 $0x4, v2;
	[tilespmem:v24+s10+$0x0] =	vst.idx.add.f32.msk $0xffff, v25  }
.LBB2_5:
0xd5: {  	s21 =	sadd.s32 $0xFFFFFFF0, s18;
	v23 =	vmov s18;
	v24 =	vld.idx.msk [tilespmem:v17+s15+$0x0], $0xffff  }
0xd6: {  	s16 =	sadd.s32 $0x2, s16;
	v17 =	vmov s21;
	v23 =	vshll.u32 v23, $0x4;
	[tilespmem:v9+s10+$0x0] =	vst.idx.add.f32.msk $0xffff, v19;
	v9 =	vmov v18  }
0xd7: {  	p0 =	slt.u32 s16, $0x6;
	v17 =	vshll.u32 v17, $0x4;
	v18 =	vor.u32 v1, v23;
	v19 =	vld.idx.msk [tilespmem:v7+s15+$0x0], $0xffff;
	v7 =	vmov v15  }
0xd8: {  	v15 =	vor.u32 v1, v17;
	v18 =	vor.u32 v0, v18;
	[tilespmem:v21+s10+$0x0] =	vst.idx.add.f32.msk $0xffff, v20  }
0xd9: {  	s12 =	sadd.s32 $0x20, s12;
	v20 =	vor.u32 v0, v15;
	v21 =	vor.u32 $0x1, v18;
	v23 =	vor.u32 $0x2, v18;
	v22 =	vld.idx.msk [tilespmem:v22+s15+$0x0], $0xffff  }
0xda: {  	v27 =	vor.u32 $0x4, v3;
	v17 =	vor.u32 $0x3, v18;
	v26 =	vor.u32 $0x4, v18;
	v25 =	vld [tilespmem:s12+$0xFFFFFFF0]  }
0xdb: {  	v30 =	vor.u32 $0x5, v2;
	v29 =	vor.u32 $0x5, v18;
	v15 =	vor.u32 $0x6, v18;
	v28 =	vld [tilespmem:s12+$0x0]  }
0xdc: {  	v31 =	vor.u32 $0x7, v18;
	[tilespmem:v16+s10+$0x0] =	vst.idx.add.f32.msk $0xffff, v24  }
0xdd: {  	v24 =	vld.idx.msk [tilespmem:v18+s15+$0x0], $0xffff  }
0xde: {  	v32 =	vld.idx.msk [tilespmem:v20+s15+$0x0], $0xffff  }
0xdf: {  	v25 =	vshll.u32 v25, $0x3;
	[tilespmem:v27+s10+$0x0] =	vst.idx.add.f32.msk $0xffff, v22  }
0xe0: {  	v22 =	vor.u32 $0x1, v20;
	v27 =	vshll.u32 v28, $0x3;
	v28 =	vld.idx.msk [tilespmem:v30+s15+$0x0], $0xffff  }
0xe1: {  	v34 =	vor.u32 $0x5, v3;
	v30 =	vor.u32 $0x1, v27;
	v33 =	vor.u32 $0x2, v27;
	v35 =	vld.idx.msk [tilespmem:v13+s15+$0x0], $0xffff;
	v13 =	vmovc v26  }
0xe2: {  	v36 =	vor.u32 $0x6, v2;
	v16 =	vor.u32 $0x3, v27;
	v26 =	vor.u32 $0x4, v27;
	[tilespmem:v6+s10+$0x0] =	vst.idx.add.f32.msk $0xffff, v19;
	v6 =	vmovc v11  }
0xe3: {  	v18 =	vor.u32 $0x5, v27;
	v37 =	vor.u32 $0x7, v27;
	v11 =	vor.u32 $0x6, v27;
	v38 =	vld.idx.msk [tilespmem:v5+s15+$0x0], $0xffff;
	v5 =	vmovc v8;
	v8 =	vmovc v31  }
0xe4: {  	[tilespmem:v25+s10+$0x0] =	vst.idx.add.f32.msk $0xffff, v32  }
0xe5: {  	v19 =	vld.idx.msk [tilespmem:v22+s15+$0x0], $0xffff  }
0xe6: {  	v22 =	vor.u32 $0x1, v25;
	[tilespmem:v34+s10+$0x0] =	vst.idx.add.f32.msk $0xffff, v28  }
0xe7: {  	v28 =	vor.u32 $0x2, v20;
	v31 =	vld.idx.msk [tilespmem:v36+s15+$0x0], $0xffff  }
0xe8: {  	[tilespmem:v27+s10+$0x0] =	vst.idx.add.f32.msk $0xffff, v24;
	v24 =	vor.u32 $0x6, v3  }
0xe9: {  	v27 =	vor.u32 $0x7, v2;
	v2 =	vmov v20;
	v21 =	vld.idx.msk [tilespmem:v21+s15+$0x0], $0xffff  }
0xea: {  	[tilespmem:v14+s10+$0x0] =	vst.idx.add.f32.msk $0xffff, v35;
	v14 =	vmov v26  }
0xeb: {  	[tilespmem:v22+s10+$0x0] =	vst.idx.add.f32.msk $0xffff, v19  }
0xec: {  	v20 =	vld.idx.msk [tilespmem:v28+s15+$0x0], $0xffff  }
0xed: {  	v22 =	vor.u32 $0x2, v25;
	[tilespmem:v24+s10+$0x0] =	vst.idx.add.f32.msk $0xffff, v31  }
0xee: {  	v24 =	vor.u32 $0x3, v2;
	v26 =	vld.idx.msk [tilespmem:v27+s15+$0x0], $0xffff  }
0xef: {  	[tilespmem:v30+s10+$0x0] =	vst.idx.add.f32.msk $0xffff, v21;
	v21 =	vor.u32 $0x7, v3;
	v3 =	vmov v25  }
0xf0: {  	v23 =	vld.idx.msk [tilespmem:v23+s15+$0x0], $0xffff  }
0xf1: {  	v19 =	vld.idx.msk [tilespmem:v12+s15+$0x0], $0xffff;
	v12 =	vmov v29  }
.Ltmp1:
0xf2: {  	[tilespmem:v22+s10+$0x0] =	vst.idx.add.f32.msk $0xffff, v20;
	(pc) =	sbr.rel @p0 .LBB2_5-.Ltmp1, $4  }
0xf3: {  	v20 =	vld.idx.msk [tilespmem:v24+s15+$0x0], $0xffff  }
0xf4: {  	[tilespmem:v21+s10+$0x0] =	vst.idx.add.f32.msk $0xffff, v26  }
0xf5: {  	v21 =	vor.u32 $0x3, v3;
	[tilespmem:v4+s10+$0x0] =	vst.idx.add.f32.msk $0xffff, v38;
	v4 =	vmov v10;
	v10 =	vmov v37  }
0xf6: {  	s18 =	sadd.s32 $0x20, s18;
	v22 =	vor.u32 $0x4, v2;
	[tilespmem:v33+s10+$0x0] =	vst.idx.add.f32.msk $0xffff, v23  }
0xf7: {  	_ =	sdelay $0x3  }
0xf8: {  	v17 =	vld.idx.msk [tilespmem:v17+s15+$0x0], $0xffff;
	_ =	sdelay $0x2  }
0xf9: {  	[tilespmem:v21+s10+$0x0] =	vst.idx.add.f32.msk $0xffff, v20  }
0xfa: {  	v21 =	vor.u32 $0x4, v3;
	v20 =	vld.idx.msk [tilespmem:v22+s15+$0x0], $0xffff  }
0xfb: {  	v22 =	vor.u32 $0x5, v2;
	[tilespmem:v16+s10+$0x0] =	vst.idx.add.f32.msk $0xffff, v17  }
0xfc: {  	v13 =	vld.idx.msk [tilespmem:v13+s15+$0x0], $0xffff;
	_ =	sdelay $0x2  }
0xfd: {  	[tilespmem:v21+s10+$0x0] =	vst.idx.add.f32.msk $0xffff, v20  }
0xfe: {  	v17 =	vor.u32 $0x5, v3;
	v16 =	vld.idx.msk [tilespmem:v22+s15+$0x0], $0xffff  }
0xff: {  	v20 =	vor.u32 $0x6, v2;
	[tilespmem:v14+s10+$0x0] =	vst.idx.add.f32.msk $0xffff, v13  }
0x100: {  	v12 =	vld.idx.msk [tilespmem:v12+s15+$0x0], $0xffff  }
0x101: {  	[tilespmem:v9+s10+$0x0] =	vst.idx.add.f32.msk $0xffff, v19  }
0x102: {  	v7 =	vld.idx.msk [tilespmem:v7+s15+$0x0], $0xffff  }
0x103: {  	[tilespmem:v17+s10+$0x0] =	vst.idx.add.f32.msk $0xffff, v16  }
0x104: {  	v13 =	vor.u32 $0x6, v3;
	v9 =	vld.idx.msk [tilespmem:v20+s15+$0x0], $0xffff  }
0x105: {  	v2 =	vor.u32 $0x7, v2;
	[tilespmem:v18+s10+$0x0] =	vst.idx.add.f32.msk $0xffff, v12  }
0x106: {  	v12 =	vld.idx.msk [tilespmem:v15+s15+$0x0], $0xffff  }
0x107: {  	[tilespmem:v6+s10+$0x0] =	vst.idx.add.f32.msk $0xffff, v7  }
0x108: {  	v5 =	vld.idx.msk [tilespmem:v5+s15+$0x0], $0xffff  }
0x109: {  	[tilespmem:v13+s10+$0x0] =	vst.idx.add.f32.msk $0xffff, v9  }
0x10a: {  	v2 =	vld.idx.msk [tilespmem:v2+s15+$0x0], $0xffff  }
0x10b: {  	v3 =	vor.u32 $0x7, v3;
	[tilespmem:v11+s10+$0x0] =	vst.idx.add.f32.msk $0xffff, v12  }
0x10c: {  	v6 =	vld.idx.msk [tilespmem:v8+s15+$0x0], $0xffff;
	_ =	sdelay $0x2  }
0x10d: {  	[tilespmem:v4+s10+$0x0] =	vst.idx.add.f32.msk $0xffff, v5  }
0x10e: {  	[tilespmem:v3+s10+$0x0] =	vst.idx.add.f32.msk $0xffff, v2  }
0x10f: {  	[tilespmem:v10+s10+$0x0] =	vst.idx.add.f32.msk $0xffff, v6  }
0x110: {  	s12 =	simm.s32 $0x0;
	_ =	swait.ge [sflag:s22], $0x800  }
0x111: {  	v2 =	vmov s12;
	[sflag:s22] =	ssyncset.done $0x0  }
0x112: {  	s21 =	simm.s32 $0x910;
	v2 =	vshll.u32 v2, $0x4;
	[sflag:s22] =	ssyncadd.s32 $0xFFFFF800  }
0x113: {  	v2 =	vor.u32 v1, v2;
	[tilespmem:s15], [sflag:$0x2] =	stream.indirect.gather [hbm4b:s7+s13], $0x10, s23, s13, $0xb8;
	[tilespmem:$0x168C0] =	vst v63  }
0x114: {  	s16 =	simm.s32 $0x10;
	v4 =	vor.u32 v0, v2;
	v2 =	vld [tilespmem:s21+$0xFFFFFFF0]  }
0x115: {  	v3 =	vmov s16  }
0x116: {  	v3 =	vshll.u32 v3, $0x4  }
0x117: {  	v3 =	vor.u32 v1, v3  }
0x118: {  	v5 =	vor.u32 v0, v3;
	v3 =	vld [tilespmem:s21+$0x0]  }
0x119: {  	v6 =	vld.idx.msk [tilespmem:v4+s17+$0x0], $0xffff;
	v7 =	vshll.u32 v2, $0x3  }
0x11a: {  	v2 =	vor.u32 $0x1, v4;
	_ =	sdelay $0x2  }
0x11b: {  	v8 =	vld.idx.msk [tilespmem:v5+s17+$0x0], $0xffff;
	v10 =	vshll.u32 v3, $0x3  }
0x11c: {  	v3 =	vor.u32 $0x1, v5;
	[tilespmem:v7+s10+$0x0] =	vst.idx.add.f32.msk $0xffff, v6  }
0x11d: {  	v6 =	vor.u32 $0x1, v7;
	v2 =	vld.idx.msk [tilespmem:v2+s17+$0x0], $0xffff  }
0x11e: {  	v9 =	vor.u32 $0x2, v4;
	_ =	sdelay $0x1  }
0x11f: {  	[tilespmem:v10+s10+$0x0] =	vst.idx.add.f32.msk $0xffff, v8  }
0x120: {  	v8 =	vor.u32 $0x1, v10;
	v3 =	vld.idx.msk [tilespmem:v3+s17+$0x0], $0xffff  }
0x121: {  	v11 =	vor.u32 $0x2, v5;
	[tilespmem:v6+s10+$0x0] =	vst.idx.add.f32.msk $0xffff, v2  }
0x122: {  	v6 =	vor.u32 $0x2, v7;
	v2 =	vld.idx.msk [tilespmem:v9+s17+$0x0], $0xffff  }
0x123: {  	v9 =	vor.u32 $0x3, v4;
	_ =	sdelay $0x1  }
0x124: {  	[tilespmem:v8+s10+$0x0] =	vst.idx.add.f32.msk $0xffff, v3  }
0x125: {  	v3 =	vor.u32 $0x2, v10;
	v8 =	vld.idx.msk [tilespmem:v11+s17+$0x0], $0xffff  }
0x126: {  	v11 =	vor.u32 $0x3, v5;
	[tilespmem:v6+s10+$0x0] =	vst.idx.add.f32.msk $0xffff, v2  }
0x127: {  	v6 =	vor.u32 $0x3, v7;
	v2 =	vld.idx.msk [tilespmem:v9+s17+$0x0], $0xffff;
	_ =	sdelay $0x1  }
0x128: {  	s18 =	simm.s32 $0x20;
	v9 =	vor.u32 $0x4, v4  }
0x129: {  	[tilespmem:v3+s10+$0x0] =	vst.idx.add.f32.msk $0xffff, v8;
	v3 =	vmov s18  }
0x12a: {  	v8 =	vld.idx.msk [tilespmem:v11+s17+$0x0], $0xffff;
	v3 =	vshll.u32 v3, $0x4;
	v11 =	vor.u32 $0x3, v10  }
0x12b: {  	s12 =	simm.s32 $0x930;
	s21 =	simm.s32 $0x30;
	v3 =	vor.u32 v1, v3;
	[tilespmem:v6+s10+$0x0] =	vst.idx.add.f32.msk $0xffff, v2  }
0x12c: {  	v6 =	vmov s21;
	v2 =	vor.u32 v0, v3;
	v3 =	vld [tilespmem:s12+$0xFFFFFFF0]  }
0x12d: {  	v12 =	vor.u32 $0x4, v7;
	v6 =	vshll.u32 v6, $0x4;
	v9 =	vld.idx.msk [tilespmem:v9+s17+$0x0], $0xffff  }
0x12e: {  	v13 =	vor.u32 $0x5, v4;
	v6 =	vor.u32 v1, v6  }
0x12f: {  	[tilespmem:v11+s10+$0x0] =	vst.idx.add.f32.msk $0xffff, v8;
	v14 =	vor.u32 v0, v6  }
0x130: {  	v15 =	vor.u32 $0x4, v5;
	v6 =	vld [tilespmem:s12+$0x0]  }
0x131: {  	v8 =	vld.idx.msk [tilespmem:v2+s17+$0x0], $0xffff;
	v3 =	vshll.u32 v3, $0x3  }
0x132: {  	[tilespmem:v12+s10+$0x0] =	vst.idx.add.f32.msk $0xffff, v9;
	v9 =	vor.u32 $0x1, v2  }
0x133: {  	v12 =	vor.u32 $0x5, v7;
	v11 =	vld.idx.msk [tilespmem:v13+s17+$0x0], $0xffff  }
0x134: {  	v16 =	vor.u32 $0x6, v4;
	v13 =	vld.idx.msk [tilespmem:v14+s17+$0x0], $0xffff  }
0x135: {  	v21 =	vshll.u32 v6, $0x3;
	v6 =	vld.idx.msk [tilespmem:v15+s17+$0x0], $0xffff  }
0x136: {  	v15 =	vor.u32 $0x1, v14;
	[tilespmem:v3+s10+$0x0] =	vst.idx.add.f32.msk $0xffff, v8  }
0x137: {  	v8 =	vor.u32 $0x4, v10;
	v9 =	vld.idx.msk [tilespmem:v9+s17+$0x0], $0xffff  }
0x138: {  	v17 =	vor.u32 $0x1, v3;
	[tilespmem:v12+s10+$0x0] =	vst.idx.add.f32.msk $0xffff, v11  }
0x139: {  	v11 =	vor.u32 $0x2, v2;
	v12 =	vld.idx.msk [tilespmem:v16+s17+$0x0], $0xffff  }
0x13a: {  	[tilespmem:v21+s10+$0x0] =	vst.idx.add.f32.msk $0xffff, v13;
	v13 =	vor.u32 $0x6, v7  }
0x13b: {  	v4 =	vor.u32 $0x7, v4;
	v15 =	vld.idx.msk [tilespmem:v15+s17+$0x0], $0xffff  }
0x13c: {  	v16 =	vor.u32 $0x1, v21;
	[tilespmem:v8+s10+$0x0] =	vst.idx.add.f32.msk $0xffff, v6  }
0x13d: {  	v6 =	vor.u32 $0x2, v14;
	[tilespmem:v17+s10+$0x0] =	vst.idx.add.f32.msk $0xffff, v9  }
0x13e: {  	v8 =	vor.u32 $0x5, v5;
	v11 =	vld.idx.msk [tilespmem:v11+s17+$0x0], $0xffff  }
0x13f: {  	v18 =	vor.u32 $0x2, v3;
	[tilespmem:v13+s10+$0x0] =	vst.idx.add.f32.msk $0xffff, v12  }
0x140: {  	v20 =	vor.u32 $0x3, v2;
	v22 =	vld.idx.msk [tilespmem:v4+s17+$0x0], $0xffff  }
0x141: {  	v23 =	vor.u32 $0x7, v7;
	v24 =	vor.u32 $0x2, v21;
	[tilespmem:v16+s10+$0x0] =	vst.idx.add.f32.msk $0xffff, v15  }
0x142: {  	v7 =	vor.u32 $0x6, v5;
	v9 =	vor.u32 $0x5, v10;
	v17 =	vor.u32 $0x3, v14;
	v25 =	vld.idx.msk [tilespmem:v6+s17+$0x0], $0xffff  }
0x143: {  	v13 =	vor.u32 $0x4, v14;
	v12 =	vor.u32 $0x5, v14;
	v4 =	vor.u32 $0x7, v10;
	v19 =	vld.idx.msk [tilespmem:v8+s17+$0x0], $0xffff  }
0x144: {  	v15 =	vor.u32 $0x6, v14;
	v16 =	vor.u32 $0x3, v21;
	v6 =	vor.u32 $0x6, v10;
	[tilespmem:v18+s10+$0x0] =	vst.idx.add.f32.msk $0xffff, v11  }
0x145: {  	v8 =	vor.u32 $0x7, v14;
	v14 =	vor.u32 $0x4, v21;
	v10 =	vor.u32 $0x7, v21;
	v20 =	vld.idx.msk [tilespmem:v20+s17+$0x0], $0xffff  }
0x146: {  	v18 =	vor.u32 $0x5, v21;
	v11 =	vor.u32 $0x6, v21;
	v21 =	vor.u32 $0x3, v3;
	[tilespmem:v23+s10+$0x0] =	vst.idx.add.f32.msk $0xffff, v22  }
0x147: {  	s16 =	simm.s32 $0x2;
	s18 =	simm.s32 $0x50;
	v5 =	vor.u32 $0x7, v5;
	v22 =	vor.u32 $0x4, v2;
	[tilespmem:v24+s10+$0x0] =	vst.idx.add.f32.msk $0xffff, v25  }
.LBB2_7:
0x148: {  	s21 =	sadd.s32 $0xFFFFFFF0, s18;
	v23 =	vmov s18;
	v24 =	vld.idx.msk [tilespmem:v17+s17+$0x0], $0xffff  }
0x149: {  	s16 =	sadd.s32 $0x2, s16;
	v17 =	vmov s21;
	v23 =	vshll.u32 v23, $0x4;
	[tilespmem:v9+s10+$0x0] =	vst.idx.add.f32.msk $0xffff, v19;
	v9 =	vmov v18  }
0x14a: {  	p0 =	slt.u32 s16, $0x6;
	v17 =	vshll.u32 v17, $0x4;
	v18 =	vor.u32 v1, v23;
	v19 =	vld.idx.msk [tilespmem:v7+s17+$0x0], $0xffff;
	v7 =	vmov v15  }
0x14b: {  	v15 =	vor.u32 v1, v17;
	v18 =	vor.u32 v0, v18;
	[tilespmem:v21+s10+$0x0] =	vst.idx.add.f32.msk $0xffff, v20  }
0x14c: {  	s12 =	sadd.s32 $0x20, s12;
	v20 =	vor.u32 v0, v15;
	v21 =	vor.u32 $0x1, v18;
	v23 =	vor.u32 $0x2, v18;
	v22 =	vld.idx.msk [tilespmem:v22+s17+$0x0], $0xffff  }
0x14d: {  	v27 =	vor.u32 $0x4, v3;
	v17 =	vor.u32 $0x3, v18;
	v26 =	vor.u32 $0x4, v18;
	v25 =	vld [tilespmem:s12+$0xFFFFFFF0]  }
0x14e: {  	v30 =	vor.u32 $0x5, v2;
	v29 =	vor.u32 $0x5, v18;
	v15 =	vor.u32 $0x6, v18;
	v28 =	vld [tilespmem:s12+$0x0]  }
0x14f: {  	v31 =	vor.u32 $0x7, v18;
	[tilespmem:v16+s10+$0x0] =	vst.idx.add.f32.msk $0xffff, v24  }
0x150: {  	v24 =	vld.idx.msk [tilespmem:v18+s17+$0x0], $0xffff  }
0x151: {  	v32 =	vld.idx.msk [tilespmem:v20+s17+$0x0], $0xffff  }
0x152: {  	v25 =	vshll.u32 v25, $0x3;
	[tilespmem:v27+s10+$0x0] =	vst.idx.add.f32.msk $0xffff, v22  }
0x153: {  	v22 =	vor.u32 $0x1, v20;
	v27 =	vshll.u32 v28, $0x3;
	v28 =	vld.idx.msk [tilespmem:v30+s17+$0x0], $0xffff  }
0x154: {  	v34 =	vor.u32 $0x5, v3;
	v30 =	vor.u32 $0x1, v27;
	v33 =	vor.u32 $0x2, v27;
	v35 =	vld.idx.msk [tilespmem:v13+s17+$0x0], $0xffff;
	v13 =	vmovc v26  }
0x155: {  	v36 =	vor.u32 $0x6, v2;
	v16 =	vor.u32 $0x3, v27;
	v26 =	vor.u32 $0x4, v27;
	[tilespmem:v6+s10+$0x0] =	vst.idx.add.f32.msk $0xffff, v19;
	v6 =	vmovc v11  }
0x156: {  	v18 =	vor.u32 $0x5, v27;
	v37 =	vor.u32 $0x7, v27;
	v11 =	vor.u32 $0x6, v27;
	v38 =	vld.idx.msk [tilespmem:v5+s17+$0x0], $0xffff;
	v5 =	vmovc v8;
	v8 =	vmovc v31  }
0x157: {  	[tilespmem:v25+s10+$0x0] =	vst.idx.add.f32.msk $0xffff, v32  }
0x158: {  	v19 =	vld.idx.msk [tilespmem:v22+s17+$0x0], $0xffff  }
0x159: {  	v22 =	vor.u32 $0x1, v25;
	[tilespmem:v34+s10+$0x0] =	vst.idx.add.f32.msk $0xffff, v28  }
0x15a: {  	v28 =	vor.u32 $0x2, v20;
	v31 =	vld.idx.msk [tilespmem:v36+s17+$0x0], $0xffff  }
0x15b: {  	[tilespmem:v27+s10+$0x0] =	vst.idx.add.f32.msk $0xffff, v24;
	v24 =	vor.u32 $0x6, v3  }
0x15c: {  	v27 =	vor.u32 $0x7, v2;
	v2 =	vmov v20;
	v21 =	vld.idx.msk [tilespmem:v21+s17+$0x0], $0xffff  }
0x15d: {  	[tilespmem:v14+s10+$0x0] =	vst.idx.add.f32.msk $0xffff, v35;
	v14 =	vmov v26  }
0x15e: {  	[tilespmem:v22+s10+$0x0] =	vst.idx.add.f32.msk $0xffff, v19  }
0x15f: {  	v20 =	vld.idx.msk [tilespmem:v28+s17+$0x0], $0xffff  }
0x160: {  	v22 =	vor.u32 $0x2, v25;
	[tilespmem:v24+s10+$0x0] =	vst.idx.add.f32.msk $0xffff, v31  }
0x161: {  	v24 =	vor.u32 $0x3, v2;
	v26 =	vld.idx.msk [tilespmem:v27+s17+$0x0], $0xffff  }
0x162: {  	[tilespmem:v30+s10+$0x0] =	vst.idx.add.f32.msk $0xffff, v21;
	v21 =	vor.u32 $0x7, v3;
	v3 =	vmov v25  }
0x163: {  	v23 =	vld.idx.msk [tilespmem:v23+s17+$0x0], $0xffff  }
0x164: {  	v19 =	vld.idx.msk [tilespmem:v12+s17+$0x0], $0xffff;
	v12 =	vmov v29  }
.Ltmp2:
0x165: {  	[tilespmem:v22+s10+$0x0] =	vst.idx.add.f32.msk $0xffff, v20;
	(pc) =	sbr.rel @p0 .LBB2_7-.Ltmp2, $4  }
0x166: {  	v20 =	vld.idx.msk [tilespmem:v24+s17+$0x0], $0xffff  }
0x167: {  	[tilespmem:v21+s10+$0x0] =	vst.idx.add.f32.msk $0xffff, v26  }
0x168: {  	v21 =	vor.u32 $0x3, v3;
	[tilespmem:v4+s10+$0x0] =	vst.idx.add.f32.msk $0xffff, v38;
	v4 =	vmov v10;
	v10 =	vmov v37  }
0x169: {  	s18 =	sadd.s32 $0x20, s18;
	v22 =	vor.u32 $0x4, v2;
	[tilespmem:v33+s10+$0x0] =	vst.idx.add.f32.msk $0xffff, v23  }
0x16a: {  	_ =	sdelay $0x3  }
0x16b: {  	v17 =	vld.idx.msk [tilespmem:v17+s17+$0x0], $0xffff;
	_ =	sdelay $0x2  }
0x16c: {  	[tilespmem:v21+s10+$0x0] =	vst.idx.add.f32.msk $0xffff, v20  }
0x16d: {  	v21 =	vor.u32 $0x4, v3;
	v20 =	vld.idx.msk [tilespmem:v22+s17+$0x0], $0xffff  }
0x16e: {  	v22 =	vor.u32 $0x5, v2;
	[tilespmem:v16+s10+$0x0] =	vst.idx.add.f32.msk $0xffff, v17  }
0x16f: {  	v13 =	vld.idx.msk [tilespmem:v13+s17+$0x0], $0xffff;
	_ =	sdelay $0x2  }
0x170: {  	[tilespmem:v21+s10+$0x0] =	vst.idx.add.f32.msk $0xffff, v20  }
0x171: {  	v17 =	vor.u32 $0x5, v3;
	v16 =	vld.idx.msk [tilespmem:v22+s17+$0x0], $0xffff  }
0x172: {  	v20 =	vor.u32 $0x6, v2;
	[tilespmem:v14+s10+$0x0] =	vst.idx.add.f32.msk $0xffff, v13  }
0x173: {  	v12 =	vld.idx.msk [tilespmem:v12+s17+$0x0], $0xffff  }
0x174: {  	[tilespmem:v9+s10+$0x0] =	vst.idx.add.f32.msk $0xffff, v19  }
0x175: {  	v7 =	vld.idx.msk [tilespmem:v7+s17+$0x0], $0xffff  }
0x176: {  	[tilespmem:v17+s10+$0x0] =	vst.idx.add.f32.msk $0xffff, v16  }
0x177: {  	v13 =	vor.u32 $0x6, v3;
	v9 =	vld.idx.msk [tilespmem:v20+s17+$0x0], $0xffff  }
0x178: {  	v2 =	vor.u32 $0x7, v2;
	[tilespmem:v18+s10+$0x0] =	vst.idx.add.f32.msk $0xffff, v12  }
0x179: {  	v12 =	vld.idx.msk [tilespmem:v15+s17+$0x0], $0xffff  }
0x17a: {  	[tilespmem:v6+s10+$0x0] =	vst.idx.add.f32.msk $0xffff, v7  }
0x17b: {  	v5 =	vld.idx.msk [tilespmem:v5+s17+$0x0], $0xffff  }
0x17c: {  	[tilespmem:v13+s10+$0x0] =	vst.idx.add.f32.msk $0xffff, v9  }
0x17d: {  	v2 =	vld.idx.msk [tilespmem:v2+s17+$0x0], $0xffff  }
0x17e: {  	v3 =	vor.u32 $0x7, v3;
	[tilespmem:v11+s10+$0x0] =	vst.idx.add.f32.msk $0xffff, v12  }
0x17f: {  	v6 =	vld.idx.msk [tilespmem:v8+s17+$0x0], $0xffff;
	_ =	sdelay $0x2  }
0x180: {  	[tilespmem:v4+s10+$0x0] =	vst.idx.add.f32.msk $0xffff, v5  }
0x181: {  	[tilespmem:v3+s10+$0x0] =	vst.idx.add.f32.msk $0xffff, v2  }
0x182: {  	[tilespmem:v10+s10+$0x0] =	vst.idx.add.f32.msk $0xffff, v6  }
0x183: {  	s12 =	simm.s32 $0x0;
	_ =	swait.ge [sflag:s24], $0x800  }
0x184: {  	v2 =	vmov s12;
	[sflag:s24] =	ssyncset.done $0x0  }
0x185: {  	s21 =	simm.s32 $0x990;
	v2 =	vshll.u32 v2, $0x4;
	[sflag:s24] =	ssyncadd.s32 $0xFFFFF800  }
0x186: {  	v2 =	vor.u32 v1, v2;
	[tilespmem:s17], [sflag:$0x3] =	stream.indirect.gather [hbm4b:s7+s13], $0x10, s25, s13, $0xb8;
	[tilespmem:$0x168C0] =	vst v63  }
0x187: {  	s16 =	simm.s32 $0x10;
	v4 =	vor.u32 v0, v2;
	v2 =	vld [tilespmem:s21+$0xFFFFFFF0]  }
0x188: {  	v3 =	vmov s16  }
0x189: {  	v3 =	vshll.u32 v3, $0x4  }
0x18a: {  	v3 =	vor.u32 v1, v3  }
0x18b: {  	v5 =	vor.u32 v0, v3;
	v3 =	vld [tilespmem:s21+$0x0]  }
0x18c: {  	v6 =	vld.idx.msk [tilespmem:v4+s19+$0x0], $0xffff;
	v7 =	vshll.u32 v2, $0x3  }
0x18d: {  	v2 =	vor.u32 $0x1, v4;
	_ =	sdelay $0x2  }
0x18e: {  	v8 =	vld.idx.msk [tilespmem:v5+s19+$0x0], $0xffff;
	v10 =	vshll.u32 v3, $0x3  }
0x18f: {  	v3 =	vor.u32 $0x1, v5;
	[tilespmem:v7+s10+$0x0] =	vst.idx.add.f32.msk $0xffff, v6  }
0x190: {  	v6 =	vor.u32 $0x1, v7;
	v2 =	vld.idx.msk [tilespmem:v2+s19+$0x0], $0xffff  }
0x191: {  	v9 =	vor.u32 $0x2, v4;
	_ =	sdelay $0x1  }
0x192: {  	[tilespmem:v10+s10+$0x0] =	vst.idx.add.f32.msk $0xffff, v8  }
0x193: {  	v8 =	vor.u32 $0x1, v10;
	v3 =	vld.idx.msk [tilespmem:v3+s19+$0x0], $0xffff  }
0x194: {  	v11 =	vor.u32 $0x2, v5;
	[tilespmem:v6+s10+$0x0] =	vst.idx.add.f32.msk $0xffff, v2  }
0x195: {  	v6 =	vor.u32 $0x2, v7;
	v2 =	vld.idx.msk [tilespmem:v9+s19+$0x0], $0xffff  }
0x196: {  	v9 =	vor.u32 $0x3, v4;
	_ =	sdelay $0x1  }
0x197: {  	[tilespmem:v8+s10+$0x0] =	vst.idx.add.f32.msk $0xffff, v3  }
0x198: {  	v3 =	vor.u32 $0x2, v10;
	v8 =	vld.idx.msk [tilespmem:v11+s19+$0x0], $0xffff  }
0x199: {  	v11 =	vor.u32 $0x3, v5;
	[tilespmem:v6+s10+$0x0] =	vst.idx.add.f32.msk $0xffff, v2  }
0x19a: {  	v6 =	vor.u32 $0x3, v7;
	v2 =	vld.idx.msk [tilespmem:v9+s19+$0x0], $0xffff;
	_ =	sdelay $0x1  }
0x19b: {  	s18 =	simm.s32 $0x20;
	v9 =	vor.u32 $0x4, v4  }
0x19c: {  	[tilespmem:v3+s10+$0x0] =	vst.idx.add.f32.msk $0xffff, v8;
	v3 =	vmov s18  }
0x19d: {  	v8 =	vld.idx.msk [tilespmem:v11+s19+$0x0], $0xffff;
	v3 =	vshll.u32 v3, $0x4;
	v11 =	vor.u32 $0x3, v10  }
0x19e: {  	s12 =	simm.s32 $0x9B0;
	s21 =	simm.s32 $0x30;
	v3 =	vor.u32 v1, v3;
	[tilespmem:v6+s10+$0x0] =	vst.idx.add.f32.msk $0xffff, v2  }
0x19f: {  	v6 =	vmov s21;
	v2 =	vor.u32 v0, v3;
	v3 =	vld [tilespmem:s12+$0xFFFFFFF0]  }
0x1a0: {  	v12 =	vor.u32 $0x4, v7;
	v6 =	vshll.u32 v6, $0x4;
	v9 =	vld.idx.msk [tilespmem:v9+s19+$0x0], $0xffff  }
0x1a1: {  	v13 =	vor.u32 $0x5, v4;
	v6 =	vor.u32 v1, v6  }
0x1a2: {  	[tilespmem:v11+s10+$0x0] =	vst.idx.add.f32.msk $0xffff, v8;
	v14 =	vor.u32 v0, v6  }
0x1a3: {  	v15 =	vor.u32 $0x4, v5;
	v6 =	vld [tilespmem:s12+$0x0]  }
0x1a4: {  	v8 =	vld.idx.msk [tilespmem:v2+s19+$0x0], $0xffff;
	v3 =	vshll.u32 v3, $0x3  }
0x1a5: {  	[tilespmem:v12+s10+$0x0] =	vst.idx.add.f32.msk $0xffff, v9;
	v9 =	vor.u32 $0x1, v2  }
0x1a6: {  	v12 =	vor.u32 $0x5, v7;
	v11 =	vld.idx.msk [tilespmem:v13+s19+$0x0], $0xffff  }
0x1a7: {  	v16 =	vor.u32 $0x6, v4;
	v13 =	vld.idx.msk [tilespmem:v14+s19+$0x0], $0xffff  }
0x1a8: {  	v21 =	vshll.u32 v6, $0x3;
	v6 =	vld.idx.msk [tilespmem:v15+s19+$0x0], $0xffff  }
0x1a9: {  	v15 =	vor.u32 $0x1, v14;
	[tilespmem:v3+s10+$0x0] =	vst.idx.add.f32.msk $0xffff, v8  }
0x1aa: {  	v8 =	vor.u32 $0x4, v10;
	v9 =	vld.idx.msk [tilespmem:v9+s19+$0x0], $0xffff  }
0x1ab: {  	v17 =	vor.u32 $0x1, v3;
	[tilespmem:v12+s10+$0x0] =	vst.idx.add.f32.msk $0xffff, v11  }
0x1ac: {  	v11 =	vor.u32 $0x2, v2;
	v12 =	vld.idx.msk [tilespmem:v16+s19+$0x0], $0xffff  }
0x1ad: {  	[tilespmem:v21+s10+$0x0] =	vst.idx.add.f32.msk $0xffff, v13;
	v13 =	vor.u32 $0x6, v7  }
0x1ae: {  	v4 =	vor.u32 $0x7, v4;
	v15 =	vld.idx.msk [tilespmem:v15+s19+$0x0], $0xffff  }
0x1af: {  	v16 =	vor.u32 $0x1, v21;
	[tilespmem:v8+s10+$0x0] =	vst.idx.add.f32.msk $0xffff, v6  }
0x1b0: {  	v6 =	vor.u32 $0x2, v14;
	[tilespmem:v17+s10+$0x0] =	vst.idx.add.f32.msk $0xffff, v9  }
0x1b1: {  	v8 =	vor.u32 $0x5, v5;
	v11 =	vld.idx.msk [tilespmem:v11+s19+$0x0], $0xffff  }
0x1b2: {  	v18 =	vor.u32 $0x2, v3;
	[tilespmem:v13+s10+$0x0] =	vst.idx.add.f32.msk $0xffff, v12  }
0x1b3: {  	v20 =	vor.u32 $0x3, v2;
	v22 =	vld.idx.msk [tilespmem:v4+s19+$0x0], $0xffff  }
0x1b4: {  	v23 =	vor.u32 $0x7, v7;
	v24 =	vor.u32 $0x2, v21;
	[tilespmem:v16+s10+$0x0] =	vst.idx.add.f32.msk $0xffff, v15  }
0x1b5: {  	v7 =	vor.u32 $0x6, v5;
	v9 =	vor.u32 $0x5, v10;
	v17 =	vor.u32 $0x3, v14;
	v25 =	vld.idx.msk [tilespmem:v6+s19+$0x0], $0xffff  }
0x1b6: {  	v13 =	vor.u32 $0x4, v14;
	v12 =	vor.u32 $0x5, v14;
	v4 =	vor.u32 $0x7, v10;
	v19 =	vld.idx.msk [tilespmem:v8+s19+$0x0], $0xffff  }
0x1b7: {  	v15 =	vor.u32 $0x6, v14;
	v16 =	vor.u32 $0x3, v21;
	v6 =	vor.u32 $0x6, v10;
	[tilespmem:v18+s10+$0x0] =	vst.idx.add.f32.msk $0xffff, v11  }
0x1b8: {  	v8 =	vor.u32 $0x7, v14;
	v14 =	vor.u32 $0x4, v21;
	v10 =	vor.u32 $0x7, v21;
	v20 =	vld.idx.msk [tilespmem:v20+s19+$0x0], $0xffff  }
0x1b9: {  	v18 =	vor.u32 $0x5, v21;
	v11 =	vor.u32 $0x6, v21;
	v21 =	vor.u32 $0x3, v3;
	[tilespmem:v23+s10+$0x0] =	vst.idx.add.f32.msk $0xffff, v22  }
0x1ba: {  	s16 =	simm.s32 $0x2;
	s18 =	simm.s32 $0x50;
	v5 =	vor.u32 $0x7, v5;
	v22 =	vor.u32 $0x4, v2;
	[tilespmem:v24+s10+$0x0] =	vst.idx.add.f32.msk $0xffff, v25  }
.LBB2_9:
0x1bb: {  	s21 =	sadd.s32 $0xFFFFFFF0, s18;
	v23 =	vmov s18;
	v24 =	vld.idx.msk [tilespmem:v17+s19+$0x0], $0xffff  }
0x1bc: {  	s16 =	sadd.s32 $0x2, s16;
	v17 =	vmov s21;
	v23 =	vshll.u32 v23, $0x4;
	[tilespmem:v9+s10+$0x0] =	vst.idx.add.f32.msk $0xffff, v19;
	v9 =	vmov v18  }
0x1bd: {  	p0 =	slt.u32 s16, $0x6;
	v17 =	vshll.u32 v17, $0x4;
	v18 =	vor.u32 v1, v23;
	v19 =	vld.idx.msk [tilespmem:v7+s19+$0x0], $0xffff;
	v7 =	vmov v15  }
0x1be: {  	v15 =	vor.u32 v1, v17;
	v18 =	vor.u32 v0, v18;
	[tilespmem:v21+s10+$0x0] =	vst.idx.add.f32.msk $0xffff, v20  }
0x1bf: {  	s12 =	sadd.s32 $0x20, s12;
	v20 =	vor.u32 v0, v15;
	v21 =	vor.u32 $0x1, v18;
	v23 =	vor.u32 $0x2, v18;
	v22 =	vld.idx.msk [tilespmem:v22+s19+$0x0], $0xffff  }
0x1c0: {  	v27 =	vor.u32 $0x4, v3;
	v17 =	vor.u32 $0x3, v18;
	v26 =	vor.u32 $0x4, v18;
	v25 =	vld [tilespmem:s12+$0xFFFFFFF0]  }
0x1c1: {  	v30 =	vor.u32 $0x5, v2;
	v29 =	vor.u32 $0x5, v18;
	v15 =	vor.u32 $0x6, v18;
	v28 =	vld [tilespmem:s12+$0x0]  }
0x1c2: {  	v31 =	vor.u32 $0x7, v18;
	[tilespmem:v16+s10+$0x0] =	vst.idx.add.f32.msk $0xffff, v24  }
0x1c3: {  	v24 =	vld.idx.msk [tilespmem:v18+s19+$0x0], $0xffff  }
0x1c4: {  	v32 =	vld.idx.msk [tilespmem:v20+s19+$0x0], $0xffff  }
0x1c5: {  	v25 =	vshll.u32 v25, $0x3;
	[tilespmem:v27+s10+$0x0] =	vst.idx.add.f32.msk $0xffff, v22  }
0x1c6: {  	v22 =	vor.u32 $0x1, v20;
	v27 =	vshll.u32 v28, $0x3;
	v28 =	vld.idx.msk [tilespmem:v30+s19+$0x0], $0xffff  }
0x1c7: {  	v34 =	vor.u32 $0x5, v3;
	v30 =	vor.u32 $0x1, v27;
	v33 =	vor.u32 $0x2, v27;
	v35 =	vld.idx.msk [tilespmem:v13+s19+$0x0], $0xffff;
	v13 =	vmovc v26  }
0x1c8: {  	v36 =	vor.u32 $0x6, v2;
	v16 =	vor.u32 $0x3, v27;
	v26 =	vor.u32 $0x4, v27;
	[tilespmem:v6+s10+$0x0] =	vst.idx.add.f32.msk $0xffff, v19;
	v6 =	vmovc v11  }
0x1c9: {  	v18 =	vor.u32 $0x5, v27;
	v37 =	vor.u32 $0x7, v27;
	v11 =	vor.u32 $0x6, v27;
	v38 =	vld.idx.msk [tilespmem:v5+s19+$0x0], $0xffff;
	v5 =	vmovc v8;
	v8 =	vmovc v31  }
0x1ca: {  	[tilespmem:v25+s10+$0x0] =	vst.idx.add.f32.msk $0xffff, v32  }
0x1cb: {  	v19 =	vld.idx.msk [tilespmem:v22+s19+$0x0], $0xffff  }
0x1cc: {  	v22 =	vor.u32 $0x1, v25;
	[tilespmem:v34+s10+$0x0] =	vst.idx.add.f32.msk $0xffff, v28  }
0x1cd: {  	v28 =	vor.u32 $0x2, v20;
	v31 =	vld.idx.msk [tilespmem:v36+s19+$0x0], $0xffff  }
0x1ce: {  	[tilespmem:v27+s10+$0x0] =	vst.idx.add.f32.msk $0xffff, v24;
	v24 =	vor.u32 $0x6, v3  }
0x1cf: {  	v27 =	vor.u32 $0x7, v2;
	v2 =	vmov v20;
	v21 =	vld.idx.msk [tilespmem:v21+s19+$0x0], $0xffff  }
0x1d0: {  	[tilespmem:v14+s10+$0x0] =	vst.idx.add.f32.msk $0xffff, v35;
	v14 =	vmov v26  }
0x1d1: {  	[tilespmem:v22+s10+$0x0] =	vst.idx.add.f32.msk $0xffff, v19  }
0x1d2: {  	v20 =	vld.idx.msk [tilespmem:v28+s19+$0x0], $0xffff  }
0x1d3: {  	v22 =	vor.u32 $0x2, v25;
	[tilespmem:v24+s10+$0x0] =	vst.idx.add.f32.msk $0xffff, v31  }
0x1d4: {  	v24 =	vor.u32 $0x3, v2;
	v26 =	vld.idx.msk [tilespmem:v27+s19+$0x0], $0xffff  }
0x1d5: {  	[tilespmem:v30+s10+$0x0] =	vst.idx.add.f32.msk $0xffff, v21;
	v21 =	vor.u32 $0x7, v3;
	v3 =	vmov v25  }
0x1d6: {  	v23 =	vld.idx.msk [tilespmem:v23+s19+$0x0], $0xffff  }
0x1d7: {  	v19 =	vld.idx.msk [tilespmem:v12+s19+$0x0], $0xffff;
	v12 =	vmov v29  }
.Ltmp3:
0x1d8: {  	[tilespmem:v22+s10+$0x0] =	vst.idx.add.f32.msk $0xffff, v20;
	(pc) =	sbr.rel @p0 .LBB2_9-.Ltmp3, $4  }
0x1d9: {  	v20 =	vld.idx.msk [tilespmem:v24+s19+$0x0], $0xffff  }
0x1da: {  	[tilespmem:v21+s10+$0x0] =	vst.idx.add.f32.msk $0xffff, v26  }
0x1db: {  	v21 =	vor.u32 $0x3, v3;
	[tilespmem:v4+s10+$0x0] =	vst.idx.add.f32.msk $0xffff, v38;
	v4 =	vmov v10;
	v10 =	vmov v37  }
0x1dc: {  	s18 =	sadd.s32 $0x20, s18;
	v22 =	vor.u32 $0x4, v2;
	[tilespmem:v33+s10+$0x0] =	vst.idx.add.f32.msk $0xffff, v23  }
0x1dd: {  	_ =	sdelay $0x3  }
0x1de: {  	v17 =	vld.idx.msk [tilespmem:v17+s19+$0x0], $0xffff;
	_ =	sdelay $0x2  }
0x1df: {  	[tilespmem:v21+s10+$0x0] =	vst.idx.add.f32.msk $0xffff, v20  }
0x1e0: {  	v21 =	vor.u32 $0x4, v3;
	v20 =	vld.idx.msk [tilespmem:v22+s19+$0x0], $0xffff  }
0x1e1: {  	v22 =	vor.u32 $0x5, v2;
	[tilespmem:v16+s10+$0x0] =	vst.idx.add.f32.msk $0xffff, v17  }
0x1e2: {  	v13 =	vld.idx.msk [tilespmem:v13+s19+$0x0], $0xffff;
	_ =	sdelay $0x2  }
0x1e3: {  	[tilespmem:v21+s10+$0x0] =	vst.idx.add.f32.msk $0xffff, v20  }
0x1e4: {  	v17 =	vor.u32 $0x5, v3;
	v16 =	vld.idx.msk [tilespmem:v22+s19+$0x0], $0xffff  }
0x1e5: {  	v20 =	vor.u32 $0x6, v2;
	[tilespmem:v14+s10+$0x0] =	vst.idx.add.f32.msk $0xffff, v13  }
0x1e6: {  	v12 =	vld.idx.msk [tilespmem:v12+s19+$0x0], $0xffff  }
0x1e7: {  	[tilespmem:v9+s10+$0x0] =	vst.idx.add.f32.msk $0xffff, v19  }
0x1e8: {  	v7 =	vld.idx.msk [tilespmem:v7+s19+$0x0], $0xffff  }
0x1e9: {  	[tilespmem:v17+s10+$0x0] =	vst.idx.add.f32.msk $0xffff, v16  }
0x1ea: {  	v13 =	vor.u32 $0x6, v3;
	v9 =	vld.idx.msk [tilespmem:v20+s19+$0x0], $0xffff  }
0x1eb: {  	v2 =	vor.u32 $0x7, v2;
	[tilespmem:v18+s10+$0x0] =	vst.idx.add.f32.msk $0xffff, v12  }
0x1ec: {  	v12 =	vld.idx.msk [tilespmem:v15+s19+$0x0], $0xffff  }
0x1ed: {  	[tilespmem:v6+s10+$0x0] =	vst.idx.add.f32.msk $0xffff, v7  }
0x1ee: {  	v5 =	vld.idx.msk [tilespmem:v5+s19+$0x0], $0xffff  }
0x1ef: {  	[tilespmem:v13+s10+$0x0] =	vst.idx.add.f32.msk $0xffff, v9  }
0x1f0: {  	v2 =	vld.idx.msk [tilespmem:v2+s19+$0x0], $0xffff  }
0x1f1: {  	v3 =	vor.u32 $0x7, v3;
	[tilespmem:v11+s10+$0x0] =	vst.idx.add.f32.msk $0xffff, v12  }
0x1f2: {  	v6 =	vld.idx.msk [tilespmem:v8+s19+$0x0], $0xffff;
	_ =	sdelay $0x2  }
0x1f3: {  	[tilespmem:v4+s10+$0x0] =	vst.idx.add.f32.msk $0xffff, v5  }
0x1f4: {  	[tilespmem:v3+s10+$0x0] =	vst.idx.add.f32.msk $0xffff, v2  }
0x1f5: {  	[tilespmem:v10+s10+$0x0] =	vst.idx.add.f32.msk $0xffff, v6  }
0x1f6: {  	s12 =	simm.s32 $0x0;
	_ =	swait.ge [sflag:s6], $0x800  }
0x1f7: {  	v2 =	vmov s12;
	[sflag:s6] =	ssyncset.done $0x0  }
0x1f8: {  	s21 =	simm.s32 $0xA10;
	v2 =	vshll.u32 v2, $0x4;
	[sflag:s6] =	ssyncadd.s32 $0xFFFFF800  }
0x1f9: {  	v2 =	vor.u32 v1, v2;
	[tilespmem:s19], [sflag:$0x4] =	stream.indirect.gather [hbm4b:s7+s13], $0x10, s26, s13, $0xb8;
	[tilespmem:$0x168C0] =	vst v63  }
0x1fa: {  	s16 =	simm.s32 $0x10;
	v4 =	vor.u32 v0, v2;
	v2 =	vld [tilespmem:s21+$0xFFFFFFF0]  }
0x1fb: {  	v3 =	vmov s16  }
0x1fc: {  	v3 =	vshll.u32 v3, $0x4  }
0x1fd: {  	v3 =	vor.u32 v1, v3  }
0x1fe: {  	v5 =	vor.u32 v0, v3;
	v3 =	vld [tilespmem:s21+$0x0]  }
0x1ff: {  	v6 =	vld.idx.msk [tilespmem:v4+s14+$0x0], $0xffff;
	v7 =	vshll.u32 v2, $0x3  }
0x200: {  	v2 =	vor.u32 $0x1, v4;
	_ =	sdelay $0x2  }
0x201: {  	v8 =	vld.idx.msk [tilespmem:v5+s14+$0x0], $0xffff;
	v10 =	vshll.u32 v3, $0x3  }
0x202: {  	v3 =	vor.u32 $0x1, v5;
	[tilespmem:v7+s10+$0x0] =	vst.idx.add.f32.msk $0xffff, v6  }
0x203: {  	v6 =	vor.u32 $0x1, v7;
	v2 =	vld.idx.msk [tilespmem:v2+s14+$0x0], $0xffff  }
0x204: {  	v9 =	vor.u32 $0x2, v4;
	_ =	sdelay $0x1  }
0x205: {  	[tilespmem:v10+s10+$0x0] =	vst.idx.add.f32.msk $0xffff, v8  }
0x206: {  	v8 =	vor.u32 $0x1, v10;
	v3 =	vld.idx.msk [tilespmem:v3+s14+$0x0], $0xffff  }
0x207: {  	v11 =	vor.u32 $0x2, v5;
	[tilespmem:v6+s10+$0x0] =	vst.idx.add.f32.msk $0xffff, v2  }
0x208: {  	v6 =	vor.u32 $0x2, v7;
	v2 =	vld.idx.msk [tilespmem:v9+s14+$0x0], $0xffff  }
0x209: {  	v9 =	vor.u32 $0x3, v4;
	_ =	sdelay $0x1  }
0x20a: {  	[tilespmem:v8+s10+$0x0] =	vst.idx.add.f32.msk $0xffff, v3  }
0x20b: {  	v3 =	vor.u32 $0x2, v10;
	v8 =	vld.idx.msk [tilespmem:v11+s14+$0x0], $0xffff  }
0x20c: {  	v11 =	vor.u32 $0x3, v5;
	[tilespmem:v6+s10+$0x0] =	vst.idx.add.f32.msk $0xffff, v2  }
0x20d: {  	v6 =	vor.u32 $0x3, v7;
	v2 =	vld.idx.msk [tilespmem:v9+s14+$0x0], $0xffff;
	_ =	sdelay $0x1  }
0x20e: {  	s18 =	simm.s32 $0x20;
	v9 =	vor.u32 $0x4, v4  }
0x20f: {  	[tilespmem:v3+s10+$0x0] =	vst.idx.add.f32.msk $0xffff, v8;
	v3 =	vmov s18  }
0x210: {  	v8 =	vld.idx.msk [tilespmem:v11+s14+$0x0], $0xffff;
	v3 =	vshll.u32 v3, $0x4;
	v11 =	vor.u32 $0x3, v10  }
0x211: {  	s12 =	simm.s32 $0xA30;
	s21 =	simm.s32 $0x30;
	v3 =	vor.u32 v1, v3;
	[tilespmem:v6+s10+$0x0] =	vst.idx.add.f32.msk $0xffff, v2  }
0x212: {  	v6 =	vmov s21;
	v2 =	vor.u32 v0, v3;
	v3 =	vld [tilespmem:s12+$0xFFFFFFF0]  }
0x213: {  	v12 =	vor.u32 $0x4, v7;
	v6 =	vshll.u32 v6, $0x4;
	v9 =	vld.idx.msk [tilespmem:v9+s14+$0x0], $0xffff  }
0x214: {  	v13 =	vor.u32 $0x5, v4;
	v6 =	vor.u32 v1, v6  }
0x215: {  	[tilespmem:v11+s10+$0x0] =	vst.idx.add.f32.msk $0xffff, v8;
	v14 =	vor.u32 v0, v6  }
0x216: {  	v15 =	vor.u32 $0x4, v5;
	v6 =	vld [tilespmem:s12+$0x0]  }
0x217: {  	v8 =	vld.idx.msk [tilespmem:v2+s14+$0x0], $0xffff;
	v3 =	vshll.u32 v3, $0x3  }
0x218: {  	[tilespmem:v12+s10+$0x0] =	vst.idx.add.f32.msk $0xffff, v9;
	v9 =	vor.u32 $0x1, v2  }
0x219: {  	v12 =	vor.u32 $0x5, v7;
	v11 =	vld.idx.msk [tilespmem:v13+s14+$0x0], $0xffff  }
0x21a: {  	v16 =	vor.u32 $0x6, v4;
	v13 =	vld.idx.msk [tilespmem:v14+s14+$0x0], $0xffff  }
0x21b: {  	v21 =	vshll.u32 v6, $0x3;
	v6 =	vld.idx.msk [tilespmem:v15+s14+$0x0], $0xffff  }
0x21c: {  	v15 =	vor.u32 $0x1, v14;
	[tilespmem:v3+s10+$0x0] =	vst.idx.add.f32.msk $0xffff, v8  }
0x21d: {  	v8 =	vor.u32 $0x4, v10;
	v9 =	vld.idx.msk [tilespmem:v9+s14+$0x0], $0xffff  }
0x21e: {  	v17 =	vor.u32 $0x1, v3;
	[tilespmem:v12+s10+$0x0] =	vst.idx.add.f32.msk $0xffff, v11  }
0x21f: {  	v11 =	vor.u32 $0x2, v2;
	v12 =	vld.idx.msk [tilespmem:v16+s14+$0x0], $0xffff  }
0x220: {  	[tilespmem:v21+s10+$0x0] =	vst.idx.add.f32.msk $0xffff, v13;
	v13 =	vor.u32 $0x6, v7  }
0x221: {  	v4 =	vor.u32 $0x7, v4;
	v15 =	vld.idx.msk [tilespmem:v15+s14+$0x0], $0xffff  }
0x222: {  	v16 =	vor.u32 $0x1, v21;
	[tilespmem:v8+s10+$0x0] =	vst.idx.add.f32.msk $0xffff, v6  }
0x223: {  	v6 =	vor.u32 $0x2, v14;
	[tilespmem:v17+s10+$0x0] =	vst.idx.add.f32.msk $0xffff, v9  }
0x224: {  	v8 =	vor.u32 $0x5, v5;
	v11 =	vld.idx.msk [tilespmem:v11+s14+$0x0], $0xffff  }
0x225: {  	v18 =	vor.u32 $0x2, v3;
	[tilespmem:v13+s10+$0x0] =	vst.idx.add.f32.msk $0xffff, v12  }
0x226: {  	v20 =	vor.u32 $0x3, v2;
	v22 =	vld.idx.msk [tilespmem:v4+s14+$0x0], $0xffff  }
0x227: {  	v23 =	vor.u32 $0x7, v7;
	v24 =	vor.u32 $0x2, v21;
	[tilespmem:v16+s10+$0x0] =	vst.idx.add.f32.msk $0xffff, v15  }
0x228: {  	v7 =	vor.u32 $0x6, v5;
	v9 =	vor.u32 $0x5, v10;
	v17 =	vor.u32 $0x3, v14;
	v25 =	vld.idx.msk [tilespmem:v6+s14+$0x0], $0xffff  }
0x229: {  	v13 =	vor.u32 $0x4, v14;
	v12 =	vor.u32 $0x5, v14;
	v4 =	vor.u32 $0x7, v10;
	v19 =	vld.idx.msk [tilespmem:v8+s14+$0x0], $0xffff  }
0x22a: {  	v15 =	vor.u32 $0x6, v14;
	v16 =	vor.u32 $0x3, v21;
	v6 =	vor.u32 $0x6, v10;
	[tilespmem:v18+s10+$0x0] =	vst.idx.add.f32.msk $0xffff, v11  }
0x22b: {  	v8 =	vor.u32 $0x7, v14;
	v14 =	vor.u32 $0x4, v21;
	v10 =	vor.u32 $0x7, v21;
	v20 =	vld.idx.msk [tilespmem:v20+s14+$0x0], $0xffff  }
0x22c: {  	v18 =	vor.u32 $0x5, v21;
	v11 =	vor.u32 $0x6, v21;
	v21 =	vor.u32 $0x3, v3;
	[tilespmem:v23+s10+$0x0] =	vst.idx.add.f32.msk $0xffff, v22  }
0x22d: {  	s16 =	simm.s32 $0x2;
	s18 =	simm.s32 $0x50;
	v5 =	vor.u32 $0x7, v5;
	v22 =	vor.u32 $0x4, v2;
	[tilespmem:v24+s10+$0x0] =	vst.idx.add.f32.msk $0xffff, v25  }
.LBB2_11:
0x22e: {  	s21 =	sadd.s32 $0xFFFFFFF0, s18;
	v23 =	vmov s18;
	v24 =	vld.idx.msk [tilespmem:v17+s14+$0x0], $0xffff  }
0x22f: {  	s16 =	sadd.s32 $0x2, s16;
	v17 =	vmov s21;
	v23 =	vshll.u32 v23, $0x4;
	[tilespmem:v9+s10+$0x0] =	vst.idx.add.f32.msk $0xffff, v19;
	v9 =	vmov v18  }
0x230: {  	p0 =	slt.u32 s16, $0x6;
	v17 =	vshll.u32 v17, $0x4;
	v18 =	vor.u32 v1, v23;
	v19 =	vld.idx.msk [tilespmem:v7+s14+$0x0], $0xffff;
	v7 =	vmov v15  }
0x231: {  	v15 =	vor.u32 v1, v17;
	v18 =	vor.u32 v0, v18;
	[tilespmem:v21+s10+$0x0] =	vst.idx.add.f32.msk $0xffff, v20  }
0x232: {  	s12 =	sadd.s32 $0x20, s12;
	v20 =	vor.u32 v0, v15;
	v21 =	vor.u32 $0x1, v18;
	v23 =	vor.u32 $0x2, v18;
	v22 =	vld.idx.msk [tilespmem:v22+s14+$0x0], $0xffff  }
0x233: {  	v27 =	vor.u32 $0x4, v3;
	v17 =	vor.u32 $0x3, v18;
	v26 =	vor.u32 $0x4, v18;
	v25 =	vld [tilespmem:s12+$0xFFFFFFF0]  }
0x234: {  	v30 =	vor.u32 $0x5, v2;
	v29 =	vor.u32 $0x5, v18;
	v15 =	vor.u32 $0x6, v18;
	v28 =	vld [tilespmem:s12+$0x0]  }
0x235: {  	v31 =	vor.u32 $0x7, v18;
	[tilespmem:v16+s10+$0x0] =	vst.idx.add.f32.msk $0xffff, v24  }
0x236: {  	v24 =	vld.idx.msk [tilespmem:v18+s14+$0x0], $0xffff  }
0x237: {  	v32 =	vld.idx.msk [tilespmem:v20+s14+$0x0], $0xffff  }
0x238: {  	v25 =	vshll.u32 v25, $0x3;
	[tilespmem:v27+s10+$0x0] =	vst.idx.add.f32.msk $0xffff, v22  }
0x239: {  	v22 =	vor.u32 $0x1, v20;
	v27 =	vshll.u32 v28, $0x3;
	v28 =	vld.idx.msk [tilespmem:v30+s14+$0x0], $0xffff  }
0x23a: {  	v34 =	vor.u32 $0x5, v3;
	v30 =	vor.u32 $0x1, v27;
	v33 =	vor.u32 $0x2, v27;
	v35 =	vld.idx.msk [tilespmem:v13+s14+$0x0], $0xffff;
	v13 =	vmovc v26  }
0x23b: {  	v36 =	vor.u32 $0x6, v2;
	v16 =	vor.u32 $0x3, v27;
	v26 =	vor.u32 $0x4, v27;
	[tilespmem:v6+s10+$0x0] =	vst.idx.add.f32.msk $0xffff, v19;
	v6 =	vmovc v11  }
0x23c: {  	v18 =	vor.u32 $0x5, v27;
	v37 =	vor.u32 $0x7, v27;
	v11 =	vor.u32 $0x6, v27;
	v38 =	vld.idx.msk [tilespmem:v5+s14+$0x0], $0xffff;
	v5 =	vmovc v8;
	v8 =	vmovc v31  }
0x23d: {  	[tilespmem:v25+s10+$0x0] =	vst.idx.add.f32.msk $0xffff, v32  }
0x23e: {  	v19 =	vld.idx.msk [tilespmem:v22+s14+$0x0], $0xffff  }
0x23f: {  	v22 =	vor.u32 $0x1, v25;
	[tilespmem:v34+s10+$0x0] =	vst.idx.add.f32.msk $0xffff, v28  }
0x240: {  	v28 =	vor.u32 $0x2, v20;
	v31 =	vld.idx.msk [tilespmem:v36+s14+$0x0], $0xffff  }
0x241: {  	[tilespmem:v27+s10+$0x0] =	vst.idx.add.f32.msk $0xffff, v24;
	v24 =	vor.u32 $0x6, v3  }
0x242: {  	v27 =	vor.u32 $0x7, v2;
	v2 =	vmov v20;
	v21 =	vld.idx.msk [tilespmem:v21+s14+$0x0], $0xffff  }
0x243: {  	[tilespmem:v14+s10+$0x0] =	vst.idx.add.f32.msk $0xffff, v35;
	v14 =	vmov v26  }
0x244: {  	[tilespmem:v22+s10+$0x0] =	vst.idx.add.f32.msk $0xffff, v19  }
0x245: {  	v20 =	vld.idx.msk [tilespmem:v28+s14+$0x0], $0xffff  }
0x246: {  	v22 =	vor.u32 $0x2, v25;
	[tilespmem:v24+s10+$0x0] =	vst.idx.add.f32.msk $0xffff, v31  }
0x247: {  	v24 =	vor.u32 $0x3, v2;
	v26 =	vld.idx.msk [tilespmem:v27+s14+$0x0], $0xffff  }
0x248: {  	[tilespmem:v30+s10+$0x0] =	vst.idx.add.f32.msk $0xffff, v21;
	v21 =	vor.u32 $0x7, v3;
	v3 =	vmov v25  }
0x249: {  	v23 =	vld.idx.msk [tilespmem:v23+s14+$0x0], $0xffff  }
0x24a: {  	v19 =	vld.idx.msk [tilespmem:v12+s14+$0x0], $0xffff;
	v12 =	vmov v29  }
.Ltmp4:
0x24b: {  	[tilespmem:v22+s10+$0x0] =	vst.idx.add.f32.msk $0xffff, v20;
	(pc) =	sbr.rel @p0 .LBB2_11-.Ltmp4, $4  }
0x24c: {  	v20 =	vld.idx.msk [tilespmem:v24+s14+$0x0], $0xffff  }
0x24d: {  	[tilespmem:v21+s10+$0x0] =	vst.idx.add.f32.msk $0xffff, v26  }
0x24e: {  	v21 =	vor.u32 $0x3, v3;
	[tilespmem:v4+s10+$0x0] =	vst.idx.add.f32.msk $0xffff, v38;
	v4 =	vmov v10;
	v10 =	vmov v37  }
0x24f: {  	s18 =	sadd.s32 $0x20, s18;
	v22 =	vor.u32 $0x4, v2;
	[tilespmem:v33+s10+$0x0] =	vst.idx.add.f32.msk $0xffff, v23  }
0x250: {  	_ =	sdelay $0x3  }
0x251: {  	v17 =	vld.idx.msk [tilespmem:v17+s14+$0x0], $0xffff;
	_ =	sdelay $0x2  }
0x252: {  	[tilespmem:v21+s10+$0x0] =	vst.idx.add.f32.msk $0xffff, v20  }
0x253: {  	v21 =	vor.u32 $0x4, v3;
	v20 =	vld.idx.msk [tilespmem:v22+s14+$0x0], $0xffff  }
0x254: {  	v22 =	vor.u32 $0x5, v2;
	[tilespmem:v16+s10+$0x0] =	vst.idx.add.f32.msk $0xffff, v17  }
0x255: {  	v13 =	vld.idx.msk [tilespmem:v13+s14+$0x0], $0xffff;
	_ =	sdelay $0x2  }
0x256: {  	[tilespmem:v21+s10+$0x0] =	vst.idx.add.f32.msk $0xffff, v20  }
0x257: {  	v17 =	vor.u32 $0x5, v3;
	v16 =	vld.idx.msk [tilespmem:v22+s14+$0x0], $0xffff  }
0x258: {  	v20 =	vor.u32 $0x6, v2;
	[tilespmem:v14+s10+$0x0] =	vst.idx.add.f32.msk $0xffff, v13  }
0x259: {  	v12 =	vld.idx.msk [tilespmem:v12+s14+$0x0], $0xffff  }
0x25a: {  	[tilespmem:v9+s10+$0x0] =	vst.idx.add.f32.msk $0xffff, v19  }
0x25b: {  	v7 =	vld.idx.msk [tilespmem:v7+s14+$0x0], $0xffff  }
0x25c: {  	[tilespmem:v17+s10+$0x0] =	vst.idx.add.f32.msk $0xffff, v16  }
0x25d: {  	v13 =	vor.u32 $0x6, v3;
	v9 =	vld.idx.msk [tilespmem:v20+s14+$0x0], $0xffff  }
0x25e: {  	v2 =	vor.u32 $0x7, v2;
	[tilespmem:v18+s10+$0x0] =	vst.idx.add.f32.msk $0xffff, v12  }
0x25f: {  	v12 =	vld.idx.msk [tilespmem:v15+s14+$0x0], $0xffff  }
0x260: {  	[tilespmem:v6+s10+$0x0] =	vst.idx.add.f32.msk $0xffff, v7  }
0x261: {  	v5 =	vld.idx.msk [tilespmem:v5+s14+$0x0], $0xffff  }
0x262: {  	[tilespmem:v13+s10+$0x0] =	vst.idx.add.f32.msk $0xffff, v9  }
0x263: {  	v2 =	vld.idx.msk [tilespmem:v2+s14+$0x0], $0xffff  }
0x264: {  	v3 =	vor.u32 $0x7, v3;
	[tilespmem:v11+s10+$0x0] =	vst.idx.add.f32.msk $0xffff, v12  }
0x265: {  	v6 =	vld.idx.msk [tilespmem:v8+s14+$0x0], $0xffff;
	_ =	sdelay $0x2  }
0x266: {  	[tilespmem:v4+s10+$0x0] =	vst.idx.add.f32.msk $0xffff, v5  }
0x267: {  	[tilespmem:v3+s10+$0x0] =	vst.idx.add.f32.msk $0xffff, v2  }
0x268: {  	[tilespmem:v10+s10+$0x0] =	vst.idx.add.f32.msk $0xffff, v6  }
0x269: {  	s12 =	simm.s32 $0x0;
	_ =	swait.ge [sflag:s20], $0x800  }
0x26a: {  	v2 =	vmov s12;
	[sflag:s20] =	ssyncset.done $0x0  }
0x26b: {  	s21 =	simm.s32 $0xA90;
	v2 =	vshll.u32 v2, $0x4;
	[sflag:s20] =	ssyncadd.s32 $0xFFFFF800  }
0x26c: {  	v2 =	vor.u32 v1, v2;
	[tilespmem:s14], [sflag:$0x1] =	stream.indirect.gather [hbm4b:s7+s13], $0x10, s28, s13, $0xb8;
	[tilespmem:$0x168C0] =	vst v63  }
0x26d: {  	s16 =	simm.s32 $0x10;
	v4 =	vor.u32 v0, v2;
	v2 =	vld [tilespmem:s21+$0xFFFFFFF0]  }
0x26e: {  	v3 =	vmov s16  }
0x26f: {  	v3 =	vshll.u32 v3, $0x4  }
0x270: {  	v3 =	vor.u32 v1, v3  }
0x271: {  	v5 =	vor.u32 v0, v3;
	v3 =	vld [tilespmem:s21+$0x0]  }
0x272: {  	v6 =	vld.idx.msk [tilespmem:v4+s15+$0x0], $0xffff;
	v7 =	vshll.u32 v2, $0x3  }
0x273: {  	v2 =	vor.u32 $0x1, v4;
	_ =	sdelay $0x2  }
0x274: {  	v8 =	vld.idx.msk [tilespmem:v5+s15+$0x0], $0xffff;
	v10 =	vshll.u32 v3, $0x3  }
0x275: {  	v3 =	vor.u32 $0x1, v5;
	[tilespmem:v7+s10+$0x0] =	vst.idx.add.f32.msk $0xffff, v6  }
0x276: {  	v6 =	vor.u32 $0x1, v7;
	v2 =	vld.idx.msk [tilespmem:v2+s15+$0x0], $0xffff  }
0x277: {  	v9 =	vor.u32 $0x2, v4;
	_ =	sdelay $0x1  }
0x278: {  	[tilespmem:v10+s10+$0x0] =	vst.idx.add.f32.msk $0xffff, v8  }
0x279: {  	v8 =	vor.u32 $0x1, v10;
	v3 =	vld.idx.msk [tilespmem:v3+s15+$0x0], $0xffff  }
0x27a: {  	v11 =	vor.u32 $0x2, v5;
	[tilespmem:v6+s10+$0x0] =	vst.idx.add.f32.msk $0xffff, v2  }
0x27b: {  	v6 =	vor.u32 $0x2, v7;
	v2 =	vld.idx.msk [tilespmem:v9+s15+$0x0], $0xffff  }
0x27c: {  	v9 =	vor.u32 $0x3, v4;
	_ =	sdelay $0x1  }
0x27d: {  	[tilespmem:v8+s10+$0x0] =	vst.idx.add.f32.msk $0xffff, v3  }
0x27e: {  	v3 =	vor.u32 $0x2, v10;
	v8 =	vld.idx.msk [tilespmem:v11+s15+$0x0], $0xffff  }
0x27f: {  	v11 =	vor.u32 $0x3, v5;
	[tilespmem:v6+s10+$0x0] =	vst.idx.add.f32.msk $0xffff, v2  }
0x280: {  	v6 =	vor.u32 $0x3, v7;
	v2 =	vld.idx.msk [tilespmem:v9+s15+$0x0], $0xffff;
	_ =	sdelay $0x1  }
0x281: {  	s18 =	simm.s32 $0x20;
	v9 =	vor.u32 $0x4, v4  }
0x282: {  	[tilespmem:v3+s10+$0x0] =	vst.idx.add.f32.msk $0xffff, v8;
	v3 =	vmov s18  }
0x283: {  	v8 =	vld.idx.msk [tilespmem:v11+s15+$0x0], $0xffff;
	v3 =	vshll.u32 v3, $0x4;
	v11 =	vor.u32 $0x3, v10  }
0x284: {  	s12 =	simm.s32 $0xAB0;
	s21 =	simm.s32 $0x30;
	v3 =	vor.u32 v1, v3;
	[tilespmem:v6+s10+$0x0] =	vst.idx.add.f32.msk $0xffff, v2  }
0x285: {  	v6 =	vmov s21;
	v2 =	vor.u32 v0, v3;
	v3 =	vld [tilespmem:s12+$0xFFFFFFF0]  }
0x286: {  	v12 =	vor.u32 $0x4, v7;
	v6 =	vshll.u32 v6, $0x4;
	v9 =	vld.idx.msk [tilespmem:v9+s15+$0x0], $0xffff  }
0x287: {  	v13 =	vor.u32 $0x5, v4;
	v6 =	vor.u32 v1, v6  }
0x288: {  	[tilespmem:v11+s10+$0x0] =	vst.idx.add.f32.msk $0xffff, v8;
	v14 =	vor.u32 v0, v6  }
0x289: {  	v15 =	vor.u32 $0x4, v5;
	v6 =	vld [tilespmem:s12+$0x0]  }
0x28a: {  	v8 =	vld.idx.msk [tilespmem:v2+s15+$0x0], $0xffff;
	v3 =	vshll.u32 v3, $0x3  }
0x28b: {  	[tilespmem:v12+s10+$0x0] =	vst.idx.add.f32.msk $0xffff, v9;
	v9 =	vor.u32 $0x1, v2  }
0x28c: {  	v12 =	vor.u32 $0x5, v7;
	v11 =	vld.idx.msk [tilespmem:v13+s15+$0x0], $0xffff  }
0x28d: {  	v16 =	vor.u32 $0x6, v4;
	v13 =	vld.idx.msk [tilespmem:v14+s15+$0x0], $0xffff  }
0x28e: {  	v21 =	vshll.u32 v6, $0x3;
	v6 =	vld.idx.msk [tilespmem:v15+s15+$0x0], $0xffff  }
0x28f: {  	v15 =	vor.u32 $0x1, v14;
	[tilespmem:v3+s10+$0x0] =	vst.idx.add.f32.msk $0xffff, v8  }
0x290: {  	v8 =	vor.u32 $0x4, v10;
	v9 =	vld.idx.msk [tilespmem:v9+s15+$0x0], $0xffff  }
0x291: {  	v17 =	vor.u32 $0x1, v3;
	[tilespmem:v12+s10+$0x0] =	vst.idx.add.f32.msk $0xffff, v11  }
0x292: {  	v11 =	vor.u32 $0x2, v2;
	v12 =	vld.idx.msk [tilespmem:v16+s15+$0x0], $0xffff  }
0x293: {  	[tilespmem:v21+s10+$0x0] =	vst.idx.add.f32.msk $0xffff, v13;
	v13 =	vor.u32 $0x6, v7  }
0x294: {  	v4 =	vor.u32 $0x7, v4;
	v15 =	vld.idx.msk [tilespmem:v15+s15+$0x0], $0xffff  }
0x295: {  	v16 =	vor.u32 $0x1, v21;
	[tilespmem:v8+s10+$0x0] =	vst.idx.add.f32.msk $0xffff, v6  }
0x296: {  	v6 =	vor.u32 $0x2, v14;
	[tilespmem:v17+s10+$0x0] =	vst.idx.add.f32.msk $0xffff, v9  }
0x297: {  	v8 =	vor.u32 $0x5, v5;
	v11 =	vld.idx.msk [tilespmem:v11+s15+$0x0], $0xffff  }
0x298: {  	v18 =	vor.u32 $0x2, v3;
	[tilespmem:v13+s10+$0x0] =	vst.idx.add.f32.msk $0xffff, v12  }
0x299: {  	v20 =	vor.u32 $0x3, v2;
	v22 =	vld.idx.msk [tilespmem:v4+s15+$0x0], $0xffff  }
0x29a: {  	v23 =	vor.u32 $0x7, v7;
	v24 =	vor.u32 $0x2, v21;
	[tilespmem:v16+s10+$0x0] =	vst.idx.add.f32.msk $0xffff, v15  }
0x29b: {  	v7 =	vor.u32 $0x6, v5;
	v9 =	vor.u32 $0x5, v10;
	v17 =	vor.u32 $0x3, v14;
	v25 =	vld.idx.msk [tilespmem:v6+s15+$0x0], $0xffff  }
0x29c: {  	v13 =	vor.u32 $0x4, v14;
	v12 =	vor.u32 $0x5, v14;
	v4 =	vor.u32 $0x7, v10;
	v19 =	vld.idx.msk [tilespmem:v8+s15+$0x0], $0xffff  }
0x29d: {  	v15 =	vor.u32 $0x6, v14;
	v16 =	vor.u32 $0x3, v21;
	v6 =	vor.u32 $0x6, v10;
	[tilespmem:v18+s10+$0x0] =	vst.idx.add.f32.msk $0xffff, v11  }
0x29e: {  	v8 =	vor.u32 $0x7, v14;
	v14 =	vor.u32 $0x4, v21;
	v10 =	vor.u32 $0x7, v21;
	v20 =	vld.idx.msk [tilespmem:v20+s15+$0x0], $0xffff  }
0x29f: {  	v18 =	vor.u32 $0x5, v21;
	v11 =	vor.u32 $0x6, v21;
	v21 =	vor.u32 $0x3, v3;
	[tilespmem:v23+s10+$0x0] =	vst.idx.add.f32.msk $0xffff, v22  }
0x2a0: {  	s16 =	simm.s32 $0x2;
	s18 =	simm.s32 $0x50;
	v5 =	vor.u32 $0x7, v5;
	v22 =	vor.u32 $0x4, v2;
	[tilespmem:v24+s10+$0x0] =	vst.idx.add.f32.msk $0xffff, v25  }
.LBB2_13:
0x2a1: {  	s21 =	sadd.s32 $0xFFFFFFF0, s18;
	v23 =	vmov s18;
	v24 =	vld.idx.msk [tilespmem:v17+s15+$0x0], $0xffff  }
0x2a2: {  	s16 =	sadd.s32 $0x2, s16;
	v17 =	vmov s21;
	v23 =	vshll.u32 v23, $0x4;
	[tilespmem:v9+s10+$0x0] =	vst.idx.add.f32.msk $0xffff, v19;
	v9 =	vmov v18  }
0x2a3: {  	p0 =	slt.u32 s16, $0x6;
	v17 =	vshll.u32 v17, $0x4;
	v18 =	vor.u32 v1, v23;
	v19 =	vld.idx.msk [tilespmem:v7+s15+$0x0], $0xffff;
	v7 =	vmov v15  }
0x2a4: {  	v15 =	vor.u32 v1, v17;
	v18 =	vor.u32 v0, v18;
	[tilespmem:v21+s10+$0x0] =	vst.idx.add.f32.msk $0xffff, v20  }
0x2a5: {  	s12 =	sadd.s32 $0x20, s12;
	v20 =	vor.u32 v0, v15;
	v21 =	vor.u32 $0x1, v18;
	v23 =	vor.u32 $0x2, v18;
	v22 =	vld.idx.msk [tilespmem:v22+s15+$0x0], $0xffff  }
0x2a6: {  	v27 =	vor.u32 $0x4, v3;
	v17 =	vor.u32 $0x3, v18;
	v26 =	vor.u32 $0x4, v18;
	v25 =	vld [tilespmem:s12+$0xFFFFFFF0]  }
0x2a7: {  	v30 =	vor.u32 $0x5, v2;
	v29 =	vor.u32 $0x5, v18;
	v15 =	vor.u32 $0x6, v18;
	v28 =	vld [tilespmem:s12+$0x0]  }
0x2a8: {  	v31 =	vor.u32 $0x7, v18;
	[tilespmem:v16+s10+$0x0] =	vst.idx.add.f32.msk $0xffff, v24  }
0x2a9: {  	v24 =	vld.idx.msk [tilespmem:v18+s15+$0x0], $0xffff  }
0x2aa: {  	v32 =	vld.idx.msk [tilespmem:v20+s15+$0x0], $0xffff  }
0x2ab: {  	v25 =	vshll.u32 v25, $0x3;
	[tilespmem:v27+s10+$0x0] =	vst.idx.add.f32.msk $0xffff, v22  }
0x2ac: {  	v22 =	vor.u32 $0x1, v20;
	v27 =	vshll.u32 v28, $0x3;
	v28 =	vld.idx.msk [tilespmem:v30+s15+$0x0], $0xffff  }
0x2ad: {  	v34 =	vor.u32 $0x5, v3;
	v30 =	vor.u32 $0x1, v27;
	v33 =	vor.u32 $0x2, v27;
	v35 =	vld.idx.msk [tilespmem:v13+s15+$0x0], $0xffff;
	v13 =	vmovc v26  }
0x2ae: {  	v36 =	vor.u32 $0x6, v2;
	v16 =	vor.u32 $0x3, v27;
	v26 =	vor.u32 $0x4, v27;
	[tilespmem:v6+s10+$0x0] =	vst.idx.add.f32.msk $0xffff, v19;
	v6 =	vmovc v11  }
0x2af: {  	v18 =	vor.u32 $0x5, v27;
	v37 =	vor.u32 $0x7, v27;
	v11 =	vor.u32 $0x6, v27;
	v38 =	vld.idx.msk [tilespmem:v5+s15+$0x0], $0xffff;
	v5 =	vmovc v8;
	v8 =	vmovc v31  }
0x2b0: {  	[tilespmem:v25+s10+$0x0] =	vst.idx.add.f32.msk $0xffff, v32  }
0x2b1: {  	v19 =	vld.idx.msk [tilespmem:v22+s15+$0x0], $0xffff  }
0x2b2: {  	v22 =	vor.u32 $0x1, v25;
	[tilespmem:v34+s10+$0x0] =	vst.idx.add.f32.msk $0xffff, v28  }
0x2b3: {  	v28 =	vor.u32 $0x2, v20;
	v31 =	vld.idx.msk [tilespmem:v36+s15+$0x0], $0xffff  }
0x2b4: {  	[tilespmem:v27+s10+$0x0] =	vst.idx.add.f32.msk $0xffff, v24;
	v24 =	vor.u32 $0x6, v3  }
0x2b5: {  	v27 =	vor.u32 $0x7, v2;
	v2 =	vmov v20;
	v21 =	vld.idx.msk [tilespmem:v21+s15+$0x0], $0xffff  }
0x2b6: {  	[tilespmem:v14+s10+$0x0] =	vst.idx.add.f32.msk $0xffff, v35;
	v14 =	vmov v26  }
0x2b7: {  	[tilespmem:v22+s10+$0x0] =	vst.idx.add.f32.msk $0xffff, v19  }
0x2b8: {  	v20 =	vld.idx.msk [tilespmem:v28+s15+$0x0], $0xffff  }
0x2b9: {  	v22 =	vor.u32 $0x2, v25;
	[tilespmem:v24+s10+$0x0] =	vst.idx.add.f32.msk $0xffff, v31  }
0x2ba: {  	v24 =	vor.u32 $0x3, v2;
	v26 =	vld.idx.msk [tilespmem:v27+s15+$0x0], $0xffff  }
0x2bb: {  	[tilespmem:v30+s10+$0x0] =	vst.idx.add.f32.msk $0xffff, v21;
	v21 =	vor.u32 $0x7, v3;
	v3 =	vmov v25  }
0x2bc: {  	v23 =	vld.idx.msk [tilespmem:v23+s15+$0x0], $0xffff  }
0x2bd: {  	v19 =	vld.idx.msk [tilespmem:v12+s15+$0x0], $0xffff;
	v12 =	vmov v29  }
.Ltmp5:
0x2be: {  	[tilespmem:v22+s10+$0x0] =	vst.idx.add.f32.msk $0xffff, v20;
	(pc) =	sbr.rel @p0 .LBB2_13-.Ltmp5, $4  }
0x2bf: {  	v20 =	vld.idx.msk [tilespmem:v24+s15+$0x0], $0xffff  }
0x2c0: {  	[tilespmem:v21+s10+$0x0] =	vst.idx.add.f32.msk $0xffff, v26  }
0x2c1: {  	v21 =	vor.u32 $0x3, v3;
	[tilespmem:v4+s10+$0x0] =	vst.idx.add.f32.msk $0xffff, v38;
	v4 =	vmov v10;
	v10 =	vmov v37  }
0x2c2: {  	s18 =	sadd.s32 $0x20, s18;
	v22 =	vor.u32 $0x4, v2;
	[tilespmem:v33+s10+$0x0] =	vst.idx.add.f32.msk $0xffff, v23  }
0x2c3: {  	_ =	sdelay $0x3  }
0x2c4: {  	v17 =	vld.idx.msk [tilespmem:v17+s15+$0x0], $0xffff;
	_ =	sdelay $0x2  }
0x2c5: {  	[tilespmem:v21+s10+$0x0] =	vst.idx.add.f32.msk $0xffff, v20  }
0x2c6: {  	v21 =	vor.u32 $0x4, v3;
	v20 =	vld.idx.msk [tilespmem:v22+s15+$0x0], $0xffff  }
0x2c7: {  	v22 =	vor.u32 $0x5, v2;
	[tilespmem:v16+s10+$0x0] =	vst.idx.add.f32.msk $0xffff, v17  }
0x2c8: {  	v13 =	vld.idx.msk [tilespmem:v13+s15+$0x0], $0xffff;
	_ =	sdelay $0x2  }
0x2c9: {  	[tilespmem:v21+s10+$0x0] =	vst.idx.add.f32.msk $0xffff, v20  }
0x2ca: {  	v17 =	vor.u32 $0x5, v3;
	v16 =	vld.idx.msk [tilespmem:v22+s15+$0x0], $0xffff  }
0x2cb: {  	v20 =	vor.u32 $0x6, v2;
	[tilespmem:v14+s10+$0x0] =	vst.idx.add.f32.msk $0xffff, v13  }
0x2cc: {  	v12 =	vld.idx.msk [tilespmem:v12+s15+$0x0], $0xffff  }
0x2cd: {  	[tilespmem:v9+s10+$0x0] =	vst.idx.add.f32.msk $0xffff, v19  }
0x2ce: {  	v7 =	vld.idx.msk [tilespmem:v7+s15+$0x0], $0xffff  }
0x2cf: {  	[tilespmem:v17+s10+$0x0] =	vst.idx.add.f32.msk $0xffff, v16  }
0x2d0: {  	v13 =	vor.u32 $0x6, v3;
	v9 =	vld.idx.msk [tilespmem:v20+s15+$0x0], $0xffff  }
0x2d1: {  	v2 =	vor.u32 $0x7, v2;
	[tilespmem:v18+s10+$0x0] =	vst.idx.add.f32.msk $0xffff, v12  }
0x2d2: {  	v12 =	vld.idx.msk [tilespmem:v15+s15+$0x0], $0xffff  }
0x2d3: {  	[tilespmem:v6+s10+$0x0] =	vst.idx.add.f32.msk $0xffff, v7  }
0x2d4: {  	v5 =	vld.idx.msk [tilespmem:v5+s15+$0x0], $0xffff  }
0x2d5: {  	[tilespmem:v13+s10+$0x0] =	vst.idx.add.f32.msk $0xffff, v9  }
0x2d6: {  	v2 =	vld.idx.msk [tilespmem:v2+s15+$0x0], $0xffff  }
0x2d7: {  	v3 =	vor.u32 $0x7, v3;
	[tilespmem:v11+s10+$0x0] =	vst.idx.add.f32.msk $0xffff, v12  }
0x2d8: {  	v6 =	vld.idx.msk [tilespmem:v8+s15+$0x0], $0xffff;
	_ =	sdelay $0x2  }
0x2d9: {  	[tilespmem:v4+s10+$0x0] =	vst.idx.add.f32.msk $0xffff, v5  }
0x2da: {  	[tilespmem:v3+s10+$0x0] =	vst.idx.add.f32.msk $0xffff, v2  }
0x2db: {  	[tilespmem:v10+s10+$0x0] =	vst.idx.add.f32.msk $0xffff, v6  }
0x2dc: {  	s12 =	simm.s32 $0x0;
	_ =	swait.ge [sflag:s22], $0x800  }
0x2dd: {  	v2 =	vmov s12;
	[sflag:s22] =	ssyncset.done $0x0  }
0x2de: {  	s21 =	simm.s32 $0xB10;
	v2 =	vshll.u32 v2, $0x4;
	[sflag:s22] =	ssyncadd.s32 $0xFFFFF800  }
0x2df: {  	v2 =	vor.u32 v1, v2;
	[tilespmem:s15], [sflag:$0x2] =	stream.indirect.gather [hbm4b:s7+s13], $0x10, s29, s13, $0xb8;
	[tilespmem:$0x168C0] =	vst v63  }
0x2e0: {  	s16 =	simm.s32 $0x10;
	v4 =	vor.u32 v0, v2;
	v2 =	vld [tilespmem:s21+$0xFFFFFFF0]  }
0x2e1: {  	v3 =	vmov s16  }
0x2e2: {  	v3 =	vshll.u32 v3, $0x4  }
0x2e3: {  	v3 =	vor.u32 v1, v3  }
0x2e4: {  	v5 =	vor.u32 v0, v3;
	v3 =	vld [tilespmem:s21+$0x0]  }
0x2e5: {  	v6 =	vld.idx.msk [tilespmem:v4+s17+$0x0], $0xffff;
	v7 =	vshll.u32 v2, $0x3  }
0x2e6: {  	v2 =	vor.u32 $0x1, v4;
	_ =	sdelay $0x2  }
0x2e7: {  	v8 =	vld.idx.msk [tilespmem:v5+s17+$0x0], $0xffff;
	v10 =	vshll.u32 v3, $0x3  }
0x2e8: {  	v3 =	vor.u32 $0x1, v5;
	[tilespmem:v7+s10+$0x0] =	vst.idx.add.f32.msk $0xffff, v6  }
0x2e9: {  	v6 =	vor.u32 $0x1, v7;
	v2 =	vld.idx.msk [tilespmem:v2+s17+$0x0], $0xffff  }
0x2ea: {  	v9 =	vor.u32 $0x2, v4;
	_ =	sdelay $0x1  }
0x2eb: {  	[tilespmem:v10+s10+$0x0] =	vst.idx.add.f32.msk $0xffff, v8  }
0x2ec: {  	v8 =	vor.u32 $0x1, v10;
	v3 =	vld.idx.msk [tilespmem:v3+s17+$0x0], $0xffff  }
0x2ed: {  	v11 =	vor.u32 $0x2, v5;
	[tilespmem:v6+s10+$0x0] =	vst.idx.add.f32.msk $0xffff, v2  }
0x2ee: {  	v6 =	vor.u32 $0x2, v7;
	v2 =	vld.idx.msk [tilespmem:v9+s17+$0x0], $0xffff  }
0x2ef: {  	v9 =	vor.u32 $0x3, v4;
	_ =	sdelay $0x1  }
0x2f0: {  	[tilespmem:v8+s10+$0x0] =	vst.idx.add.f32.msk $0xffff, v3  }
0x2f1: {  	v3 =	vor.u32 $0x2, v10;
	v8 =	vld.idx.msk [tilespmem:v11+s17+$0x0], $0xffff  }
0x2f2: {  	v11 =	vor.u32 $0x3, v5;
	[tilespmem:v6+s10+$0x0] =	vst.idx.add.f32.msk $0xffff, v2  }
0x2f3: {  	v6 =	vor.u32 $0x3, v7;
	v2 =	vld.idx.msk [tilespmem:v9+s17+$0x0], $0xffff;
	_ =	sdelay $0x1  }
0x2f4: {  	s18 =	simm.s32 $0x20;
	v9 =	vor.u32 $0x4, v4  }
0x2f5: {  	[tilespmem:v3+s10+$0x0] =	vst.idx.add.f32.msk $0xffff, v8;
	v3 =	vmov s18  }
0x2f6: {  	v8 =	vld.idx.msk [tilespmem:v11+s17+$0x0], $0xffff;
	v3 =	vshll.u32 v3, $0x4;
	v11 =	vor.u32 $0x3, v10  }
0x2f7: {  	s12 =	simm.s32 $0xB30;
	s21 =	simm.s32 $0x30;
	v3 =	vor.u32 v1, v3;
	[tilespmem:v6+s10+$0x0] =	vst.idx.add.f32.msk $0xffff, v2  }
0x2f8: {  	v6 =	vmov s21;
	v2 =	vor.u32 v0, v3;
	v3 =	vld [tilespmem:s12+$0xFFFFFFF0]  }
0x2f9: {  	v12 =	vor.u32 $0x4, v7;
	v6 =	vshll.u32 v6, $0x4;
	v9 =	vld.idx.msk [tilespmem:v9+s17+$0x0], $0xffff  }
0x2fa: {  	v13 =	vor.u32 $0x5, v4;
	v6 =	vor.u32 v1, v6  }
0x2fb: {  	[tilespmem:v11+s10+$0x0] =	vst.idx.add.f32.msk $0xffff, v8;
	v14 =	vor.u32 v0, v6  }
0x2fc: {  	v15 =	vor.u32 $0x4, v5;
	v6 =	vld [tilespmem:s12+$0x0]  }
0x2fd: {  	v8 =	vld.idx.msk [tilespmem:v2+s17+$0x0], $0xffff;
	v3 =	vshll.u32 v3, $0x3  }
0x2fe: {  	[tilespmem:v12+s10+$0x0] =	vst.idx.add.f32.msk $0xffff, v9;
	v9 =	vor.u32 $0x1, v2  }
0x2ff: {  	v12 =	vor.u32 $0x5, v7;
	v11 =	vld.idx.msk [tilespmem:v13+s17+$0x0], $0xffff  }
0x300: {  	v16 =	vor.u32 $0x6, v4;
	v13 =	vld.idx.msk [tilespmem:v14+s17+$0x0], $0xffff  }
0x301: {  	v21 =	vshll.u32 v6, $0x3;
	v6 =	vld.idx.msk [tilespmem:v15+s17+$0x0], $0xffff  }
0x302: {  	v15 =	vor.u32 $0x1, v14;
	[tilespmem:v3+s10+$0x0] =	vst.idx.add.f32.msk $0xffff, v8  }
0x303: {  	v8 =	vor.u32 $0x4, v10;
	v9 =	vld.idx.msk [tilespmem:v9+s17+$0x0], $0xffff  }
0x304: {  	v17 =	vor.u32 $0x1, v3;
	[tilespmem:v12+s10+$0x0] =	vst.idx.add.f32.msk $0xffff, v11  }
0x305: {  	v11 =	vor.u32 $0x2, v2;
	v12 =	vld.idx.msk [tilespmem:v16+s17+$0x0], $0xffff  }
0x306: {  	[tilespmem:v21+s10+$0x0] =	vst.idx.add.f32.msk $0xffff, v13;
	v13 =	vor.u32 $0x6, v7  }
0x307: {  	v4 =	vor.u32 $0x7, v4;
	v15 =	vld.idx.msk [tilespmem:v15+s17+$0x0], $0xffff  }
0x308: {  	v16 =	vor.u32 $0x1, v21;
	[tilespmem:v8+s10+$0x0] =	vst.idx.add.f32.msk $0xffff, v6  }
0x309: {  	v6 =	vor.u32 $0x2, v14;
	[tilespmem:v17+s10+$0x0] =	vst.idx.add.f32.msk $0xffff, v9  }
0x30a: {  	v8 =	vor.u32 $0x5, v5;
	v11 =	vld.idx.msk [tilespmem:v11+s17+$0x0], $0xffff  }
0x30b: {  	v18 =	vor.u32 $0x2, v3;
	[tilespmem:v13+s10+$0x0] =	vst.idx.add.f32.msk $0xffff, v12  }
0x30c: {  	v20 =	vor.u32 $0x3, v2;
	v22 =	vld.idx.msk [tilespmem:v4+s17+$0x0], $0xffff  }
0x30d: {  	v23 =	vor.u32 $0x7, v7;
	v24 =	vor.u32 $0x2, v21;
	[tilespmem:v16+s10+$0x0] =	vst.idx.add.f32.msk $0xffff, v15  }
0x30e: {  	v7 =	vor.u32 $0x6, v5;
	v9 =	vor.u32 $0x5, v10;
	v17 =	vor.u32 $0x3, v14;
	v25 =	vld.idx.msk [tilespmem:v6+s17+$0x0], $0xffff  }
0x30f: {  	v13 =	vor.u32 $0x4, v14;
	v12 =	vor.u32 $0x5, v14;
	v4 =	vor.u32 $0x7, v10;
	v19 =	vld.idx.msk [tilespmem:v8+s17+$0x0], $0xffff  }
0x310: {  	v15 =	vor.u32 $0x6, v14;
	v16 =	vor.u32 $0x3, v21;
	v6 =	vor.u32 $0x6, v10;
	[tilespmem:v18+s10+$0x0] =	vst.idx.add.f32.msk $0xffff, v11  }
0x311: {  	v8 =	vor.u32 $0x7, v14;
	v14 =	vor.u32 $0x4, v21;
	v10 =	vor.u32 $0x7, v21;
	v20 =	vld.idx.msk [tilespmem:v20+s17+$0x0], $0xffff  }
0x312: {  	v18 =	vor.u32 $0x5, v21;
	v11 =	vor.u32 $0x6, v21;
	v21 =	vor.u32 $0x3, v3;
	[tilespmem:v23+s10+$0x0] =	vst.idx.add.f32.msk $0xffff, v22  }
0x313: {  	s16 =	simm.s32 $0x2;
	s18 =	simm.s32 $0x50;
	v5 =	vor.u32 $0x7, v5;
	v22 =	vor.u32 $0x4, v2;
	[tilespmem:v24+s10+$0x0] =	vst.idx.add.f32.msk $0xffff, v25  }
.LBB2_15:
0x314: {  	s21 =	sadd.s32 $0xFFFFFFF0, s18;
	v23 =	vmov s18;
	v24 =	vld.idx.msk [tilespmem:v17+s17+$0x0], $0xffff  }
0x315: {  	s16 =	sadd.s32 $0x2, s16;
	v17 =	vmov s21;
	v23 =	vshll.u32 v23, $0x4;
	[tilespmem:v9+s10+$0x0] =	vst.idx.add.f32.msk $0xffff, v19;
	v9 =	vmov v18  }
0x316: {  	p0 =	slt.u32 s16, $0x6;
	v17 =	vshll.u32 v17, $0x4;
	v18 =	vor.u32 v1, v23;
	v19 =	vld.idx.msk [tilespmem:v7+s17+$0x0], $0xffff;
	v7 =	vmov v15  }
0x317: {  	v15 =	vor.u32 v1, v17;
	v18 =	vor.u32 v0, v18;
	[tilespmem:v21+s10+$0x0] =	vst.idx.add.f32.msk $0xffff, v20  }
0x318: {  	s12 =	sadd.s32 $0x20, s12;
	v20 =	vor.u32 v0, v15;
	v21 =	vor.u32 $0x1, v18;
	v23 =	vor.u32 $0x2, v18;
	v22 =	vld.idx.msk [tilespmem:v22+s17+$0x0], $0xffff  }
0x319: {  	v27 =	vor.u32 $0x4, v3;
	v17 =	vor.u32 $0x3, v18;
	v26 =	vor.u32 $0x4, v18;
	v25 =	vld [tilespmem:s12+$0xFFFFFFF0]  }
0x31a: {  	v30 =	vor.u32 $0x5, v2;
	v29 =	vor.u32 $0x5, v18;
	v15 =	vor.u32 $0x6, v18;
	v28 =	vld [tilespmem:s12+$0x0]  }
0x31b: {  	v31 =	vor.u32 $0x7, v18;
	[tilespmem:v16+s10+$0x0] =	vst.idx.add.f32.msk $0xffff, v24  }
0x31c: {  	v24 =	vld.idx.msk [tilespmem:v18+s17+$0x0], $0xffff  }
0x31d: {  	v32 =	vld.idx.msk [tilespmem:v20+s17+$0x0], $0xffff  }
0x31e: {  	v25 =	vshll.u32 v25, $0x3;
	[tilespmem:v27+s10+$0x0] =	vst.idx.add.f32.msk $0xffff, v22  }
0x31f: {  	v22 =	vor.u32 $0x1, v20;
	v27 =	vshll.u32 v28, $0x3;
	v28 =	vld.idx.msk [tilespmem:v30+s17+$0x0], $0xffff  }
0x320: {  	v34 =	vor.u32 $0x5, v3;
	v30 =	vor.u32 $0x1, v27;
	v33 =	vor.u32 $0x2, v27;
	v35 =	vld.idx.msk [tilespmem:v13+s17+$0x0], $0xffff;
	v13 =	vmovc v26  }
0x321: {  	v36 =	vor.u32 $0x6, v2;
	v16 =	vor.u32 $0x3, v27;
	v26 =	vor.u32 $0x4, v27;
	[tilespmem:v6+s10+$0x0] =	vst.idx.add.f32.msk $0xffff, v19;
	v6 =	vmovc v11  }
0x322: {  	v18 =	vor.u32 $0x5, v27;
	v37 =	vor.u32 $0x7, v27;
	v11 =	vor.u32 $0x6, v27;
	v38 =	vld.idx.msk [tilespmem:v5+s17+$0x0], $0xffff;
	v5 =	vmovc v8;
	v8 =	vmovc v31  }
0x323: {  	[tilespmem:v25+s10+$0x0] =	vst.idx.add.f32.msk $0xffff, v32  }
0x324: {  	v19 =	vld.idx.msk [tilespmem:v22+s17+$0x0], $0xffff  }
0x325: {  	v22 =	vor.u32 $0x1, v25;
	[tilespmem:v34+s10+$0x0] =	vst.idx.add.f32.msk $0xffff, v28  }
0x326: {  	v28 =	vor.u32 $0x2, v20;
	v31 =	vld.idx.msk [tilespmem:v36+s17+$0x0], $0xffff  }
0x327: {  	[tilespmem:v27+s10+$0x0] =	vst.idx.add.f32.msk $0xffff, v24;
	v24 =	vor.u32 $0x6, v3  }
0x328: {  	v27 =	vor.u32 $0x7, v2;
	v2 =	vmov v20;
	v21 =	vld.idx.msk [tilespmem:v21+s17+$0x0], $0xffff  }
0x329: {  	[tilespmem:v14+s10+$0x0] =	vst.idx.add.f32.msk $0xffff, v35;
	v14 =	vmov v26  }
0x32a: {  	[tilespmem:v22+s10+$0x0] =	vst.idx.add.f32.msk $0xffff, v19  }
0x32b: {  	v20 =	vld.idx.msk [tilespmem:v28+s17+$0x0], $0xffff  }
0x32c: {  	v22 =	vor.u32 $0x2, v25;
	[tilespmem:v24+s10+$0x0] =	vst.idx.add.f32.msk $0xffff, v31  }
0x32d: {  	v24 =	vor.u32 $0x3, v2;
	v26 =	vld.idx.msk [tilespmem:v27+s17+$0x0], $0xffff  }
0x32e: {  	[tilespmem:v30+s10+$0x0] =	vst.idx.add.f32.msk $0xffff, v21;
	v21 =	vor.u32 $0x7, v3;
	v3 =	vmov v25  }
0x32f: {  	v23 =	vld.idx.msk [tilespmem:v23+s17+$0x0], $0xffff  }
0x330: {  	v19 =	vld.idx.msk [tilespmem:v12+s17+$0x0], $0xffff;
	v12 =	vmov v29  }
.Ltmp6:
0x331: {  	[tilespmem:v22+s10+$0x0] =	vst.idx.add.f32.msk $0xffff, v20;
	(pc) =	sbr.rel @p0 .LBB2_15-.Ltmp6, $4  }
0x332: {  	v20 =	vld.idx.msk [tilespmem:v24+s17+$0x0], $0xffff  }
0x333: {  	[tilespmem:v21+s10+$0x0] =	vst.idx.add.f32.msk $0xffff, v26  }
0x334: {  	v21 =	vor.u32 $0x3, v3;
	[tilespmem:v4+s10+$0x0] =	vst.idx.add.f32.msk $0xffff, v38;
	v4 =	vmov v10;
	v10 =	vmov v37  }
0x335: {  	s18 =	sadd.s32 $0x20, s18;
	v22 =	vor.u32 $0x4, v2;
	[tilespmem:v33+s10+$0x0] =	vst.idx.add.f32.msk $0xffff, v23  }
0x336: {  	_ =	sdelay $0x3  }
0x337: {  	v17 =	vld.idx.msk [tilespmem:v17+s17+$0x0], $0xffff;
	_ =	sdelay $0x2  }
0x338: {  	[tilespmem:v21+s10+$0x0] =	vst.idx.add.f32.msk $0xffff, v20  }
0x339: {  	v21 =	vor.u32 $0x4, v3;
	v20 =	vld.idx.msk [tilespmem:v22+s17+$0x0], $0xffff  }
0x33a: {  	v22 =	vor.u32 $0x5, v2;
	[tilespmem:v16+s10+$0x0] =	vst.idx.add.f32.msk $0xffff, v17  }
0x33b: {  	v13 =	vld.idx.msk [tilespmem:v13+s17+$0x0], $0xffff;
	_ =	sdelay $0x2  }
0x33c: {  	[tilespmem:v21+s10+$0x0] =	vst.idx.add.f32.msk $0xffff, v20  }
0x33d: {  	v17 =	vor.u32 $0x5, v3;
	v16 =	vld.idx.msk [tilespmem:v22+s17+$0x0], $0xffff  }
0x33e: {  	v20 =	vor.u32 $0x6, v2;
	[tilespmem:v14+s10+$0x0] =	vst.idx.add.f32.msk $0xffff, v13  }
0x33f: {  	v12 =	vld.idx.msk [tilespmem:v12+s17+$0x0], $0xffff  }
0x340: {  	[tilespmem:v9+s10+$0x0] =	vst.idx.add.f32.msk $0xffff, v19  }
0x341: {  	v7 =	vld.idx.msk [tilespmem:v7+s17+$0x0], $0xffff  }
0x342: {  	[tilespmem:v17+s10+$0x0] =	vst.idx.add.f32.msk $0xffff, v16  }
0x343: {  	v13 =	vor.u32 $0x6, v3;
	v9 =	vld.idx.msk [tilespmem:v20+s17+$0x0], $0xffff  }
0x344: {  	v2 =	vor.u32 $0x7, v2;
	[tilespmem:v18+s10+$0x0] =	vst.idx.add.f32.msk $0xffff, v12  }
0x345: {  	v12 =	vld.idx.msk [tilespmem:v15+s17+$0x0], $0xffff  }
0x346: {  	[tilespmem:v6+s10+$0x0] =	vst.idx.add.f32.msk $0xffff, v7  }
0x347: {  	v5 =	vld.idx.msk [tilespmem:v5+s17+$0x0], $0xffff  }
0x348: {  	[tilespmem:v13+s10+$0x0] =	vst.idx.add.f32.msk $0xffff, v9  }
0x349: {  	v2 =	vld.idx.msk [tilespmem:v2+s17+$0x0], $0xffff  }
0x34a: {  	v3 =	vor.u32 $0x7, v3;
	[tilespmem:v11+s10+$0x0] =	vst.idx.add.f32.msk $0xffff, v12  }
0x34b: {  	v6 =	vld.idx.msk [tilespmem:v8+s17+$0x0], $0xffff;
	_ =	sdelay $0x2  }
0x34c: {  	[tilespmem:v4+s10+$0x0] =	vst.idx.add.f32.msk $0xffff, v5  }
0x34d: {  	[tilespmem:v3+s10+$0x0] =	vst.idx.add.f32.msk $0xffff, v2  }
0x34e: {  	[tilespmem:v10+s10+$0x0] =	vst.idx.add.f32.msk $0xffff, v6  }
0x34f: {  	s12 =	simm.s32 $0x0;
	_ =	swait.ge [sflag:s24], $0x800  }
0x350: {  	v2 =	vmov s12;
	[sflag:s24] =	ssyncset.done $0x0  }
0x351: {  	s21 =	simm.s32 $0xB90;
	v2 =	vshll.u32 v2, $0x4;
	[sflag:s24] =	ssyncadd.s32 $0xFFFFF800  }
0x352: {  	v2 =	vor.u32 v1, v2;
	[tilespmem:s17], [sflag:$0x3] =	stream.indirect.gather [hbm4b:s7+s13], $0x10, s30, s13, $0xb8;
	[tilespmem:$0x168C0] =	vst v63  }
0x353: {  	s16 =	simm.s32 $0x10;
	v4 =	vor.u32 v0, v2;
	v2 =	vld [tilespmem:s21+$0xFFFFFFF0]  }
0x354: {  	v3 =	vmov s16  }
0x355: {  	v3 =	vshll.u32 v3, $0x4  }
0x356: {  	v3 =	vor.u32 v1, v3  }
0x357: {  	v5 =	vor.u32 v0, v3;
	v3 =	vld [tilespmem:s21+$0x0]  }
0x358: {  	v6 =	vld.idx.msk [tilespmem:v4+s19+$0x0], $0xffff;
	v7 =	vshll.u32 v2, $0x3  }
0x359: {  	v2 =	vor.u32 $0x1, v4;
	_ =	sdelay $0x2  }
0x35a: {  	v8 =	vld.idx.msk [tilespmem:v5+s19+$0x0], $0xffff;
	v10 =	vshll.u32 v3, $0x3  }
0x35b: {  	v3 =	vor.u32 $0x1, v5;
	[tilespmem:v7+s10+$0x0] =	vst.idx.add.f32.msk $0xffff, v6  }
0x35c: {  	v6 =	vor.u32 $0x1, v7;
	v2 =	vld.idx.msk [tilespmem:v2+s19+$0x0], $0xffff  }
0x35d: {  	v9 =	vor.u32 $0x2, v4;
	_ =	sdelay $0x1  }
0x35e: {  	[tilespmem:v10+s10+$0x0] =	vst.idx.add.f32.msk $0xffff, v8  }
0x35f: {  	v8 =	vor.u32 $0x1, v10;
	v3 =	vld.idx.msk [tilespmem:v3+s19+$0x0], $0xffff  }
0x360: {  	v11 =	vor.u32 $0x2, v5;
	[tilespmem:v6+s10+$0x0] =	vst.idx.add.f32.msk $0xffff, v2  }
0x361: {  	v6 =	vor.u32 $0x2, v7;
	v2 =	vld.idx.msk [tilespmem:v9+s19+$0x0], $0xffff  }
0x362: {  	v9 =	vor.u32 $0x3, v4;
	_ =	sdelay $0x1  }
0x363: {  	[tilespmem:v8+s10+$0x0] =	vst.idx.add.f32.msk $0xffff, v3  }
0x364: {  	v3 =	vor.u32 $0x2, v10;
	v8 =	vld.idx.msk [tilespmem:v11+s19+$0x0], $0xffff  }
0x365: {  	v11 =	vor.u32 $0x3, v5;
	[tilespmem:v6+s10+$0x0] =	vst.idx.add.f32.msk $0xffff, v2  }
0x366: {  	v6 =	vor.u32 $0x3, v7;
	v2 =	vld.idx.msk [tilespmem:v9+s19+$0x0], $0xffff;
	_ =	sdelay $0x1  }
0x367: {  	s18 =	simm.s32 $0x20;
	v9 =	vor.u32 $0x4, v4  }
0x368: {  	[tilespmem:v3+s10+$0x0] =	vst.idx.add.f32.msk $0xffff, v8;
	v3 =	vmov s18  }
0x369: {  	v8 =	vld.idx.msk [tilespmem:v11+s19+$0x0], $0xffff;
	v3 =	vshll.u32 v3, $0x4;
	v11 =	vor.u32 $0x3, v10  }
0x36a: {  	s12 =	simm.s32 $0xBB0;
	s21 =	simm.s32 $0x30;
	v3 =	vor.u32 v1, v3;
	[tilespmem:v6+s10+$0x0] =	vst.idx.add.f32.msk $0xffff, v2  }
0x36b: {  	v6 =	vmov s21;
	v2 =	vor.u32 v0, v3;
	v3 =	vld [tilespmem:s12+$0xFFFFFFF0]  }
0x36c: {  	v12 =	vor.u32 $0x4, v7;
	v6 =	vshll.u32 v6, $0x4;
	v9 =	vld.idx.msk [tilespmem:v9+s19+$0x0], $0xffff  }
0x36d: {  	v13 =	vor.u32 $0x5, v4;
	v6 =	vor.u32 v1, v6  }
0x36e: {  	[tilespmem:v11+s10+$0x0] =	vst.idx.add.f32.msk $0xffff, v8;
	v14 =	vor.u32 v0, v6  }
0x36f: {  	v15 =	vor.u32 $0x4, v5;
	v6 =	vld [tilespmem:s12+$0x0]  }
0x370: {  	v8 =	vld.idx.msk [tilespmem:v2+s19+$0x0], $0xffff;
	v3 =	vshll.u32 v3, $0x3  }
0x371: {  	[tilespmem:v12+s10+$0x0] =	vst.idx.add.f32.msk $0xffff, v9;
	v9 =	vor.u32 $0x1, v2  }
0x372: {  	v12 =	vor.u32 $0x5, v7;
	v11 =	vld.idx.msk [tilespmem:v13+s19+$0x0], $0xffff  }
0x373: {  	v16 =	vor.u32 $0x6, v4;
	v13 =	vld.idx.msk [tilespmem:v14+s19+$0x0], $0xffff  }
0x374: {  	v21 =	vshll.u32 v6, $0x3;
	v6 =	vld.idx.msk [tilespmem:v15+s19+$0x0], $0xffff  }
0x375: {  	v15 =	vor.u32 $0x1, v14;
	[tilespmem:v3+s10+$0x0] =	vst.idx.add.f32.msk $0xffff, v8  }
0x376: {  	v8 =	vor.u32 $0x4, v10;
	v9 =	vld.idx.msk [tilespmem:v9+s19+$0x0], $0xffff  }
0x377: {  	v17 =	vor.u32 $0x1, v3;
	[tilespmem:v12+s10+$0x0] =	vst.idx.add.f32.msk $0xffff, v11  }
0x378: {  	v11 =	vor.u32 $0x2, v2;
	v12 =	vld.idx.msk [tilespmem:v16+s19+$0x0], $0xffff  }
0x379: {  	[tilespmem:v21+s10+$0x0] =	vst.idx.add.f32.msk $0xffff, v13;
	v13 =	vor.u32 $0x6, v7  }
0x37a: {  	v4 =	vor.u32 $0x7, v4;
	v15 =	vld.idx.msk [tilespmem:v15+s19+$0x0], $0xffff  }
0x37b: {  	v16 =	vor.u32 $0x1, v21;
	[tilespmem:v8+s10+$0x0] =	vst.idx.add.f32.msk $0xffff, v6  }
0x37c: {  	v6 =	vor.u32 $0x2, v14;
	[tilespmem:v17+s10+$0x0] =	vst.idx.add.f32.msk $0xffff, v9  }
0x37d: {  	v8 =	vor.u32 $0x5, v5;
	v11 =	vld.idx.msk [tilespmem:v11+s19+$0x0], $0xffff  }
0x37e: {  	v18 =	vor.u32 $0x2, v3;
	[tilespmem:v13+s10+$0x0] =	vst.idx.add.f32.msk $0xffff, v12  }
0x37f: {  	v20 =	vor.u32 $0x3, v2;
	v22 =	vld.idx.msk [tilespmem:v4+s19+$0x0], $0xffff  }
0x380: {  	v23 =	vor.u32 $0x7, v7;
	v24 =	vor.u32 $0x2, v21;
	[tilespmem:v16+s10+$0x0] =	vst.idx.add.f32.msk $0xffff, v15  }
0x381: {  	v7 =	vor.u32 $0x6, v5;
	v9 =	vor.u32 $0x5, v10;
	v17 =	vor.u32 $0x3, v14;
	v25 =	vld.idx.msk [tilespmem:v6+s19+$0x0], $0xffff  }
0x382: {  	v13 =	vor.u32 $0x4, v14;
	v12 =	vor.u32 $0x5, v14;
	v4 =	vor.u32 $0x7, v10;
	v19 =	vld.idx.msk [tilespmem:v8+s19+$0x0], $0xffff  }
0x383: {  	v15 =	vor.u32 $0x6, v14;
	v16 =	vor.u32 $0x3, v21;
	v6 =	vor.u32 $0x6, v10;
	[tilespmem:v18+s10+$0x0] =	vst.idx.add.f32.msk $0xffff, v11  }
0x384: {  	v8 =	vor.u32 $0x7, v14;
	v14 =	vor.u32 $0x4, v21;
	v10 =	vor.u32 $0x7, v21;
	v20 =	vld.idx.msk [tilespmem:v20+s19+$0x0], $0xffff  }
0x385: {  	v18 =	vor.u32 $0x5, v21;
	v11 =	vor.u32 $0x6, v21;
	v21 =	vor.u32 $0x3, v3;
	[tilespmem:v23+s10+$0x0] =	vst.idx.add.f32.msk $0xffff, v22  }
0x386: {  	s16 =	simm.s32 $0x2;
	s18 =	simm.s32 $0x50;
	v5 =	vor.u32 $0x7, v5;
	v22 =	vor.u32 $0x4, v2;
	[tilespmem:v24+s10+$0x0] =	vst.idx.add.f32.msk $0xffff, v25  }
.LBB2_17:
0x387: {  	s21 =	sadd.s32 $0xFFFFFFF0, s18;
	v23 =	vmov s18;
	v24 =	vld.idx.msk [tilespmem:v17+s19+$0x0], $0xffff  }
0x388: {  	s16 =	sadd.s32 $0x2, s16;
	v17 =	vmov s21;
	v23 =	vshll.u32 v23, $0x4;
	[tilespmem:v9+s10+$0x0] =	vst.idx.add.f32.msk $0xffff, v19;
	v9 =	vmov v18  }
0x389: {  	p0 =	slt.u32 s16, $0x6;
	v17 =	vshll.u32 v17, $0x4;
	v18 =	vor.u32 v1, v23;
	v19 =	vld.idx.msk [tilespmem:v7+s19+$0x0], $0xffff;
	v7 =	vmov v15  }
0x38a: {  	v15 =	vor.u32 v1, v17;
	v18 =	vor.u32 v0, v18;
	[tilespmem:v21+s10+$0x0] =	vst.idx.add.f32.msk $0xffff, v20  }
0x38b: {  	s12 =	sadd.s32 $0x20, s12;
	v20 =	vor.u32 v0, v15;
	v21 =	vor.u32 $0x1, v18;
	v23 =	vor.u32 $0x2, v18;
	v22 =	vld.idx.msk [tilespmem:v22+s19+$0x0], $0xffff  }
0x38c: {  	v27 =	vor.u32 $0x4, v3;
	v17 =	vor.u32 $0x3, v18;
	v26 =	vor.u32 $0x4, v18;
	v25 =	vld [tilespmem:s12+$0xFFFFFFF0]  }
0x38d: {  	v30 =	vor.u32 $0x5, v2;
	v29 =	vor.u32 $0x5, v18;
	v15 =	vor.u32 $0x6, v18;
	v28 =	vld [tilespmem:s12+$0x0]  }
0x38e: {  	v31 =	vor.u32 $0x7, v18;
	[tilespmem:v16+s10+$0x0] =	vst.idx.add.f32.msk $0xffff, v24  }
0x38f: {  	v24 =	vld.idx.msk [tilespmem:v18+s19+$0x0], $0xffff  }
0x390: {  	v32 =	vld.idx.msk [tilespmem:v20+s19+$0x0], $0xffff  }
0x391: {  	v25 =	vshll.u32 v25, $0x3;
	[tilespmem:v27+s10+$0x0] =	vst.idx.add.f32.msk $0xffff, v22  }
0x392: {  	v22 =	vor.u32 $0x1, v20;
	v27 =	vshll.u32 v28, $0x3;
	v28 =	vld.idx.msk [tilespmem:v30+s19+$0x0], $0xffff  }
0x393: {  	v34 =	vor.u32 $0x5, v3;
	v30 =	vor.u32 $0x1, v27;
	v33 =	vor.u32 $0x2, v27;
	v35 =	vld.idx.msk [tilespmem:v13+s19+$0x0], $0xffff;
	v13 =	vmovc v26  }
0x394: {  	v36 =	vor.u32 $0x6, v2;
	v16 =	vor.u32 $0x3, v27;
	v26 =	vor.u32 $0x4, v27;
	[tilespmem:v6+s10+$0x0] =	vst.idx.add.f32.msk $0xffff, v19;
	v6 =	vmovc v11  }
0x395: {  	v18 =	vor.u32 $0x5, v27;
	v37 =	vor.u32 $0x7, v27;
	v11 =	vor.u32 $0x6, v27;
	v38 =	vld.idx.msk [tilespmem:v5+s19+$0x0], $0xffff;
	v5 =	vmovc v8;
	v8 =	vmovc v31  }
0x396: {  	[tilespmem:v25+s10+$0x0] =	vst.idx.add.f32.msk $0xffff, v32  }
0x397: {  	v19 =	vld.idx.msk [tilespmem:v22+s19+$0x0], $0xffff  }
0x398: {  	v22 =	vor.u32 $0x1, v25;
	[tilespmem:v34+s10+$0x0] =	vst.idx.add.f32.msk $0xffff, v28  }
0x399: {  	v28 =	vor.u32 $0x2, v20;
	v31 =	vld.idx.msk [tilespmem:v36+s19+$0x0], $0xffff  }
0x39a: {  	[tilespmem:v27+s10+$0x0] =	vst.idx.add.f32.msk $0xffff, v24;
	v24 =	vor.u32 $0x6, v3  }
0x39b: {  	v27 =	vor.u32 $0x7, v2;
	v2 =	vmov v20;
	v21 =	vld.idx.msk [tilespmem:v21+s19+$0x0], $0xffff  }
0x39c: {  	[tilespmem:v14+s10+$0x0] =	vst.idx.add.f32.msk $0xffff, v35;
	v14 =	vmov v26  }
0x39d: {  	[tilespmem:v22+s10+$0x0] =	vst.idx.add.f32.msk $0xffff, v19  }
0x39e: {  	v20 =	vld.idx.msk [tilespmem:v28+s19+$0x0], $0xffff  }
0x39f: {  	v22 =	vor.u32 $0x2, v25;
	[tilespmem:v24+s10+$0x0] =	vst.idx.add.f32.msk $0xffff, v31  }
0x3a0: {  	v24 =	vor.u32 $0x3, v2;
	v26 =	vld.idx.msk [tilespmem:v27+s19+$0x0], $0xffff  }
0x3a1: {  	[tilespmem:v30+s10+$0x0] =	vst.idx.add.f32.msk $0xffff, v21;
	v21 =	vor.u32 $0x7, v3;
	v3 =	vmov v25  }
0x3a2: {  	v23 =	vld.idx.msk [tilespmem:v23+s19+$0x0], $0xffff  }
0x3a3: {  	v19 =	vld.idx.msk [tilespmem:v12+s19+$0x0], $0xffff;
	v12 =	vmov v29  }
.Ltmp7:
0x3a4: {  	[tilespmem:v22+s10+$0x0] =	vst.idx.add.f32.msk $0xffff, v20;
	(pc) =	sbr.rel @p0 .LBB2_17-.Ltmp7, $4  }
0x3a5: {  	v20 =	vld.idx.msk [tilespmem:v24+s19+$0x0], $0xffff  }
0x3a6: {  	[tilespmem:v21+s10+$0x0] =	vst.idx.add.f32.msk $0xffff, v26  }
0x3a7: {  	v21 =	vor.u32 $0x3, v3;
	[tilespmem:v4+s10+$0x0] =	vst.idx.add.f32.msk $0xffff, v38;
	v4 =	vmov v10;
	v10 =	vmov v37  }
0x3a8: {  	s18 =	sadd.s32 $0x20, s18;
	v22 =	vor.u32 $0x4, v2;
	[tilespmem:v33+s10+$0x0] =	vst.idx.add.f32.msk $0xffff, v23  }
0x3a9: {  	_ =	sdelay $0x3  }
0x3aa: {  	v17 =	vld.idx.msk [tilespmem:v17+s19+$0x0], $0xffff;
	_ =	sdelay $0x2  }
0x3ab: {  	[tilespmem:v21+s10+$0x0] =	vst.idx.add.f32.msk $0xffff, v20  }
0x3ac: {  	v21 =	vor.u32 $0x4, v3;
	v20 =	vld.idx.msk [tilespmem:v22+s19+$0x0], $0xffff  }
0x3ad: {  	v22 =	vor.u32 $0x5, v2;
	[tilespmem:v16+s10+$0x0] =	vst.idx.add.f32.msk $0xffff, v17  }
0x3ae: {  	v13 =	vld.idx.msk [tilespmem:v13+s19+$0x0], $0xffff;
	_ =	sdelay $0x2  }
0x3af: {  	[tilespmem:v21+s10+$0x0] =	vst.idx.add.f32.msk $0xffff, v20  }
0x3b0: {  	v17 =	vor.u32 $0x5, v3;
	v16 =	vld.idx.msk [tilespmem:v22+s19+$0x0], $0xffff  }
0x3b1: {  	v20 =	vor.u32 $0x6, v2;
	[tilespmem:v14+s10+$0x0] =	vst.idx.add.f32.msk $0xffff, v13  }
0x3b2: {  	v12 =	vld.idx.msk [tilespmem:v12+s19+$0x0], $0xffff  }
0x3b3: {  	[tilespmem:v9+s10+$0x0] =	vst.idx.add.f32.msk $0xffff, v19  }
0x3b4: {  	v7 =	vld.idx.msk [tilespmem:v7+s19+$0x0], $0xffff  }
0x3b5: {  	[tilespmem:v17+s10+$0x0] =	vst.idx.add.f32.msk $0xffff, v16  }
0x3b6: {  	v13 =	vor.u32 $0x6, v3;
	v9 =	vld.idx.msk [tilespmem:v20+s19+$0x0], $0xffff  }
0x3b7: {  	v2 =	vor.u32 $0x7, v2;
	[tilespmem:v18+s10+$0x0] =	vst.idx.add.f32.msk $0xffff, v12  }
0x3b8: {  	v12 =	vld.idx.msk [tilespmem:v15+s19+$0x0], $0xffff  }
0x3b9: {  	[tilespmem:v6+s10+$0x0] =	vst.idx.add.f32.msk $0xffff, v7  }
0x3ba: {  	v5 =	vld.idx.msk [tilespmem:v5+s19+$0x0], $0xffff  }
0x3bb: {  	[tilespmem:v13+s10+$0x0] =	vst.idx.add.f32.msk $0xffff, v9  }
0x3bc: {  	v2 =	vld.idx.msk [tilespmem:v2+s19+$0x0], $0xffff  }
0x3bd: {  	v3 =	vor.u32 $0x7, v3;
	[tilespmem:v11+s10+$0x0] =	vst.idx.add.f32.msk $0xffff, v12  }
0x3be: {  	v6 =	vld.idx.msk [tilespmem:v8+s19+$0x0], $0xffff;
	_ =	sdelay $0x2  }
0x3bf: {  	[tilespmem:v4+s10+$0x0] =	vst.idx.add.f32.msk $0xffff, v5  }
0x3c0: {  	[tilespmem:v3+s10+$0x0] =	vst.idx.add.f32.msk $0xffff, v2  }
0x3c1: {  	[tilespmem:v10+s10+$0x0] =	vst.idx.add.f32.msk $0xffff, v6  }
0x3c2: {  	s12 =	simm.s32 $0x0;
	_ =	swait.ge [sflag:s6], $0x800  }
0x3c3: {  	v2 =	vmov s12;
	[sflag:s6] =	ssyncset.done $0x0  }
0x3c4: {  	s21 =	simm.s32 $0xC10;
	v2 =	vshll.u32 v2, $0x4;
	[sflag:s6] =	ssyncadd.s32 $0xFFFFF800  }
0x3c5: {  	v2 =	vor.u32 v1, v2;
	[tilespmem:s19], [sflag:$0x4] =	stream.indirect.gather [hbm4b:s7+s13], $0x10, s31, s13, $0xb8;
	[tilespmem:$0x168C0] =	vst v63  }
0x3c6: {  	s16 =	simm.s32 $0x10;
	v4 =	vor.u32 v0, v2;
	v2 =	vld [tilespmem:s21+$0xFFFFFFF0]  }
0x3c7: {  	v3 =	vmov s16  }
0x3c8: {  	v3 =	vshll.u32 v3, $0x4  }
0x3c9: {  	v3 =	vor.u32 v1, v3  }
0x3ca: {  	v5 =	vor.u32 v0, v3;
	v3 =	vld [tilespmem:s21+$0x0]  }
0x3cb: {  	v6 =	vld.idx.msk [tilespmem:v4+s14+$0x0], $0xffff;
	v7 =	vshll.u32 v2, $0x3  }
0x3cc: {  	v2 =	vor.u32 $0x1, v4;
	_ =	sdelay $0x2  }
0x3cd: {  	v8 =	vld.idx.msk [tilespmem:v5+s14+$0x0], $0xffff;
	v10 =	vshll.u32 v3, $0x3  }
0x3ce: {  	v3 =	vor.u32 $0x1, v5;
	[tilespmem:v7+s10+$0x0] =	vst.idx.add.f32.msk $0xffff, v6  }
0x3cf: {  	v6 =	vor.u32 $0x1, v7;
	v2 =	vld.idx.msk [tilespmem:v2+s14+$0x0], $0xffff  }
0x3d0: {  	v9 =	vor.u32 $0x2, v4;
	_ =	sdelay $0x1  }
0x3d1: {  	[tilespmem:v10+s10+$0x0] =	vst.idx.add.f32.msk $0xffff, v8  }
0x3d2: {  	v8 =	vor.u32 $0x1, v10;
	v3 =	vld.idx.msk [tilespmem:v3+s14+$0x0], $0xffff  }
0x3d3: {  	v11 =	vor.u32 $0x2, v5;
	[tilespmem:v6+s10+$0x0] =	vst.idx.add.f32.msk $0xffff, v2  }
0x3d4: {  	v6 =	vor.u32 $0x2, v7;
	v2 =	vld.idx.msk [tilespmem:v9+s14+$0x0], $0xffff  }
0x3d5: {  	v9 =	vor.u32 $0x3, v4;
	_ =	sdelay $0x1  }
0x3d6: {  	[tilespmem:v8+s10+$0x0] =	vst.idx.add.f32.msk $0xffff, v3  }
0x3d7: {  	v3 =	vor.u32 $0x2, v10;
	v8 =	vld.idx.msk [tilespmem:v11+s14+$0x0], $0xffff  }
0x3d8: {  	v11 =	vor.u32 $0x3, v5;
	[tilespmem:v6+s10+$0x0] =	vst.idx.add.f32.msk $0xffff, v2  }
0x3d9: {  	v6 =	vor.u32 $0x3, v7;
	v2 =	vld.idx.msk [tilespmem:v9+s14+$0x0], $0xffff;
	_ =	sdelay $0x1  }
0x3da: {  	s18 =	simm.s32 $0x20;
	v9 =	vor.u32 $0x4, v4  }
0x3db: {  	[tilespmem:v3+s10+$0x0] =	vst.idx.add.f32.msk $0xffff, v8;
	v3 =	vmov s18  }
0x3dc: {  	v8 =	vld.idx.msk [tilespmem:v11+s14+$0x0], $0xffff;
	v3 =	vshll.u32 v3, $0x4;
	v11 =	vor.u32 $0x3, v10  }
0x3dd: {  	s12 =	simm.s32 $0xC30;
	s21 =	simm.s32 $0x30;
	v3 =	vor.u32 v1, v3;
	[tilespmem:v6+s10+$0x0] =	vst.idx.add.f32.msk $0xffff, v2  }
0x3de: {  	v6 =	vmov s21;
	v2 =	vor.u32 v0, v3;
	v3 =	vld [tilespmem:s12+$0xFFFFFFF0]  }
0x3df: {  	v12 =	vor.u32 $0x4, v7;
	v6 =	vshll.u32 v6, $0x4;
	v9 =	vld.idx.msk [tilespmem:v9+s14+$0x0], $0xffff  }
0x3e0: {  	v13 =	vor.u32 $0x5, v4;
	v6 =	vor.u32 v1, v6  }
0x3e1: {  	[tilespmem:v11+s10+$0x0] =	vst.idx.add.f32.msk $0xffff, v8;
	v14 =	vor.u32 v0, v6  }
0x3e2: {  	v15 =	vor.u32 $0x4, v5;
	v6 =	vld [tilespmem:s12+$0x0]  }
0x3e3: {  	v8 =	vld.idx.msk [tilespmem:v2+s14+$0x0], $0xffff;
	v3 =	vshll.u32 v3, $0x3  }
0x3e4: {  	[tilespmem:v12+s10+$0x0] =	vst.idx.add.f32.msk $0xffff, v9;
	v9 =	vor.u32 $0x1, v2  }
0x3e5: {  	v12 =	vor.u32 $0x5, v7;
	v11 =	vld.idx.msk [tilespmem:v13+s14+$0x0], $0xffff  }
0x3e6: {  	v16 =	vor.u32 $0x6, v4;
	v13 =	vld.idx.msk [tilespmem:v14+s14+$0x0], $0xffff  }
0x3e7: {  	v21 =	vshll.u32 v6, $0x3;
	v6 =	vld.idx.msk [tilespmem:v15+s14+$0x0], $0xffff  }
0x3e8: {  	v15 =	vor.u32 $0x1, v14;
	[tilespmem:v3+s10+$0x0] =	vst.idx.add.f32.msk $0xffff, v8  }
0x3e9: {  	v8 =	vor.u32 $0x4, v10;
	v9 =	vld.idx.msk [tilespmem:v9+s14+$0x0], $0xffff  }
0x3ea: {  	v17 =	vor.u32 $0x1, v3;
	[tilespmem:v12+s10+$0x0] =	vst.idx.add.f32.msk $0xffff, v11  }
0x3eb: {  	v11 =	vor.u32 $0x2, v2;
	v12 =	vld.idx.msk [tilespmem:v16+s14+$0x0], $0xffff  }
0x3ec: {  	[tilespmem:v21+s10+$0x0] =	vst.idx.add.f32.msk $0xffff, v13;
	v13 =	vor.u32 $0x6, v7  }
0x3ed: {  	v4 =	vor.u32 $0x7, v4;
	v15 =	vld.idx.msk [tilespmem:v15+s14+$0x0], $0xffff  }
0x3ee: {  	v16 =	vor.u32 $0x1, v21;
	[tilespmem:v8+s10+$0x0] =	vst.idx.add.f32.msk $0xffff, v6  }
0x3ef: {  	v6 =	vor.u32 $0x2, v14;
	[tilespmem:v17+s10+$0x0] =	vst.idx.add.f32.msk $0xffff, v9  }
0x3f0: {  	v8 =	vor.u32 $0x5, v5;
	v11 =	vld.idx.msk [tilespmem:v11+s14+$0x0], $0xffff  }
0x3f1: {  	v18 =	vor.u32 $0x2, v3;
	[tilespmem:v13+s10+$0x0] =	vst.idx.add.f32.msk $0xffff, v12  }
0x3f2: {  	v20 =	vor.u32 $0x3, v2;
	v22 =	vld.idx.msk [tilespmem:v4+s14+$0x0], $0xffff  }
0x3f3: {  	v23 =	vor.u32 $0x7, v7;
	v24 =	vor.u32 $0x2, v21;
	[tilespmem:v16+s10+$0x0] =	vst.idx.add.f32.msk $0xffff, v15  }
0x3f4: {  	v7 =	vor.u32 $0x6, v5;
	v9 =	vor.u32 $0x5, v10;
	v17 =	vor.u32 $0x3, v14;
	v25 =	vld.idx.msk [tilespmem:v6+s14+$0x0], $0xffff  }
0x3f5: {  	v13 =	vor.u32 $0x4, v14;
	v12 =	vor.u32 $0x5, v14;
	v4 =	vor.u32 $0x7, v10;
	v19 =	vld.idx.msk [tilespmem:v8+s14+$0x0], $0xffff  }
0x3f6: {  	v15 =	vor.u32 $0x6, v14;
	v16 =	vor.u32 $0x3, v21;
	v6 =	vor.u32 $0x6, v10;
	[tilespmem:v18+s10+$0x0] =	vst.idx.add.f32.msk $0xffff, v11  }
0x3f7: {  	v8 =	vor.u32 $0x7, v14;
	v14 =	vor.u32 $0x4, v21;
	v10 =	vor.u32 $0x7, v21;
	v20 =	vld.idx.msk [tilespmem:v20+s14+$0x0], $0xffff  }
0x3f8: {  	v18 =	vor.u32 $0x5, v21;
	v11 =	vor.u32 $0x6, v21;
	v21 =	vor.u32 $0x3, v3;
	[tilespmem:v23+s10+$0x0] =	vst.idx.add.f32.msk $0xffff, v22  }
0x3f9: {  	s16 =	simm.s32 $0x2;
	s18 =	simm.s32 $0x50;
	v5 =	vor.u32 $0x7, v5;
	v22 =	vor.u32 $0x4, v2;
	[tilespmem:v24+s10+$0x0] =	vst.idx.add.f32.msk $0xffff, v25  }
.LBB2_19:
0x3fa: {  	s21 =	sadd.s32 $0xFFFFFFF0, s18;
	v23 =	vmov s18;
	v24 =	vld.idx.msk [tilespmem:v17+s14+$0x0], $0xffff  }
0x3fb: {  	s16 =	sadd.s32 $0x2, s16;
	v17 =	vmov s21;
	v23 =	vshll.u32 v23, $0x4;
	[tilespmem:v9+s10+$0x0] =	vst.idx.add.f32.msk $0xffff, v19;
	v9 =	vmov v18  }
0x3fc: {  	p0 =	slt.u32 s16, $0x6;
	v17 =	vshll.u32 v17, $0x4;
	v18 =	vor.u32 v1, v23;
	v19 =	vld.idx.msk [tilespmem:v7+s14+$0x0], $0xffff;
	v7 =	vmov v15  }
0x3fd: {  	v15 =	vor.u32 v1, v17;
	v18 =	vor.u32 v0, v18;
	[tilespmem:v21+s10+$0x0] =	vst.idx.add.f32.msk $0xffff, v20  }
0x3fe: {  	s12 =	sadd.s32 $0x20, s12;
	v20 =	vor.u32 v0, v15;
	v21 =	vor.u32 $0x1, v18;
	v23 =	vor.u32 $0x2, v18;
	v22 =	vld.idx.msk [tilespmem:v22+s14+$0x0], $0xffff  }
0x3ff: {  	v27 =	vor.u32 $0x4, v3;
	v17 =	vor.u32 $0x3, v18;
	v26 =	vor.u32 $0x4, v18;
	v25 =	vld [tilespmem:s12+$0xFFFFFFF0]  }
0x400: {  	v30 =	vor.u32 $0x5, v2;
	v29 =	vor.u32 $0x5, v18;
	v15 =	vor.u32 $0x6, v18;
	v28 =	vld [tilespmem:s12+$0x0]  }
0x401: {  	v31 =	vor.u32 $0x7, v18;
	[tilespmem:v16+s10+$0x0] =	vst.idx.add.f32.msk $0xffff, v24  }
0x402: {  	v24 =	vld.idx.msk [tilespmem:v18+s14+$0x0], $0xffff  }
0x403: {  	v32 =	vld.idx.msk [tilespmem:v20+s14+$0x0], $0xffff  }
0x404: {  	v25 =	vshll.u32 v25, $0x3;
	[tilespmem:v27+s10+$0x0] =	vst.idx.add.f32.msk $0xffff, v22  }
0x405: {  	v22 =	vor.u32 $0x1, v20;
	v27 =	vshll.u32 v28, $0x3;
	v28 =	vld.idx.msk [tilespmem:v30+s14+$0x0], $0xffff  }
0x406: {  	v34 =	vor.u32 $0x5, v3;
	v30 =	vor.u32 $0x1, v27;
	v33 =	vor.u32 $0x2, v27;
	v35 =	vld.idx.msk [tilespmem:v13+s14+$0x0], $0xffff;
	v13 =	vmovc v26  }
0x407: {  	v36 =	vor.u32 $0x6, v2;
	v16 =	vor.u32 $0x3, v27;
	v26 =	vor.u32 $0x4, v27;
	[tilespmem:v6+s10+$0x0] =	vst.idx.add.f32.msk $0xffff, v19;
	v6 =	vmovc v11  }
0x408: {  	v18 =	vor.u32 $0x5, v27;
	v37 =	vor.u32 $0x7, v27;
	v11 =	vor.u32 $0x6, v27;
	v38 =	vld.idx.msk [tilespmem:v5+s14+$0x0], $0xffff;
	v5 =	vmovc v8;
	v8 =	vmovc v31  }
0x409: {  	[tilespmem:v25+s10+$0x0] =	vst.idx.add.f32.msk $0xffff, v32  }
0x40a: {  	v19 =	vld.idx.msk [tilespmem:v22+s14+$0x0], $0xffff  }
0x40b: {  	v22 =	vor.u32 $0x1, v25;
	[tilespmem:v34+s10+$0x0] =	vst.idx.add.f32.msk $0xffff, v28  }
0x40c: {  	v28 =	vor.u32 $0x2, v20;
	v31 =	vld.idx.msk [tilespmem:v36+s14+$0x0], $0xffff  }
0x40d: {  	[tilespmem:v27+s10+$0x0] =	vst.idx.add.f32.msk $0xffff, v24;
	v24 =	vor.u32 $0x6, v3  }
0x40e: {  	v27 =	vor.u32 $0x7, v2;
	v2 =	vmov v20;
	v21 =	vld.idx.msk [tilespmem:v21+s14+$0x0], $0xffff  }
0x40f: {  	[tilespmem:v14+s10+$0x0] =	vst.idx.add.f32.msk $0xffff, v35;
	v14 =	vmov v26  }
0x410: {  	[tilespmem:v22+s10+$0x0] =	vst.idx.add.f32.msk $0xffff, v19  }
0x411: {  	v20 =	vld.idx.msk [tilespmem:v28+s14+$0x0], $0xffff  }
0x412: {  	v22 =	vor.u32 $0x2, v25;
	[tilespmem:v24+s10+$0x0] =	vst.idx.add.f32.msk $0xffff, v31  }
0x413: {  	v24 =	vor.u32 $0x3, v2;
	v26 =	vld.idx.msk [tilespmem:v27+s14+$0x0], $0xffff  }
0x414: {  	[tilespmem:v30+s10+$0x0] =	vst.idx.add.f32.msk $0xffff, v21;
	v21 =	vor.u32 $0x7, v3;
	v3 =	vmov v25  }
0x415: {  	v23 =	vld.idx.msk [tilespmem:v23+s14+$0x0], $0xffff  }
0x416: {  	v19 =	vld.idx.msk [tilespmem:v12+s14+$0x0], $0xffff;
	v12 =	vmov v29  }
.Ltmp8:
0x417: {  	[tilespmem:v22+s10+$0x0] =	vst.idx.add.f32.msk $0xffff, v20;
	(pc) =	sbr.rel @p0 .LBB2_19-.Ltmp8, $4  }
0x418: {  	v20 =	vld.idx.msk [tilespmem:v24+s14+$0x0], $0xffff  }
0x419: {  	[tilespmem:v21+s10+$0x0] =	vst.idx.add.f32.msk $0xffff, v26  }
0x41a: {  	v21 =	vor.u32 $0x3, v3;
	[tilespmem:v4+s10+$0x0] =	vst.idx.add.f32.msk $0xffff, v38;
	v4 =	vmov v10;
	v10 =	vmov v37  }
0x41b: {  	s18 =	sadd.s32 $0x20, s18;
	v22 =	vor.u32 $0x4, v2;
	[tilespmem:v33+s10+$0x0] =	vst.idx.add.f32.msk $0xffff, v23  }
0x41c: {  	_ =	sdelay $0x3  }
0x41d: {  	v17 =	vld.idx.msk [tilespmem:v17+s14+$0x0], $0xffff;
	_ =	sdelay $0x2  }
0x41e: {  	[tilespmem:v21+s10+$0x0] =	vst.idx.add.f32.msk $0xffff, v20  }
0x41f: {  	v21 =	vor.u32 $0x4, v3;
	v20 =	vld.idx.msk [tilespmem:v22+s14+$0x0], $0xffff  }
0x420: {  	v22 =	vor.u32 $0x5, v2;
	[tilespmem:v16+s10+$0x0] =	vst.idx.add.f32.msk $0xffff, v17  }
0x421: {  	v13 =	vld.idx.msk [tilespmem:v13+s14+$0x0], $0xffff;
	_ =	sdelay $0x2  }
0x422: {  	[tilespmem:v21+s10+$0x0] =	vst.idx.add.f32.msk $0xffff, v20  }
0x423: {  	v17 =	vor.u32 $0x5, v3;
	v16 =	vld.idx.msk [tilespmem:v22+s14+$0x0], $0xffff  }
0x424: {  	v20 =	vor.u32 $0x6, v2;
	[tilespmem:v14+s10+$0x0] =	vst.idx.add.f32.msk $0xffff, v13  }
0x425: {  	v12 =	vld.idx.msk [tilespmem:v12+s14+$0x0], $0xffff  }
0x426: {  	[tilespmem:v9+s10+$0x0] =	vst.idx.add.f32.msk $0xffff, v19  }
0x427: {  	v7 =	vld.idx.msk [tilespmem:v7+s14+$0x0], $0xffff  }
0x428: {  	[tilespmem:v17+s10+$0x0] =	vst.idx.add.f32.msk $0xffff, v16  }
0x429: {  	v13 =	vor.u32 $0x6, v3;
	v9 =	vld.idx.msk [tilespmem:v20+s14+$0x0], $0xffff  }
0x42a: {  	v2 =	vor.u32 $0x7, v2;
	[tilespmem:v18+s10+$0x0] =	vst.idx.add.f32.msk $0xffff, v12  }
0x42b: {  	v12 =	vld.idx.msk [tilespmem:v15+s14+$0x0], $0xffff  }
0x42c: {  	[tilespmem:v6+s10+$0x0] =	vst.idx.add.f32.msk $0xffff, v7  }
0x42d: {  	v5 =	vld.idx.msk [tilespmem:v5+s14+$0x0], $0xffff  }
0x42e: {  	[tilespmem:v13+s10+$0x0] =	vst.idx.add.f32.msk $0xffff, v9  }
0x42f: {  	v2 =	vld.idx.msk [tilespmem:v2+s14+$0x0], $0xffff  }
0x430: {  	v3 =	vor.u32 $0x7, v3;
	[tilespmem:v11+s10+$0x0] =	vst.idx.add.f32.msk $0xffff, v12  }
0x431: {  	v6 =	vld.idx.msk [tilespmem:v8+s14+$0x0], $0xffff;
	_ =	sdelay $0x2  }
0x432: {  	[tilespmem:v4+s10+$0x0] =	vst.idx.add.f32.msk $0xffff, v5  }
0x433: {  	[tilespmem:v3+s10+$0x0] =	vst.idx.add.f32.msk $0xffff, v2  }
0x434: {  	[tilespmem:v10+s10+$0x0] =	vst.idx.add.f32.msk $0xffff, v6  }
0x435: {  	s12 =	simm.s32 $0x0;
	_ =	swait.ge [sflag:s20], $0x800  }
0x436: {  	v2 =	vmov s12;
	[sflag:s20] =	ssyncset.done $0x0  }
0x437: {  	s21 =	simm.s32 $0xC90;
	v2 =	vshll.u32 v2, $0x4;
	[sflag:s20] =	ssyncadd.s32 $0xFFFFF800  }
0x438: {  	v2 =	vor.u32 v1, v2;
	[tilespmem:s14], [sflag:$0x1] =	stream.indirect.gather [hbm4b:s7+s13], $0x10, s1, s13, $0xb8;
	[tilespmem:$0x168C0] =	vst v63  }
0x439: {  	s16 =	simm.s32 $0x10;
	v4 =	vor.u32 v0, v2;
	v2 =	vld [tilespmem:s21+$0xFFFFFFF0]  }
0x43a: {  	v3 =	vmov s16  }
0x43b: {  	v3 =	vshll.u32 v3, $0x4  }
0x43c: {  	v3 =	vor.u32 v1, v3  }
0x43d: {  	v5 =	vor.u32 v0, v3;
	v3 =	vld [tilespmem:s21+$0x0]  }
0x43e: {  	v6 =	vld.idx.msk [tilespmem:v4+s15+$0x0], $0xffff;
	v7 =	vshll.u32 v2, $0x3  }
0x43f: {  	v2 =	vor.u32 $0x1, v4;
	_ =	sdelay $0x2  }
0x440: {  	v8 =	vld.idx.msk [tilespmem:v5+s15+$0x0], $0xffff;
	v10 =	vshll.u32 v3, $0x3  }
0x441: {  	v3 =	vor.u32 $0x1, v5;
	[tilespmem:v7+s10+$0x0] =	vst.idx.add.f32.msk $0xffff, v6  }
0x442: {  	v6 =	vor.u32 $0x1, v7;
	v2 =	vld.idx.msk [tilespmem:v2+s15+$0x0], $0xffff  }
0x443: {  	v9 =	vor.u32 $0x2, v4;
	_ =	sdelay $0x1  }
0x444: {  	[tilespmem:v10+s10+$0x0] =	vst.idx.add.f32.msk $0xffff, v8  }
0x445: {  	v8 =	vor.u32 $0x1, v10;
	v3 =	vld.idx.msk [tilespmem:v3+s15+$0x0], $0xffff  }
0x446: {  	v11 =	vor.u32 $0x2, v5;
	[tilespmem:v6+s10+$0x0] =	vst.idx.add.f32.msk $0xffff, v2  }
0x447: {  	v6 =	vor.u32 $0x2, v7;
	v2 =	vld.idx.msk [tilespmem:v9+s15+$0x0], $0xffff  }
0x448: {  	v9 =	vor.u32 $0x3, v4;
	_ =	sdelay $0x1  }
0x449: {  	[tilespmem:v8+s10+$0x0] =	vst.idx.add.f32.msk $0xffff, v3  }
0x44a: {  	v3 =	vor.u32 $0x2, v10;
	v8 =	vld.idx.msk [tilespmem:v11+s15+$0x0], $0xffff  }
0x44b: {  	v11 =	vor.u32 $0x3, v5;
	[tilespmem:v6+s10+$0x0] =	vst.idx.add.f32.msk $0xffff, v2  }
0x44c: {  	v6 =	vor.u32 $0x3, v7;
	v2 =	vld.idx.msk [tilespmem:v9+s15+$0x0], $0xffff;
	_ =	sdelay $0x1  }
0x44d: {  	s18 =	simm.s32 $0x20;
	v9 =	vor.u32 $0x4, v4  }
0x44e: {  	[tilespmem:v3+s10+$0x0] =	vst.idx.add.f32.msk $0xffff, v8;
	v3 =	vmov s18  }
0x44f: {  	v8 =	vld.idx.msk [tilespmem:v11+s15+$0x0], $0xffff;
	v3 =	vshll.u32 v3, $0x4;
	v11 =	vor.u32 $0x3, v10  }
0x450: {  	s12 =	simm.s32 $0xCB0;
	s21 =	simm.s32 $0x30;
	v3 =	vor.u32 v1, v3;
	[tilespmem:v6+s10+$0x0] =	vst.idx.add.f32.msk $0xffff, v2  }
0x451: {  	v6 =	vmov s21;
	v2 =	vor.u32 v0, v3;
	v3 =	vld [tilespmem:s12+$0xFFFFFFF0]  }
0x452: {  	v12 =	vor.u32 $0x4, v7;
	v6 =	vshll.u32 v6, $0x4;
	v9 =	vld.idx.msk [tilespmem:v9+s15+$0x0], $0xffff  }
0x453: {  	v13 =	vor.u32 $0x5, v4;
	v6 =	vor.u32 v1, v6  }
0x454: {  	[tilespmem:v11+s10+$0x0] =	vst.idx.add.f32.msk $0xffff, v8;
	v14 =	vor.u32 v0, v6  }
0x455: {  	v15 =	vor.u32 $0x4, v5;
	v6 =	vld [tilespmem:s12+$0x0]  }
0x456: {  	v8 =	vld.idx.msk [tilespmem:v2+s15+$0x0], $0xffff;
	v3 =	vshll.u32 v3, $0x3  }
0x457: {  	[tilespmem:v12+s10+$0x0] =	vst.idx.add.f32.msk $0xffff, v9;
	v9 =	vor.u32 $0x1, v2  }
0x458: {  	v12 =	vor.u32 $0x5, v7;
	v11 =	vld.idx.msk [tilespmem:v13+s15+$0x0], $0xffff  }
0x459: {  	v16 =	vor.u32 $0x6, v4;
	v13 =	vld.idx.msk [tilespmem:v14+s15+$0x0], $0xffff  }
0x45a: {  	v21 =	vshll.u32 v6, $0x3;
	v6 =	vld.idx.msk [tilespmem:v15+s15+$0x0], $0xffff  }
0x45b: {  	v15 =	vor.u32 $0x1, v14;
	[tilespmem:v3+s10+$0x0] =	vst.idx.add.f32.msk $0xffff, v8  }
0x45c: {  	v8 =	vor.u32 $0x4, v10;
	v9 =	vld.idx.msk [tilespmem:v9+s15+$0x0], $0xffff  }
0x45d: {  	v17 =	vor.u32 $0x1, v3;
	[tilespmem:v12+s10+$0x0] =	vst.idx.add.f32.msk $0xffff, v11  }
0x45e: {  	v11 =	vor.u32 $0x2, v2;
	v12 =	vld.idx.msk [tilespmem:v16+s15+$0x0], $0xffff  }
0x45f: {  	[tilespmem:v21+s10+$0x0] =	vst.idx.add.f32.msk $0xffff, v13;
	v13 =	vor.u32 $0x6, v7  }
0x460: {  	v4 =	vor.u32 $0x7, v4;
	v15 =	vld.idx.msk [tilespmem:v15+s15+$0x0], $0xffff  }
0x461: {  	v16 =	vor.u32 $0x1, v21;
	[tilespmem:v8+s10+$0x0] =	vst.idx.add.f32.msk $0xffff, v6  }
0x462: {  	v6 =	vor.u32 $0x2, v14;
	[tilespmem:v17+s10+$0x0] =	vst.idx.add.f32.msk $0xffff, v9  }
0x463: {  	v8 =	vor.u32 $0x5, v5;
	v11 =	vld.idx.msk [tilespmem:v11+s15+$0x0], $0xffff  }
0x464: {  	v18 =	vor.u32 $0x2, v3;
	[tilespmem:v13+s10+$0x0] =	vst.idx.add.f32.msk $0xffff, v12  }
0x465: {  	v20 =	vor.u32 $0x3, v2;
	v22 =	vld.idx.msk [tilespmem:v4+s15+$0x0], $0xffff  }
0x466: {  	v23 =	vor.u32 $0x7, v7;
	v24 =	vor.u32 $0x2, v21;
	[tilespmem:v16+s10+$0x0] =	vst.idx.add.f32.msk $0xffff, v15  }
0x467: {  	v7 =	vor.u32 $0x6, v5;
	v9 =	vor.u32 $0x5, v10;
	v17 =	vor.u32 $0x3, v14;
	v25 =	vld.idx.msk [tilespmem:v6+s15+$0x0], $0xffff  }
0x468: {  	v13 =	vor.u32 $0x4, v14;
	v12 =	vor.u32 $0x5, v14;
	v4 =	vor.u32 $0x7, v10;
	v19 =	vld.idx.msk [tilespmem:v8+s15+$0x0], $0xffff  }
0x469: {  	v15 =	vor.u32 $0x6, v14;
	v16 =	vor.u32 $0x3, v21;
	v6 =	vor.u32 $0x6, v10;
	[tilespmem:v18+s10+$0x0] =	vst.idx.add.f32.msk $0xffff, v11  }
0x46a: {  	v8 =	vor.u32 $0x7, v14;
	v14 =	vor.u32 $0x4, v21;
	v10 =	vor.u32 $0x7, v21;
	v20 =	vld.idx.msk [tilespmem:v20+s15+$0x0], $0xffff  }
0x46b: {  	v18 =	vor.u32 $0x5, v21;
	v11 =	vor.u32 $0x6, v21;
	v21 =	vor.u32 $0x3, v3;
	[tilespmem:v23+s10+$0x0] =	vst.idx.add.f32.msk $0xffff, v22  }
0x46c: {  	s16 =	simm.s32 $0x2;
	s18 =	simm.s32 $0x50;
	v5 =	vor.u32 $0x7, v5;
	v22 =	vor.u32 $0x4, v2;
	[tilespmem:v24+s10+$0x0] =	vst.idx.add.f32.msk $0xffff, v25  }
.LBB2_21:
0x46d: {  	s21 =	sadd.s32 $0xFFFFFFF0, s18;
	v23 =	vmov s18;
	v24 =	vld.idx.msk [tilespmem:v17+s15+$0x0], $0xffff  }
0x46e: {  	s16 =	sadd.s32 $0x2, s16;
	v17 =	vmov s21;
	v23 =	vshll.u32 v23, $0x4;
	[tilespmem:v9+s10+$0x0] =	vst.idx.add.f32.msk $0xffff, v19;
	v9 =	vmov v18  }
0x46f: {  	p0 =	slt.u32 s16, $0x6;
	v17 =	vshll.u32 v17, $0x4;
	v18 =	vor.u32 v1, v23;
	v19 =	vld.idx.msk [tilespmem:v7+s15+$0x0], $0xffff;
	v7 =	vmov v15  }
0x470: {  	v15 =	vor.u32 v1, v17;
	v18 =	vor.u32 v0, v18;
	[tilespmem:v21+s10+$0x0] =	vst.idx.add.f32.msk $0xffff, v20  }
0x471: {  	s12 =	sadd.s32 $0x20, s12;
	v20 =	vor.u32 v0, v15;
	v21 =	vor.u32 $0x1, v18;
	v23 =	vor.u32 $0x2, v18;
	v22 =	vld.idx.msk [tilespmem:v22+s15+$0x0], $0xffff  }
0x472: {  	v27 =	vor.u32 $0x4, v3;
	v17 =	vor.u32 $0x3, v18;
	v26 =	vor.u32 $0x4, v18;
	v25 =	vld [tilespmem:s12+$0xFFFFFFF0]  }
0x473: {  	v30 =	vor.u32 $0x5, v2;
	v29 =	vor.u32 $0x5, v18;
	v15 =	vor.u32 $0x6, v18;
	v28 =	vld [tilespmem:s12+$0x0]  }
0x474: {  	v31 =	vor.u32 $0x7, v18;
	[tilespmem:v16+s10+$0x0] =	vst.idx.add.f32.msk $0xffff, v24  }
0x475: {  	v24 =	vld.idx.msk [tilespmem:v18+s15+$0x0], $0xffff  }
0x476: {  	v32 =	vld.idx.msk [tilespmem:v20+s15+$0x0], $0xffff  }
0x477: {  	v25 =	vshll.u32 v25, $0x3;
	[tilespmem:v27+s10+$0x0] =	vst.idx.add.f32.msk $0xffff, v22  }
0x478: {  	v22 =	vor.u32 $0x1, v20;
	v27 =	vshll.u32 v28, $0x3;
	v28 =	vld.idx.msk [tilespmem:v30+s15+$0x0], $0xffff  }
0x479: {  	v34 =	vor.u32 $0x5, v3;
	v30 =	vor.u32 $0x1, v27;
	v33 =	vor.u32 $0x2, v27;
	v35 =	vld.idx.msk [tilespmem:v13+s15+$0x0], $0xffff;
	v13 =	vmovc v26  }
0x47a: {  	v36 =	vor.u32 $0x6, v2;
	v16 =	vor.u32 $0x3, v27;
	v26 =	vor.u32 $0x4, v27;
	[tilespmem:v6+s10+$0x0] =	vst.idx.add.f32.msk $0xffff, v19;
	v6 =	vmovc v11  }
0x47b: {  	v18 =	vor.u32 $0x5, v27;
	v37 =	vor.u32 $0x7, v27;
	v11 =	vor.u32 $0x6, v27;
	v38 =	vld.idx.msk [tilespmem:v5+s15+$0x0], $0xffff;
	v5 =	vmovc v8;
	v8 =	vmovc v31  }
0x47c: {  	[tilespmem:v25+s10+$0x0] =	vst.idx.add.f32.msk $0xffff, v32  }
0x47d: {  	v19 =	vld.idx.msk [tilespmem:v22+s15+$0x0], $0xffff  }
0x47e: {  	v22 =	vor.u32 $0x1, v25;
	[tilespmem:v34+s10+$0x0] =	vst.idx.add.f32.msk $0xffff, v28  }
0x47f: {  	v28 =	vor.u32 $0x2, v20;
	v31 =	vld.idx.msk [tilespmem:v36+s15+$0x0], $0xffff  }
0x480: {  	[tilespmem:v27+s10+$0x0] =	vst.idx.add.f32.msk $0xffff, v24;
	v24 =	vor.u32 $0x6, v3  }
0x481: {  	v27 =	vor.u32 $0x7, v2;
	v2 =	vmov v20;
	v21 =	vld.idx.msk [tilespmem:v21+s15+$0x0], $0xffff  }
0x482: {  	[tilespmem:v14+s10+$0x0] =	vst.idx.add.f32.msk $0xffff, v35;
	v14 =	vmov v26  }
0x483: {  	[tilespmem:v22+s10+$0x0] =	vst.idx.add.f32.msk $0xffff, v19  }
0x484: {  	v20 =	vld.idx.msk [tilespmem:v28+s15+$0x0], $0xffff  }
0x485: {  	v22 =	vor.u32 $0x2, v25;
	[tilespmem:v24+s10+$0x0] =	vst.idx.add.f32.msk $0xffff, v31  }
0x486: {  	v24 =	vor.u32 $0x3, v2;
	v26 =	vld.idx.msk [tilespmem:v27+s15+$0x0], $0xffff  }
0x487: {  	[tilespmem:v30+s10+$0x0] =	vst.idx.add.f32.msk $0xffff, v21;
	v21 =	vor.u32 $0x7, v3;
	v3 =	vmov v25  }
0x488: {  	v23 =	vld.idx.msk [tilespmem:v23+s15+$0x0], $0xffff  }
0x489: {  	v19 =	vld.idx.msk [tilespmem:v12+s15+$0x0], $0xffff;
	v12 =	vmov v29  }
.Ltmp9:
0x48a: {  	[tilespmem:v22+s10+$0x0] =	vst.idx.add.f32.msk $0xffff, v20;
	(pc) =	sbr.rel @p0 .LBB2_21-.Ltmp9, $4  }
0x48b: {  	v20 =	vld.idx.msk [tilespmem:v24+s15+$0x0], $0xffff  }
0x48c: {  	[tilespmem:v21+s10+$0x0] =	vst.idx.add.f32.msk $0xffff, v26  }
0x48d: {  	v21 =	vor.u32 $0x3, v3;
	[tilespmem:v4+s10+$0x0] =	vst.idx.add.f32.msk $0xffff, v38;
	v4 =	vmov v10;
	v10 =	vmov v37  }
0x48e: {  	s18 =	sadd.s32 $0x20, s18;
	v22 =	vor.u32 $0x4, v2;
	[tilespmem:v33+s10+$0x0] =	vst.idx.add.f32.msk $0xffff, v23  }
0x48f: {  	_ =	sdelay $0x3  }
0x490: {  	v17 =	vld.idx.msk [tilespmem:v17+s15+$0x0], $0xffff;
	_ =	sdelay $0x2  }
0x491: {  	[tilespmem:v21+s10+$0x0] =	vst.idx.add.f32.msk $0xffff, v20  }
0x492: {  	v21 =	vor.u32 $0x4, v3;
	v20 =	vld.idx.msk [tilespmem:v22+s15+$0x0], $0xffff  }
0x493: {  	v22 =	vor.u32 $0x5, v2;
	[tilespmem:v16+s10+$0x0] =	vst.idx.add.f32.msk $0xffff, v17  }
0x494: {  	v13 =	vld.idx.msk [tilespmem:v13+s15+$0x0], $0xffff;
	_ =	sdelay $0x2  }
0x495: {  	[tilespmem:v21+s10+$0x0] =	vst.idx.add.f32.msk $0xffff, v20  }
0x496: {  	v17 =	vor.u32 $0x5, v3;
	v16 =	vld.idx.msk [tilespmem:v22+s15+$0x0], $0xffff  }
0x497: {  	v20 =	vor.u32 $0x6, v2;
	[tilespmem:v14+s10+$0x0] =	vst.idx.add.f32.msk $0xffff, v13  }
0x498: {  	v12 =	vld.idx.msk [tilespmem:v12+s15+$0x0], $0xffff  }
0x499: {  	[tilespmem:v9+s10+$0x0] =	vst.idx.add.f32.msk $0xffff, v19  }
0x49a: {  	v7 =	vld.idx.msk [tilespmem:v7+s15+$0x0], $0xffff  }
0x49b: {  	[tilespmem:v17+s10+$0x0] =	vst.idx.add.f32.msk $0xffff, v16  }
0x49c: {  	v13 =	vor.u32 $0x6, v3;
	v9 =	vld.idx.msk [tilespmem:v20+s15+$0x0], $0xffff  }
0x49d: {  	v2 =	vor.u32 $0x7, v2;
	[tilespmem:v18+s10+$0x0] =	vst.idx.add.f32.msk $0xffff, v12  }
0x49e: {  	v12 =	vld.idx.msk [tilespmem:v15+s15+$0x0], $0xffff  }
0x49f: {  	[tilespmem:v6+s10+$0x0] =	vst.idx.add.f32.msk $0xffff, v7  }
0x4a0: {  	v5 =	vld.idx.msk [tilespmem:v5+s15+$0x0], $0xffff  }
0x4a1: {  	[tilespmem:v13+s10+$0x0] =	vst.idx.add.f32.msk $0xffff, v9  }
0x4a2: {  	v2 =	vld.idx.msk [tilespmem:v2+s15+$0x0], $0xffff  }
0x4a3: {  	v3 =	vor.u32 $0x7, v3;
	[tilespmem:v11+s10+$0x0] =	vst.idx.add.f32.msk $0xffff, v12  }
0x4a4: {  	v6 =	vld.idx.msk [tilespmem:v8+s15+$0x0], $0xffff;
	_ =	sdelay $0x2  }
0x4a5: {  	[tilespmem:v4+s10+$0x0] =	vst.idx.add.f32.msk $0xffff, v5  }
0x4a6: {  	[tilespmem:v3+s10+$0x0] =	vst.idx.add.f32.msk $0xffff, v2  }
0x4a7: {  	[tilespmem:v10+s10+$0x0] =	vst.idx.add.f32.msk $0xffff, v6  }
0x4a8: {  	s12 =	simm.s32 $0x0;
	_ =	swait.ge [sflag:s22], $0x800  }
0x4a9: {  	v2 =	vmov s12;
	[sflag:s22] =	ssyncset.done $0x0  }
0x4aa: {  	s21 =	simm.s32 $0xD10;
	v2 =	vshll.u32 v2, $0x4;
	[sflag:s22] =	ssyncadd.s32 $0xFFFFF800  }
0x4ab: {  	v2 =	vor.u32 v1, v2;
	[tilespmem:s15], [sflag:$0x2] =	stream.indirect.gather [hbm4b:s7+s13], $0x10, s0, s13, $0xb8;
	[tilespmem:$0x168C0] =	vst v63  }
0x4ac: {  	s16 =	simm.s32 $0x10;
	v4 =	vor.u32 v0, v2;
	v2 =	vld [tilespmem:s21+$0xFFFFFFF0]  }
0x4ad: {  	v3 =	vmov s16  }
0x4ae: {  	v3 =	vshll.u32 v3, $0x4  }
0x4af: {  	v3 =	vor.u32 v1, v3  }
0x4b0: {  	v5 =	vor.u32 v0, v3;
	v3 =	vld [tilespmem:s21+$0x0]  }
0x4b1: {  	v6 =	vld.idx.msk [tilespmem:v4+s17+$0x0], $0xffff;
	v7 =	vshll.u32 v2, $0x3  }
0x4b2: {  	v2 =	vor.u32 $0x1, v4;
	_ =	sdelay $0x2  }
0x4b3: {  	v8 =	vld.idx.msk [tilespmem:v5+s17+$0x0], $0xffff;
	v10 =	vshll.u32 v3, $0x3  }
0x4b4: {  	v3 =	vor.u32 $0x1, v5;
	[tilespmem:v7+s10+$0x0] =	vst.idx.add.f32.msk $0xffff, v6  }
0x4b5: {  	v6 =	vor.u32 $0x1, v7;
	v2 =	vld.idx.msk [tilespmem:v2+s17+$0x0], $0xffff  }
0x4b6: {  	v9 =	vor.u32 $0x2, v4;
	_ =	sdelay $0x1  }
0x4b7: {  	[tilespmem:v10+s10+$0x0] =	vst.idx.add.f32.msk $0xffff, v8  }
0x4b8: {  	v8 =	vor.u32 $0x1, v10;
	v3 =	vld.idx.msk [tilespmem:v3+s17+$0x0], $0xffff  }
0x4b9: {  	v11 =	vor.u32 $0x2, v5;
	[tilespmem:v6+s10+$0x0] =	vst.idx.add.f32.msk $0xffff, v2  }
0x4ba: {  	v6 =	vor.u32 $0x2, v7;
	v2 =	vld.idx.msk [tilespmem:v9+s17+$0x0], $0xffff  }
0x4bb: {  	v9 =	vor.u32 $0x3, v4;
	_ =	sdelay $0x1  }
0x4bc: {  	[tilespmem:v8+s10+$0x0] =	vst.idx.add.f32.msk $0xffff, v3  }
0x4bd: {  	v3 =	vor.u32 $0x2, v10;
	v8 =	vld.idx.msk [tilespmem:v11+s17+$0x0], $0xffff  }
0x4be: {  	v11 =	vor.u32 $0x3, v5;
	[tilespmem:v6+s10+$0x0] =	vst.idx.add.f32.msk $0xffff, v2  }
0x4bf: {  	v6 =	vor.u32 $0x3, v7;
	v2 =	vld.idx.msk [tilespmem:v9+s17+$0x0], $0xffff;
	_ =	sdelay $0x1  }
0x4c0: {  	s18 =	simm.s32 $0x20;
	v9 =	vor.u32 $0x4, v4  }
0x4c1: {  	[tilespmem:v3+s10+$0x0] =	vst.idx.add.f32.msk $0xffff, v8;
	v3 =	vmov s18  }
0x4c2: {  	v8 =	vld.idx.msk [tilespmem:v11+s17+$0x0], $0xffff;
	v3 =	vshll.u32 v3, $0x4;
	v11 =	vor.u32 $0x3, v10  }
0x4c3: {  	s12 =	simm.s32 $0xD30;
	s21 =	simm.s32 $0x30;
	v3 =	vor.u32 v1, v3;
	[tilespmem:v6+s10+$0x0] =	vst.idx.add.f32.msk $0xffff, v2  }
0x4c4: {  	v6 =	vmov s21;
	v2 =	vor.u32 v0, v3;
	v3 =	vld [tilespmem:s12+$0xFFFFFFF0]  }
0x4c5: {  	v12 =	vor.u32 $0x4, v7;
	v6 =	vshll.u32 v6, $0x4;
	v9 =	vld.idx.msk [tilespmem:v9+s17+$0x0], $0xffff  }
0x4c6: {  	v13 =	vor.u32 $0x5, v4;
	v6 =	vor.u32 v1, v6  }
0x4c7: {  	[tilespmem:v11+s10+$0x0] =	vst.idx.add.f32.msk $0xffff, v8;
	v14 =	vor.u32 v0, v6  }
0x4c8: {  	v15 =	vor.u32 $0x4, v5;
	v6 =	vld [tilespmem:s12+$0x0]  }
0x4c9: {  	v8 =	vld.idx.msk [tilespmem:v2+s17+$0x0], $0xffff;
	v3 =	vshll.u32 v3, $0x3  }
0x4ca: {  	[tilespmem:v12+s10+$0x0] =	vst.idx.add.f32.msk $0xffff, v9;
	v9 =	vor.u32 $0x1, v2  }
0x4cb: {  	v12 =	vor.u32 $0x5, v7;
	v11 =	vld.idx.msk [tilespmem:v13+s17+$0x0], $0xffff  }
0x4cc: {  	v16 =	vor.u32 $0x6, v4;
	v13 =	vld.idx.msk [tilespmem:v14+s17+$0x0], $0xffff  }
0x4cd: {  	v21 =	vshll.u32 v6, $0x3;
	v6 =	vld.idx.msk [tilespmem:v15+s17+$0x0], $0xffff  }
0x4ce: {  	v15 =	vor.u32 $0x1, v14;
	[tilespmem:v3+s10+$0x0] =	vst.idx.add.f32.msk $0xffff, v8  }
0x4cf: {  	v8 =	vor.u32 $0x4, v10;
	v9 =	vld.idx.msk [tilespmem:v9+s17+$0x0], $0xffff  }
0x4d0: {  	v17 =	vor.u32 $0x1, v3;
	[tilespmem:v12+s10+$0x0] =	vst.idx.add.f32.msk $0xffff, v11  }
0x4d1: {  	v11 =	vor.u32 $0x2, v2;
	v12 =	vld.idx.msk [tilespmem:v16+s17+$0x0], $0xffff  }
0x4d2: {  	[tilespmem:v21+s10+$0x0] =	vst.idx.add.f32.msk $0xffff, v13;
	v13 =	vor.u32 $0x6, v7  }
0x4d3: {  	v4 =	vor.u32 $0x7, v4;
	v15 =	vld.idx.msk [tilespmem:v15+s17+$0x0], $0xffff  }
0x4d4: {  	v16 =	vor.u32 $0x1, v21;
	[tilespmem:v8+s10+$0x0] =	vst.idx.add.f32.msk $0xffff, v6  }
0x4d5: {  	v6 =	vor.u32 $0x2, v14;
	[tilespmem:v17+s10+$0x0] =	vst.idx.add.f32.msk $0xffff, v9  }
0x4d6: {  	v8 =	vor.u32 $0x5, v5;
	v11 =	vld.idx.msk [tilespmem:v11+s17+$0x0], $0xffff  }
0x4d7: {  	v18 =	vor.u32 $0x2, v3;
	[tilespmem:v13+s10+$0x0] =	vst.idx.add.f32.msk $0xffff, v12  }
0x4d8: {  	v20 =	vor.u32 $0x3, v2;
	v22 =	vld.idx.msk [tilespmem:v4+s17+$0x0], $0xffff  }
0x4d9: {  	v23 =	vor.u32 $0x7, v7;
	v24 =	vor.u32 $0x2, v21;
	[tilespmem:v16+s10+$0x0] =	vst.idx.add.f32.msk $0xffff, v15  }
0x4da: {  	v7 =	vor.u32 $0x6, v5;
	v9 =	vor.u32 $0x5, v10;
	v17 =	vor.u32 $0x3, v14;
	v25 =	vld.idx.msk [tilespmem:v6+s17+$0x0], $0xffff  }
0x4db: {  	v13 =	vor.u32 $0x4, v14;
	v12 =	vor.u32 $0x5, v14;
	v4 =	vor.u32 $0x7, v10;
	v19 =	vld.idx.msk [tilespmem:v8+s17+$0x0], $0xffff  }
0x4dc: {  	v15 =	vor.u32 $0x6, v14;
	v16 =	vor.u32 $0x3, v21;
	v6 =	vor.u32 $0x6, v10;
	[tilespmem:v18+s10+$0x0] =	vst.idx.add.f32.msk $0xffff, v11  }
0x4dd: {  	v8 =	vor.u32 $0x7, v14;
	v14 =	vor.u32 $0x4, v21;
	v10 =	vor.u32 $0x7, v21;
	v20 =	vld.idx.msk [tilespmem:v20+s17+$0x0], $0xffff  }
0x4de: {  	v18 =	vor.u32 $0x5, v21;
	v11 =	vor.u32 $0x6, v21;
	v21 =	vor.u32 $0x3, v3;
	[tilespmem:v23+s10+$0x0] =	vst.idx.add.f32.msk $0xffff, v22  }
0x4df: {  	s16 =	simm.s32 $0x2;
	s18 =	simm.s32 $0x50;
	v5 =	vor.u32 $0x7, v5;
	v22 =	vor.u32 $0x4, v2;
	[tilespmem:v24+s10+$0x0] =	vst.idx.add.f32.msk $0xffff, v25  }
.LBB2_23:
0x4e0: {  	s21 =	sadd.s32 $0xFFFFFFF0, s18;
	v23 =	vmov s18;
	v24 =	vld.idx.msk [tilespmem:v17+s17+$0x0], $0xffff  }
0x4e1: {  	s16 =	sadd.s32 $0x2, s16;
	v17 =	vmov s21;
	v23 =	vshll.u32 v23, $0x4;
	[tilespmem:v9+s10+$0x0] =	vst.idx.add.f32.msk $0xffff, v19;
	v9 =	vmov v18  }
0x4e2: {  	p0 =	slt.u32 s16, $0x6;
	v17 =	vshll.u32 v17, $0x4;
	v18 =	vor.u32 v1, v23;
	v19 =	vld.idx.msk [tilespmem:v7+s17+$0x0], $0xffff;
	v7 =	vmov v15  }
0x4e3: {  	v15 =	vor.u32 v1, v17;
	v18 =	vor.u32 v0, v18;
	[tilespmem:v21+s10+$0x0] =	vst.idx.add.f32.msk $0xffff, v20  }
0x4e4: {  	s12 =	sadd.s32 $0x20, s12;
	v20 =	vor.u32 v0, v15;
	v21 =	vor.u32 $0x1, v18;
	v23 =	vor.u32 $0x2, v18;
	v22 =	vld.idx.msk [tilespmem:v22+s17+$0x0], $0xffff  }
0x4e5: {  	v27 =	vor.u32 $0x4, v3;
	v17 =	vor.u32 $0x3, v18;
	v26 =	vor.u32 $0x4, v18;
	v25 =	vld [tilespmem:s12+$0xFFFFFFF0]  }
0x4e6: {  	v30 =	vor.u32 $0x5, v2;
	v29 =	vor.u32 $0x5, v18;
	v15 =	vor.u32 $0x6, v18;
	v28 =	vld [tilespmem:s12+$0x0]  }
0x4e7: {  	v31 =	vor.u32 $0x7, v18;
	[tilespmem:v16+s10+$0x0] =	vst.idx.add.f32.msk $0xffff, v24  }
0x4e8: {  	v24 =	vld.idx.msk [tilespmem:v18+s17+$0x0], $0xffff  }
0x4e9: {  	v32 =	vld.idx.msk [tilespmem:v20+s17+$0x0], $0xffff  }
0x4ea: {  	v25 =	vshll.u32 v25, $0x3;
	[tilespmem:v27+s10+$0x0] =	vst.idx.add.f32.msk $0xffff, v22  }
0x4eb: {  	v22 =	vor.u32 $0x1, v20;
	v27 =	vshll.u32 v28, $0x3;
	v28 =	vld.idx.msk [tilespmem:v30+s17+$0x0], $0xffff  }
0x4ec: {  	v34 =	vor.u32 $0x5, v3;
	v30 =	vor.u32 $0x1, v27;
	v33 =	vor.u32 $0x2, v27;
	v35 =	vld.idx.msk [tilespmem:v13+s17+$0x0], $0xffff;
	v13 =	vmovc v26  }
0x4ed: {  	v36 =	vor.u32 $0x6, v2;
	v16 =	vor.u32 $0x3, v27;
	v26 =	vor.u32 $0x4, v27;
	[tilespmem:v6+s10+$0x0] =	vst.idx.add.f32.msk $0xffff, v19;
	v6 =	vmovc v11  }
0x4ee: {  	v18 =	vor.u32 $0x5, v27;
	v37 =	vor.u32 $0x7, v27;
	v11 =	vor.u32 $0x6, v27;
	v38 =	vld.idx.msk [tilespmem:v5+s17+$0x0], $0xffff;
	v5 =	vmovc v8;
	v8 =	vmovc v31  }
0x4ef: {  	[tilespmem:v25+s10+$0x0] =	vst.idx.add.f32.msk $0xffff, v32  }
0x4f0: {  	v19 =	vld.idx.msk [tilespmem:v22+s17+$0x0], $0xffff  }
0x4f1: {  	v22 =	vor.u32 $0x1, v25;
	[tilespmem:v34+s10+$0x0] =	vst.idx.add.f32.msk $0xffff, v28  }
0x4f2: {  	v28 =	vor.u32 $0x2, v20;
	v31 =	vld.idx.msk [tilespmem:v36+s17+$0x0], $0xffff  }
0x4f3: {  	[tilespmem:v27+s10+$0x0] =	vst.idx.add.f32.msk $0xffff, v24;
	v24 =	vor.u32 $0x6, v3  }
0x4f4: {  	v27 =	vor.u32 $0x7, v2;
	v2 =	vmov v20;
	v21 =	vld.idx.msk [tilespmem:v21+s17+$0x0], $0xffff  }
0x4f5: {  	[tilespmem:v14+s10+$0x0] =	vst.idx.add.f32.msk $0xffff, v35;
	v14 =	vmov v26  }
0x4f6: {  	[tilespmem:v22+s10+$0x0] =	vst.idx.add.f32.msk $0xffff, v19  }
0x4f7: {  	v20 =	vld.idx.msk [tilespmem:v28+s17+$0x0], $0xffff  }
0x4f8: {  	v22 =	vor.u32 $0x2, v25;
	[tilespmem:v24+s10+$0x0] =	vst.idx.add.f32.msk $0xffff, v31  }
0x4f9: {  	v24 =	vor.u32 $0x3, v2;
	v26 =	vld.idx.msk [tilespmem:v27+s17+$0x0], $0xffff  }
0x4fa: {  	[tilespmem:v30+s10+$0x0] =	vst.idx.add.f32.msk $0xffff, v21;
	v21 =	vor.u32 $0x7, v3;
	v3 =	vmov v25  }
0x4fb: {  	v23 =	vld.idx.msk [tilespmem:v23+s17+$0x0], $0xffff  }
0x4fc: {  	v19 =	vld.idx.msk [tilespmem:v12+s17+$0x0], $0xffff;
	v12 =	vmov v29  }
.Ltmp10:
0x4fd: {  	[tilespmem:v22+s10+$0x0] =	vst.idx.add.f32.msk $0xffff, v20;
	(pc) =	sbr.rel @p0 .LBB2_23-.Ltmp10, $4  }
0x4fe: {  	v20 =	vld.idx.msk [tilespmem:v24+s17+$0x0], $0xffff  }
0x4ff: {  	[tilespmem:v21+s10+$0x0] =	vst.idx.add.f32.msk $0xffff, v26  }
0x500: {  	v21 =	vor.u32 $0x3, v3;
	[tilespmem:v4+s10+$0x0] =	vst.idx.add.f32.msk $0xffff, v38;
	v4 =	vmov v10;
	v10 =	vmov v37  }
0x501: {  	s18 =	sadd.s32 $0x20, s18;
	v22 =	vor.u32 $0x4, v2;
	[tilespmem:v33+s10+$0x0] =	vst.idx.add.f32.msk $0xffff, v23  }
0x502: {  	_ =	sdelay $0x3  }
0x503: {  	v17 =	vld.idx.msk [tilespmem:v17+s17+$0x0], $0xffff;
	_ =	sdelay $0x2  }
0x504: {  	[tilespmem:v21+s10+$0x0] =	vst.idx.add.f32.msk $0xffff, v20  }
0x505: {  	v21 =	vor.u32 $0x4, v3;
	v20 =	vld.idx.msk [tilespmem:v22+s17+$0x0], $0xffff  }
0x506: {  	v22 =	vor.u32 $0x5, v2;
	[tilespmem:v16+s10+$0x0] =	vst.idx.add.f32.msk $0xffff, v17  }
0x507: {  	v13 =	vld.idx.msk [tilespmem:v13+s17+$0x0], $0xffff;
	_ =	sdelay $0x2  }
0x508: {  	[tilespmem:v21+s10+$0x0] =	vst.idx.add.f32.msk $0xffff, v20  }
0x509: {  	v17 =	vor.u32 $0x5, v3;
	v16 =	vld.idx.msk [tilespmem:v22+s17+$0x0], $0xffff  }
0x50a: {  	v20 =	vor.u32 $0x6, v2;
	[tilespmem:v14+s10+$0x0] =	vst.idx.add.f32.msk $0xffff, v13  }
0x50b: {  	v12 =	vld.idx.msk [tilespmem:v12+s17+$0x0], $0xffff  }
0x50c: {  	[tilespmem:v9+s10+$0x0] =	vst.idx.add.f32.msk $0xffff, v19  }
0x50d: {  	v7 =	vld.idx.msk [tilespmem:v7+s17+$0x0], $0xffff  }
0x50e: {  	[tilespmem:v17+s10+$0x0] =	vst.idx.add.f32.msk $0xffff, v16  }
0x50f: {  	v13 =	vor.u32 $0x6, v3;
	v9 =	vld.idx.msk [tilespmem:v20+s17+$0x0], $0xffff  }
0x510: {  	v2 =	vor.u32 $0x7, v2;
	[tilespmem:v18+s10+$0x0] =	vst.idx.add.f32.msk $0xffff, v12  }
0x511: {  	v12 =	vld.idx.msk [tilespmem:v15+s17+$0x0], $0xffff  }
0x512: {  	[tilespmem:v6+s10+$0x0] =	vst.idx.add.f32.msk $0xffff, v7  }
0x513: {  	v5 =	vld.idx.msk [tilespmem:v5+s17+$0x0], $0xffff  }
0x514: {  	[tilespmem:v13+s10+$0x0] =	vst.idx.add.f32.msk $0xffff, v9  }
0x515: {  	v2 =	vld.idx.msk [tilespmem:v2+s17+$0x0], $0xffff  }
0x516: {  	v3 =	vor.u32 $0x7, v3;
	[tilespmem:v11+s10+$0x0] =	vst.idx.add.f32.msk $0xffff, v12  }
0x517: {  	v6 =	vld.idx.msk [tilespmem:v8+s17+$0x0], $0xffff;
	_ =	sdelay $0x2  }
0x518: {  	[tilespmem:v4+s10+$0x0] =	vst.idx.add.f32.msk $0xffff, v5  }
0x519: {  	[tilespmem:v3+s10+$0x0] =	vst.idx.add.f32.msk $0xffff, v2  }
0x51a: {  	[tilespmem:v10+s10+$0x0] =	vst.idx.add.f32.msk $0xffff, v6  }
0x51b: {  	s12 =	simm.s32 $0x0;
	_ =	swait.ge [sflag:s24], $0x800  }
0x51c: {  	v2 =	vmov s12;
	[sflag:s24] =	ssyncset.done $0x0  }
0x51d: {  	s21 =	simm.s32 $0xD90;
	v2 =	vshll.u32 v2, $0x4;
	[sflag:s24] =	ssyncadd.s32 $0xFFFFF800  }
0x51e: {  	v2 =	vor.u32 v1, v2;
	[tilespmem:s17], [sflag:$0x3] =	stream.indirect.gather [hbm4b:s7+s13], $0x10, s5, s13, $0xb8;
	[tilespmem:$0x168C0] =	vst v63  }
0x51f: {  	s16 =	simm.s32 $0x10;
	v4 =	vor.u32 v0, v2;
	v2 =	vld [tilespmem:s21+$0xFFFFFFF0]  }
0x520: {  	v3 =	vmov s16  }
0x521: {  	v3 =	vshll.u32 v3, $0x4  }
0x522: {  	v3 =	vor.u32 v1, v3  }
0x523: {  	v5 =	vor.u32 v0, v3;
	v3 =	vld [tilespmem:s21+$0x0]  }
0x524: {  	v6 =	vld.idx.msk [tilespmem:v4+s19+$0x0], $0xffff;
	v7 =	vshll.u32 v2, $0x3  }
0x525: {  	v2 =	vor.u32 $0x1, v4;
	_ =	sdelay $0x2  }
0x526: {  	v8 =	vld.idx.msk [tilespmem:v5+s19+$0x0], $0xffff;
	v10 =	vshll.u32 v3, $0x3  }
0x527: {  	v3 =	vor.u32 $0x1, v5;
	[tilespmem:v7+s10+$0x0] =	vst.idx.add.f32.msk $0xffff, v6  }
0x528: {  	v6 =	vor.u32 $0x1, v7;
	v2 =	vld.idx.msk [tilespmem:v2+s19+$0x0], $0xffff  }
0x529: {  	v9 =	vor.u32 $0x2, v4;
	_ =	sdelay $0x1  }
0x52a: {  	[tilespmem:v10+s10+$0x0] =	vst.idx.add.f32.msk $0xffff, v8  }
0x52b: {  	v8 =	vor.u32 $0x1, v10;
	v3 =	vld.idx.msk [tilespmem:v3+s19+$0x0], $0xffff  }
0x52c: {  	v11 =	vor.u32 $0x2, v5;
	[tilespmem:v6+s10+$0x0] =	vst.idx.add.f32.msk $0xffff, v2  }
0x52d: {  	v6 =	vor.u32 $0x2, v7;
	v2 =	vld.idx.msk [tilespmem:v9+s19+$0x0], $0xffff  }
0x52e: {  	v9 =	vor.u32 $0x3, v4;
	_ =	sdelay $0x1  }
0x52f: {  	[tilespmem:v8+s10+$0x0] =	vst.idx.add.f32.msk $0xffff, v3  }
0x530: {  	v3 =	vor.u32 $0x2, v10;
	v8 =	vld.idx.msk [tilespmem:v11+s19+$0x0], $0xffff  }
0x531: {  	v11 =	vor.u32 $0x3, v5;
	[tilespmem:v6+s10+$0x0] =	vst.idx.add.f32.msk $0xffff, v2  }
0x532: {  	v6 =	vor.u32 $0x3, v7;
	v2 =	vld.idx.msk [tilespmem:v9+s19+$0x0], $0xffff;
	_ =	sdelay $0x1  }
0x533: {  	s18 =	simm.s32 $0x20;
	v9 =	vor.u32 $0x4, v4  }
0x534: {  	[tilespmem:v3+s10+$0x0] =	vst.idx.add.f32.msk $0xffff, v8;
	v3 =	vmov s18  }
0x535: {  	v8 =	vld.idx.msk [tilespmem:v11+s19+$0x0], $0xffff;
	v3 =	vshll.u32 v3, $0x4;
	v11 =	vor.u32 $0x3, v10  }
0x536: {  	s12 =	simm.s32 $0xDB0;
	s21 =	simm.s32 $0x30;
	v3 =	vor.u32 v1, v3;
	[tilespmem:v6+s10+$0x0] =	vst.idx.add.f32.msk $0xffff, v2  }
0x537: {  	v6 =	vmov s21;
	v2 =	vor.u32 v0, v3;
	v3 =	vld [tilespmem:s12+$0xFFFFFFF0]  }
0x538: {  	v12 =	vor.u32 $0x4, v7;
	v6 =	vshll.u32 v6, $0x4;
	v9 =	vld.idx.msk [tilespmem:v9+s19+$0x0], $0xffff  }
0x539: {  	v13 =	vor.u32 $0x5, v4;
	v6 =	vor.u32 v1, v6  }
0x53a: {  	[tilespmem:v11+s10+$0x0] =	vst.idx.add.f32.msk $0xffff, v8;
	v14 =	vor.u32 v0, v6  }
0x53b: {  	v15 =	vor.u32 $0x4, v5;
	v6 =	vld [tilespmem:s12+$0x0]  }
0x53c: {  	v8 =	vld.idx.msk [tilespmem:v2+s19+$0x0], $0xffff;
	v3 =	vshll.u32 v3, $0x3  }
0x53d: {  	[tilespmem:v12+s10+$0x0] =	vst.idx.add.f32.msk $0xffff, v9;
	v9 =	vor.u32 $0x1, v2  }
0x53e: {  	v12 =	vor.u32 $0x5, v7;
	v11 =	vld.idx.msk [tilespmem:v13+s19+$0x0], $0xffff  }
0x53f: {  	v16 =	vor.u32 $0x6, v4;
	v13 =	vld.idx.msk [tilespmem:v14+s19+$0x0], $0xffff  }
0x540: {  	v21 =	vshll.u32 v6, $0x3;
	v6 =	vld.idx.msk [tilespmem:v15+s19+$0x0], $0xffff  }
0x541: {  	v15 =	vor.u32 $0x1, v14;
	[tilespmem:v3+s10+$0x0] =	vst.idx.add.f32.msk $0xffff, v8  }
0x542: {  	v8 =	vor.u32 $0x4, v10;
	v9 =	vld.idx.msk [tilespmem:v9+s19+$0x0], $0xffff  }
0x543: {  	v17 =	vor.u32 $0x1, v3;
	[tilespmem:v12+s10+$0x0] =	vst.idx.add.f32.msk $0xffff, v11  }
0x544: {  	v11 =	vor.u32 $0x2, v2;
	v12 =	vld.idx.msk [tilespmem:v16+s19+$0x0], $0xffff  }
0x545: {  	[tilespmem:v21+s10+$0x0] =	vst.idx.add.f32.msk $0xffff, v13;
	v13 =	vor.u32 $0x6, v7  }
0x546: {  	v4 =	vor.u32 $0x7, v4;
	v15 =	vld.idx.msk [tilespmem:v15+s19+$0x0], $0xffff  }
0x547: {  	v16 =	vor.u32 $0x1, v21;
	[tilespmem:v8+s10+$0x0] =	vst.idx.add.f32.msk $0xffff, v6  }
0x548: {  	v6 =	vor.u32 $0x2, v14;
	[tilespmem:v17+s10+$0x0] =	vst.idx.add.f32.msk $0xffff, v9  }
0x549: {  	v8 =	vor.u32 $0x5, v5;
	v11 =	vld.idx.msk [tilespmem:v11+s19+$0x0], $0xffff  }
0x54a: {  	v18 =	vor.u32 $0x2, v3;
	[tilespmem:v13+s10+$0x0] =	vst.idx.add.f32.msk $0xffff, v12  }
0x54b: {  	v20 =	vor.u32 $0x3, v2;
	v22 =	vld.idx.msk [tilespmem:v4+s19+$0x0], $0xffff  }
0x54c: {  	v23 =	vor.u32 $0x7, v7;
	v24 =	vor.u32 $0x2, v21;
	[tilespmem:v16+s10+$0x0] =	vst.idx.add.f32.msk $0xffff, v15  }
0x54d: {  	v7 =	vor.u32 $0x6, v5;
	v9 =	vor.u32 $0x5, v10;
	v17 =	vor.u32 $0x3, v14;
	v25 =	vld.idx.msk [tilespmem:v6+s19+$0x0], $0xffff  }
0x54e: {  	v13 =	vor.u32 $0x4, v14;
	v12 =	vor.u32 $0x5, v14;
	v4 =	vor.u32 $0x7, v10;
	v19 =	vld.idx.msk [tilespmem:v8+s19+$0x0], $0xffff  }
0x54f: {  	v15 =	vor.u32 $0x6, v14;
	v16 =	vor.u32 $0x3, v21;
	v6 =	vor.u32 $0x6, v10;
	[tilespmem:v18+s10+$0x0] =	vst.idx.add.f32.msk $0xffff, v11  }
0x550: {  	v8 =	vor.u32 $0x7, v14;
	v14 =	vor.u32 $0x4, v21;
	v10 =	vor.u32 $0x7, v21;
	v20 =	vld.idx.msk [tilespmem:v20+s19+$0x0], $0xffff  }
0x551: {  	v18 =	vor.u32 $0x5, v21;
	v11 =	vor.u32 $0x6, v21;
	v21 =	vor.u32 $0x3, v3;
	[tilespmem:v23+s10+$0x0] =	vst.idx.add.f32.msk $0xffff, v22  }
0x552: {  	s16 =	simm.s32 $0x2;
	s18 =	simm.s32 $0x50;
	v5 =	vor.u32 $0x7, v5;
	v22 =	vor.u32 $0x4, v2;
	[tilespmem:v24+s10+$0x0] =	vst.idx.add.f32.msk $0xffff, v25  }
.LBB2_25:
0x553: {  	s21 =	sadd.s32 $0xFFFFFFF0, s18;
	v23 =	vmov s18;
	v24 =	vld.idx.msk [tilespmem:v17+s19+$0x0], $0xffff  }
0x554: {  	s16 =	sadd.s32 $0x2, s16;
	v17 =	vmov s21;
	v23 =	vshll.u32 v23, $0x4;
	[tilespmem:v9+s10+$0x0] =	vst.idx.add.f32.msk $0xffff, v19;
	v9 =	vmov v18  }
0x555: {  	p0 =	slt.u32 s16, $0x6;
	v17 =	vshll.u32 v17, $0x4;
	v18 =	vor.u32 v1, v23;
	v19 =	vld.idx.msk [tilespmem:v7+s19+$0x0], $0xffff;
	v7 =	vmov v15  }
0x556: {  	v15 =	vor.u32 v1, v17;
	v18 =	vor.u32 v0, v18;
	[tilespmem:v21+s10+$0x0] =	vst.idx.add.f32.msk $0xffff, v20  }
0x557: {  	s12 =	sadd.s32 $0x20, s12;
	v20 =	vor.u32 v0, v15;
	v21 =	vor.u32 $0x1, v18;
	v23 =	vor.u32 $0x2, v18;
	v22 =	vld.idx.msk [tilespmem:v22+s19+$0x0], $0xffff  }
0x558: {  	v27 =	vor.u32 $0x4, v3;
	v17 =	vor.u32 $0x3, v18;
	v26 =	vor.u32 $0x4, v18;
	v25 =	vld [tilespmem:s12+$0xFFFFFFF0]  }
0x559: {  	v30 =	vor.u32 $0x5, v2;
	v29 =	vor.u32 $0x5, v18;
	v15 =	vor.u32 $0x6, v18;
	v28 =	vld [tilespmem:s12+$0x0]  }
0x55a: {  	v31 =	vor.u32 $0x7, v18;
	[tilespmem:v16+s10+$0x0] =	vst.idx.add.f32.msk $0xffff, v24  }
0x55b: {  	v24 =	vld.idx.msk [tilespmem:v18+s19+$0x0], $0xffff  }
0x55c: {  	v32 =	vld.idx.msk [tilespmem:v20+s19+$0x0], $0xffff  }
0x55d: {  	v25 =	vshll.u32 v25, $0x3;
	[tilespmem:v27+s10+$0x0] =	vst.idx.add.f32.msk $0xffff, v22  }
0x55e: {  	v22 =	vor.u32 $0x1, v20;
	v27 =	vshll.u32 v28, $0x3;
	v28 =	vld.idx.msk [tilespmem:v30+s19+$0x0], $0xffff  }
0x55f: {  	v34 =	vor.u32 $0x5, v3;
	v30 =	vor.u32 $0x1, v27;
	v33 =	vor.u32 $0x2, v27;
	v35 =	vld.idx.msk [tilespmem:v13+s19+$0x0], $0xffff;
	v13 =	vmovc v26  }
0x560: {  	v36 =	vor.u32 $0x6, v2;
	v16 =	vor.u32 $0x3, v27;
	v26 =	vor.u32 $0x4, v27;
	[tilespmem:v6+s10+$0x0] =	vst.idx.add.f32.msk $0xffff, v19;
	v6 =	vmovc v11  }
0x561: {  	v18 =	vor.u32 $0x5, v27;
	v37 =	vor.u32 $0x7, v27;
	v11 =	vor.u32 $0x6, v27;
	v38 =	vld.idx.msk [tilespmem:v5+s19+$0x0], $0xffff;
	v5 =	vmovc v8;
	v8 =	vmovc v31  }
0x562: {  	[tilespmem:v25+s10+$0x0] =	vst.idx.add.f32.msk $0xffff, v32  }
0x563: {  	v19 =	vld.idx.msk [tilespmem:v22+s19+$0x0], $0xffff  }
0x564: {  	v22 =	vor.u32 $0x1, v25;
	[tilespmem:v34+s10+$0x0] =	vst.idx.add.f32.msk $0xffff, v28  }
0x565: {  	v28 =	vor.u32 $0x2, v20;
	v31 =	vld.idx.msk [tilespmem:v36+s19+$0x0], $0xffff  }
0x566: {  	[tilespmem:v27+s10+$0x0] =	vst.idx.add.f32.msk $0xffff, v24;
	v24 =	vor.u32 $0x6, v3  }
0x567: {  	v27 =	vor.u32 $0x7, v2;
	v2 =	vmov v20;
	v21 =	vld.idx.msk [tilespmem:v21+s19+$0x0], $0xffff  }
0x568: {  	[tilespmem:v14+s10+$0x0] =	vst.idx.add.f32.msk $0xffff, v35;
	v14 =	vmov v26  }
0x569: {  	[tilespmem:v22+s10+$0x0] =	vst.idx.add.f32.msk $0xffff, v19  }
0x56a: {  	v20 =	vld.idx.msk [tilespmem:v28+s19+$0x0], $0xffff  }
0x56b: {  	v22 =	vor.u32 $0x2, v25;
	[tilespmem:v24+s10+$0x0] =	vst.idx.add.f32.msk $0xffff, v31  }
0x56c: {  	v24 =	vor.u32 $0x3, v2;
	v26 =	vld.idx.msk [tilespmem:v27+s19+$0x0], $0xffff  }
0x56d: {  	[tilespmem:v30+s10+$0x0] =	vst.idx.add.f32.msk $0xffff, v21;
	v21 =	vor.u32 $0x7, v3;
	v3 =	vmov v25  }
0x56e: {  	v23 =	vld.idx.msk [tilespmem:v23+s19+$0x0], $0xffff  }
0x56f: {  	v19 =	vld.idx.msk [tilespmem:v12+s19+$0x0], $0xffff;
	v12 =	vmov v29  }
.Ltmp11:
0x570: {  	[tilespmem:v22+s10+$0x0] =	vst.idx.add.f32.msk $0xffff, v20;
	(pc) =	sbr.rel @p0 .LBB2_25-.Ltmp11, $4  }
0x571: {  	v20 =	vld.idx.msk [tilespmem:v24+s19+$0x0], $0xffff  }
0x572: {  	[tilespmem:v21+s10+$0x0] =	vst.idx.add.f32.msk $0xffff, v26  }
0x573: {  	v21 =	vor.u32 $0x3, v3;
	[tilespmem:v4+s10+$0x0] =	vst.idx.add.f32.msk $0xffff, v38;
	v4 =	vmov v10;
	v10 =	vmov v37  }
0x574: {  	s18 =	sadd.s32 $0x20, s18;
	v22 =	vor.u32 $0x4, v2;
	[tilespmem:v33+s10+$0x0] =	vst.idx.add.f32.msk $0xffff, v23  }
0x575: {  	_ =	sdelay $0x3  }
0x576: {  	v17 =	vld.idx.msk [tilespmem:v17+s19+$0x0], $0xffff;
	_ =	sdelay $0x2  }
0x577: {  	[tilespmem:v21+s10+$0x0] =	vst.idx.add.f32.msk $0xffff, v20  }
0x578: {  	v21 =	vor.u32 $0x4, v3;
	v20 =	vld.idx.msk [tilespmem:v22+s19+$0x0], $0xffff  }
0x579: {  	v22 =	vor.u32 $0x5, v2;
	[tilespmem:v16+s10+$0x0] =	vst.idx.add.f32.msk $0xffff, v17  }
0x57a: {  	v13 =	vld.idx.msk [tilespmem:v13+s19+$0x0], $0xffff;
	_ =	sdelay $0x2  }
0x57b: {  	[tilespmem:v21+s10+$0x0] =	vst.idx.add.f32.msk $0xffff, v20  }
0x57c: {  	v17 =	vor.u32 $0x5, v3;
	v16 =	vld.idx.msk [tilespmem:v22+s19+$0x0], $0xffff  }
0x57d: {  	v20 =	vor.u32 $0x6, v2;
	[tilespmem:v14+s10+$0x0] =	vst.idx.add.f32.msk $0xffff, v13  }
0x57e: {  	v12 =	vld.idx.msk [tilespmem:v12+s19+$0x0], $0xffff  }
0x57f: {  	[tilespmem:v9+s10+$0x0] =	vst.idx.add.f32.msk $0xffff, v19  }
0x580: {  	v7 =	vld.idx.msk [tilespmem:v7+s19+$0x0], $0xffff  }
0x581: {  	[tilespmem:v17+s10+$0x0] =	vst.idx.add.f32.msk $0xffff, v16  }
0x582: {  	v13 =	vor.u32 $0x6, v3;
	v9 =	vld.idx.msk [tilespmem:v20+s19+$0x0], $0xffff  }
0x583: {  	v2 =	vor.u32 $0x7, v2;
	[tilespmem:v18+s10+$0x0] =	vst.idx.add.f32.msk $0xffff, v12  }
0x584: {  	v12 =	vld.idx.msk [tilespmem:v15+s19+$0x0], $0xffff  }
0x585: {  	[tilespmem:v6+s10+$0x0] =	vst.idx.add.f32.msk $0xffff, v7  }
0x586: {  	v5 =	vld.idx.msk [tilespmem:v5+s19+$0x0], $0xffff  }
0x587: {  	[tilespmem:v13+s10+$0x0] =	vst.idx.add.f32.msk $0xffff, v9  }
0x588: {  	v2 =	vld.idx.msk [tilespmem:v2+s19+$0x0], $0xffff  }
0x589: {  	v3 =	vor.u32 $0x7, v3;
	[tilespmem:v11+s10+$0x0] =	vst.idx.add.f32.msk $0xffff, v12  }
0x58a: {  	v6 =	vld.idx.msk [tilespmem:v8+s19+$0x0], $0xffff;
	_ =	sdelay $0x2  }
0x58b: {  	[tilespmem:v4+s10+$0x0] =	vst.idx.add.f32.msk $0xffff, v5  }
0x58c: {  	[tilespmem:v3+s10+$0x0] =	vst.idx.add.f32.msk $0xffff, v2  }
0x58d: {  	[tilespmem:v10+s10+$0x0] =	vst.idx.add.f32.msk $0xffff, v6  }
0x58e: {  	s12 =	simm.s32 $0x0;
	_ =	swait.ge [sflag:s6], $0x800  }
0x58f: {  	v2 =	vmov s12;
	[sflag:s6] =	ssyncset.done $0x0  }
0x590: {  	s21 =	simm.s32 $0xE10;
	v2 =	vshll.u32 v2, $0x4;
	[sflag:s6] =	ssyncadd.s32 $0xFFFFF800  }
0x591: {  	v2 =	vor.u32 v1, v2;
	[tilespmem:s19], [sflag:$0x4] =	stream.indirect.gather [hbm4b:s7+s13], $0x10, s8, s13, $0xb8;
	[tilespmem:$0x168C0] =	vst v63  }
0x592: {  	s16 =	simm.s32 $0x10;
	v4 =	vor.u32 v0, v2;
	v2 =	vld [tilespmem:s21+$0xFFFFFFF0]  }
0x593: {  	v3 =	vmov s16  }
0x594: {  	v3 =	vshll.u32 v3, $0x4  }
0x595: {  	v3 =	vor.u32 v1, v3  }
0x596: {  	v5 =	vor.u32 v0, v3;
	v3 =	vld [tilespmem:s21+$0x0]  }
0x597: {  	v6 =	vld.idx.msk [tilespmem:v4+s14+$0x0], $0xffff;
	v7 =	vshll.u32 v2, $0x3  }
0x598: {  	v2 =	vor.u32 $0x1, v4;
	_ =	sdelay $0x2  }
0x599: {  	v8 =	vld.idx.msk [tilespmem:v5+s14+$0x0], $0xffff;
	v10 =	vshll.u32 v3, $0x3  }
0x59a: {  	v3 =	vor.u32 $0x1, v5;
	[tilespmem:v7+s10+$0x0] =	vst.idx.add.f32.msk $0xffff, v6  }
0x59b: {  	v6 =	vor.u32 $0x1, v7;
	v2 =	vld.idx.msk [tilespmem:v2+s14+$0x0], $0xffff  }
0x59c: {  	v9 =	vor.u32 $0x2, v4;
	_ =	sdelay $0x1  }
0x59d: {  	[tilespmem:v10+s10+$0x0] =	vst.idx.add.f32.msk $0xffff, v8  }
0x59e: {  	v8 =	vor.u32 $0x1, v10;
	v3 =	vld.idx.msk [tilespmem:v3+s14+$0x0], $0xffff  }
0x59f: {  	v11 =	vor.u32 $0x2, v5;
	[tilespmem:v6+s10+$0x0] =	vst.idx.add.f32.msk $0xffff, v2  }
0x5a0: {  	v6 =	vor.u32 $0x2, v7;
	v2 =	vld.idx.msk [tilespmem:v9+s14+$0x0], $0xffff  }
0x5a1: {  	v9 =	vor.u32 $0x3, v4;
	_ =	sdelay $0x1  }
0x5a2: {  	[tilespmem:v8+s10+$0x0] =	vst.idx.add.f32.msk $0xffff, v3  }
0x5a3: {  	v3 =	vor.u32 $0x2, v10;
	v8 =	vld.idx.msk [tilespmem:v11+s14+$0x0], $0xffff  }
0x5a4: {  	v11 =	vor.u32 $0x3, v5;
	[tilespmem:v6+s10+$0x0] =	vst.idx.add.f32.msk $0xffff, v2  }
0x5a5: {  	v6 =	vor.u32 $0x3, v7;
	v2 =	vld.idx.msk [tilespmem:v9+s14+$0x0], $0xffff;
	_ =	sdelay $0x1  }
0x5a6: {  	s18 =	simm.s32 $0x20;
	v9 =	vor.u32 $0x4, v4  }
0x5a7: {  	[tilespmem:v3+s10+$0x0] =	vst.idx.add.f32.msk $0xffff, v8;
	v3 =	vmov s18  }
0x5a8: {  	v8 =	vld.idx.msk [tilespmem:v11+s14+$0x0], $0xffff;
	v3 =	vshll.u32 v3, $0x4;
	v11 =	vor.u32 $0x3, v10  }
0x5a9: {  	s12 =	simm.s32 $0xE30;
	s21 =	simm.s32 $0x30;
	v3 =	vor.u32 v1, v3;
	[tilespmem:v6+s10+$0x0] =	vst.idx.add.f32.msk $0xffff, v2  }
0x5aa: {  	v6 =	vmov s21;
	v2 =	vor.u32 v0, v3;
	v3 =	vld [tilespmem:s12+$0xFFFFFFF0]  }
0x5ab: {  	v12 =	vor.u32 $0x4, v7;
	v6 =	vshll.u32 v6, $0x4;
	v9 =	vld.idx.msk [tilespmem:v9+s14+$0x0], $0xffff  }
0x5ac: {  	v13 =	vor.u32 $0x5, v4;
	v6 =	vor.u32 v1, v6  }
0x5ad: {  	[tilespmem:v11+s10+$0x0] =	vst.idx.add.f32.msk $0xffff, v8;
	v14 =	vor.u32 v0, v6  }
0x5ae: {  	v15 =	vor.u32 $0x4, v5;
	v6 =	vld [tilespmem:s12+$0x0]  }
0x5af: {  	v8 =	vld.idx.msk [tilespmem:v2+s14+$0x0], $0xffff;
	v3 =	vshll.u32 v3, $0x3  }
0x5b0: {  	[tilespmem:v12+s10+$0x0] =	vst.idx.add.f32.msk $0xffff, v9;
	v9 =	vor.u32 $0x1, v2  }
0x5b1: {  	v12 =	vor.u32 $0x5, v7;
	v11 =	vld.idx.msk [tilespmem:v13+s14+$0x0], $0xffff  }
0x5b2: {  	v16 =	vor.u32 $0x6, v4;
	v13 =	vld.idx.msk [tilespmem:v14+s14+$0x0], $0xffff  }
0x5b3: {  	v21 =	vshll.u32 v6, $0x3;
	v6 =	vld.idx.msk [tilespmem:v15+s14+$0x0], $0xffff  }
0x5b4: {  	v15 =	vor.u32 $0x1, v14;
	[tilespmem:v3+s10+$0x0] =	vst.idx.add.f32.msk $0xffff, v8  }
0x5b5: {  	v8 =	vor.u32 $0x4, v10;
	v9 =	vld.idx.msk [tilespmem:v9+s14+$0x0], $0xffff  }
0x5b6: {  	v17 =	vor.u32 $0x1, v3;
	[tilespmem:v12+s10+$0x0] =	vst.idx.add.f32.msk $0xffff, v11  }
0x5b7: {  	v11 =	vor.u32 $0x2, v2;
	v12 =	vld.idx.msk [tilespmem:v16+s14+$0x0], $0xffff  }
0x5b8: {  	[tilespmem:v21+s10+$0x0] =	vst.idx.add.f32.msk $0xffff, v13;
	v13 =	vor.u32 $0x6, v7  }
0x5b9: {  	v4 =	vor.u32 $0x7, v4;
	v15 =	vld.idx.msk [tilespmem:v15+s14+$0x0], $0xffff  }
0x5ba: {  	v16 =	vor.u32 $0x1, v21;
	[tilespmem:v8+s10+$0x0] =	vst.idx.add.f32.msk $0xffff, v6  }
0x5bb: {  	v6 =	vor.u32 $0x2, v14;
	[tilespmem:v17+s10+$0x0] =	vst.idx.add.f32.msk $0xffff, v9  }
0x5bc: {  	v8 =	vor.u32 $0x5, v5;
	v11 =	vld.idx.msk [tilespmem:v11+s14+$0x0], $0xffff  }
0x5bd: {  	v18 =	vor.u32 $0x2, v3;
	[tilespmem:v13+s10+$0x0] =	vst.idx.add.f32.msk $0xffff, v12  }
0x5be: {  	v20 =	vor.u32 $0x3, v2;
	v22 =	vld.idx.msk [tilespmem:v4+s14+$0x0], $0xffff  }
0x5bf: {  	v23 =	vor.u32 $0x7, v7;
	v24 =	vor.u32 $0x2, v21;
	[tilespmem:v16+s10+$0x0] =	vst.idx.add.f32.msk $0xffff, v15  }
0x5c0: {  	v7 =	vor.u32 $0x6, v5;
	v9 =	vor.u32 $0x5, v10;
	v17 =	vor.u32 $0x3, v14;
	v25 =	vld.idx.msk [tilespmem:v6+s14+$0x0], $0xffff  }
0x5c1: {  	v13 =	vor.u32 $0x4, v14;
	v12 =	vor.u32 $0x5, v14;
	v4 =	vor.u32 $0x7, v10;
	v19 =	vld.idx.msk [tilespmem:v8+s14+$0x0], $0xffff  }
0x5c2: {  	v15 =	vor.u32 $0x6, v14;
	v16 =	vor.u32 $0x3, v21;
	v6 =	vor.u32 $0x6, v10;
	[tilespmem:v18+s10+$0x0] =	vst.idx.add.f32.msk $0xffff, v11  }
0x5c3: {  	v8 =	vor.u32 $0x7, v14;
	v14 =	vor.u32 $0x4, v21;
	v10 =	vor.u32 $0x7, v21;
	v20 =	vld.idx.msk [tilespmem:v20+s14+$0x0], $0xffff  }
0x5c4: {  	v18 =	vor.u32 $0x5, v21;
	v11 =	vor.u32 $0x6, v21;
	v21 =	vor.u32 $0x3, v3;
	[tilespmem:v23+s10+$0x0] =	vst.idx.add.f32.msk $0xffff, v22  }
0x5c5: {  	s16 =	simm.s32 $0x2;
	s18 =	simm.s32 $0x50;
	v5 =	vor.u32 $0x7, v5;
	v22 =	vor.u32 $0x4, v2;
	[tilespmem:v24+s10+$0x0] =	vst.idx.add.f32.msk $0xffff, v25  }
.LBB2_27:
0x5c6: {  	s21 =	sadd.s32 $0xFFFFFFF0, s18;
	v23 =	vmov s18;
	v24 =	vld.idx.msk [tilespmem:v17+s14+$0x0], $0xffff  }
0x5c7: {  	s16 =	sadd.s32 $0x2, s16;
	v17 =	vmov s21;
	v23 =	vshll.u32 v23, $0x4;
	[tilespmem:v9+s10+$0x0] =	vst.idx.add.f32.msk $0xffff, v19;
	v9 =	vmov v18  }
0x5c8: {  	p0 =	slt.u32 s16, $0x6;
	v17 =	vshll.u32 v17, $0x4;
	v18 =	vor.u32 v1, v23;
	v19 =	vld.idx.msk [tilespmem:v7+s14+$0x0], $0xffff;
	v7 =	vmov v15  }
0x5c9: {  	v15 =	vor.u32 v1, v17;
	v18 =	vor.u32 v0, v18;
	[tilespmem:v21+s10+$0x0] =	vst.idx.add.f32.msk $0xffff, v20  }
0x5ca: {  	s12 =	sadd.s32 $0x20, s12;
	v20 =	vor.u32 v0, v15;
	v21 =	vor.u32 $0x1, v18;
	v23 =	vor.u32 $0x2, v18;
	v22 =	vld.idx.msk [tilespmem:v22+s14+$0x0], $0xffff  }
0x5cb: {  	v27 =	vor.u32 $0x4, v3;
	v17 =	vor.u32 $0x3, v18;
	v26 =	vor.u32 $0x4, v18;
	v25 =	vld [tilespmem:s12+$0xFFFFFFF0]  }
0x5cc: {  	v30 =	vor.u32 $0x5, v2;
	v29 =	vor.u32 $0x5, v18;
	v15 =	vor.u32 $0x6, v18;
	v28 =	vld [tilespmem:s12+$0x0]  }
0x5cd: {  	v31 =	vor.u32 $0x7, v18;
	[tilespmem:v16+s10+$0x0] =	vst.idx.add.f32.msk $0xffff, v24  }
0x5ce: {  	v24 =	vld.idx.msk [tilespmem:v18+s14+$0x0], $0xffff  }
0x5cf: {  	v32 =	vld.idx.msk [tilespmem:v20+s14+$0x0], $0xffff  }
0x5d0: {  	v25 =	vshll.u32 v25, $0x3;
	[tilespmem:v27+s10+$0x0] =	vst.idx.add.f32.msk $0xffff, v22  }
0x5d1: {  	v22 =	vor.u32 $0x1, v20;
	v27 =	vshll.u32 v28, $0x3;
	v28 =	vld.idx.msk [tilespmem:v30+s14+$0x0], $0xffff  }
0x5d2: {  	v34 =	vor.u32 $0x5, v3;
	v30 =	vor.u32 $0x1, v27;
	v33 =	vor.u32 $0x2, v27;
	v35 =	vld.idx.msk [tilespmem:v13+s14+$0x0], $0xffff;
	v13 =	vmovc v26  }
0x5d3: {  	v36 =	vor.u32 $0x6, v2;
	v16 =	vor.u32 $0x3, v27;
	v26 =	vor.u32 $0x4, v27;
	[tilespmem:v6+s10+$0x0] =	vst.idx.add.f32.msk $0xffff, v19;
	v6 =	vmovc v11  }
0x5d4: {  	v18 =	vor.u32 $0x5, v27;
	v37 =	vor.u32 $0x7, v27;
	v11 =	vor.u32 $0x6, v27;
	v38 =	vld.idx.msk [tilespmem:v5+s14+$0x0], $0xffff;
	v5 =	vmovc v8;
	v8 =	vmovc v31  }
0x5d5: {  	[tilespmem:v25+s10+$0x0] =	vst.idx.add.f32.msk $0xffff, v32  }
0x5d6: {  	v19 =	vld.idx.msk [tilespmem:v22+s14+$0x0], $0xffff  }
0x5d7: {  	v22 =	vor.u32 $0x1, v25;
	[tilespmem:v34+s10+$0x0] =	vst.idx.add.f32.msk $0xffff, v28  }
0x5d8: {  	v28 =	vor.u32 $0x2, v20;
	v31 =	vld.idx.msk [tilespmem:v36+s14+$0x0], $0xffff  }
0x5d9: {  	[tilespmem:v27+s10+$0x0] =	vst.idx.add.f32.msk $0xffff, v24;
	v24 =	vor.u32 $0x6, v3  }
0x5da: {  	v27 =	vor.u32 $0x7, v2;
	v2 =	vmov v20;
	v21 =	vld.idx.msk [tilespmem:v21+s14+$0x0], $0xffff  }
0x5db: {  	[tilespmem:v14+s10+$0x0] =	vst.idx.add.f32.msk $0xffff, v35;
	v14 =	vmov v26  }
0x5dc: {  	[tilespmem:v22+s10+$0x0] =	vst.idx.add.f32.msk $0xffff, v19  }
0x5dd: {  	v20 =	vld.idx.msk [tilespmem:v28+s14+$0x0], $0xffff  }
0x5de: {  	v22 =	vor.u32 $0x2, v25;
	[tilespmem:v24+s10+$0x0] =	vst.idx.add.f32.msk $0xffff, v31  }
0x5df: {  	v24 =	vor.u32 $0x3, v2;
	v26 =	vld.idx.msk [tilespmem:v27+s14+$0x0], $0xffff  }
0x5e0: {  	[tilespmem:v30+s10+$0x0] =	vst.idx.add.f32.msk $0xffff, v21;
	v21 =	vor.u32 $0x7, v3;
	v3 =	vmov v25  }
0x5e1: {  	v23 =	vld.idx.msk [tilespmem:v23+s14+$0x0], $0xffff  }
0x5e2: {  	v19 =	vld.idx.msk [tilespmem:v12+s14+$0x0], $0xffff;
	v12 =	vmov v29  }
.Ltmp12:
0x5e3: {  	[tilespmem:v22+s10+$0x0] =	vst.idx.add.f32.msk $0xffff, v20;
	(pc) =	sbr.rel @p0 .LBB2_27-.Ltmp12, $4  }
0x5e4: {  	v20 =	vld.idx.msk [tilespmem:v24+s14+$0x0], $0xffff  }
0x5e5: {  	[tilespmem:v21+s10+$0x0] =	vst.idx.add.f32.msk $0xffff, v26  }
0x5e6: {  	v21 =	vor.u32 $0x3, v3;
	[tilespmem:v4+s10+$0x0] =	vst.idx.add.f32.msk $0xffff, v38;
	v4 =	vmov v10;
	v10 =	vmov v37  }
0x5e7: {  	s18 =	sadd.s32 $0x20, s18;
	v22 =	vor.u32 $0x4, v2;
	[tilespmem:v33+s10+$0x0] =	vst.idx.add.f32.msk $0xffff, v23  }
0x5e8: {  	_ =	sdelay $0x3  }
0x5e9: {  	v17 =	vld.idx.msk [tilespmem:v17+s14+$0x0], $0xffff;
	_ =	sdelay $0x2  }
0x5ea: {  	[tilespmem:v21+s10+$0x0] =	vst.idx.add.f32.msk $0xffff, v20  }
0x5eb: {  	v21 =	vor.u32 $0x4, v3;
	v20 =	vld.idx.msk [tilespmem:v22+s14+$0x0], $0xffff  }
0x5ec: {  	v22 =	vor.u32 $0x5, v2;
	[tilespmem:v16+s10+$0x0] =	vst.idx.add.f32.msk $0xffff, v17  }
0x5ed: {  	v13 =	vld.idx.msk [tilespmem:v13+s14+$0x0], $0xffff;
	_ =	sdelay $0x2  }
0x5ee: {  	[tilespmem:v21+s10+$0x0] =	vst.idx.add.f32.msk $0xffff, v20  }
0x5ef: {  	v17 =	vor.u32 $0x5, v3;
	v16 =	vld.idx.msk [tilespmem:v22+s14+$0x0], $0xffff  }
0x5f0: {  	v20 =	vor.u32 $0x6, v2;
	[tilespmem:v14+s10+$0x0] =	vst.idx.add.f32.msk $0xffff, v13  }
0x5f1: {  	v12 =	vld.idx.msk [tilespmem:v12+s14+$0x0], $0xffff  }
0x5f2: {  	[tilespmem:v9+s10+$0x0] =	vst.idx.add.f32.msk $0xffff, v19  }
0x5f3: {  	v7 =	vld.idx.msk [tilespmem:v7+s14+$0x0], $0xffff  }
0x5f4: {  	[tilespmem:v17+s10+$0x0] =	vst.idx.add.f32.msk $0xffff, v16  }
0x5f5: {  	v13 =	vor.u32 $0x6, v3;
	v9 =	vld.idx.msk [tilespmem:v20+s14+$0x0], $0xffff  }
0x5f6: {  	v2 =	vor.u32 $0x7, v2;
	[tilespmem:v18+s10+$0x0] =	vst.idx.add.f32.msk $0xffff, v12  }
0x5f7: {  	v12 =	vld.idx.msk [tilespmem:v15+s14+$0x0], $0xffff  }
0x5f8: {  	[tilespmem:v6+s10+$0x0] =	vst.idx.add.f32.msk $0xffff, v7  }
0x5f9: {  	v5 =	vld.idx.msk [tilespmem:v5+s14+$0x0], $0xffff  }
0x5fa: {  	[tilespmem:v13+s10+$0x0] =	vst.idx.add.f32.msk $0xffff, v9  }
0x5fb: {  	v2 =	vld.idx.msk [tilespmem:v2+s14+$0x0], $0xffff  }
0x5fc: {  	v3 =	vor.u32 $0x7, v3;
	[tilespmem:v11+s10+$0x0] =	vst.idx.add.f32.msk $0xffff, v12  }
0x5fd: {  	v6 =	vld.idx.msk [tilespmem:v8+s14+$0x0], $0xffff;
	_ =	sdelay $0x2  }
0x5fe: {  	[tilespmem:v4+s10+$0x0] =	vst.idx.add.f32.msk $0xffff, v5  }
0x5ff: {  	[tilespmem:v3+s10+$0x0] =	vst.idx.add.f32.msk $0xffff, v2  }
0x600: {  	s12 =	simm.s32 $0x0;
	[tilespmem:v10+s10+$0x0] =	vst.idx.add.f32.msk $0xffff, v6  }
0x601: {  	v2 =	vmov s12;
	_ =	swait.ge [sflag:s20], $0x800  }
0x602: {  	v2 =	vshll.u32 v2, $0x4;
	[sflag:s20] =	ssyncset.done $0x0  }
0x603: {  	s21 =	simm.s32 $0xE90;
	v2 =	vor.u32 v1, v2;
	[sflag:s20] =	ssyncadd.s32 $0xFFFFF800  }
0x604: {  	s16 =	simm.s32 $0x10;
	v4 =	vor.u32 v0, v2;
	v2 =	vld [tilespmem:s21+$0xFFFFFFF0]  }
0x605: {  	v3 =	vmov s16  }
0x606: {  	v3 =	vshll.u32 v3, $0x4  }
0x607: {  	v3 =	vor.u32 v1, v3  }
0x608: {  	v5 =	vor.u32 v0, v3;
	v3 =	vld [tilespmem:s21+$0x0]  }
0x609: {  	v6 =	vld.idx.msk [tilespmem:v4+s15+$0x0], $0xffff;
	v7 =	vshll.u32 v2, $0x3  }
0x60a: {  	v2 =	vor.u32 $0x1, v4;
	_ =	sdelay $0x2  }
0x60b: {  	v8 =	vld.idx.msk [tilespmem:v5+s15+$0x0], $0xffff;
	v10 =	vshll.u32 v3, $0x3  }
0x60c: {  	v3 =	vor.u32 $0x1, v5;
	[tilespmem:v7+s10+$0x0] =	vst.idx.add.f32.msk $0xffff, v6  }
0x60d: {  	v6 =	vor.u32 $0x1, v7;
	v2 =	vld.idx.msk [tilespmem:v2+s15+$0x0], $0xffff  }
0x60e: {  	v9 =	vor.u32 $0x2, v4;
	_ =	sdelay $0x1  }
0x60f: {  	[tilespmem:v10+s10+$0x0] =	vst.idx.add.f32.msk $0xffff, v8  }
0x610: {  	v8 =	vor.u32 $0x1, v10;
	v3 =	vld.idx.msk [tilespmem:v3+s15+$0x0], $0xffff  }
0x611: {  	v11 =	vor.u32 $0x2, v5;
	[tilespmem:v6+s10+$0x0] =	vst.idx.add.f32.msk $0xffff, v2  }
0x612: {  	v6 =	vor.u32 $0x2, v7;
	v2 =	vld.idx.msk [tilespmem:v9+s15+$0x0], $0xffff  }
0x613: {  	v9 =	vor.u32 $0x3, v4;
	_ =	sdelay $0x1  }
0x614: {  	[tilespmem:v8+s10+$0x0] =	vst.idx.add.f32.msk $0xffff, v3  }
0x615: {  	v3 =	vor.u32 $0x2, v10;
	v8 =	vld.idx.msk [tilespmem:v11+s15+$0x0], $0xffff  }
0x616: {  	v11 =	vor.u32 $0x3, v5;
	[tilespmem:v6+s10+$0x0] =	vst.idx.add.f32.msk $0xffff, v2  }
0x617: {  	v6 =	vor.u32 $0x3, v7;
	v2 =	vld.idx.msk [tilespmem:v9+s15+$0x0], $0xffff;
	_ =	sdelay $0x1  }
0x618: {  	s18 =	simm.s32 $0x20;
	v9 =	vor.u32 $0x4, v4  }
0x619: {  	[tilespmem:v3+s10+$0x0] =	vst.idx.add.f32.msk $0xffff, v8;
	v3 =	vmov s18  }
0x61a: {  	v8 =	vld.idx.msk [tilespmem:v11+s15+$0x0], $0xffff;
	v3 =	vshll.u32 v3, $0x4;
	v11 =	vor.u32 $0x3, v10  }
0x61b: {  	s12 =	simm.s32 $0xEB0;
	s21 =	simm.s32 $0x30;
	v3 =	vor.u32 v1, v3;
	[tilespmem:v6+s10+$0x0] =	vst.idx.add.f32.msk $0xffff, v2  }
0x61c: {  	v6 =	vmov s21;
	v2 =	vor.u32 v0, v3;
	v3 =	vld [tilespmem:s12+$0xFFFFFFF0]  }
0x61d: {  	v12 =	vor.u32 $0x4, v7;
	v6 =	vshll.u32 v6, $0x4;
	v9 =	vld.idx.msk [tilespmem:v9+s15+$0x0], $0xffff  }
0x61e: {  	v13 =	vor.u32 $0x5, v4;
	v6 =	vor.u32 v1, v6  }
0x61f: {  	[tilespmem:v11+s10+$0x0] =	vst.idx.add.f32.msk $0xffff, v8;
	v14 =	vor.u32 v0, v6  }
0x620: {  	v15 =	vor.u32 $0x4, v5;
	v6 =	vld [tilespmem:s12+$0x0]  }
0x621: {  	v8 =	vld.idx.msk [tilespmem:v2+s15+$0x0], $0xffff;
	v3 =	vshll.u32 v3, $0x3  }
0x622: {  	[tilespmem:v12+s10+$0x0] =	vst.idx.add.f32.msk $0xffff, v9;
	v9 =	vor.u32 $0x1, v2  }
0x623: {  	v12 =	vor.u32 $0x5, v7;
	v11 =	vld.idx.msk [tilespmem:v13+s15+$0x0], $0xffff  }
0x624: {  	v16 =	vor.u32 $0x6, v4;
	v13 =	vld.idx.msk [tilespmem:v14+s15+$0x0], $0xffff  }
0x625: {  	v21 =	vshll.u32 v6, $0x3;
	v6 =	vld.idx.msk [tilespmem:v15+s15+$0x0], $0xffff  }
0x626: {  	v15 =	vor.u32 $0x1, v14;
	[tilespmem:v3+s10+$0x0] =	vst.idx.add.f32.msk $0xffff, v8  }
0x627: {  	v8 =	vor.u32 $0x4, v10;
	v9 =	vld.idx.msk [tilespmem:v9+s15+$0x0], $0xffff  }
0x628: {  	v17 =	vor.u32 $0x1, v3;
	[tilespmem:v12+s10+$0x0] =	vst.idx.add.f32.msk $0xffff, v11  }
0x629: {  	v11 =	vor.u32 $0x2, v2;
	v12 =	vld.idx.msk [tilespmem:v16+s15+$0x0], $0xffff  }
0x62a: {  	[tilespmem:v21+s10+$0x0] =	vst.idx.add.f32.msk $0xffff, v13;
	v13 =	vor.u32 $0x6, v7  }
0x62b: {  	v4 =	vor.u32 $0x7, v4;
	v15 =	vld.idx.msk [tilespmem:v15+s15+$0x0], $0xffff  }
0x62c: {  	v16 =	vor.u32 $0x1, v21;
	[tilespmem:v8+s10+$0x0] =	vst.idx.add.f32.msk $0xffff, v6  }
0x62d: {  	v6 =	vor.u32 $0x2, v14;
	[tilespmem:v17+s10+$0x0] =	vst.idx.add.f32.msk $0xffff, v9  }
0x62e: {  	v8 =	vor.u32 $0x5, v5;
	v11 =	vld.idx.msk [tilespmem:v11+s15+$0x0], $0xffff  }
0x62f: {  	v18 =	vor.u32 $0x2, v3;
	[tilespmem:v13+s10+$0x0] =	vst.idx.add.f32.msk $0xffff, v12  }
0x630: {  	v20 =	vor.u32 $0x3, v2;
	v22 =	vld.idx.msk [tilespmem:v4+s15+$0x0], $0xffff  }
0x631: {  	v23 =	vor.u32 $0x7, v7;
	v24 =	vor.u32 $0x2, v21;
	[tilespmem:v16+s10+$0x0] =	vst.idx.add.f32.msk $0xffff, v15  }
0x632: {  	v7 =	vor.u32 $0x6, v5;
	v9 =	vor.u32 $0x5, v10;
	v17 =	vor.u32 $0x3, v14;
	v25 =	vld.idx.msk [tilespmem:v6+s15+$0x0], $0xffff  }
0x633: {  	v13 =	vor.u32 $0x4, v14;
	v12 =	vor.u32 $0x5, v14;
	v4 =	vor.u32 $0x7, v10;
	v19 =	vld.idx.msk [tilespmem:v8+s15+$0x0], $0xffff  }
0x634: {  	v15 =	vor.u32 $0x6, v14;
	v16 =	vor.u32 $0x3, v21;
	v6 =	vor.u32 $0x6, v10;
	[tilespmem:v18+s10+$0x0] =	vst.idx.add.f32.msk $0xffff, v11  }
0x635: {  	v8 =	vor.u32 $0x7, v14;
	v14 =	vor.u32 $0x4, v21;
	v10 =	vor.u32 $0x7, v21;
	v20 =	vld.idx.msk [tilespmem:v20+s15+$0x0], $0xffff  }
0x636: {  	v18 =	vor.u32 $0x5, v21;
	v11 =	vor.u32 $0x6, v21;
	v21 =	vor.u32 $0x3, v3;
	[tilespmem:v23+s10+$0x0] =	vst.idx.add.f32.msk $0xffff, v22  }
0x637: {  	s16 =	simm.s32 $0x2;
	s18 =	simm.s32 $0x50;
	v5 =	vor.u32 $0x7, v5;
	v22 =	vor.u32 $0x4, v2;
	[tilespmem:v24+s10+$0x0] =	vst.idx.add.f32.msk $0xffff, v25  }
.LBB2_29:
0x638: {  	s21 =	sadd.s32 $0xFFFFFFF0, s18;
	v23 =	vmov s18;
	v24 =	vld.idx.msk [tilespmem:v17+s15+$0x0], $0xffff  }
0x639: {  	s16 =	sadd.s32 $0x2, s16;
	v17 =	vmov s21;
	v23 =	vshll.u32 v23, $0x4;
	[tilespmem:v9+s10+$0x0] =	vst.idx.add.f32.msk $0xffff, v19;
	v9 =	vmov v18  }
0x63a: {  	p0 =	slt.u32 s16, $0x6;
	v17 =	vshll.u32 v17, $0x4;
	v18 =	vor.u32 v1, v23;
	v19 =	vld.idx.msk [tilespmem:v7+s15+$0x0], $0xffff;
	v7 =	vmov v15  }
0x63b: {  	v15 =	vor.u32 v1, v17;
	v18 =	vor.u32 v0, v18;
	[tilespmem:v21+s10+$0x0] =	vst.idx.add.f32.msk $0xffff, v20  }
0x63c: {  	s12 =	sadd.s32 $0x20, s12;
	v20 =	vor.u32 v0, v15;
	v21 =	vor.u32 $0x1, v18;
	v23 =	vor.u32 $0x2, v18;
	v22 =	vld.idx.msk [tilespmem:v22+s15+$0x0], $0xffff  }
0x63d: {  	v27 =	vor.u32 $0x4, v3;
	v17 =	vor.u32 $0x3, v18;
	v26 =	vor.u32 $0x4, v18;
	v25 =	vld [tilespmem:s12+$0xFFFFFFF0]  }
0x63e: {  	v30 =	vor.u32 $0x5, v2;
	v29 =	vor.u32 $0x5, v18;
	v15 =	vor.u32 $0x6, v18;
	v28 =	vld [tilespmem:s12+$0x0]  }
0x63f: {  	v31 =	vor.u32 $0x7, v18;
	[tilespmem:v16+s10+$0x0] =	vst.idx.add.f32.msk $0xffff, v24  }
0x640: {  	v24 =	vld.idx.msk [tilespmem:v18+s15+$0x0], $0xffff  }
0x641: {  	v32 =	vld.idx.msk [tilespmem:v20+s15+$0x0], $0xffff  }
0x642: {  	v25 =	vshll.u32 v25, $0x3;
	[tilespmem:v27+s10+$0x0] =	vst.idx.add.f32.msk $0xffff, v22  }
0x643: {  	v22 =	vor.u32 $0x1, v20;
	v27 =	vshll.u32 v28, $0x3;
	v28 =	vld.idx.msk [tilespmem:v30+s15+$0x0], $0xffff  }
0x644: {  	v34 =	vor.u32 $0x5, v3;
	v30 =	vor.u32 $0x1, v27;
	v33 =	vor.u32 $0x2, v27;
	v35 =	vld.idx.msk [tilespmem:v13+s15+$0x0], $0xffff;
	v13 =	vmovc v26  }
0x645: {  	v36 =	vor.u32 $0x6, v2;
	v16 =	vor.u32 $0x3, v27;
	v26 =	vor.u32 $0x4, v27;
	[tilespmem:v6+s10+$0x0] =	vst.idx.add.f32.msk $0xffff, v19;
	v6 =	vmovc v11  }
0x646: {  	v18 =	vor.u32 $0x5, v27;
	v37 =	vor.u32 $0x7, v27;
	v11 =	vor.u32 $0x6, v27;
	v38 =	vld.idx.msk [tilespmem:v5+s15+$0x0], $0xffff;
	v5 =	vmovc v8;
	v8 =	vmovc v31  }
0x647: {  	[tilespmem:v25+s10+$0x0] =	vst.idx.add.f32.msk $0xffff, v32  }
0x648: {  	v19 =	vld.idx.msk [tilespmem:v22+s15+$0x0], $0xffff  }
0x649: {  	v22 =	vor.u32 $0x1, v25;
	[tilespmem:v34+s10+$0x0] =	vst.idx.add.f32.msk $0xffff, v28  }
0x64a: {  	v28 =	vor.u32 $0x2, v20;
	v31 =	vld.idx.msk [tilespmem:v36+s15+$0x0], $0xffff  }
0x64b: {  	[tilespmem:v27+s10+$0x0] =	vst.idx.add.f32.msk $0xffff, v24;
	v24 =	vor.u32 $0x6, v3  }
0x64c: {  	v27 =	vor.u32 $0x7, v2;
	v2 =	vmov v20;
	v21 =	vld.idx.msk [tilespmem:v21+s15+$0x0], $0xffff  }
0x64d: {  	[tilespmem:v14+s10+$0x0] =	vst.idx.add.f32.msk $0xffff, v35;
	v14 =	vmov v26  }
0x64e: {  	[tilespmem:v22+s10+$0x0] =	vst.idx.add.f32.msk $0xffff, v19  }
0x64f: {  	v20 =	vld.idx.msk [tilespmem:v28+s15+$0x0], $0xffff  }
0x650: {  	v22 =	vor.u32 $0x2, v25;
	[tilespmem:v24+s10+$0x0] =	vst.idx.add.f32.msk $0xffff, v31  }
0x651: {  	v24 =	vor.u32 $0x3, v2;
	v26 =	vld.idx.msk [tilespmem:v27+s15+$0x0], $0xffff  }
0x652: {  	[tilespmem:v30+s10+$0x0] =	vst.idx.add.f32.msk $0xffff, v21;
	v21 =	vor.u32 $0x7, v3;
	v3 =	vmov v25  }
0x653: {  	v23 =	vld.idx.msk [tilespmem:v23+s15+$0x0], $0xffff  }
0x654: {  	v19 =	vld.idx.msk [tilespmem:v12+s15+$0x0], $0xffff;
	v12 =	vmov v29  }
.Ltmp13:
0x655: {  	[tilespmem:v22+s10+$0x0] =	vst.idx.add.f32.msk $0xffff, v20;
	(pc) =	sbr.rel @p0 .LBB2_29-.Ltmp13, $4  }
0x656: {  	v20 =	vld.idx.msk [tilespmem:v24+s15+$0x0], $0xffff  }
0x657: {  	[tilespmem:v21+s10+$0x0] =	vst.idx.add.f32.msk $0xffff, v26  }
0x658: {  	v21 =	vor.u32 $0x3, v3;
	[tilespmem:v4+s10+$0x0] =	vst.idx.add.f32.msk $0xffff, v38;
	v4 =	vmov v10;
	v10 =	vmov v37  }
0x659: {  	s18 =	sadd.s32 $0x20, s18;
	v22 =	vor.u32 $0x4, v2;
	[tilespmem:v33+s10+$0x0] =	vst.idx.add.f32.msk $0xffff, v23  }
0x65a: {  	_ =	sdelay $0x3  }
0x65b: {  	v17 =	vld.idx.msk [tilespmem:v17+s15+$0x0], $0xffff;
	_ =	sdelay $0x2  }
0x65c: {  	[tilespmem:v21+s10+$0x0] =	vst.idx.add.f32.msk $0xffff, v20  }
0x65d: {  	v21 =	vor.u32 $0x4, v3;
	v20 =	vld.idx.msk [tilespmem:v22+s15+$0x0], $0xffff  }
0x65e: {  	v22 =	vor.u32 $0x5, v2;
	[tilespmem:v16+s10+$0x0] =	vst.idx.add.f32.msk $0xffff, v17  }
0x65f: {  	v13 =	vld.idx.msk [tilespmem:v13+s15+$0x0], $0xffff;
	_ =	sdelay $0x2  }
0x660: {  	[tilespmem:v21+s10+$0x0] =	vst.idx.add.f32.msk $0xffff, v20  }
0x661: {  	v17 =	vor.u32 $0x5, v3;
	v16 =	vld.idx.msk [tilespmem:v22+s15+$0x0], $0xffff  }
0x662: {  	v20 =	vor.u32 $0x6, v2;
	[tilespmem:v14+s10+$0x0] =	vst.idx.add.f32.msk $0xffff, v13  }
0x663: {  	v12 =	vld.idx.msk [tilespmem:v12+s15+$0x0], $0xffff  }
0x664: {  	[tilespmem:v9+s10+$0x0] =	vst.idx.add.f32.msk $0xffff, v19  }
0x665: {  	v7 =	vld.idx.msk [tilespmem:v7+s15+$0x0], $0xffff  }
0x666: {  	[tilespmem:v17+s10+$0x0] =	vst.idx.add.f32.msk $0xffff, v16  }
0x667: {  	v13 =	vor.u32 $0x6, v3;
	v9 =	vld.idx.msk [tilespmem:v20+s15+$0x0], $0xffff  }
0x668: {  	v2 =	vor.u32 $0x7, v2;
	[tilespmem:v18+s10+$0x0] =	vst.idx.add.f32.msk $0xffff, v12  }
0x669: {  	v12 =	vld.idx.msk [tilespmem:v15+s15+$0x0], $0xffff  }
0x66a: {  	[tilespmem:v6+s10+$0x0] =	vst.idx.add.f32.msk $0xffff, v7  }
0x66b: {  	v5 =	vld.idx.msk [tilespmem:v5+s15+$0x0], $0xffff  }
0x66c: {  	[tilespmem:v13+s10+$0x0] =	vst.idx.add.f32.msk $0xffff, v9  }
0x66d: {  	v2 =	vld.idx.msk [tilespmem:v2+s15+$0x0], $0xffff  }
0x66e: {  	v3 =	vor.u32 $0x7, v3;
	[tilespmem:v11+s10+$0x0] =	vst.idx.add.f32.msk $0xffff, v12  }
0x66f: {  	v6 =	vld.idx.msk [tilespmem:v8+s15+$0x0], $0xffff;
	_ =	sdelay $0x2  }
0x670: {  	[tilespmem:v4+s10+$0x0] =	vst.idx.add.f32.msk $0xffff, v5  }
0x671: {  	[tilespmem:v3+s10+$0x0] =	vst.idx.add.f32.msk $0xffff, v2  }
0x672: {  	s12 =	simm.s32 $0x0;
	[tilespmem:v10+s10+$0x0] =	vst.idx.add.f32.msk $0xffff, v6  }
0x673: {  	v2 =	vmov s12;
	_ =	swait.ge [sflag:s22], $0x800  }
0x674: {  	v2 =	vshll.u32 v2, $0x4;
	[sflag:s22] =	ssyncset.done $0x0  }
0x675: {  	s21 =	simm.s32 $0xF10;
	v2 =	vor.u32 v1, v2;
	[sflag:s22] =	ssyncadd.s32 $0xFFFFF800  }
0x676: {  	s16 =	simm.s32 $0x10;
	v4 =	vor.u32 v0, v2;
	v2 =	vld [tilespmem:s21+$0xFFFFFFF0]  }
0x677: {  	v3 =	vmov s16  }
0x678: {  	v3 =	vshll.u32 v3, $0x4  }
0x679: {  	v3 =	vor.u32 v1, v3  }
0x67a: {  	v5 =	vor.u32 v0, v3;
	v3 =	vld [tilespmem:s21+$0x0]  }
0x67b: {  	v6 =	vld.idx.msk [tilespmem:v4+s17+$0x0], $0xffff;
	v7 =	vshll.u32 v2, $0x3  }
0x67c: {  	v2 =	vor.u32 $0x1, v4;
	_ =	sdelay $0x2  }
0x67d: {  	v8 =	vld.idx.msk [tilespmem:v5+s17+$0x0], $0xffff;
	v10 =	vshll.u32 v3, $0x3  }
0x67e: {  	v3 =	vor.u32 $0x1, v5;
	[tilespmem:v7+s10+$0x0] =	vst.idx.add.f32.msk $0xffff, v6  }
0x67f: {  	v6 =	vor.u32 $0x1, v7;
	v2 =	vld.idx.msk [tilespmem:v2+s17+$0x0], $0xffff  }
0x680: {  	v9 =	vor.u32 $0x2, v4;
	_ =	sdelay $0x1  }
0x681: {  	[tilespmem:v10+s10+$0x0] =	vst.idx.add.f32.msk $0xffff, v8  }
0x682: {  	v8 =	vor.u32 $0x1, v10;
	v3 =	vld.idx.msk [tilespmem:v3+s17+$0x0], $0xffff  }
0x683: {  	v11 =	vor.u32 $0x2, v5;
	[tilespmem:v6+s10+$0x0] =	vst.idx.add.f32.msk $0xffff, v2  }
0x684: {  	v6 =	vor.u32 $0x2, v7;
	v2 =	vld.idx.msk [tilespmem:v9+s17+$0x0], $0xffff  }
0x685: {  	v9 =	vor.u32 $0x3, v4;
	_ =	sdelay $0x1  }
0x686: {  	[tilespmem:v8+s10+$0x0] =	vst.idx.add.f32.msk $0xffff, v3  }
0x687: {  	v3 =	vor.u32 $0x2, v10;
	v8 =	vld.idx.msk [tilespmem:v11+s17+$0x0], $0xffff  }
0x688: {  	v11 =	vor.u32 $0x3, v5;
	[tilespmem:v6+s10+$0x0] =	vst.idx.add.f32.msk $0xffff, v2  }
0x689: {  	v6 =	vor.u32 $0x3, v7;
	v2 =	vld.idx.msk [tilespmem:v9+s17+$0x0], $0xffff;
	_ =	sdelay $0x1  }
0x68a: {  	s18 =	simm.s32 $0x20;
	v9 =	vor.u32 $0x4, v4  }
0x68b: {  	[tilespmem:v3+s10+$0x0] =	vst.idx.add.f32.msk $0xffff, v8;
	v3 =	vmov s18  }
0x68c: {  	v8 =	vld.idx.msk [tilespmem:v11+s17+$0x0], $0xffff;
	v3 =	vshll.u32 v3, $0x4;
	v11 =	vor.u32 $0x3, v10  }
0x68d: {  	s12 =	simm.s32 $0xF30;
	s21 =	simm.s32 $0x30;
	v3 =	vor.u32 v1, v3;
	[tilespmem:v6+s10+$0x0] =	vst.idx.add.f32.msk $0xffff, v2  }
0x68e: {  	v6 =	vmov s21;
	v2 =	vor.u32 v0, v3;
	v3 =	vld [tilespmem:s12+$0xFFFFFFF0]  }
0x68f: {  	v12 =	vor.u32 $0x4, v7;
	v6 =	vshll.u32 v6, $0x4;
	v9 =	vld.idx.msk [tilespmem:v9+s17+$0x0], $0xffff  }
0x690: {  	v13 =	vor.u32 $0x5, v4;
	v6 =	vor.u32 v1, v6  }
0x691: {  	[tilespmem:v11+s10+$0x0] =	vst.idx.add.f32.msk $0xffff, v8;
	v14 =	vor.u32 v0, v6  }
0x692: {  	v15 =	vor.u32 $0x4, v5;
	v6 =	vld [tilespmem:s12+$0x0]  }
0x693: {  	v8 =	vld.idx.msk [tilespmem:v2+s17+$0x0], $0xffff;
	v3 =	vshll.u32 v3, $0x3  }
0x694: {  	[tilespmem:v12+s10+$0x0] =	vst.idx.add.f32.msk $0xffff, v9;
	v9 =	vor.u32 $0x1, v2  }
0x695: {  	v12 =	vor.u32 $0x5, v7;
	v11 =	vld.idx.msk [tilespmem:v13+s17+$0x0], $0xffff  }
0x696: {  	v16 =	vor.u32 $0x6, v4;
	v13 =	vld.idx.msk [tilespmem:v14+s17+$0x0], $0xffff  }
0x697: {  	v21 =	vshll.u32 v6, $0x3;
	v6 =	vld.idx.msk [tilespmem:v15+s17+$0x0], $0xffff  }
0x698: {  	v15 =	vor.u32 $0x1, v14;
	[tilespmem:v3+s10+$0x0] =	vst.idx.add.f32.msk $0xffff, v8  }
0x699: {  	v8 =	vor.u32 $0x4, v10;
	v9 =	vld.idx.msk [tilespmem:v9+s17+$0x0], $0xffff  }
0x69a: {  	v17 =	vor.u32 $0x1, v3;
	[tilespmem:v12+s10+$0x0] =	vst.idx.add.f32.msk $0xffff, v11  }
0x69b: {  	v11 =	vor.u32 $0x2, v2;
	v12 =	vld.idx.msk [tilespmem:v16+s17+$0x0], $0xffff  }
0x69c: {  	[tilespmem:v21+s10+$0x0] =	vst.idx.add.f32.msk $0xffff, v13;
	v13 =	vor.u32 $0x6, v7  }
0x69d: {  	v4 =	vor.u32 $0x7, v4;
	v15 =	vld.idx.msk [tilespmem:v15+s17+$0x0], $0xffff  }
0x69e: {  	v16 =	vor.u32 $0x1, v21;
	[tilespmem:v8+s10+$0x0] =	vst.idx.add.f32.msk $0xffff, v6  }
0x69f: {  	v6 =	vor.u32 $0x2, v14;
	[tilespmem:v17+s10+$0x0] =	vst.idx.add.f32.msk $0xffff, v9  }
0x6a0: {  	v8 =	vor.u32 $0x5, v5;
	v11 =	vld.idx.msk [tilespmem:v11+s17+$0x0], $0xffff  }
0x6a1: {  	v18 =	vor.u32 $0x2, v3;
	[tilespmem:v13+s10+$0x0] =	vst.idx.add.f32.msk $0xffff, v12  }
0x6a2: {  	v20 =	vor.u32 $0x3, v2;
	v22 =	vld.idx.msk [tilespmem:v4+s17+$0x0], $0xffff  }
0x6a3: {  	v23 =	vor.u32 $0x7, v7;
	v24 =	vor.u32 $0x2, v21;
	[tilespmem:v16+s10+$0x0] =	vst.idx.add.f32.msk $0xffff, v15  }
0x6a4: {  	v7 =	vor.u32 $0x6, v5;
	v9 =	vor.u32 $0x5, v10;
	v17 =	vor.u32 $0x3, v14;
	v25 =	vld.idx.msk [tilespmem:v6+s17+$0x0], $0xffff  }
0x6a5: {  	v13 =	vor.u32 $0x4, v14;
	v12 =	vor.u32 $0x5, v14;
	v4 =	vor.u32 $0x7, v10;
	v19 =	vld.idx.msk [tilespmem:v8+s17+$0x0], $0xffff  }
0x6a6: {  	v15 =	vor.u32 $0x6, v14;
	v16 =	vor.u32 $0x3, v21;
	v6 =	vor.u32 $0x6, v10;
	[tilespmem:v18+s10+$0x0] =	vst.idx.add.f32.msk $0xffff, v11  }
0x6a7: {  	v8 =	vor.u32 $0x7, v14;
	v14 =	vor.u32 $0x4, v21;
	v10 =	vor.u32 $0x7, v21;
	v20 =	vld.idx.msk [tilespmem:v20+s17+$0x0], $0xffff  }
0x6a8: {  	v18 =	vor.u32 $0x5, v21;
	v11 =	vor.u32 $0x6, v21;
	v21 =	vor.u32 $0x3, v3;
	[tilespmem:v23+s10+$0x0] =	vst.idx.add.f32.msk $0xffff, v22  }
0x6a9: {  	s16 =	simm.s32 $0x2;
	s18 =	simm.s32 $0x50;
	v5 =	vor.u32 $0x7, v5;
	v22 =	vor.u32 $0x4, v2;
	[tilespmem:v24+s10+$0x0] =	vst.idx.add.f32.msk $0xffff, v25  }
.LBB2_31:
0x6aa: {  	s21 =	sadd.s32 $0xFFFFFFF0, s18;
	v23 =	vmov s18;
	v24 =	vld.idx.msk [tilespmem:v17+s17+$0x0], $0xffff  }
0x6ab: {  	s16 =	sadd.s32 $0x2, s16;
	v17 =	vmov s21;
	v23 =	vshll.u32 v23, $0x4;
	[tilespmem:v9+s10+$0x0] =	vst.idx.add.f32.msk $0xffff, v19;
	v9 =	vmov v18  }
0x6ac: {  	p0 =	slt.u32 s16, $0x6;
	v17 =	vshll.u32 v17, $0x4;
	v18 =	vor.u32 v1, v23;
	v19 =	vld.idx.msk [tilespmem:v7+s17+$0x0], $0xffff;
	v7 =	vmov v15  }
0x6ad: {  	v15 =	vor.u32 v1, v17;
	v18 =	vor.u32 v0, v18;
	[tilespmem:v21+s10+$0x0] =	vst.idx.add.f32.msk $0xffff, v20  }
0x6ae: {  	s12 =	sadd.s32 $0x20, s12;
	v20 =	vor.u32 v0, v15;
	v21 =	vor.u32 $0x1, v18;
	v23 =	vor.u32 $0x2, v18;
	v22 =	vld.idx.msk [tilespmem:v22+s17+$0x0], $0xffff  }
0x6af: {  	v27 =	vor.u32 $0x4, v3;
	v17 =	vor.u32 $0x3, v18;
	v26 =	vor.u32 $0x4, v18;
	v25 =	vld [tilespmem:s12+$0xFFFFFFF0]  }
0x6b0: {  	v30 =	vor.u32 $0x5, v2;
	v29 =	vor.u32 $0x5, v18;
	v15 =	vor.u32 $0x6, v18;
	v28 =	vld [tilespmem:s12+$0x0]  }
0x6b1: {  	v31 =	vor.u32 $0x7, v18;
	[tilespmem:v16+s10+$0x0] =	vst.idx.add.f32.msk $0xffff, v24  }
0x6b2: {  	v24 =	vld.idx.msk [tilespmem:v18+s17+$0x0], $0xffff  }
0x6b3: {  	v32 =	vld.idx.msk [tilespmem:v20+s17+$0x0], $0xffff  }
0x6b4: {  	v25 =	vshll.u32 v25, $0x3;
	[tilespmem:v27+s10+$0x0] =	vst.idx.add.f32.msk $0xffff, v22  }
0x6b5: {  	v22 =	vor.u32 $0x1, v20;
	v27 =	vshll.u32 v28, $0x3;
	v28 =	vld.idx.msk [tilespmem:v30+s17+$0x0], $0xffff  }
0x6b6: {  	v34 =	vor.u32 $0x5, v3;
	v30 =	vor.u32 $0x1, v27;
	v33 =	vor.u32 $0x2, v27;
	v35 =	vld.idx.msk [tilespmem:v13+s17+$0x0], $0xffff;
	v13 =	vmovc v26  }
0x6b7: {  	v36 =	vor.u32 $0x6, v2;
	v16 =	vor.u32 $0x3, v27;
	v26 =	vor.u32 $0x4, v27;
	[tilespmem:v6+s10+$0x0] =	vst.idx.add.f32.msk $0xffff, v19;
	v6 =	vmovc v11  }
0x6b8: {  	v18 =	vor.u32 $0x5, v27;
	v37 =	vor.u32 $0x7, v27;
	v11 =	vor.u32 $0x6, v27;
	v38 =	vld.idx.msk [tilespmem:v5+s17+$0x0], $0xffff;
	v5 =	vmovc v8;
	v8 =	vmovc v31  }
0x6b9: {  	[tilespmem:v25+s10+$0x0] =	vst.idx.add.f32.msk $0xffff, v32  }
0x6ba: {  	v19 =	vld.idx.msk [tilespmem:v22+s17+$0x0], $0xffff  }
0x6bb: {  	v22 =	vor.u32 $0x1, v25;
	[tilespmem:v34+s10+$0x0] =	vst.idx.add.f32.msk $0xffff, v28  }
0x6bc: {  	v28 =	vor.u32 $0x2, v20;
	v31 =	vld.idx.msk [tilespmem:v36+s17+$0x0], $0xffff  }
0x6bd: {  	[tilespmem:v27+s10+$0x0] =	vst.idx.add.f32.msk $0xffff, v24;
	v24 =	vor.u32 $0x6, v3  }
0x6be: {  	v27 =	vor.u32 $0x7, v2;
	v2 =	vmov v20;
	v21 =	vld.idx.msk [tilespmem:v21+s17+$0x0], $0xffff  }
0x6bf: {  	[tilespmem:v14+s10+$0x0] =	vst.idx.add.f32.msk $0xffff, v35;
	v14 =	vmov v26  }
0x6c0: {  	[tilespmem:v22+s10+$0x0] =	vst.idx.add.f32.msk $0xffff, v19  }
0x6c1: {  	v20 =	vld.idx.msk [tilespmem:v28+s17+$0x0], $0xffff  }
0x6c2: {  	v22 =	vor.u32 $0x2, v25;
	[tilespmem:v24+s10+$0x0] =	vst.idx.add.f32.msk $0xffff, v31  }
0x6c3: {  	v24 =	vor.u32 $0x3, v2;
	v26 =	vld.idx.msk [tilespmem:v27+s17+$0x0], $0xffff  }
0x6c4: {  	[tilespmem:v30+s10+$0x0] =	vst.idx.add.f32.msk $0xffff, v21;
	v21 =	vor.u32 $0x7, v3;
	v3 =	vmov v25  }
0x6c5: {  	v23 =	vld.idx.msk [tilespmem:v23+s17+$0x0], $0xffff  }
0x6c6: {  	v19 =	vld.idx.msk [tilespmem:v12+s17+$0x0], $0xffff;
	v12 =	vmov v29  }
.Ltmp14:
0x6c7: {  	[tilespmem:v22+s10+$0x0] =	vst.idx.add.f32.msk $0xffff, v20;
	(pc) =	sbr.rel @p0 .LBB2_31-.Ltmp14, $4  }
0x6c8: {  	v20 =	vld.idx.msk [tilespmem:v24+s17+$0x0], $0xffff  }
0x6c9: {  	[tilespmem:v21+s10+$0x0] =	vst.idx.add.f32.msk $0xffff, v26  }
0x6ca: {  	v21 =	vor.u32 $0x3, v3;
	[tilespmem:v4+s10+$0x0] =	vst.idx.add.f32.msk $0xffff, v38;
	v4 =	vmov v10;
	v10 =	vmov v37  }
0x6cb: {  	s18 =	sadd.s32 $0x20, s18;
	v22 =	vor.u32 $0x4, v2;
	[tilespmem:v33+s10+$0x0] =	vst.idx.add.f32.msk $0xffff, v23  }
0x6cc: {  	_ =	sdelay $0x3  }
0x6cd: {  	v17 =	vld.idx.msk [tilespmem:v17+s17+$0x0], $0xffff;
	_ =	sdelay $0x2  }
0x6ce: {  	[tilespmem:v21+s10+$0x0] =	vst.idx.add.f32.msk $0xffff, v20  }
0x6cf: {  	v21 =	vor.u32 $0x4, v3;
	v20 =	vld.idx.msk [tilespmem:v22+s17+$0x0], $0xffff  }
0x6d0: {  	v22 =	vor.u32 $0x5, v2;
	[tilespmem:v16+s10+$0x0] =	vst.idx.add.f32.msk $0xffff, v17  }
0x6d1: {  	v13 =	vld.idx.msk [tilespmem:v13+s17+$0x0], $0xffff;
	_ =	sdelay $0x2  }
0x6d2: {  	[tilespmem:v21+s10+$0x0] =	vst.idx.add.f32.msk $0xffff, v20  }
0x6d3: {  	v17 =	vor.u32 $0x5, v3;
	v16 =	vld.idx.msk [tilespmem:v22+s17+$0x0], $0xffff  }
0x6d4: {  	v20 =	vor.u32 $0x6, v2;
	[tilespmem:v14+s10+$0x0] =	vst.idx.add.f32.msk $0xffff, v13  }
0x6d5: {  	v12 =	vld.idx.msk [tilespmem:v12+s17+$0x0], $0xffff  }
0x6d6: {  	[tilespmem:v9+s10+$0x0] =	vst.idx.add.f32.msk $0xffff, v19  }
0x6d7: {  	v7 =	vld.idx.msk [tilespmem:v7+s17+$0x0], $0xffff  }
0x6d8: {  	[tilespmem:v17+s10+$0x0] =	vst.idx.add.f32.msk $0xffff, v16  }
0x6d9: {  	v13 =	vor.u32 $0x6, v3;
	v9 =	vld.idx.msk [tilespmem:v20+s17+$0x0], $0xffff  }
0x6da: {  	v2 =	vor.u32 $0x7, v2;
	[tilespmem:v18+s10+$0x0] =	vst.idx.add.f32.msk $0xffff, v12  }
0x6db: {  	v12 =	vld.idx.msk [tilespmem:v15+s17+$0x0], $0xffff  }
0x6dc: {  	[tilespmem:v6+s10+$0x0] =	vst.idx.add.f32.msk $0xffff, v7  }
0x6dd: {  	v5 =	vld.idx.msk [tilespmem:v5+s17+$0x0], $0xffff  }
0x6de: {  	[tilespmem:v13+s10+$0x0] =	vst.idx.add.f32.msk $0xffff, v9  }
0x6df: {  	v2 =	vld.idx.msk [tilespmem:v2+s17+$0x0], $0xffff  }
0x6e0: {  	v3 =	vor.u32 $0x7, v3;
	[tilespmem:v11+s10+$0x0] =	vst.idx.add.f32.msk $0xffff, v12  }
0x6e1: {  	v6 =	vld.idx.msk [tilespmem:v8+s17+$0x0], $0xffff;
	_ =	sdelay $0x2  }
0x6e2: {  	[tilespmem:v4+s10+$0x0] =	vst.idx.add.f32.msk $0xffff, v5  }
0x6e3: {  	[tilespmem:v3+s10+$0x0] =	vst.idx.add.f32.msk $0xffff, v2  }
0x6e4: {  	s12 =	simm.s32 $0x0;
	[tilespmem:v10+s10+$0x0] =	vst.idx.add.f32.msk $0xffff, v6  }
0x6e5: {  	v2 =	vmov s12;
	_ =	swait.ge [sflag:s24], $0x800  }
0x6e6: {  	v2 =	vshll.u32 v2, $0x4;
	[sflag:s24] =	ssyncset.done $0x0  }
0x6e7: {  	s21 =	simm.s32 $0xF90;
	v2 =	vor.u32 v1, v2;
	[sflag:s24] =	ssyncadd.s32 $0xFFFFF800  }
0x6e8: {  	s16 =	simm.s32 $0x10;
	v4 =	vor.u32 v0, v2;
	v2 =	vld [tilespmem:s21+$0xFFFFFFF0]  }
0x6e9: {  	v3 =	vmov s16  }
0x6ea: {  	v3 =	vshll.u32 v3, $0x4  }
0x6eb: {  	v3 =	vor.u32 v1, v3  }
0x6ec: {  	v5 =	vor.u32 v0, v3;
	v3 =	vld [tilespmem:s21+$0x0]  }
0x6ed: {  	v6 =	vld.idx.msk [tilespmem:v4+s19+$0x0], $0xffff;
	v7 =	vshll.u32 v2, $0x3  }
0x6ee: {  	v2 =	vor.u32 $0x1, v4;
	_ =	sdelay $0x2  }
0x6ef: {  	v8 =	vld.idx.msk [tilespmem:v5+s19+$0x0], $0xffff;
	v9 =	vshll.u32 v3, $0x3  }
0x6f0: {  	v3 =	vor.u32 $0x1, v5;
	[tilespmem:v7+s10+$0x0] =	vst.idx.add.f32.msk $0xffff, v6  }
0x6f1: {  	v6 =	vor.u32 $0x1, v7;
	v2 =	vld.idx.msk [tilespmem:v2+s19+$0x0], $0xffff  }
0x6f2: {  	v10 =	vor.u32 $0x2, v4;
	_ =	sdelay $0x1  }
0x6f3: {  	[tilespmem:v9+s10+$0x0] =	vst.idx.add.f32.msk $0xffff, v8  }
0x6f4: {  	v8 =	vor.u32 $0x1, v9;
	v3 =	vld.idx.msk [tilespmem:v3+s19+$0x0], $0xffff  }
0x6f5: {  	v11 =	vor.u32 $0x2, v5;
	[tilespmem:v6+s10+$0x0] =	vst.idx.add.f32.msk $0xffff, v2  }
0x6f6: {  	v6 =	vor.u32 $0x2, v7;
	v2 =	vld.idx.msk [tilespmem:v10+s19+$0x0], $0xffff  }
0x6f7: {  	v10 =	vor.u32 $0x3, v4;
	_ =	sdelay $0x1  }
0x6f8: {  	[tilespmem:v8+s10+$0x0] =	vst.idx.add.f32.msk $0xffff, v3  }
0x6f9: {  	v3 =	vor.u32 $0x2, v9;
	v8 =	vld.idx.msk [tilespmem:v11+s19+$0x0], $0xffff  }
0x6fa: {  	v11 =	vor.u32 $0x3, v5;
	[tilespmem:v6+s10+$0x0] =	vst.idx.add.f32.msk $0xffff, v2  }
0x6fb: {  	v6 =	vor.u32 $0x3, v7;
	v2 =	vld.idx.msk [tilespmem:v10+s19+$0x0], $0xffff;
	_ =	sdelay $0x1  }
0x6fc: {  	s18 =	simm.s32 $0x20;
	v10 =	vor.u32 $0x4, v4  }
0x6fd: {  	[tilespmem:v3+s10+$0x0] =	vst.idx.add.f32.msk $0xffff, v8;
	v3 =	vmov s18  }
0x6fe: {  	v8 =	vld.idx.msk [tilespmem:v11+s19+$0x0], $0xffff;
	v3 =	vshll.u32 v3, $0x4;
	v11 =	vor.u32 $0x3, v9  }
0x6ff: {  	s12 =	simm.s32 $0xFB0;
	s21 =	simm.s32 $0x30;
	v3 =	vor.u32 v1, v3;
	[tilespmem:v6+s10+$0x0] =	vst.idx.add.f32.msk $0xffff, v2  }
0x700: {  	v6 =	vmov s21;
	v2 =	vor.u32 v0, v3;
	v3 =	vld [tilespmem:s12+$0xFFFFFFF0]  }
0x701: {  	v12 =	vor.u32 $0x4, v7;
	v6 =	vshll.u32 v6, $0x4;
	v10 =	vld.idx.msk [tilespmem:v10+s19+$0x0], $0xffff  }
0x702: {  	v13 =	vor.u32 $0x5, v4;
	v6 =	vor.u32 v1, v6  }
0x703: {  	[tilespmem:v11+s10+$0x0] =	vst.idx.add.f32.msk $0xffff, v8;
	v14 =	vor.u32 v0, v6  }
0x704: {  	v15 =	vor.u32 $0x4, v5;
	v6 =	vld [tilespmem:s12+$0x0]  }
0x705: {  	v8 =	vld.idx.msk [tilespmem:v2+s19+$0x0], $0xffff;
	v3 =	vshll.u32 v3, $0x3  }
0x706: {  	[tilespmem:v12+s10+$0x0] =	vst.idx.add.f32.msk $0xffff, v10;
	v10 =	vor.u32 $0x1, v2  }
0x707: {  	v12 =	vor.u32 $0x5, v7;
	v11 =	vld.idx.msk [tilespmem:v13+s19+$0x0], $0xffff  }
0x708: {  	v16 =	vor.u32 $0x6, v4;
	v13 =	vld.idx.msk [tilespmem:v14+s19+$0x0], $0xffff  }
0x709: {  	v21 =	vshll.u32 v6, $0x3;
	v6 =	vld.idx.msk [tilespmem:v15+s19+$0x0], $0xffff  }
0x70a: {  	v15 =	vor.u32 $0x1, v14;
	[tilespmem:v3+s10+$0x0] =	vst.idx.add.f32.msk $0xffff, v8  }
0x70b: {  	v8 =	vor.u32 $0x4, v9;
	v10 =	vld.idx.msk [tilespmem:v10+s19+$0x0], $0xffff  }
0x70c: {  	v17 =	vor.u32 $0x1, v3;
	[tilespmem:v12+s10+$0x0] =	vst.idx.add.f32.msk $0xffff, v11  }
0x70d: {  	v11 =	vor.u32 $0x2, v2;
	v12 =	vld.idx.msk [tilespmem:v16+s19+$0x0], $0xffff  }
0x70e: {  	[tilespmem:v21+s10+$0x0] =	vst.idx.add.f32.msk $0xffff, v13;
	v13 =	vor.u32 $0x6, v7  }
0x70f: {  	v4 =	vor.u32 $0x7, v4;
	v15 =	vld.idx.msk [tilespmem:v15+s19+$0x0], $0xffff  }
0x710: {  	v16 =	vor.u32 $0x1, v21;
	[tilespmem:v8+s10+$0x0] =	vst.idx.add.f32.msk $0xffff, v6  }
0x711: {  	v6 =	vor.u32 $0x2, v14;
	[tilespmem:v17+s10+$0x0] =	vst.idx.add.f32.msk $0xffff, v10  }
0x712: {  	v8 =	vor.u32 $0x5, v5;
	v11 =	vld.idx.msk [tilespmem:v11+s19+$0x0], $0xffff  }
0x713: {  	v18 =	vor.u32 $0x2, v3;
	[tilespmem:v13+s10+$0x0] =	vst.idx.add.f32.msk $0xffff, v12  }
0x714: {  	v20 =	vor.u32 $0x3, v2;
	v22 =	vld.idx.msk [tilespmem:v4+s19+$0x0], $0xffff  }
0x715: {  	v23 =	vor.u32 $0x7, v7;
	v24 =	vor.u32 $0x2, v21;
	[tilespmem:v16+s10+$0x0] =	vst.idx.add.f32.msk $0xffff, v15  }
0x716: {  	v7 =	vor.u32 $0x6, v5;
	v10 =	vor.u32 $0x5, v9;
	v17 =	vor.u32 $0x3, v14;
	v25 =	vld.idx.msk [tilespmem:v6+s19+$0x0], $0xffff  }
0x717: {  	v13 =	vor.u32 $0x4, v14;
	v12 =	vor.u32 $0x5, v14;
	v4 =	vor.u32 $0x7, v9;
	v19 =	vld.idx.msk [tilespmem:v8+s19+$0x0], $0xffff  }
0x718: {  	v15 =	vor.u32 $0x6, v14;
	v16 =	vor.u32 $0x3, v21;
	v6 =	vor.u32 $0x6, v9;
	[tilespmem:v18+s10+$0x0] =	vst.idx.add.f32.msk $0xffff, v11  }
0x719: {  	v8 =	vor.u32 $0x7, v14;
	v14 =	vor.u32 $0x4, v21;
	v9 =	vor.u32 $0x7, v21;
	v20 =	vld.idx.msk [tilespmem:v20+s19+$0x0], $0xffff  }
0x71a: {  	v18 =	vor.u32 $0x5, v21;
	v11 =	vor.u32 $0x6, v21;
	v21 =	vor.u32 $0x3, v3;
	[tilespmem:v23+s10+$0x0] =	vst.idx.add.f32.msk $0xffff, v22  }
0x71b: {  	s16 =	simm.s32 $0x2;
	s18 =	simm.s32 $0x50;
	v5 =	vor.u32 $0x7, v5;
	v22 =	vor.u32 $0x4, v2;
	[tilespmem:v24+s10+$0x0] =	vst.idx.add.f32.msk $0xffff, v25  }
.LBB2_33:
0x71c: {  	s21 =	sadd.s32 $0xFFFFFFF0, s18;
	v23 =	vmov s18;
	v24 =	vld.idx.msk [tilespmem:v17+s19+$0x0], $0xffff  }
0x71d: {  	s16 =	sadd.s32 $0x2, s16;
	v17 =	vmov s21;
	v23 =	vshll.u32 v23, $0x4;
	[tilespmem:v10+s10+$0x0] =	vst.idx.add.f32.msk $0xffff, v19;
	v10 =	vmov v18  }
0x71e: {  	p0 =	slt.u32 s16, $0x6;
	v17 =	vshll.u32 v17, $0x4;
	v18 =	vor.u32 v1, v23;
	v19 =	vld.idx.msk [tilespmem:v7+s19+$0x0], $0xffff;
	v7 =	vmov v15  }
0x71f: {  	v15 =	vor.u32 v1, v17;
	v18 =	vor.u32 v0, v18;
	[tilespmem:v21+s10+$0x0] =	vst.idx.add.f32.msk $0xffff, v20  }
0x720: {  	s12 =	sadd.s32 $0x20, s12;
	v20 =	vor.u32 v0, v15;
	v21 =	vor.u32 $0x1, v18;
	v23 =	vor.u32 $0x2, v18;
	v22 =	vld.idx.msk [tilespmem:v22+s19+$0x0], $0xffff  }
0x721: {  	v27 =	vor.u32 $0x4, v3;
	v17 =	vor.u32 $0x3, v18;
	v26 =	vor.u32 $0x4, v18;
	v25 =	vld [tilespmem:s12+$0xFFFFFFF0]  }
0x722: {  	v30 =	vor.u32 $0x5, v2;
	v29 =	vor.u32 $0x5, v18;
	v15 =	vor.u32 $0x6, v18;
	v28 =	vld [tilespmem:s12+$0x0]  }
0x723: {  	v31 =	vor.u32 $0x7, v18;
	[tilespmem:v16+s10+$0x0] =	vst.idx.add.f32.msk $0xffff, v24  }
0x724: {  	v24 =	vld.idx.msk [tilespmem:v18+s19+$0x0], $0xffff  }
0x725: {  	v32 =	vld.idx.msk [tilespmem:v20+s19+$0x0], $0xffff  }
0x726: {  	v25 =	vshll.u32 v25, $0x3;
	[tilespmem:v27+s10+$0x0] =	vst.idx.add.f32.msk $0xffff, v22  }
0x727: {  	v22 =	vor.u32 $0x1, v20;
	v27 =	vshll.u32 v28, $0x3;
	v28 =	vld.idx.msk [tilespmem:v30+s19+$0x0], $0xffff  }
0x728: {  	v34 =	vor.u32 $0x5, v3;
	v30 =	vor.u32 $0x1, v27;
	v33 =	vor.u32 $0x2, v27;
	v35 =	vld.idx.msk [tilespmem:v13+s19+$0x0], $0xffff;
	v13 =	vmovc v26  }
0x729: {  	v36 =	vor.u32 $0x6, v2;
	v16 =	vor.u32 $0x3, v27;
	v26 =	vor.u32 $0x4, v27;
	[tilespmem:v6+s10+$0x0] =	vst.idx.add.f32.msk $0xffff, v19;
	v6 =	vmovc v11  }
0x72a: {  	v18 =	vor.u32 $0x5, v27;
	v37 =	vor.u32 $0x7, v27;
	v11 =	vor.u32 $0x6, v27;
	v38 =	vld.idx.msk [tilespmem:v5+s19+$0x0], $0xffff;
	v5 =	vmovc v8;
	v8 =	vmovc v31  }
0x72b: {  	[tilespmem:v25+s10+$0x0] =	vst.idx.add.f32.msk $0xffff, v32  }
0x72c: {  	v19 =	vld.idx.msk [tilespmem:v22+s19+$0x0], $0xffff  }
0x72d: {  	v22 =	vor.u32 $0x1, v25;
	[tilespmem:v34+s10+$0x0] =	vst.idx.add.f32.msk $0xffff, v28  }
0x72e: {  	v28 =	vor.u32 $0x2, v20;
	v31 =	vld.idx.msk [tilespmem:v36+s19+$0x0], $0xffff  }
0x72f: {  	[tilespmem:v27+s10+$0x0] =	vst.idx.add.f32.msk $0xffff, v24;
	v24 =	vor.u32 $0x6, v3  }
0x730: {  	v27 =	vor.u32 $0x7, v2;
	v2 =	vmov v20;
	v21 =	vld.idx.msk [tilespmem:v21+s19+$0x0], $0xffff  }
0x731: {  	[tilespmem:v14+s10+$0x0] =	vst.idx.add.f32.msk $0xffff, v35;
	v14 =	vmov v26  }
0x732: {  	[tilespmem:v22+s10+$0x0] =	vst.idx.add.f32.msk $0xffff, v19  }
0x733: {  	v20 =	vld.idx.msk [tilespmem:v28+s19+$0x0], $0xffff  }
0x734: {  	v22 =	vor.u32 $0x2, v25;
	[tilespmem:v24+s10+$0x0] =	vst.idx.add.f32.msk $0xffff, v31  }
0x735: {  	v24 =	vor.u32 $0x3, v2;
	v26 =	vld.idx.msk [tilespmem:v27+s19+$0x0], $0xffff  }
0x736: {  	[tilespmem:v30+s10+$0x0] =	vst.idx.add.f32.msk $0xffff, v21;
	v21 =	vor.u32 $0x7, v3;
	v3 =	vmov v25  }
0x737: {  	v23 =	vld.idx.msk [tilespmem:v23+s19+$0x0], $0xffff  }
0x738: {  	v19 =	vld.idx.msk [tilespmem:v12+s19+$0x0], $0xffff;
	v12 =	vmov v29  }
.Ltmp15:
0x739: {  	[tilespmem:v22+s10+$0x0] =	vst.idx.add.f32.msk $0xffff, v20;
	(pc) =	sbr.rel @p0 .LBB2_33-.Ltmp15, $4  }
0x73a: {  	v20 =	vld.idx.msk [tilespmem:v24+s19+$0x0], $0xffff  }
0x73b: {  	[tilespmem:v21+s10+$0x0] =	vst.idx.add.f32.msk $0xffff, v26  }
0x73c: {  	v21 =	vor.u32 $0x3, v3;
	[tilespmem:v4+s10+$0x0] =	vst.idx.add.f32.msk $0xffff, v38;
	v4 =	vmov v9;
	v9 =	vmov v37  }
0x73d: {  	s18 =	sadd.s32 $0x20, s18;
	v22 =	vor.u32 $0x4, v2;
	[tilespmem:v33+s10+$0x0] =	vst.idx.add.f32.msk $0xffff, v23  }
0x73e: {  	_ =	sdelay $0x3  }
0x73f: {  	v17 =	vld.idx.msk [tilespmem:v17+s19+$0x0], $0xffff;
	_ =	sdelay $0x2  }
0x740: {  	[tilespmem:v21+s10+$0x0] =	vst.idx.add.f32.msk $0xffff, v20  }
0x741: {  	v56 =	vor.u32 $0x4, v3;
	v20 =	vld.idx.msk [tilespmem:v22+s19+$0x0], $0xffff  }
0x742: {  	v57 =	vor.u32 $0x5, v2;
	[tilespmem:v16+s10+$0x0] =	vst.idx.add.f32.msk $0xffff, v17  }
0x743: {  	v13 =	vld.idx.msk [tilespmem:v13+s19+$0x0], $0xffff;
	_ =	sdelay $0x2  }
0x744: {  	[tilespmem:v56+s10+$0x0] =	vst.idx.add.f32.msk $0xffff, v20  }
0x745: {  	v59 =	vor.u32 $0x5, v3;
	v58 =	vld.idx.msk [tilespmem:v57+s19+$0x0], $0xffff  }
0x746: {  	v60 =	vor.u32 $0x6, v2;
	[tilespmem:v14+s10+$0x0] =	vst.idx.add.f32.msk $0xffff, v13  }
0x747: {  	v12 =	vld.idx.msk [tilespmem:v12+s19+$0x0], $0xffff  }
0x748: {  	[tilespmem:v10+s10+$0x0] =	vst.idx.add.f32.msk $0xffff, v19  }
0x749: {  	v7 =	vld.idx.msk [tilespmem:v7+s19+$0x0], $0xffff  }
0x74a: {  	[tilespmem:v59+s10+$0x0] =	vst.idx.add.f32.msk $0xffff, v58  }
0x74b: {  	v62 =	vor.u32 $0x6, v3;
	v61 =	vld.idx.msk [tilespmem:v60+s19+$0x0], $0xffff  }
0x74c: {  	v2 =	vor.u32 $0x7, v2;
	[tilespmem:v18+s10+$0x0] =	vst.idx.add.f32.msk $0xffff, v12  }
0x74d: {  	v12 =	vld.idx.msk [tilespmem:v15+s19+$0x0], $0xffff  }
0x74e: {  	[tilespmem:v6+s10+$0x0] =	vst.idx.add.f32.msk $0xffff, v7  }
0x74f: {  	v5 =	vld.idx.msk [tilespmem:v5+s19+$0x0], $0xffff  }
0x750: {  	[tilespmem:v62+s10+$0x0] =	vst.idx.add.f32.msk $0xffff, v61  }
0x751: {  	v2 =	vld.idx.msk [tilespmem:v2+s19+$0x0], $0xffff  }
0x752: {  	v3 =	vor.u32 $0x7, v3;
	s9 =	sadd.s32 $0x1, s9;
	[tilespmem:v11+s10+$0x0] =	vst.idx.add.f32.msk $0xffff, v12  }
0x753: {  	p0 =	sne.s32 s9, $0x4F;
	v63 =	vld.idx.msk [tilespmem:v8+s19+$0x0], $0xffff  }
.Ltmp16:
0x754: {  	_ = 	snop;
	(pc) =	sbr.rel @p0 .LBB2_2-.Ltmp16, $4  }
0x755: {  	_ = 	snop  }
0x756: {  	[tilespmem:v4+s10+$0x0] =	vst.idx.add.f32.msk $0xffff, v5  }
0x757: {  	[tilespmem:v3+s10+$0x0] =	vst.idx.add.f32.msk $0xffff, v2  }
0x758: {  	[tilespmem:v9+s10+$0x0] =	vst.idx.add.f32.msk $0xffff, v63  }
0x759: {  	s9 =	rddreg [dreg:$0x4]  }
0x75a: {  	[hbm4b:s9+s2] =	stream.linear.scatter [tilespmem:s10], [sflag:$0x5], $0x138C0, $0x38;
	[tilespmem:$0x168C0] =	vst v63  }
0x75b: {  	_ =	swait.ge [sflag:s11], $0x138C0  }
0x75c: {  	s12 =	rddreg [dreg:$0x6]  }
0x75d: {  	s21 =	rddreg [dreg:$0x5];
	s12 =	sadd.s32 $0x1, s12  }
0x75e: {  	p0 =	sne.s32 s12, s21  }
.Ltmp17:
0x75f: {  	_ = 	snop;
	(pc) =	sbr.rel @p0 .LBB2_1-.Ltmp17, $3  }
0x760: {  	_ =	sdelay $0x1  }
0x761: {  	[sflag:s11] =	ssyncset.done $0x0  }
0x762: {  	[sflag:s11] =	ssyncadd.s32 $0xFFFEC740  }
0x763: {  	_ =	sfence.sel $0x180000  }
0x764: {  	[bflag:$0x0] =	sbarrier.arrive $0xFFFF  }
0x765: {  	_ =	strace $0x9000004A  }
0x766: {  	s0 =	stileid.u32;
	[bflag:$0x2] =	sbarrier.arrive $0xFFFF  }
0x767: {  	p0 =	sne.s32 s0, $0x0;
	s0 =	rddreg [dreg:$0x2]  }
0x768: {  	s0 =	sadd.s32 @!p0 $0x100000, s0  }
0x769: {  	[sflag:s0] =	ssyncadd.tile.s32 @!p0 $0x1;
	_ =	shalt  }
.Lfunc_end2:
_tile_overlayer_lowered:
.L_overlay_start_2:
0x76a: {  	(tag) =	ssettag $0x2  }
0x76b: {  	s0 =	rddreg [dreg:$0x0];
	s2 =	stileid.u32  }
0x76c: {  	s1 =	rddreg [dreg:$0x1];
	p0 =	sne.s32 s2, $0x0  }
0x76d: {  	s3 =	rddreg [dreg:$0x2];
	[bflag:$0x3] =	sbarrier.arrive $0xFFFF;
	s2 =	simm.s32 @!p0 $0x1C05  }
0x76e: {  	[timem:s3], [sflag:s2] =	dma.local @!p0 [hbm:s0], s1  }
0x76f: {  	s0 =	simm.s32 @!p0 $0x5  }
0x770: {  	_ =	swait.ge @!p0 [sflag:s0], s1  }
0x771: {  	s1 =	ssub.s32 @!p0 $0x0, s1;
	[sflag:s0] =	ssyncset.done @!p0 $0x0  }
0x772: {  	[sflag:s0] =	ssyncadd.s32 @!p0 s1  }
0x773: {  	[bflag:$0x3] =	sbarrier.arrive $0xFFFF  }
0x774: {  	_ =	shalt  }

</sc_bundles>
